<compile_context>
chip_gen: v7x
topology: tpu7x:2x2x1
jax: 0.10.2.dev20260603
libtpu: 0.0.44.dev20260713+nightly
codegen_flags: <defaults>
</compile_context>

<pallas_src>
import functools

import jax
import jax.numpy as jnp
from jax import lax
from jax.experimental import pallas as pl
from jax.experimental.pallas import tpu as pltpu
from jax.experimental.pallas import tpu_sc as plsc

V = 5000
VP = 5120
F = 10000
PAD_COORD = 1.0e6
TI = 1280
NW = 32
FPW = 320
FP = NW * FPW
QPW = VP // NW
D2_THRESH = 0.005 * 0.005

_SC_MESH = plsc.VectorSubcoreMesh(core_axis_name="c", subcore_axis_name="s")
_SC_PARAMS = pltpu.CompilerParams(
    use_tc_tiling_on_sc=False, needs_layout_passes=False)


def _normals_body(mesh_hbm, recon_hbm, face_hbm, rface_hbm, out_hbm,
                  vtab, fidxm, fidxr, acc, sem):
    cid = lax.axis_index("c")
    sid = lax.axis_index("s")
    wid = sid * 2 + cid
    B = mesh_hbm.shape[0]
    lane = lax.iota(jnp.int32, 16)
    pltpu.sync_copy(face_hbm.at[pl.ds(wid * FPW * 3, FPW * 3)], fidxm)

    def run_table(verts_src, b, fidx, t):
        cp = pltpu.async_copy(verts_src.at[b], vtab, sem)

        def zbody(k, carry):
            acc[pl.ds(k * 16, 16)] = jnp.zeros((16,), jnp.float32)
            return carry
        lax.fori_loop(0, (3 * VP) // 16, zbody, 0)
        cp.wait()

        def fbody(k, carry):
            base = k * 16
            valid = (wid * FPW + base + lane) < F
            idx3 = (base + lane) * 3
            i0 = plsc.load_gather(fidx, [idx3])
            i1 = plsc.load_gather(fidx, [idx3 + 1])
            i2 = plsc.load_gather(fidx, [idx3 + 2])

            def g(ix, c):
                return plsc.load_gather(vtab, [ix * 3 + c])
            v0x, v0y, v0z = g(i0, 0), g(i0, 1), g(i0, 2)
            e1x = g(i1, 0) - v0x
            e1y = g(i1, 1) - v0y
            e1z = g(i1, 2) - v0z
            e2x = g(i2, 0) - v0x
            e2y = g(i2, 1) - v0y
            e2z = g(i2, 2) - v0z
            cx = e1y * e2z - e1z * e2y
            cy = e1z * e2x - e1x * e2z
            cz = e1x * e2y - e1y * e2x
            for ix in (i0, i1, i2):
                plsc.addupdate_scatter(acc, [ix], cx, mask=valid)
                plsc.addupdate_scatter(acc, [ix + VP], cy, mask=valid)
                plsc.addupdate_scatter(acc, [ix + 2 * VP], cz, mask=valid)
            return carry
        lax.fori_loop(0, FPW // 16, fbody, 0)
        pltpu.sync_copy(acc, out_hbm.at[t, wid])

    for b in range(B):
        run_table(mesh_hbm, b, fidxm, b)
        pltpu.sync_copy(rface_hbm.at[b, pl.ds(wid * FPW * 3, FPW * 3)], fidxr)
        run_table(recon_hbm, b, fidxr, B + b)


def _normals_partials(mesh2, recon2, facep, rfacep):
    B = mesh2.shape[0]
    run = pl.kernel(
        _normals_body,
        out_type=jax.ShapeDtypeStruct((2 * B, NW, 3 * VP), jnp.float32),
        mesh=_SC_MESH,
        compiler_params=_SC_PARAMS,
        scratch_types=[
            pltpu.VMEM((3 * V,), jnp.float32),
            pltpu.VMEM((3 * FPW,), jnp.int32),
            pltpu.VMEM((3 * FPW,), jnp.int32),
            pltpu.VMEM((3 * VP,), jnp.float32),
            pltpu.SemaphoreType.DMA,
        ],
    )
    return run(mesh2, recon2, facep, rfacep)


NR = TI // 128


def _knn_body(q_ref, tT_ref, rowd_ref, rowi_ref, cold_ref, coli_ref):
    i = pl.program_id(1)
    q = q_ref[...]
    tT = tT_ref[0]
    dx = q[:, 0:1] - tT[0:1, :]
    dy = q[:, 1:2] - tT[1:2, :]
    dz = q[:, 2:3] - tT[2:3, :]
    d2 = dx * dx + dy * dy + dz * dz
    iota_j = lax.broadcasted_iota(jnp.int32, (TI, VP), 1)
    iota_i = lax.broadcasted_iota(jnp.int32, (TI, VP), 0) + i * TI
    rmin = jnp.min(d2, axis=1)
    rarg = jnp.min(jnp.where(d2 == rmin[:, None], iota_j, 2**30), axis=1)
    rowd_ref[0, pl.ds(i * NR, NR)] = rmin.reshape(NR, 128)
    rowi_ref[0, pl.ds(i * NR, NR)] = rarg.reshape(NR, 128)
    cmin = jnp.min(d2, axis=0)
    carg = jnp.min(jnp.where(d2 == cmin[None, :], iota_i, 2**30), axis=0)

    @pl.when(i == 0)
    def _():
        cold_ref[0] = cmin.reshape(VP // 128, 128)
        coli_ref[0] = carg.reshape(VP // 128, 128)

    @pl.when(i > 0)
    def _():
        cprev = cold_ref[0].reshape(VP)
        upd = cmin < cprev
        cold_ref[0] = jnp.where(upd, cmin, cprev).reshape(VP // 128, 128)
        coli_ref[0] = jnp.where(
            upd, carg, coli_ref[0].reshape(VP)).reshape(VP // 128, 128)


def _knn_both(meshes_p, recons_pT):
    B = meshes_p.shape[0]
    ni = VP // TI
    grid = (B, ni)
    outs = pl.pallas_call(
        _knn_body,
        grid=grid,
        compiler_params=pltpu.CompilerParams(
            vmem_limit_bytes=100 * 1024 * 1024),
        in_specs=[
            pl.BlockSpec((None, TI, 3), lambda b, i: (b, i, 0)),
            pl.BlockSpec((1, 3, VP), lambda b, i: (b, 0, 0)),
        ],
        out_specs=[
            pl.BlockSpec((1, VP // 128, 128), lambda b, i: (b, 0, 0)),
            pl.BlockSpec((1, VP // 128, 128), lambda b, i: (b, 0, 0)),
            pl.BlockSpec((1, VP // 128, 128), lambda b, i: (b, 0, 0)),
            pl.BlockSpec((1, VP // 128, 128), lambda b, i: (b, 0, 0)),
        ],
        out_shape=[
            jax.ShapeDtypeStruct((B, VP // 128, 128), jnp.float32),
            jax.ShapeDtypeStruct((B, VP // 128, 128), jnp.int32),
            jax.ShapeDtypeStruct((B, VP // 128, 128), jnp.float32),
            jax.ShapeDtypeStruct((B, VP // 128, 128), jnp.int32),
        ],
    )(meshes_p, recons_pT)
    rowd, rowi, cold, coli = outs
    return (rowd.reshape(B, VP), rowi.reshape(B, VP),
            cold.reshape(B, VP), coli.reshape(B, VP))


def _norm_body(p_ref, n_ref):
    vn = jnp.sum(p_ref[0], axis=0)
    norm = jnp.sqrt(jnp.sum(vn * vn, axis=0, keepdims=True))
    n_ref[0] = vn / jnp.maximum(norm, 1e-12)


def _normalize(partials):
    nt = partials.shape[0]
    return pl.pallas_call(
        _norm_body,
        grid=(nt,),
        in_specs=[pl.BlockSpec((1, NW, 3, VP), lambda t: (t, 0, 0, 0))],
        out_specs=pl.BlockSpec((1, 3, VP), lambda t: (t, 0, 0)),
        out_shape=jax.ShapeDtypeStruct((nt, 3, VP), jnp.float32),
    )(partials)


def _loss_body(mesh_hbm, recon_hbm, mn_hbm, rn_hbm,
               ir_hbm, dr_hbm, ic_hbm, dc_hbm, out_hbm,
               mtab, rtab, rntab, mnbuf, irbuf, drbuf, icbuf, dcbuf, outbuf,
               sem):
    cid = lax.axis_index("c")
    sid = lax.axis_index("s")
    wid = sid * 2 + cid
    B = mesh_hbm.shape[0]
    lane = lax.iota(jnp.int32, 16)
    zeros = jnp.zeros((16,), jnp.float32)
    for b in range(B):
        cps = [
            pltpu.async_copy(mesh_hbm.at[b], mtab, sem),
            pltpu.async_copy(recon_hbm.at[b], rtab, sem),
            pltpu.async_copy(rn_hbm.at[b], rntab, sem),
            pltpu.async_copy(mn_hbm.at[b, :, pl.ds(wid * QPW, QPW)], mnbuf,
                             sem),
            pltpu.async_copy(ir_hbm.at[b, pl.ds(wid * QPW, QPW)], irbuf, sem),
            pltpu.async_copy(dr_hbm.at[b, pl.ds(wid * QPW, QPW)], drbuf, sem),
            pltpu.async_copy(ic_hbm.at[b, pl.ds(wid * QPW, QPW)], icbuf, sem),
            pltpu.async_copy(dc_hbm.at[b, pl.ds(wid * QPW, QPW)], dcbuf, sem),
        ]
        for cp in cps:
            cp.wait()

        def kbody(k, carry):
            a0, a1, a2 = carry
            base = k * 16
            gbase = wid * QPW + base
            valid = (gbase + lane) < V
            idx = irbuf[pl.ds(base, 16)]
            d2r = drbuf[pl.ds(base, 16)]
            nnx = plsc.load_gather(rtab, [idx])
            nny = plsc.load_gather(rtab, [idx + VP])
            nnz = plsc.load_gather(rtab, [idx + 2 * VP])
            rnx = plsc.load_gather(rntab, [idx])
            rny = plsc.load_gather(rntab, [idx + VP])
            rnz = plsc.load_gather(rntab, [idx + 2 * VP])
            mx = mtab[pl.ds(gbase, 16)]
            my = mtab[pl.ds(VP + gbase, 16)]
            mz = mtab[pl.ds(2 * VP + gbase, 16)]
            mnx = mnbuf[0, pl.ds(base, 16)]
            mny = mnbuf[1, pl.ds(base, 16)]
            mnz = mnbuf[2, pl.ds(base, 16)]
            ndot = mnx * rnx + mny * rny + mnz * rnz
            ok1 = valid & (ndot >= 0.45) & (d2r <= D2_THRESH)
            w1 = jnp.where(ok1, 1.0, 0.0)
            a0 = a0 + jnp.abs((mx - nnx) * rnx) * w1
            a1 = a1 + jnp.abs((my - nny) * rny) * w1
            a2 = a2 + jnp.abs((mz - nnz) * rnz) * w1
            idc = icbuf[pl.ds(base, 16)]
            d2c = dcbuf[pl.ds(base, 16)]
            gx = plsc.load_gather(mtab, [idc])
            gy = plsc.load_gather(mtab, [idc + VP])
            gz = plsc.load_gather(mtab, [idc + 2 * VP])
            rx = rtab[pl.ds(gbase, 16)]
            ry = rtab[pl.ds(VP + gbase, 16)]
            rz = rtab[pl.ds(2 * VP + gbase, 16)]
            w2 = jnp.where(valid & (d2c <= D2_THRESH), 1.0, 0.0)
            a0 = a0 + jnp.abs(rx - gx) * w2
            a1 = a1 + jnp.abs(ry - gy) * w2
            a2 = a2 + jnp.abs(rz - gz) * w2
            return (a0, a1, a2)

        a0, a1, a2 = lax.fori_loop(0, QPW // 16, kbody, (zeros, zeros, zeros))
        outbuf[0] = a0
        outbuf[1] = a1
        outbuf[2] = a2
        outbuf[3] = zeros
        pltpu.sync_copy(outbuf, out_hbm.at[b, wid])


def _loss_partials(mesh_t, recon_t, mesh_nT, rec_nT, ir, dr, ic, dc):
    B = mesh_t.shape[0]
    run = pl.kernel(
        _loss_body,
        out_type=jax.ShapeDtypeStruct((B, NW, 4, 16), jnp.float32),
        mesh=_SC_MESH,
        compiler_params=_SC_PARAMS,
        scratch_types=[
            pltpu.VMEM((3 * VP,), jnp.float32),
            pltpu.VMEM((3 * VP,), jnp.float32),
            pltpu.VMEM((3 * VP,), jnp.float32),
            pltpu.VMEM((3, QPW), jnp.float32),
            pltpu.VMEM((QPW,), jnp.int32),
            pltpu.VMEM((QPW,), jnp.float32),
            pltpu.VMEM((QPW,), jnp.int32),
            pltpu.VMEM((QPW,), jnp.float32),
            pltpu.VMEM((4, 16), jnp.float32),
            pltpu.SemaphoreType.DMA,
        ],
    )
    return run(mesh_t.reshape(B, 3 * VP), recon_t.reshape(B, 3 * VP),
               mesh_nT, rec_nT.reshape(B, 3 * VP), ir, dr, ic, dc)


def _fin_body(p_ref, o_ref):
    x = p_ref[0]
    s = jnp.sum(jnp.sum(x, axis=0), axis=1)
    o_ref[0] = s * (1.0 / V)


def _finalize(psums):
    B = psums.shape[0]
    out = pl.pallas_call(
        _fin_body,
        grid=(B,),
        in_specs=[pl.BlockSpec((1, NW, 4, 16), lambda b: (b, 0, 0, 0))],
        out_specs=pl.BlockSpec((None, 1, 4), lambda b: (b, 0, 0)),
        out_shape=jax.ShapeDtypeStruct((B, 1, 4), jnp.float32),
    )(psums)
    return out[:, 0, :3]


@jax.jit
def _impl(joints, meshes, recons, face, recons_faces):
    B = meshes.shape[0]
    pad = ((0, 0), (0, VP - V), (0, 0))
    meshes_p = jnp.pad(meshes, pad, constant_values=PAD_COORD)
    recons_p = jnp.pad(recons, pad, constant_values=PAD_COORD)
    meshes_pT = jnp.transpose(meshes_p, (0, 2, 1))
    recons_pT = jnp.transpose(recons_p, (0, 2, 1))

    facep = jnp.pad(face, ((0, FP - F), (0, 0))).reshape(3 * FP)
    rfacep = jnp.pad(recons_faces,
                     ((0, 0), (0, FP - F), (0, 0))).reshape(B, 3 * FP)
    partials = _normals_partials(
        meshes.reshape(B, 3 * V), recons.reshape(B, 3 * V), facep, rfacep)
    normals = _normalize(partials.reshape(2 * B, NW, 3, VP))
    mesh_nT, rec_nT = normals[:B], normals[B:]

    row_d2, row_idx, col_d2, col_idx = _knn_both(meshes_p, recons_pT)

    psums = _loss_partials(meshes_pT, recons_pT, mesh_nT, rec_nT,
                           row_idx, row_d2, col_idx, col_d2)
    return _finalize(psums)


def kernel(joints, meshes, recons, face, recons_faces):
    return _impl(joints, meshes, recons, face, recons_faces)

# --- scband reference (transcript-rebuilt; emitter-appended) ---
"""Pipeline reference for scband-point2-point-loss-38946763440607 (READ-ONLY COPY).

The authoritative reference and input builder live on the scoring server;
editing this copy changes nothing except your own understanding.
"""

import jax, jax.numpy as jnp
import numpy as np

B = 4
V = 5000   # template mesh vertex_num
R = 5000   # reconstruction point count (uniform lengths -> no padding needed)
F_T = 10000  # template faces
F_R = 10000  # recon faces


def _vertex_normals(verts, faces):
    # verts: [N,3] float, faces: [F,3] int. Mirrors pytorch3d Meshes.verts_normals_packed():
    # area-weighted face normals scatter-added to incident vertices, then normalized.
    v0 = jnp.take(verts, faces[:, 0], axis=0)
    v1 = jnp.take(verts, faces[:, 1], axis=0)
    v2 = jnp.take(verts, faces[:, 2], axis=0)
    fn = jnp.cross(v1 - v0, v2 - v0)
    vn = jnp.zeros_like(verts)
    vn = vn.at[faces[:, 0]].add(fn)
    vn = vn.at[faces[:, 1]].add(fn)
    vn = vn.at[faces[:, 2]].add(fn)
    norm = jnp.sqrt(jnp.sum(vn * vn, axis=-1, keepdims=True))
    return vn / jnp.maximum(norm, 1e-12)


def _knn1(src, tgt):
    # brute-force K=1 nearest neighbor: src [N,3] queries into tgt [M,3]
    d2 = jnp.sum((src[:, None, :] - tgt[None, :, :]) ** 2, axis=-1)
    idx = jnp.argmin(d2, axis=1)
    nn = jnp.take(tgt, idx, axis=0)
    return idx, nn


def _make_template_faces():
    i = np.arange(F_T)
    return jnp.asarray(np.stack([i % V, (i + 1) % V, (i + 2) % V], axis=1), dtype=jnp.int32)


def setup_inputs(seed: int = 0):
    key = jax.random.key(seed)
    k1, k2, k3, k4 = jax.random.split(key, 4)
    # Scale coordinates to meters-like range so the 0.005 dist threshold is active.
    meshes = jax.random.normal(k1, (B, V, 3), dtype=jnp.float32) * 0.002
    recons = meshes + jax.random.normal(k2, (B, R, 3), dtype=jnp.float32) * 0.0005
    joints = jax.random.normal(k3, (B, 72, 3), dtype=jnp.float32)
    face = _make_template_faces()
    recons_faces = jax.random.randint(k4, (B, F_R, 3), 0, R, dtype=jnp.int32)
    return {"joints": joints, "meshes": meshes, "recons": recons,
            "face": face, "recons_faces": recons_faces}


def _forward(joints, meshes, recons, face, recons_faces):
    bsz = meshes.shape[0]
    # ---- mesh2recon ----
    m2r = []
    for i in range(bsz):
        idx, nn = _knn1(meshes[i], recons[i])
        mesh_n = _vertex_normals(meshes[i], face)
        rec_n = _vertex_normals(recons[i], recons_faces[i])
        rec_n_g = jnp.take(rec_n, idx, axis=0)  # knn_gather K=1
        normal_mask = (jnp.sum(mesh_n * rec_n_g, axis=1) >= 0.45).astype(jnp.float32)[:, None]
        dist = jnp.sqrt(jnp.sum((meshes[i] - nn) ** 2, axis=1))
        dist_mask = (dist <= 0.005).astype(jnp.float32)[:, None]
        m2r.append(jnp.abs((meshes[i] - nn) * rec_n_g) * normal_mask * dist_mask)
    m2r = jnp.stack(m2r)
    # ---- recon2mesh ----  (uniform lengths -> is_padded == 0 everywhere)
    r2m = []
    for i in range(bsz):
        idx, nn = _knn1(recons[i], meshes[i])
        dist = jnp.sqrt(jnp.sum((recons[i] - nn) ** 2, axis=1))
        dist_mask = (dist <= 0.005).astype(jnp.float32)[:, None]
        r2m.append(jnp.abs(recons[i] - nn) * dist_mask)
    r2m = jnp.stack(r2m)
    return m2r.mean(axis=1) + r2m.mean(axis=1)  # [B, 3]


def reference(joints, meshes, recons, face, recons_faces):
    return _forward(joints, meshes, recons, face, recons_faces)

if __name__ == "__main__":
    import jax
    _d = setup_inputs()
    print(jax.jit(kernel)(*tuple(_d.values())))

</pallas_src>

<mosaic_0001>
#map = affine_map<(d0, d1) -> (0, 0)>
#map1 = affine_map<(d0, d1) -> (0, 0, 0)>
#map2 = affine_map<(d0, d1) -> (0, 0, 0, 0)>
module attributes {stable_mosaic.version = 14 : i64} {
  func.func @_loss_body(%arg0: i32, %arg1: i32, %arg2: memref<4x15360xf32, #tpu.memory_space<hbm>>, %arg3: memref<4x15360xf32, #tpu.memory_space<hbm>>, %arg4: memref<4x3x5120xf32, #tpu.memory_space<hbm>>, %arg5: memref<4x15360xf32, #tpu.memory_space<hbm>>, %arg6: memref<4x5120xi32, #tpu.memory_space<hbm>>, %arg7: memref<4x5120xf32, #tpu.memory_space<hbm>>, %arg8: memref<4x5120xi32, #tpu.memory_space<hbm>>, %arg9: memref<4x5120xf32, #tpu.memory_space<hbm>>, %arg10: memref<4x32x4x16xf32, #tpu.memory_space<hbm>>, %arg11: memref<15360xf32, #tpu.memory_space<vmem>>, %arg12: memref<15360xf32, #tpu.memory_space<vmem>>, %arg13: memref<15360xf32, #tpu.memory_space<vmem>>, %arg14: memref<3x160xf32, #tpu.memory_space<vmem>>, %arg15: memref<160xi32, #tpu.memory_space<vmem>>, %arg16: memref<160xf32, #tpu.memory_space<vmem>>, %arg17: memref<160xi32, #tpu.memory_space<vmem>>, %arg18: memref<160xf32, #tpu.memory_space<vmem>>, %arg19: memref<4x16xf32, #tpu.memory_space<vmem>>, %arg20: memref<!tpu.dma_semaphore, #tpu.memory_space<semaphore_mem>>) attributes {dimension_semantics = [#tpu.dimension_semantics<core_parallel>, #tpu.dimension_semantics<subcore_parallel>], iteration_bounds = array<i64: 2, 16>, scalar_prefetch = 0 : i64, scratch_operands = 10 : i64, tpu.core_type = #tpu.core_type<sc_vector_subcore>, window_params = [{transform_indices = #map}, {transform_indices = #map}, {transform_indices = #map1}, {transform_indices = #map}, {transform_indices = #map}, {transform_indices = #map}, {transform_indices = #map}, {transform_indices = #map}, {transform_indices = #map2}]} {
    %mul3A = arith.constant 2 : i32
    %mul3A_0 = arith.muli %arg1, %mul3A : i32
    %add3A = arith.addi %mul3A_0, %arg0 : i32
    %iota3A = tpu.iota {dimensions = array<i32: 0>} : vector<16xi32>
    %broadcast_in_dim3A = arith.constant 0.000000e+00 : f32
    %broadcast_in_dim3A_1 = vector.broadcast %broadcast_in_dim3A : f32 to vector<16xf32>
    %dma_start3A = arith.constant 0 : i32
    %dma_start3A_2 = arith.constant 0 : i32
    %dma_start3A_3 = tpu.memref_slice %arg2[%dma_start3A, %dma_start3A_2] : memref<4x15360xf32, #tpu.memory_space<hbm>> -> memref<1x15360xf32, #tpu.memory_space<hbm>>
    %dma_start3A_4 = tpu.memref_squeeze %dma_start3A_3 : memref<1x15360xf32, #tpu.memory_space<hbm>> -> memref<15360xf32, #tpu.memory_space<hbm>>
    %dma_start3A_5 = arith.constant 0 : i32
    %dma_start3A_6 = tpu.memref_slice %arg2[%dma_start3A, %dma_start3A_5] : memref<4x15360xf32, #tpu.memory_space<hbm>> -> memref<1x15360xf32, #tpu.memory_space<hbm>>
    %dma_start3A_7 = tpu.memref_squeeze %dma_start3A_6 : memref<1x15360xf32, #tpu.memory_space<hbm>> -> memref<15360xf32, #tpu.memory_space<hbm>>
    tpu.enqueue_dma source(%dma_start3A_7 : memref<15360xf32, #tpu.memory_space<hbm>>) target(%arg11 : memref<15360xf32, #tpu.memory_space<vmem>>) target_semaphore(%arg20 : memref<!tpu.dma_semaphore, #tpu.memory_space<semaphore_mem>>)
    %dma_start3A_8 = arith.constant 0 : i32
    %dma_start3A_9 = arith.constant 0 : i32
    %dma_start3A_10 = tpu.memref_slice %arg3[%dma_start3A_8, %dma_start3A_9] : memref<4x15360xf32, #tpu.memory_space<hbm>> -> memref<1x15360xf32, #tpu.memory_space<hbm>>
    %dma_start3A_11 = tpu.memref_squeeze %dma_start3A_10 : memref<1x15360xf32, #tpu.memory_space<hbm>> -> memref<15360xf32, #tpu.memory_space<hbm>>
    %dma_start3A_12 = arith.constant 0 : i32
    %dma_start3A_13 = tpu.memref_slice %arg3[%dma_start3A_8, %dma_start3A_12] : memref<4x15360xf32, #tpu.memory_space<hbm>> -> memref<1x15360xf32, #tpu.memory_space<hbm>>
    %dma_start3A_14 = tpu.memref_squeeze %dma_start3A_13 : memref<1x15360xf32, #tpu.memory_space<hbm>> -> memref<15360xf32, #tpu.memory_space<hbm>>
    tpu.enqueue_dma source(%dma_start3A_14 : memref<15360xf32, #tpu.memory_space<hbm>>) target(%arg12 : memref<15360xf32, #tpu.memory_space<vmem>>) target_semaphore(%arg20 : memref<!tpu.dma_semaphore, #tpu.memory_space<semaphore_mem>>)
    %dma_start3A_15 = arith.constant 0 : i32
    %dma_start3A_16 = arith.constant 0 : i32
    %dma_start3A_17 = tpu.memref_slice %arg5[%dma_start3A_15, %dma_start3A_16] : memref<4x15360xf32, #tpu.memory_space<hbm>> -> memref<1x15360xf32, #tpu.memory_space<hbm>>
    %dma_start3A_18 = tpu.memref_squeeze %dma_start3A_17 : memref<1x15360xf32, #tpu.memory_space<hbm>> -> memref<15360xf32, #tpu.memory_space<hbm>>
    %dma_start3A_19 = arith.constant 0 : i32
    %dma_start3A_20 = tpu.memref_slice %arg5[%dma_start3A_15, %dma_start3A_19] : memref<4x15360xf32, #tpu.memory_space<hbm>> -> memref<1x15360xf32, #tpu.memory_space<hbm>>
    %dma_start3A_21 = tpu.memref_squeeze %dma_start3A_20 : memref<1x15360xf32, #tpu.memory_space<hbm>> -> memref<15360xf32, #tpu.memory_space<hbm>>
    tpu.enqueue_dma source(%dma_start3A_21 : memref<15360xf32, #tpu.memory_space<hbm>>) target(%arg13 : memref<15360xf32, #tpu.memory_space<vmem>>) target_semaphore(%arg20 : memref<!tpu.dma_semaphore, #tpu.memory_space<semaphore_mem>>)
    %mul3A_22 = arith.constant 160 : i32
    %mul3A_23 = arith.muli %add3A, %mul3A_22 : i32
    %dma_start3A_24 = arith.constant 0 : i32
    %dma_start3A_25 = arith.constant 0 : i32
    %dma_start3A_26 = tpu.memref_slice %arg4[%dma_start3A_24, %dma_start3A_25, %mul3A_23] : memref<4x3x5120xf32, #tpu.memory_space<hbm>> -> memref<1x3x160xf32, #tpu.memory_space<hbm>>
    %dma_start3A_27 = tpu.memref_squeeze %dma_start3A_26 : memref<1x3x160xf32, #tpu.memory_space<hbm>> -> memref<3x160xf32, #tpu.memory_space<hbm>>
    %dma_start3A_28 = arith.constant 0 : i32
    %dma_start3A_29 = tpu.memref_slice %arg4[%dma_start3A_24, %dma_start3A_28, %mul3A_23] : memref<4x3x5120xf32, #tpu.memory_space<hbm>> -> memref<1x3x160xf32, #tpu.memory_space<hbm>>
    %dma_start3A_30 = tpu.memref_squeeze %dma_start3A_29 : memref<1x3x160xf32, #tpu.memory_space<hbm>> -> memref<3x160xf32, #tpu.memory_space<hbm>>
    tpu.enqueue_dma source(%dma_start3A_30 : memref<3x160xf32, #tpu.memory_space<hbm>>) target(%arg14 : memref<3x160xf32, #tpu.memory_space<vmem>>) target_semaphore(%arg20 : memref<!tpu.dma_semaphore, #tpu.memory_space<semaphore_mem>>)
    %mul3A_31 = arith.constant 160 : i32
    %mul3A_32 = arith.muli %add3A, %mul3A_31 : i32
    %dma_start3A_33 = arith.constant 0 : i32
    %dma_start3A_34 = tpu.memref_slice %arg6[%dma_start3A_33, %mul3A_32] : memref<4x5120xi32, #tpu.memory_space<hbm>> -> memref<1x160xi32, #tpu.memory_space<hbm>>
    %dma_start3A_35 = tpu.memref_squeeze %dma_start3A_34 : memref<1x160xi32, #tpu.memory_space<hbm>> -> memref<160xi32, #tpu.memory_space<hbm>>
    %dma_start3A_36 = tpu.memref_slice %arg6[%dma_start3A_33, %mul3A_32] : memref<4x5120xi32, #tpu.memory_space<hbm>> -> memref<1x160xi32, #tpu.memory_space<hbm>>
    %dma_start3A_37 = tpu.memref_squeeze %dma_start3A_36 : memref<1x160xi32, #tpu.memory_space<hbm>> -> memref<160xi32, #tpu.memory_space<hbm>>
    tpu.enqueue_dma source(%dma_start3A_37 : memref<160xi32, #tpu.memory_space<hbm>>) target(%arg15 : memref<160xi32, #tpu.memory_space<vmem>>) target_semaphore(%arg20 : memref<!tpu.dma_semaphore, #tpu.memory_space<semaphore_mem>>)
    %mul3A_38 = arith.constant 160 : i32
    %mul3A_39 = arith.muli %add3A, %mul3A_38 : i32
    %dma_start3A_40 = arith.constant 0 : i32
    %dma_start3A_41 = tpu.memref_slice %arg7[%dma_start3A_40, %mul3A_39] : memref<4x5120xf32, #tpu.memory_space<hbm>> -> memref<1x160xf32, #tpu.memory_space<hbm>>
    %dma_start3A_42 = tpu.memref_squeeze %dma_start3A_41 : memref<1x160xf32, #tpu.memory_space<hbm>> -> memref<160xf32, #tpu.memory_space<hbm>>
    %dma_start3A_43 = tpu.memref_slice %arg7[%dma_start3A_40, %mul3A_39] : memref<4x5120xf32, #tpu.memory_space<hbm>> -> memref<1x160xf32, #tpu.memory_space<hbm>>
    %dma_start3A_44 = tpu.memref_squeeze %dma_start3A_43 : memref<1x160xf32, #tpu.memory_space<hbm>> -> memref<160xf32, #tpu.memory_space<hbm>>
    tpu.enqueue_dma source(%dma_start3A_44 : memref<160xf32, #tpu.memory_space<hbm>>) target(%arg16 : memref<160xf32, #tpu.memory_space<vmem>>) target_semaphore(%arg20 : memref<!tpu.dma_semaphore, #tpu.memory_space<semaphore_mem>>)
    %mul3A_45 = arith.constant 160 : i32
    %mul3A_46 = arith.muli %add3A, %mul3A_45 : i32
    %dma_start3A_47 = arith.constant 0 : i32
    %dma_start3A_48 = tpu.memref_slice %arg8[%dma_start3A_47, %mul3A_46] : memref<4x5120xi32, #tpu.memory_space<hbm>> -> memref<1x160xi32, #tpu.memory_space<hbm>>
    %dma_start3A_49 = tpu.memref_squeeze %dma_start3A_48 : memref<1x160xi32, #tpu.memory_space<hbm>> -> memref<160xi32, #tpu.memory_space<hbm>>
    %dma_start3A_50 = tpu.memref_slice %arg8[%dma_start3A_47, %mul3A_46] : memref<4x5120xi32, #tpu.memory_space<hbm>> -> memref<1x160xi32, #tpu.memory_space<hbm>>
    %dma_start3A_51 = tpu.memref_squeeze %dma_start3A_50 : memref<1x160xi32, #tpu.memory_space<hbm>> -> memref<160xi32, #tpu.memory_space<hbm>>
    tpu.enqueue_dma source(%dma_start3A_51 : memref<160xi32, #tpu.memory_space<hbm>>) target(%arg17 : memref<160xi32, #tpu.memory_space<vmem>>) target_semaphore(%arg20 : memref<!tpu.dma_semaphore, #tpu.memory_space<semaphore_mem>>)
    %mul3A_52 = arith.constant 160 : i32
    %mul3A_53 = arith.muli %add3A, %mul3A_52 : i32
    %dma_start3A_54 = arith.constant 0 : i32
    %dma_start3A_55 = tpu.memref_slice %arg9[%dma_start3A_54, %mul3A_53] : memref<4x5120xf32, #tpu.memory_space<hbm>> -> memref<1x160xf32, #tpu.memory_space<hbm>>
    %dma_start3A_56 = tpu.memref_squeeze %dma_start3A_55 : memref<1x160xf32, #tpu.memory_space<hbm>> -> memref<160xf32, #tpu.memory_space<hbm>>
    %dma_start3A_57 = tpu.memref_slice %arg9[%dma_start3A_54, %mul3A_53] : memref<4x5120xf32, #tpu.memory_space<hbm>> -> memref<1x160xf32, #tpu.memory_space<hbm>>
    %dma_start3A_58 = tpu.memref_squeeze %dma_start3A_57 : memref<1x160xf32, #tpu.memory_space<hbm>> -> memref<160xf32, #tpu.memory_space<hbm>>
    tpu.enqueue_dma source(%dma_start3A_58 : memref<160xf32, #tpu.memory_space<hbm>>) target(%arg18 : memref<160xf32, #tpu.memory_space<vmem>>) target_semaphore(%arg20 : memref<!tpu.dma_semaphore, #tpu.memory_space<semaphore_mem>>)
    %dma_wait3A = arith.constant 0 : i32
    %dma_wait3A_59 = arith.constant 0 : i32
    %dma_wait3A_60 = tpu.memref_slice %arg2[%dma_wait3A, %dma_wait3A_59] : memref<4x15360xf32, #tpu.memory_space<hbm>> -> memref<1x15360xf32, #tpu.memory_space<hbm>>
    %dma_wait3A_61 = tpu.memref_squeeze %dma_wait3A_60 : memref<1x15360xf32, #tpu.memory_space<hbm>> -> memref<15360xf32, #tpu.memory_space<hbm>>
    %dma_wait3A_62 = arith.constant 0 : i32
    %dma_wait3A_63 = tpu.memref_slice %arg2[%dma_wait3A, %dma_wait3A_62] : memref<4x15360xf32, #tpu.memory_space<hbm>> -> memref<1x15360xf32, #tpu.memory_space<hbm>>
    %dma_wait3A_64 = tpu.memref_squeeze %dma_wait3A_63 : memref<1x15360xf32, #tpu.memory_space<hbm>> -> memref<15360xf32, #tpu.memory_space<hbm>>
    tpu.wait_dma2 semaphore(%arg20 : memref<!tpu.dma_semaphore, #tpu.memory_space<semaphore_mem>>) src(%dma_wait3A_64 : memref<15360xf32, #tpu.memory_space<hbm>>) dst(%arg11 : memref<15360xf32, #tpu.memory_space<vmem>>)
    %dma_wait3A_65 = arith.constant 0 : i32
    %dma_wait3A_66 = arith.constant 0 : i32
    %dma_wait3A_67 = tpu.memref_slice %arg3[%dma_wait3A_65, %dma_wait3A_66] : memref<4x15360xf32, #tpu.memory_space<hbm>> -> memref<1x15360xf32, #tpu.memory_space<hbm>>
    %dma_wait3A_68 = tpu.memref_squeeze %dma_wait3A_67 : memref<1x15360xf32, #tpu.memory_space<hbm>> -> memref<15360xf32, #tpu.memory_space<hbm>>
    %dma_wait3A_69 = arith.constant 0 : i32
    %dma_wait3A_70 = tpu.memref_slice %arg3[%dma_wait3A_65, %dma_wait3A_69] : memref<4x15360xf32, #tpu.memory_space<hbm>> -> memref<1x15360xf32, #tpu.memory_space<hbm>>
    %dma_wait3A_71 = tpu.memref_squeeze %dma_wait3A_70 : memref<1x15360xf32, #tpu.memory_space<hbm>> -> memref<15360xf32, #tpu.memory_space<hbm>>
    tpu.wait_dma2 semaphore(%arg20 : memref<!tpu.dma_semaphore, #tpu.memory_space<semaphore_mem>>) src(%dma_wait3A_71 : memref<15360xf32, #tpu.memory_space<hbm>>) dst(%arg12 : memref<15360xf32, #tpu.memory_space<vmem>>)
    %dma_wait3A_72 = arith.constant 0 : i32
    %dma_wait3A_73 = arith.constant 0 : i32
    %dma_wait3A_74 = tpu.memref_slice %arg5[%dma_wait3A_72, %dma_wait3A_73] : memref<4x15360xf32, #tpu.memory_space<hbm>> -> memref<1x15360xf32, #tpu.memory_space<hbm>>
    %dma_wait3A_75 = tpu.memref_squeeze %dma_wait3A_74 : memref<1x15360xf32, #tpu.memory_space<hbm>> -> memref<15360xf32, #tpu.memory_space<hbm>>
    %dma_wait3A_76 = arith.constant 0 : i32
    %dma_wait3A_77 = tpu.memref_slice %arg5[%dma_wait3A_72, %dma_wait3A_76] : memref<4x15360xf32, #tpu.memory_space<hbm>> -> memref<1x15360xf32, #tpu.memory_space<hbm>>
    %dma_wait3A_78 = tpu.memref_squeeze %dma_wait3A_77 : memref<1x15360xf32, #tpu.memory_space<hbm>> -> memref<15360xf32, #tpu.memory_space<hbm>>
    tpu.wait_dma2 semaphore(%arg20 : memref<!tpu.dma_semaphore, #tpu.memory_space<semaphore_mem>>) src(%dma_wait3A_78 : memref<15360xf32, #tpu.memory_space<hbm>>) dst(%arg13 : memref<15360xf32, #tpu.memory_space<vmem>>)
    %dma_wait3A_79 = arith.constant 0 : i32
    %dma_wait3A_80 = arith.constant 0 : i32
    %dma_wait3A_81 = tpu.memref_slice %arg4[%dma_wait3A_79, %dma_wait3A_80, %mul3A_23] : memref<4x3x5120xf32, #tpu.memory_space<hbm>> -> memref<1x3x160xf32, #tpu.memory_space<hbm>>
    %dma_wait3A_82 = tpu.memref_squeeze %dma_wait3A_81 : memref<1x3x160xf32, #tpu.memory_space<hbm>> -> memref<3x160xf32, #tpu.memory_space<hbm>>
    %dma_wait3A_83 = arith.constant 0 : i32
    %dma_wait3A_84 = tpu.memref_slice %arg4[%dma_wait3A_79, %dma_wait3A_83, %mul3A_23] : memref<4x3x5120xf32, #tpu.memory_space<hbm>> -> memref<1x3x160xf32, #tpu.memory_space<hbm>>
    %dma_wait3A_85 = tpu.memref_squeeze %dma_wait3A_84 : memref<1x3x160xf32, #tpu.memory_space<hbm>> -> memref<3x160xf32, #tpu.memory_space<hbm>>
    tpu.wait_dma2 semaphore(%arg20 : memref<!tpu.dma_semaphore, #tpu.memory_space<semaphore_mem>>) src(%dma_wait3A_85 : memref<3x160xf32, #tpu.memory_space<hbm>>) dst(%arg14 : memref<3x160xf32, #tpu.memory_space<vmem>>)
    %dma_wait3A_86 = arith.constant 0 : i32
    %dma_wait3A_87 = tpu.memref_slice %arg6[%dma_wait3A_86, %mul3A_32] : memref<4x5120xi32, #tpu.memory_space<hbm>> -> memref<1x160xi32, #tpu.memory_space<hbm>>
    %dma_wait3A_88 = tpu.memref_squeeze %dma_wait3A_87 : memref<1x160xi32, #tpu.memory_space<hbm>> -> memref<160xi32, #tpu.memory_space<hbm>>
    %dma_wait3A_89 = tpu.memref_slice %arg6[%dma_wait3A_86, %mul3A_32] : memref<4x5120xi32, #tpu.memory_space<hbm>> -> memref<1x160xi32, #tpu.memory_space<hbm>>
    %dma_wait3A_90 = tpu.memref_squeeze %dma_wait3A_89 : memref<1x160xi32, #tpu.memory_space<hbm>> -> memref<160xi32, #tpu.memory_space<hbm>>
    tpu.wait_dma2 semaphore(%arg20 : memref<!tpu.dma_semaphore, #tpu.memory_space<semaphore_mem>>) src(%dma_wait3A_90 : memref<160xi32, #tpu.memory_space<hbm>>) dst(%arg15 : memref<160xi32, #tpu.memory_space<vmem>>)
    %dma_wait3A_91 = arith.constant 0 : i32
    %dma_wait3A_92 = tpu.memref_slice %arg7[%dma_wait3A_91, %mul3A_39] : memref<4x5120xf32, #tpu.memory_space<hbm>> -> memref<1x160xf32, #tpu.memory_space<hbm>>
    %dma_wait3A_93 = tpu.memref_squeeze %dma_wait3A_92 : memref<1x160xf32, #tpu.memory_space<hbm>> -> memref<160xf32, #tpu.memory_space<hbm>>
    %dma_wait3A_94 = tpu.memref_slice %arg7[%dma_wait3A_91, %mul3A_39] : memref<4x5120xf32, #tpu.memory_space<hbm>> -> memref<1x160xf32, #tpu.memory_space<hbm>>
    %dma_wait3A_95 = tpu.memref_squeeze %dma_wait3A_94 : memref<1x160xf32, #tpu.memory_space<hbm>> -> memref<160xf32, #tpu.memory_space<hbm>>
    tpu.wait_dma2 semaphore(%arg20 : memref<!tpu.dma_semaphore, #tpu.memory_space<semaphore_mem>>) src(%dma_wait3A_95 : memref<160xf32, #tpu.memory_space<hbm>>) dst(%arg16 : memref<160xf32, #tpu.memory_space<vmem>>)
    %dma_wait3A_96 = arith.constant 0 : i32
    %dma_wait3A_97 = tpu.memref_slice %arg8[%dma_wait3A_96, %mul3A_46] : memref<4x5120xi32, #tpu.memory_space<hbm>> -> memref<1x160xi32, #tpu.memory_space<hbm>>
    %dma_wait3A_98 = tpu.memref_squeeze %dma_wait3A_97 : memref<1x160xi32, #tpu.memory_space<hbm>> -> memref<160xi32, #tpu.memory_space<hbm>>
    %dma_wait3A_99 = tpu.memref_slice %arg8[%dma_wait3A_96, %mul3A_46] : memref<4x5120xi32, #tpu.memory_space<hbm>> -> memref<1x160xi32, #tpu.memory_space<hbm>>
    %dma_wait3A_100 = tpu.memref_squeeze %dma_wait3A_99 : memref<1x160xi32, #tpu.memory_space<hbm>> -> memref<160xi32, #tpu.memory_space<hbm>>
    tpu.wait_dma2 semaphore(%arg20 : memref<!tpu.dma_semaphore, #tpu.memory_space<semaphore_mem>>) src(%dma_wait3A_100 : memref<160xi32, #tpu.memory_space<hbm>>) dst(%arg17 : memref<160xi32, #tpu.memory_space<vmem>>)
    %dma_wait3A_101 = arith.constant 0 : i32
    %dma_wait3A_102 = tpu.memref_slice %arg9[%dma_wait3A_101, %mul3A_53] : memref<4x5120xf32, #tpu.memory_space<hbm>> -> memref<1x160xf32, #tpu.memory_space<hbm>>
    %dma_wait3A_103 = tpu.memref_squeeze %dma_wait3A_102 : memref<1x160xf32, #tpu.memory_space<hbm>> -> memref<160xf32, #tpu.memory_space<hbm>>
    %dma_wait3A_104 = tpu.memref_slice %arg9[%dma_wait3A_101, %mul3A_53] : memref<4x5120xf32, #tpu.memory_space<hbm>> -> memref<1x160xf32, #tpu.memory_space<hbm>>
    %dma_wait3A_105 = tpu.memref_squeeze %dma_wait3A_104 : memref<1x160xf32, #tpu.memory_space<hbm>> -> memref<160xf32, #tpu.memory_space<hbm>>
    tpu.wait_dma2 semaphore(%arg20 : memref<!tpu.dma_semaphore, #tpu.memory_space<semaphore_mem>>) src(%dma_wait3A_105 : memref<160xf32, #tpu.memory_space<hbm>>) dst(%arg18 : memref<160xf32, #tpu.memory_space<vmem>>)
    %scan3A = arith.constant 0 : i32
    %scan3A_106 = arith.constant 10 : i32
    %scan3A_107 = arith.addi %scan3A, %scan3A_106 : i32
    %scan3A_108 = arith.constant 1 : i32
    %scan3A_109:3 = scf.for %scan3A_513 = %scan3A to %scan3A_107 step %scan3A_108 iter_args(%scan3A_514 = %broadcast_in_dim3A_1, %scan3A_515 = %broadcast_in_dim3A_1, %scan3A_516 = %broadcast_in_dim3A_1) -> (vector<16xf32>, vector<16xf32>, vector<16xf32>)  : i32 {
      %mul3A_517 = arith.constant 16 : i32
      %mul3A_518 = arith.muli %scan3A_513, %mul3A_517 : i32
      %mul3A_519 = arith.constant 160 : i32
      %mul3A_520 = arith.muli %add3A, %mul3A_519 : i32
      %add3A_521 = arith.addi %mul3A_520, %mul3A_518 : i32
      %add3A_522 = vector.broadcast %add3A_521 : i32 to vector<16xi32>
      %add3A_523 = arith.addi %add3A_522, %iota3A : vector<16xi32>
      %lt3A = arith.constant 5000 : i32
      %lt3A_524 = vector.broadcast %lt3A : i32 to vector<16xi32>
      %lt3A_525 = arith.cmpi slt, %add3A_523, %lt3A_524 : vector<16xi32>
      %get3A = arith.index_cast %mul3A_518 : i32 to index
      %get3A_526 = tpu.vector_load %arg15[%get3A] {strides = array<i32>} : memref<160xi32, #tpu.memory_space<vmem>>, vector<16xi32>,
      %get3A_527 = arith.index_cast %mul3A_518 : i32 to index
      %get3A_528 = tpu.vector_load %arg16[%get3A_527] {strides = array<i32>} : memref<160xf32, #tpu.memory_space<vmem>>, vector<16xf32>,
      %gather3A = tpu.vector_load_idx %arg12[%get3A_526] : memref<15360xf32, #tpu.memory_space<vmem>>[vector<16xi32>], vector<16xf32>,
      %add3A_529 = arith.constant 5120 : i32
      %add3A_530 = vector.broadcast %add3A_529 : i32 to vector<16xi32>
      %add3A_531 = arith.addi %get3A_526, %add3A_530 : vector<16xi32>
      %gather3A_532 = tpu.vector_load_idx %arg12[%add3A_531] : memref<15360xf32, #tpu.memory_space<vmem>>[vector<16xi32>], vector<16xf32>,
      %add3A_533 = arith.constant 10240 : i32
      %add3A_534 = vector.broadcast %add3A_533 : i32 to vector<16xi32>
      %add3A_535 = arith.addi %get3A_526, %add3A_534 : vector<16xi32>
      %gather3A_536 = tpu.vector_load_idx %arg12[%add3A_535] : memref<15360xf32, #tpu.memory_space<vmem>>[vector<16xi32>], vector<16xf32>,
      %gather3A_537 = tpu.vector_load_idx %arg13[%get3A_526] : memref<15360xf32, #tpu.memory_space<vmem>>[vector<16xi32>], vector<16xf32>,
      %add3A_538 = arith.constant 5120 : i32
      %add3A_539 = vector.broadcast %add3A_538 : i32 to vector<16xi32>
      %add3A_540 = arith.addi %get3A_526, %add3A_539 : vector<16xi32>
      %gather3A_541 = tpu.vector_load_idx %arg13[%add3A_540] : memref<15360xf32, #tpu.memory_space<vmem>>[vector<16xi32>], vector<16xf32>,
      %add3A_542 = arith.constant 10240 : i32
      %add3A_543 = vector.broadcast %add3A_542 : i32 to vector<16xi32>
      %add3A_544 = arith.addi %get3A_526, %add3A_543 : vector<16xi32>
      %gather3A_545 = tpu.vector_load_idx %arg13[%add3A_544] : memref<15360xf32, #tpu.memory_space<vmem>>[vector<16xi32>], vector<16xf32>,
      %get3A_546 = arith.index_cast %add3A_521 : i32 to index
      %get3A_547 = tpu.vector_load %arg11[%get3A_546] {strides = array<i32>} : memref<15360xf32, #tpu.memory_space<vmem>>, vector<16xf32>,
      %add3A_548 = arith.constant 5120 : i32
      %add3A_549 = arith.addi %add3A_548, %add3A_521 : i32
      %get3A_550 = arith.index_cast %add3A_549 : i32 to index
      %get3A_551 = tpu.vector_load %arg11[%get3A_550] {strides = array<i32>} : memref<15360xf32, #tpu.memory_space<vmem>>, vector<16xf32>,
      %add3A_552 = arith.constant 10240 : i32
      %add3A_553 = arith.addi %add3A_552, %add3A_521 : i32
      %get3A_554 = arith.index_cast %add3A_553 : i32 to index
      %get3A_555 = tpu.vector_load %arg11[%get3A_554] {strides = array<i32>} : memref<15360xf32, #tpu.memory_space<vmem>>, vector<16xf32>,
      %get3A_556 = arith.constant 0 : i32
      %get3A_557 = arith.index_cast %get3A_556 : i32 to index
      %get3A_558 = arith.index_cast %mul3A_518 : i32 to index
      %get3A_559 = tpu.vector_load %arg14[%get3A_557, %get3A_558] {strides = array<i32>} : memref<3x160xf32, #tpu.memory_space<vmem>>, vector<16xf32>,
      %get3A_560 = arith.constant 1 : i32
      %get3A_561 = arith.index_cast %get3A_560 : i32 to index
      %get3A_562 = arith.index_cast %mul3A_518 : i32 to index
      %get3A_563 = tpu.vector_load %arg14[%get3A_561, %get3A_562] {strides = array<i32>} : memref<3x160xf32, #tpu.memory_space<vmem>>, vector<16xf32>,
      %get3A_564 = arith.constant 2 : i32
      %get3A_565 = arith.index_cast %get3A_564 : i32 to index
      %get3A_566 = arith.index_cast %mul3A_518 : i32 to index
      %get3A_567 = tpu.vector_load %arg14[%get3A_565, %get3A_566] {strides = array<i32>} : memref<3x160xf32, #tpu.memory_space<vmem>>, vector<16xf32>,
      %mul3A_568 = arith.mulf %get3A_559, %gather3A_537 : vector<16xf32>
      %mul3A_569 = arith.mulf %get3A_563, %gather3A_541 : vector<16xf32>
      %add3A_570 = arith.addf %mul3A_568, %mul3A_569 : vector<16xf32>
      %mul3A_571 = arith.mulf %get3A_567, %gather3A_545 : vector<16xf32>
      %add3A_572 = arith.addf %add3A_570, %mul3A_571 : vector<16xf32>
      %ge3A = arith.constant 4.500000e-01 : f32
      %ge3A_573 = vector.broadcast %ge3A : f32 to vector<16xf32>
      %ge3A_574 = arith.cmpf oge, %add3A_572, %ge3A_573 : vector<16xf32>
      %and3A = arith.andi %lt3A_525, %ge3A_574 : vector<16xi1>
      %le3A = arith.constant 2.500000e-05 : f32
      %le3A_575 = vector.broadcast %le3A : f32 to vector<16xf32>
      %le3A_576 = arith.cmpf ole, %get3A_528, %le3A_575 : vector<16xf32>
      %and3A_577 = arith.andi %and3A, %le3A_576 : vector<16xi1>
      %jit3A = arith.constant 1.000000e+00 : f32
      %jit3A_578 = arith.constant 0.000000e+00 : f32
      %broadcast_in_dim3A_579 = vector.broadcast %jit3A : f32 to vector<16xf32>
      %broadcast_in_dim3A_580 = vector.broadcast %jit3A_578 : f32 to vector<16xf32>
      %select_n3A = arith.select %and3A_577, %broadcast_in_dim3A_579, %broadcast_in_dim3A_580 : vector<16xi1>, vector<16xf32>
      %sub3A = arith.subf %get3A_547, %gather3A : vector<16xf32>
      %mul3A_581 = arith.mulf %sub3A, %gather3A_537 : vector<16xf32>
      %abs3A = math.absf %mul3A_581 : vector<16xf32>
      %mul3A_582 = arith.mulf %abs3A, %select_n3A : vector<16xf32>
      %add3A_583 = arith.addf %scan3A_514, %mul3A_582 : vector<16xf32>
      %sub3A_584 = arith.subf %get3A_551, %gather3A_532 : vector<16xf32>
      %mul3A_585 = arith.mulf %sub3A_584, %gather3A_541 : vector<16xf32>
      %abs3A_586 = math.absf %mul3A_585 : vector<16xf32>
      %mul3A_587 = arith.mulf %abs3A_586, %select_n3A : vector<16xf32>
      %add3A_588 = arith.addf %scan3A_515, %mul3A_587 : vector<16xf32>
      %sub3A_589 = arith.subf %get3A_555, %gather3A_536 : vector<16xf32>
      %mul3A_590 = arith.mulf %sub3A_589, %gather3A_545 : vector<16xf32>
      %abs3A_591 = math.absf %mul3A_590 : vector<16xf32>
      %mul3A_592 = arith.mulf %abs3A_591, %select_n3A : vector<16xf32>
      %add3A_593 = arith.addf %scan3A_516, %mul3A_592 : vector<16xf32>
      %get3A_594 = arith.index_cast %mul3A_518 : i32 to index
      %get3A_595 = tpu.vector_load %arg17[%get3A_594] {strides = array<i32>} : memref<160xi32, #tpu.memory_space<vmem>>, vector<16xi32>,
      %get3A_596 = arith.index_cast %mul3A_518 : i32 to index
      %get3A_597 = tpu.vector_load %arg18[%get3A_596] {strides = array<i32>} : memref<160xf32, #tpu.memory_space<vmem>>, vector<16xf32>,
      %gather3A_598 = tpu.vector_load_idx %arg11[%get3A_595] : memref<15360xf32, #tpu.memory_space<vmem>>[vector<16xi32>], vector<16xf32>,
      %add3A_599 = arith.constant 5120 : i32
      %add3A_600 = vector.broadcast %add3A_599 : i32 to vector<16xi32>
      %add3A_601 = arith.addi %get3A_595, %add3A_600 : vector<16xi32>
      %gather3A_602 = tpu.vector_load_idx %arg11[%add3A_601] : memref<15360xf32, #tpu.memory_space<vmem>>[vector<16xi32>], vector<16xf32>,
      %add3A_603 = arith.constant 10240 : i32
      %add3A_604 = vector.broadcast %add3A_603 : i32 to vector<16xi32>
      %add3A_605 = arith.addi %get3A_595, %add3A_604 : vector<16xi32>
      %gather3A_606 = tpu.vector_load_idx %arg11[%add3A_605] : memref<15360xf32, #tpu.memory_space<vmem>>[vector<16xi32>], vector<16xf32>,
      %get3A_607 = arith.index_cast %add3A_521 : i32 to index
      %get3A_608 = tpu.vector_load %arg12[%get3A_607] {strides = array<i32>} : memref<15360xf32, #tpu.memory_space<vmem>>, vector<16xf32>,
      %add3A_609 = arith.constant 5120 : i32
      %add3A_610 = arith.addi %add3A_609, %add3A_521 : i32
      %get3A_611 = arith.index_cast %add3A_610 : i32 to index
      %get3A_612 = tpu.vector_load %arg12[%get3A_611] {strides = array<i32>} : memref<15360xf32, #tpu.memory_space<vmem>>, vector<16xf32>,
      %add3A_613 = arith.constant 10240 : i32
      %add3A_614 = arith.addi %add3A_613, %add3A_521 : i32
      %get3A_615 = arith.index_cast %add3A_614 : i32 to index
      %get3A_616 = tpu.vector_load %arg12[%get3A_615] {strides = array<i32>} : memref<15360xf32, #tpu.memory_space<vmem>>, vector<16xf32>,
      %le3A_617 = arith.constant 2.500000e-05 : f32
      %le3A_618 = vector.broadcast %le3A_617 : f32 to vector<16xf32>
      %le3A_619 = arith.cmpf ole, %get3A_597, %le3A_618 : vector<16xf32>
      %and3A_620 = arith.andi %lt3A_525, %le3A_619 : vector<16xi1>
      %jit3A_621 = arith.constant 1.000000e+00 : f32
      %jit3A_622 = arith.constant 0.000000e+00 : f32
      %broadcast_in_dim3A_623 = vector.broadcast %jit3A_621 : f32 to vector<16xf32>
      %broadcast_in_dim3A_624 = vector.broadcast %jit3A_622 : f32 to vector<16xf32>
      %select_n3A_625 = arith.select %and3A_620, %broadcast_in_dim3A_623, %broadcast_in_dim3A_624 : vector<16xi1>, vector<16xf32>
      %sub3A_626 = arith.subf %get3A_608, %gather3A_598 : vector<16xf32>
      %abs3A_627 = math.absf %sub3A_626 : vector<16xf32>
      %mul3A_628 = arith.mulf %abs3A_627, %select_n3A_625 : vector<16xf32>
      %add3A_629 = arith.addf %add3A_583, %mul3A_628 : vector<16xf32>
      %sub3A_630 = arith.subf %get3A_612, %gather3A_602 : vector<16xf32>
      %abs3A_631 = math.absf %sub3A_630 : vector<16xf32>
      %mul3A_632 = arith.mulf %abs3A_631, %select_n3A_625 : vector<16xf32>
      %add3A_633 = arith.addf %add3A_588, %mul3A_632 : vector<16xf32>
      %sub3A_634 = arith.subf %get3A_616, %gather3A_606 : vector<16xf32>
      %abs3A_635 = math.absf %sub3A_634 : vector<16xf32>
      %mul3A_636 = arith.mulf %abs3A_635, %select_n3A_625 : vector<16xf32>
      %add3A_637 = arith.addf %add3A_593, %mul3A_636 : vector<16xf32>
      scf.yield %add3A_629, %add3A_633, %add3A_637 : vector<16xf32>, vector<16xf32>, vector<16xf32>
    }
    %scan3A_110 = arith.constant 10 : i32
    %swap3A = arith.constant 0 : i32
    %swap3A_111 = arith.index_cast %swap3A : i32 to index
    %swap3A_112 = arith.constant 0 : index
    %swap3A_113 = tpu.vector_load %arg19[%swap3A_111, %swap3A_112] {strides = array<i32>} : memref<4x16xf32, #tpu.memory_space<vmem>>, vector<16xf32>,
    tpu.vector_store %arg19[%swap3A_111, %swap3A_112], %scan3A_109#0 {strides = array<i32>} : memref<4x16xf32, #tpu.memory_space<vmem>>, vector<16xf32>,
    %swap3A_114 = arith.constant 1 : i32
    %swap3A_115 = arith.index_cast %swap3A_114 : i32 to index
    %swap3A_116 = arith.constant 0 : index
    %swap3A_117 = tpu.vector_load %arg19[%swap3A_115, %swap3A_116] {strides = array<i32>} : memref<4x16xf32, #tpu.memory_space<vmem>>, vector<16xf32>,
    tpu.vector_store %arg19[%swap3A_115, %swap3A_116], %scan3A_109#1 {strides = array<i32>} : memref<4x16xf32, #tpu.memory_space<vmem>>, vector<16xf32>,
    %swap3A_118 = arith.constant 2 : i32
    %swap3A_119 = arith.index_cast %swap3A_118 : i32 to index
    %swap3A_120 = arith.constant 0 : index
    %swap3A_121 = tpu.vector_load %arg19[%swap3A_119, %swap3A_120] {strides = array<i32>} : memref<4x16xf32, #tpu.memory_space<vmem>>, vector<16xf32>,
    tpu.vector_store %arg19[%swap3A_119, %swap3A_120], %scan3A_109#2 {strides = array<i32>} : memref<4x16xf32, #tpu.memory_space<vmem>>, vector<16xf32>,
    %swap3A_122 = arith.constant 3 : i32
    %swap3A_123 = arith.index_cast %swap3A_122 : i32 to index
    %swap3A_124 = arith.constant 0 : index
    %swap3A_125 = tpu.vector_load %arg19[%swap3A_123, %swap3A_124] {strides = array<i32>} : memref<4x16xf32, #tpu.memory_space<vmem>>, vector<16xf32>,
    tpu.vector_store %arg19[%swap3A_123, %swap3A_124], %broadcast_in_dim3A_1 {strides = array<i32>} : memref<4x16xf32, #tpu.memory_space<vmem>>, vector<16xf32>,
    %run_scoped3A = arith.constant 0 : i32
    "tpu.region"() ({
      %run_scoped3A_513 = tpu.sem_alloc : memref<!tpu.dma_semaphore, #tpu.memory_space<semaphore_mem>>
      %dma_start3A_514 = arith.constant 0 : i32
      %dma_start3A_515 = arith.constant 0 : i32
      %dma_start3A_516 = tpu.memref_slice %arg10[%run_scoped3A, %add3A, %dma_start3A_514, %dma_start3A_515] : memref<4x32x4x16xf32, #tpu.memory_space<hbm>> -> memref<1x1x4x16xf32, #tpu.memory_space<hbm>>
      %dma_start3A_517 = tpu.memref_squeeze %dma_start3A_516 : memref<1x1x4x16xf32, #tpu.memory_space<hbm>> -> memref<4x16xf32, #tpu.memory_space<hbm>>
      %dma_start3A_518 = arith.constant 0 : i32
      %dma_start3A_519 = arith.constant 0 : i32
      %dma_start3A_520 = tpu.memref_slice %arg10[%run_scoped3A, %add3A, %dma_start3A_518, %dma_start3A_519] : memref<4x32x4x16xf32, #tpu.memory_space<hbm>> -> memref<1x1x4x16xf32, #tpu.memory_space<hbm>>
      %dma_start3A_521 = tpu.memref_squeeze %dma_start3A_520 : memref<1x1x4x16xf32, #tpu.memory_space<hbm>> -> memref<4x16xf32, #tpu.memory_space<hbm>>
      tpu.enqueue_dma source(%arg19 : memref<4x16xf32, #tpu.memory_space<vmem>>) target(%dma_start3A_521 : memref<4x16xf32, #tpu.memory_space<hbm>>) target_semaphore(%run_scoped3A_513 : memref<!tpu.dma_semaphore, #tpu.memory_space<semaphore_mem>>)
      %dma_wait3A_522 = arith.constant 0 : i32
      %dma_wait3A_523 = arith.constant 0 : i32
      %dma_wait3A_524 = tpu.memref_slice %arg10[%run_scoped3A, %add3A, %dma_wait3A_522, %dma_wait3A_523] : memref<4x32x4x16xf32, #tpu.memory_space<hbm>> -> memref<1x1x4x16xf32, #tpu.memory_space<hbm>>
      %dma_wait3A_525 = tpu.memref_squeeze %dma_wait3A_524 : memref<1x1x4x16xf32, #tpu.memory_space<hbm>> -> memref<4x16xf32, #tpu.memory_space<hbm>>
      %dma_wait3A_526 = arith.constant 0 : i32
      %dma_wait3A_527 = arith.constant 0 : i32
      %dma_wait3A_528 = tpu.memref_slice %arg10[%run_scoped3A, %add3A, %dma_wait3A_526, %dma_wait3A_527] : memref<4x32x4x16xf32, #tpu.memory_space<hbm>> -> memref<1x1x4x16xf32, #tpu.memory_space<hbm>>
      %dma_wait3A_529 = tpu.memref_squeeze %dma_wait3A_528 : memref<1x1x4x16xf32, #tpu.memory_space<hbm>> -> memref<4x16xf32, #tpu.memory_space<hbm>>
      tpu.wait_dma2 semaphore(%run_scoped3A_513 : memref<!tpu.dma_semaphore, #tpu.memory_space<semaphore_mem>>) src(%arg19 : memref<4x16xf32, #tpu.memory_space<vmem>>) dst(%dma_wait3A_529 : memref<4x16xf32, #tpu.memory_space<hbm>>)
      tpu.yield
    }) : () -> ()
    %dma_start3A_126 = arith.constant 1 : i32
    %dma_start3A_127 = arith.constant 0 : i32
    %dma_start3A_128 = tpu.memref_slice %arg2[%dma_start3A_126, %dma_start3A_127] : memref<4x15360xf32, #tpu.memory_space<hbm>> -> memref<1x15360xf32, #tpu.memory_space<hbm>>
    %dma_start3A_129 = tpu.memref_squeeze %dma_start3A_128 : memref<1x15360xf32, #tpu.memory_space<hbm>> -> memref<15360xf32, #tpu.memory_space<hbm>>
    %dma_start3A_130 = arith.constant 0 : i32
    %dma_start3A_131 = tpu.memref_slice %arg2[%dma_start3A_126, %dma_start3A_130] : memref<4x15360xf32, #tpu.memory_space<hbm>> -> memref<1x15360xf32, #tpu.memory_space<hbm>>
    %dma_start3A_132 = tpu.memref_squeeze %dma_start3A_131 : memref<1x15360xf32, #tpu.memory_space<hbm>> -> memref<15360xf32, #tpu.memory_space<hbm>>
    tpu.enqueue_dma source(%dma_start3A_132 : memref<15360xf32, #tpu.memory_space<hbm>>) target(%arg11 : memref<15360xf32, #tpu.memory_space<vmem>>) target_semaphore(%arg20 : memref<!tpu.dma_semaphore, #tpu.memory_space<semaphore_mem>>)
    %dma_start3A_133 = arith.constant 1 : i32
    %dma_start3A_134 = arith.constant 0 : i32
    %dma_start3A_135 = tpu.memref_slice %arg3[%dma_start3A_133, %dma_start3A_134] : memref<4x15360xf32, #tpu.memory_space<hbm>> -> memref<1x15360xf32, #tpu.memory_space<hbm>>
    %dma_start3A_136 = tpu.memref_squeeze %dma_start3A_135 : memref<1x15360xf32, #tpu.memory_space<hbm>> -> memref<15360xf32, #tpu.memory_space<hbm>>
    %dma_start3A_137 = arith.constant 0 : i32
    %dma_start3A_138 = tpu.memref_slice %arg3[%dma_start3A_133, %dma_start3A_137] : memref<4x15360xf32, #tpu.memory_space<hbm>> -> memref<1x15360xf32, #tpu.memory_space<hbm>>
    %dma_start3A_139 = tpu.memref_squeeze %dma_start3A_138 : memref<1x15360xf32, #tpu.memory_space<hbm>> -> memref<15360xf32, #tpu.memory_space<hbm>>
    tpu.enqueue_dma source(%dma_start3A_139 : memref<15360xf32, #tpu.memory_space<hbm>>) target(%arg12 : memref<15360xf32, #tpu.memory_space<vmem>>) target_semaphore(%arg20 : memref<!tpu.dma_semaphore, #tpu.memory_space<semaphore_mem>>)
    %dma_start3A_140 = arith.constant 1 : i32
    %dma_start3A_141 = arith.constant 0 : i32
    %dma_start3A_142 = tpu.memref_slice %arg5[%dma_start3A_140, %dma_start3A_141] : memref<4x15360xf32, #tpu.memory_space<hbm>> -> memref<1x15360xf32, #tpu.memory_space<hbm>>
    %dma_start3A_143 = tpu.memref_squeeze %dma_start3A_142 : memref<1x15360xf32, #tpu.memory_space<hbm>> -> memref<15360xf32, #tpu.memory_space<hbm>>
    %dma_start3A_144 = arith.constant 0 : i32
    %dma_start3A_145 = tpu.memref_slice %arg5[%dma_start3A_140, %dma_start3A_144] : memref<4x15360xf32, #tpu.memory_space<hbm>> -> memref<1x15360xf32, #tpu.memory_space<hbm>>
    %dma_start3A_146 = tpu.memref_squeeze %dma_start3A_145 : memref<1x15360xf32, #tpu.memory_space<hbm>> -> memref<15360xf32, #tpu.memory_space<hbm>>
    tpu.enqueue_dma source(%dma_start3A_146 : memref<15360xf32, #tpu.memory_space<hbm>>) target(%arg13 : memref<15360xf32, #tpu.memory_space<vmem>>) target_semaphore(%arg20 : memref<!tpu.dma_semaphore, #tpu.memory_space<semaphore_mem>>)
    %mul3A_147 = arith.constant 160 : i32
    %mul3A_148 = arith.muli %add3A, %mul3A_147 : i32
    %dma_start3A_149 = arith.constant 1 : i32
    %dma_start3A_150 = arith.constant 0 : i32
    %dma_start3A_151 = tpu.memref_slice %arg4[%dma_start3A_149, %dma_start3A_150, %mul3A_148] : memref<4x3x5120xf32, #tpu.memory_space<hbm>> -> memref<1x3x160xf32, #tpu.memory_space<hbm>>
    %dma_start3A_152 = tpu.memref_squeeze %dma_start3A_151 : memref<1x3x160xf32, #tpu.memory_space<hbm>> -> memref<3x160xf32, #tpu.memory_space<hbm>>
    %dma_start3A_153 = arith.constant 0 : i32
    %dma_start3A_154 = tpu.memref_slice %arg4[%dma_start3A_149, %dma_start3A_153, %mul3A_148] : memref<4x3x5120xf32, #tpu.memory_space<hbm>> -> memref<1x3x160xf32, #tpu.memory_space<hbm>>
    %dma_start3A_155 = tpu.memref_squeeze %dma_start3A_154 : memref<1x3x160xf32, #tpu.memory_space<hbm>> -> memref<3x160xf32, #tpu.memory_space<hbm>>
    tpu.enqueue_dma source(%dma_start3A_155 : memref<3x160xf32, #tpu.memory_space<hbm>>) target(%arg14 : memref<3x160xf32, #tpu.memory_space<vmem>>) target_semaphore(%arg20 : memref<!tpu.dma_semaphore, #tpu.memory_space<semaphore_mem>>)
    %mul3A_156 = arith.constant 160 : i32
    %mul3A_157 = arith.muli %add3A, %mul3A_156 : i32
    %dma_start3A_158 = arith.constant 1 : i32
    %dma_start3A_159 = tpu.memref_slice %arg6[%dma_start3A_158, %mul3A_157] : memref<4x5120xi32, #tpu.memory_space<hbm>> -> memref<1x160xi32, #tpu.memory_space<hbm>>
    %dma_start3A_160 = tpu.memref_squeeze %dma_start3A_159 : memref<1x160xi32, #tpu.memory_space<hbm>> -> memref<160xi32, #tpu.memory_space<hbm>>
    %dma_start3A_161 = tpu.memref_slice %arg6[%dma_start3A_158, %mul3A_157] : memref<4x5120xi32, #tpu.memory_space<hbm>> -> memref<1x160xi32, #tpu.memory_space<hbm>>
    %dma_start3A_162 = tpu.memref_squeeze %dma_start3A_161 : memref<1x160xi32, #tpu.memory_space<hbm>> -> memref<160xi32, #tpu.memory_space<hbm>>
    tpu.enqueue_dma source(%dma_start3A_162 : memref<160xi32, #tpu.memory_space<hbm>>) target(%arg15 : memref<160xi32, #tpu.memory_space<vmem>>) target_semaphore(%arg20 : memref<!tpu.dma_semaphore, #tpu.memory_space<semaphore_mem>>)
    %mul3A_163 = arith.constant 160 : i32
    %mul3A_164 = arith.muli %add3A, %mul3A_163 : i32
    %dma_start3A_165 = arith.constant 1 : i32
    %dma_start3A_166 = tpu.memref_slice %arg7[%dma_start3A_165, %mul3A_164] : memref<4x5120xf32, #tpu.memory_space<hbm>> -> memref<1x160xf32, #tpu.memory_space<hbm>>
    %dma_start3A_167 = tpu.memref_squeeze %dma_start3A_166 : memref<1x160xf32, #tpu.memory_space<hbm>> -> memref<160xf32, #tpu.memory_space<hbm>>
    %dma_start3A_168 = tpu.memref_slice %arg7[%dma_start3A_165, %mul3A_164] : memref<4x5120xf32, #tpu.memory_space<hbm>> -> memref<1x160xf32, #tpu.memory_space<hbm>>
    %dma_start3A_169 = tpu.memref_squeeze %dma_start3A_168 : memref<1x160xf32, #tpu.memory_space<hbm>> -> memref<160xf32, #tpu.memory_space<hbm>>
    tpu.enqueue_dma source(%dma_start3A_169 : memref<160xf32, #tpu.memory_space<hbm>>) target(%arg16 : memref<160xf32, #tpu.memory_space<vmem>>) target_semaphore(%arg20 : memref<!tpu.dma_semaphore, #tpu.memory_space<semaphore_mem>>)
    %mul3A_170 = arith.constant 160 : i32
    %mul3A_171 = arith.muli %add3A, %mul3A_170 : i32
    %dma_start3A_172 = arith.constant 1 : i32
    %dma_start3A_173 = tpu.memref_slice %arg8[%dma_start3A_172, %mul3A_171] : memref<4x5120xi32, #tpu.memory_space<hbm>> -> memref<1x160xi32, #tpu.memory_space<hbm>>
    %dma_start3A_174 = tpu.memref_squeeze %dma_start3A_173 : memref<1x160xi32, #tpu.memory_space<hbm>> -> memref<160xi32, #tpu.memory_space<hbm>>
    %dma_start3A_175 = tpu.memref_slice %arg8[%dma_start3A_172, %mul3A_171] : memref<4x5120xi32, #tpu.memory_space<hbm>> -> memref<1x160xi32, #tpu.memory_space<hbm>>
    %dma_start3A_176 = tpu.memref_squeeze %dma_start3A_175 : memref<1x160xi32, #tpu.memory_space<hbm>> -> memref<160xi32, #tpu.memory_space<hbm>>
    tpu.enqueue_dma source(%dma_start3A_176 : memref<160xi32, #tpu.memory_space<hbm>>) target(%arg17 : memref<160xi32, #tpu.memory_space<vmem>>) target_semaphore(%arg20 : memref<!tpu.dma_semaphore, #tpu.memory_space<semaphore_mem>>)
    %mul3A_177 = arith.constant 160 : i32
    %mul3A_178 = arith.muli %add3A, %mul3A_177 : i32
    %dma_start3A_179 = arith.constant 1 : i32
    %dma_start3A_180 = tpu.memref_slice %arg9[%dma_start3A_179, %mul3A_178] : memref<4x5120xf32, #tpu.memory_space<hbm>> -> memref<1x160xf32, #tpu.memory_space<hbm>>
    %dma_start3A_181 = tpu.memref_squeeze %dma_start3A_180 : memref<1x160xf32, #tpu.memory_space<hbm>> -> memref<160xf32, #tpu.memory_space<hbm>>
    %dma_start3A_182 = tpu.memref_slice %arg9[%dma_start3A_179, %mul3A_178] : memref<4x5120xf32, #tpu.memory_space<hbm>> -> memref<1x160xf32, #tpu.memory_space<hbm>>
    %dma_start3A_183 = tpu.memref_squeeze %dma_start3A_182 : memref<1x160xf32, #tpu.memory_space<hbm>> -> memref<160xf32, #tpu.memory_space<hbm>>
    tpu.enqueue_dma source(%dma_start3A_183 : memref<160xf32, #tpu.memory_space<hbm>>) target(%arg18 : memref<160xf32, #tpu.memory_space<vmem>>) target_semaphore(%arg20 : memref<!tpu.dma_semaphore, #tpu.memory_space<semaphore_mem>>)
    %dma_wait3A_184 = arith.constant 1 : i32
    %dma_wait3A_185 = arith.constant 0 : i32
    %dma_wait3A_186 = tpu.memref_slice %arg2[%dma_wait3A_184, %dma_wait3A_185] : memref<4x15360xf32, #tpu.memory_space<hbm>> -> memref<1x15360xf32, #tpu.memory_space<hbm>>
    %dma_wait3A_187 = tpu.memref_squeeze %dma_wait3A_186 : memref<1x15360xf32, #tpu.memory_space<hbm>> -> memref<15360xf32, #tpu.memory_space<hbm>>
    %dma_wait3A_188 = arith.constant 0 : i32
    %dma_wait3A_189 = tpu.memref_slice %arg2[%dma_wait3A_184, %dma_wait3A_188] : memref<4x15360xf32, #tpu.memory_space<hbm>> -> memref<1x15360xf32, #tpu.memory_space<hbm>>
    %dma_wait3A_190 = tpu.memref_squeeze %dma_wait3A_189 : memref<1x15360xf32, #tpu.memory_space<hbm>> -> memref<15360xf32, #tpu.memory_space<hbm>>
    tpu.wait_dma2 semaphore(%arg20 : memref<!tpu.dma_semaphore, #tpu.memory_space<semaphore_mem>>) src(%dma_wait3A_190 : memref<15360xf32, #tpu.memory_space<hbm>>) dst(%arg11 : memref<15360xf32, #tpu.memory_space<vmem>>)
    %dma_wait3A_191 = arith.constant 1 : i32
    %dma_wait3A_192 = arith.constant 0 : i32
    %dma_wait3A_193 = tpu.memref_slice %arg3[%dma_wait3A_191, %dma_wait3A_192] : memref<4x15360xf32, #tpu.memory_space<hbm>> -> memref<1x15360xf32, #tpu.memory_space<hbm>>
    %dma_wait3A_194 = tpu.memref_squeeze %dma_wait3A_193 : memref<1x15360xf32, #tpu.memory_space<hbm>> -> memref<15360xf32, #tpu.memory_space<hbm>>
    %dma_wait3A_195 = arith.constant 0 : i32
    %dma_wait3A_196 = tpu.memref_slice %arg3[%dma_wait3A_191, %dma_wait3A_195] : memref<4x15360xf32, #tpu.memory_space<hbm>> -> memref<1x15360xf32, #tpu.memory_space<hbm>>
    %dma_wait3A_197 = tpu.memref_squeeze %dma_wait3A_196 : memref<1x15360xf32, #tpu.memory_space<hbm>> -> memref<15360xf32, #tpu.memory_space<hbm>>
    tpu.wait_dma2 semaphore(%arg20 : memref<!tpu.dma_semaphore, #tpu.memory_space<semaphore_mem>>) src(%dma_wait3A_197 : memref<15360xf32, #tpu.memory_space<hbm>>) dst(%arg12 : memref<15360xf32, #tpu.memory_space<vmem>>)
    %dma_wait3A_198 = arith.constant 1 : i32
    %dma_wait3A_199 = arith.constant 0 : i32
    %dma_wait3A_200 = tpu.memref_slice %arg5[%dma_wait3A_198, %dma_wait3A_199] : memref<4x15360xf32, #tpu.memory_space<hbm>> -> memref<1x15360xf32, #tpu.memory_space<hbm>>
    %dma_wait3A_201 = tpu.memref_squeeze %dma_wait3A_200 : memref<1x15360xf32, #tpu.memory_space<hbm>> -> memref<15360xf32, #tpu.memory_space<hbm>>
    %dma_wait3A_202 = arith.constant 0 : i32
    %dma_wait3A_203 = tpu.memref_slice %arg5[%dma_wait3A_198, %dma_wait3A_202] : memref<4x15360xf32, #tpu.memory_space<hbm>> -> memref<1x15360xf32, #tpu.memory_space<hbm>>
    %dma_wait3A_204 = tpu.memref_squeeze %dma_wait3A_203 : memref<1x15360xf32, #tpu.memory_space<hbm>> -> memref<15360xf32, #tpu.memory_space<hbm>>
    tpu.wait_dma2 semaphore(%arg20 : memref<!tpu.dma_semaphore, #tpu.memory_space<semaphore_mem>>) src(%dma_wait3A_204 : memref<15360xf32, #tpu.memory_space<hbm>>) dst(%arg13 : memref<15360xf32, #tpu.memory_space<vmem>>)
    %dma_wait3A_205 = arith.constant 1 : i32
    %dma_wait3A_206 = arith.constant 0 : i32
    %dma_wait3A_207 = tpu.memref_slice %arg4[%dma_wait3A_205, %dma_wait3A_206, %mul3A_148] : memref<4x3x5120xf32, #tpu.memory_space<hbm>> -> memref<1x3x160xf32, #tpu.memory_space<hbm>>
    %dma_wait3A_208 = tpu.memref_squeeze %dma_wait3A_207 : memref<1x3x160xf32, #tpu.memory_space<hbm>> -> memref<3x160xf32, #tpu.memory_space<hbm>>
    %dma_wait3A_209 = arith.constant 0 : i32
    %dma_wait3A_210 = tpu.memref_slice %arg4[%dma_wait3A_205, %dma_wait3A_209, %mul3A_148] : memref<4x3x5120xf32, #tpu.memory_space<hbm>> -> memref<1x3x160xf32, #tpu.memory_space<hbm>>
    %dma_wait3A_211 = tpu.memref_squeeze %dma_wait3A_210 : memref<1x3x160xf32, #tpu.memory_space<hbm>> -> memref<3x160xf32, #tpu.memory_space<hbm>>
    tpu.wait_dma2 semaphore(%arg20 : memref<!tpu.dma_semaphore, #tpu.memory_space<semaphore_mem>>) src(%dma_wait3A_211 : memref<3x160xf32, #tpu.memory_space<hbm>>) dst(%arg14 : memref<3x160xf32, #tpu.memory_space<vmem>>)
    %dma_wait3A_212 = arith.constant 1 : i32
    %dma_wait3A_213 = tpu.memref_slice %arg6[%dma_wait3A_212, %mul3A_157] : memref<4x5120xi32, #tpu.memory_space<hbm>> -> memref<1x160xi32, #tpu.memory_space<hbm>>
    %dma_wait3A_214 = tpu.memref_squeeze %dma_wait3A_213 : memref<1x160xi32, #tpu.memory_space<hbm>> -> memref<160xi32, #tpu.memory_space<hbm>>
    %dma_wait3A_215 = tpu.memref_slice %arg6[%dma_wait3A_212, %mul3A_157] : memref<4x5120xi32, #tpu.memory_space<hbm>> -> memref<1x160xi32, #tpu.memory_space<hbm>>
    %dma_wait3A_216 = tpu.memref_squeeze %dma_wait3A_215 : memref<1x160xi32, #tpu.memory_space<hbm>> -> memref<160xi32, #tpu.memory_space<hbm>>
    tpu.wait_dma2 semaphore(%arg20 : memref<!tpu.dma_semaphore, #tpu.memory_space<semaphore_mem>>) src(%dma_wait3A_216 : memref<160xi32, #tpu.memory_space<hbm>>) dst(%arg15 : memref<160xi32, #tpu.memory_space<vmem>>)
    %dma_wait3A_217 = arith.constant 1 : i32
    %dma_wait3A_218 = tpu.memref_slice %arg7[%dma_wait3A_217, %mul3A_164] : memref<4x5120xf32, #tpu.memory_space<hbm>> -> memref<1x160xf32, #tpu.memory_space<hbm>>
    %dma_wait3A_219 = tpu.memref_squeeze %dma_wait3A_218 : memref<1x160xf32, #tpu.memory_space<hbm>> -> memref<160xf32, #tpu.memory_space<hbm>>
    %dma_wait3A_220 = tpu.memref_slice %arg7[%dma_wait3A_217, %mul3A_164] : memref<4x5120xf32, #tpu.memory_space<hbm>> -> memref<1x160xf32, #tpu.memory_space<hbm>>
    %dma_wait3A_221 = tpu.memref_squeeze %dma_wait3A_220 : memref<1x160xf32, #tpu.memory_space<hbm>> -> memref<160xf32, #tpu.memory_space<hbm>>
    tpu.wait_dma2 semaphore(%arg20 : memref<!tpu.dma_semaphore, #tpu.memory_space<semaphore_mem>>) src(%dma_wait3A_221 : memref<160xf32, #tpu.memory_space<hbm>>) dst(%arg16 : memref<160xf32, #tpu.memory_space<vmem>>)
    %dma_wait3A_222 = arith.constant 1 : i32
    %dma_wait3A_223 = tpu.memref_slice %arg8[%dma_wait3A_222, %mul3A_171] : memref<4x5120xi32, #tpu.memory_space<hbm>> -> memref<1x160xi32, #tpu.memory_space<hbm>>
    %dma_wait3A_224 = tpu.memref_squeeze %dma_wait3A_223 : memref<1x160xi32, #tpu.memory_space<hbm>> -> memref<160xi32, #tpu.memory_space<hbm>>
    %dma_wait3A_225 = tpu.memref_slice %arg8[%dma_wait3A_222, %mul3A_171] : memref<4x5120xi32, #tpu.memory_space<hbm>> -> memref<1x160xi32, #tpu.memory_space<hbm>>
    %dma_wait3A_226 = tpu.memref_squeeze %dma_wait3A_225 : memref<1x160xi32, #tpu.memory_space<hbm>> -> memref<160xi32, #tpu.memory_space<hbm>>
    tpu.wait_dma2 semaphore(%arg20 : memref<!tpu.dma_semaphore, #tpu.memory_space<semaphore_mem>>) src(%dma_wait3A_226 : memref<160xi32, #tpu.memory_space<hbm>>) dst(%arg17 : memref<160xi32, #tpu.memory_space<vmem>>)
    %dma_wait3A_227 = arith.constant 1 : i32
    %dma_wait3A_228 = tpu.memref_slice %arg9[%dma_wait3A_227, %mul3A_178] : memref<4x5120xf32, #tpu.memory_space<hbm>> -> memref<1x160xf32, #tpu.memory_space<hbm>>
    %dma_wait3A_229 = tpu.memref_squeeze %dma_wait3A_228 : memref<1x160xf32, #tpu.memory_space<hbm>> -> memref<160xf32, #tpu.memory_space<hbm>>
    %dma_wait3A_230 = tpu.memref_slice %arg9[%dma_wait3A_227, %mul3A_178] : memref<4x5120xf32, #tpu.memory_space<hbm>> -> memref<1x160xf32, #tpu.memory_space<hbm>>
    %dma_wait3A_231 = tpu.memref_squeeze %dma_wait3A_230 : memref<1x160xf32, #tpu.memory_space<hbm>> -> memref<160xf32, #tpu.memory_space<hbm>>
    tpu.wait_dma2 semaphore(%arg20 : memref<!tpu.dma_semaphore, #tpu.memory_space<semaphore_mem>>) src(%dma_wait3A_231 : memref<160xf32, #tpu.memory_space<hbm>>) dst(%arg18 : memref<160xf32, #tpu.memory_space<vmem>>)
    %scan3A_232 = arith.constant 0 : i32
    %scan3A_233 = arith.constant 10 : i32
    %scan3A_234 = arith.addi %scan3A_232, %scan3A_233 : i32
    %scan3A_235 = arith.constant 1 : i32
    %scan3A_236:3 = scf.for %scan3A_513 = %scan3A_232 to %scan3A_234 step %scan3A_235 iter_args(%scan3A_514 = %broadcast_in_dim3A_1, %scan3A_515 = %broadcast_in_dim3A_1, %scan3A_516 = %broadcast_in_dim3A_1) -> (vector<16xf32>, vector<16xf32>, vector<16xf32>)  : i32 {
      %mul3A_517 = arith.constant 16 : i32
      %mul3A_518 = arith.muli %scan3A_513, %mul3A_517 : i32
      %mul3A_519 = arith.constant 160 : i32
      %mul3A_520 = arith.muli %add3A, %mul3A_519 : i32
      %add3A_521 = arith.addi %mul3A_520, %mul3A_518 : i32
      %add3A_522 = vector.broadcast %add3A_521 : i32 to vector<16xi32>
      %add3A_523 = arith.addi %add3A_522, %iota3A : vector<16xi32>
      %lt3A = arith.constant 5000 : i32
      %lt3A_524 = vector.broadcast %lt3A : i32 to vector<16xi32>
      %lt3A_525 = arith.cmpi slt, %add3A_523, %lt3A_524 : vector<16xi32>
      %get3A = arith.index_cast %mul3A_518 : i32 to index
      %get3A_526 = tpu.vector_load %arg15[%get3A] {strides = array<i32>} : memref<160xi32, #tpu.memory_space<vmem>>, vector<16xi32>,
      %get3A_527 = arith.index_cast %mul3A_518 : i32 to index
      %get3A_528 = tpu.vector_load %arg16[%get3A_527] {strides = array<i32>} : memref<160xf32, #tpu.memory_space<vmem>>, vector<16xf32>,
      %gather3A = tpu.vector_load_idx %arg12[%get3A_526] : memref<15360xf32, #tpu.memory_space<vmem>>[vector<16xi32>], vector<16xf32>,
      %add3A_529 = arith.constant 5120 : i32
      %add3A_530 = vector.broadcast %add3A_529 : i32 to vector<16xi32>
      %add3A_531 = arith.addi %get3A_526, %add3A_530 : vector<16xi32>
      %gather3A_532 = tpu.vector_load_idx %arg12[%add3A_531] : memref<15360xf32, #tpu.memory_space<vmem>>[vector<16xi32>], vector<16xf32>,
      %add3A_533 = arith.constant 10240 : i32
      %add3A_534 = vector.broadcast %add3A_533 : i32 to vector<16xi32>
      %add3A_535 = arith.addi %get3A_526, %add3A_534 : vector<16xi32>
      %gather3A_536 = tpu.vector_load_idx %arg12[%add3A_535] : memref<15360xf32, #tpu.memory_space<vmem>>[vector<16xi32>], vector<16xf32>,
      %gather3A_537 = tpu.vector_load_idx %arg13[%get3A_526] : memref<15360xf32, #tpu.memory_space<vmem>>[vector<16xi32>], vector<16xf32>,
      %add3A_538 = arith.constant 5120 : i32
      %add3A_539 = vector.broadcast %add3A_538 : i32 to vector<16xi32>
      %add3A_540 = arith.addi %get3A_526, %add3A_539 : vector<16xi32>
      %gather3A_541 = tpu.vector_load_idx %arg13[%add3A_540] : memref<15360xf32, #tpu.memory_space<vmem>>[vector<16xi32>], vector<16xf32>,
      %add3A_542 = arith.constant 10240 : i32
      %add3A_543 = vector.broadcast %add3A_542 : i32 to vector<16xi32>
      %add3A_544 = arith.addi %get3A_526, %add3A_543 : vector<16xi32>
      %gather3A_545 = tpu.vector_load_idx %arg13[%add3A_544] : memref<15360xf32, #tpu.memory_space<vmem>>[vector<16xi32>], vector<16xf32>,
      %get3A_546 = arith.index_cast %add3A_521 : i32 to index
      %get3A_547 = tpu.vector_load %arg11[%get3A_546] {strides = array<i32>} : memref<15360xf32, #tpu.memory_space<vmem>>, vector<16xf32>,
      %add3A_548 = arith.constant 5120 : i32
      %add3A_549 = arith.addi %add3A_548, %add3A_521 : i32
      %get3A_550 = arith.index_cast %add3A_549 : i32 to index
      %get3A_551 = tpu.vector_load %arg11[%get3A_550] {strides = array<i32>} : memref<15360xf32, #tpu.memory_space<vmem>>, vector<16xf32>,
      %add3A_552 = arith.constant 10240 : i32
      %add3A_553 = arith.addi %add3A_552, %add3A_521 : i32
      %get3A_554 = arith.index_cast %add3A_553 : i32 to index
      %get3A_555 = tpu.vector_load %arg11[%get3A_554] {strides = array<i32>} : memref<15360xf32, #tpu.memory_space<vmem>>, vector<16xf32>,
      %get3A_556 = arith.constant 0 : i32
      %get3A_557 = arith.index_cast %get3A_556 : i32 to index
      %get3A_558 = arith.index_cast %mul3A_518 : i32 to index
      %get3A_559 = tpu.vector_load %arg14[%get3A_557, %get3A_558] {strides = array<i32>} : memref<3x160xf32, #tpu.memory_space<vmem>>, vector<16xf32>,
      %get3A_560 = arith.constant 1 : i32
      %get3A_561 = arith.index_cast %get3A_560 : i32 to index
      %get3A_562 = arith.index_cast %mul3A_518 : i32 to index
      %get3A_563 = tpu.vector_load %arg14[%get3A_561, %get3A_562] {strides = array<i32>} : memref<3x160xf32, #tpu.memory_space<vmem>>, vector<16xf32>,
      %get3A_564 = arith.constant 2 : i32
      %get3A_565 = arith.index_cast %get3A_564 : i32 to index
      %get3A_566 = arith.index_cast %mul3A_518 : i32 to index
      %get3A_567 = tpu.vector_load %arg14[%get3A_565, %get3A_566] {strides = array<i32>} : memref<3x160xf32, #tpu.memory_space<vmem>>, vector<16xf32>,
      %mul3A_568 = arith.mulf %get3A_559, %gather3A_537 : vector<16xf32>
      %mul3A_569 = arith.mulf %get3A_563, %gather3A_541 : vector<16xf32>
      %add3A_570 = arith.addf %mul3A_568, %mul3A_569 : vector<16xf32>
      %mul3A_571 = arith.mulf %get3A_567, %gather3A_545 : vector<16xf32>
      %add3A_572 = arith.addf %add3A_570, %mul3A_571 : vector<16xf32>
      %ge3A = arith.constant 4.500000e-01 : f32
      %ge3A_573 = vector.broadcast %ge3A : f32 to vector<16xf32>
      %ge3A_574 = arith.cmpf oge, %add3A_572, %ge3A_573 : vector<16xf32>
      %and3A = arith.andi %lt3A_525, %ge3A_574 : vector<16xi1>
      %le3A = arith.constant 2.500000e-05 : f32
      %le3A_575 = vector.broadcast %le3A : f32 to vector<16xf32>
      %le3A_576 = arith.cmpf ole, %get3A_528, %le3A_575 : vector<16xf32>
      %and3A_577 = arith.andi %and3A, %le3A_576 : vector<16xi1>
      %jit3A = arith.constant 1.000000e+00 : f32
      %jit3A_578 = arith.constant 0.000000e+00 : f32
      %broadcast_in_dim3A_579 = vector.broadcast %jit3A : f32 to vector<16xf32>
      %broadcast_in_dim3A_580 = vector.broadcast %jit3A_578 : f32 to vector<16xf32>
      %select_n3A = arith.select %and3A_577, %broadcast_in_dim3A_579, %broadcast_in_dim3A_580 : vector<16xi1>, vector<16xf32>
      %sub3A = arith.subf %get3A_547, %gather3A : vector<16xf32>
      %mul3A_581 = arith.mulf %sub3A, %gather3A_537 : vector<16xf32>
      %abs3A = math.absf %mul3A_581 : vector<16xf32>
      %mul3A_582 = arith.mulf %abs3A, %select_n3A : vector<16xf32>
      %add3A_583 = arith.addf %scan3A_514, %mul3A_582 : vector<16xf32>
      %sub3A_584 = arith.subf %get3A_551, %gather3A_532 : vector<16xf32>
      %mul3A_585 = arith.mulf %sub3A_584, %gather3A_541 : vector<16xf32>
      %abs3A_586 = math.absf %mul3A_585 : vector<16xf32>
      %mul3A_587 = arith.mulf %abs3A_586, %select_n3A : vector<16xf32>
      %add3A_588 = arith.addf %scan3A_515, %mul3A_587 : vector<16xf32>
      %sub3A_589 = arith.subf %get3A_555, %gather3A_536 : vector<16xf32>
      %mul3A_590 = arith.mulf %sub3A_589, %gather3A_545 : vector<16xf32>
      %abs3A_591 = math.absf %mul3A_590 : vector<16xf32>
      %mul3A_592 = arith.mulf %abs3A_591, %select_n3A : vector<16xf32>
      %add3A_593 = arith.addf %scan3A_516, %mul3A_592 : vector<16xf32>
      %get3A_594 = arith.index_cast %mul3A_518 : i32 to index
      %get3A_595 = tpu.vector_load %arg17[%get3A_594] {strides = array<i32>} : memref<160xi32, #tpu.memory_space<vmem>>, vector<16xi32>,
      %get3A_596 = arith.index_cast %mul3A_518 : i32 to index
      %get3A_597 = tpu.vector_load %arg18[%get3A_596] {strides = array<i32>} : memref<160xf32, #tpu.memory_space<vmem>>, vector<16xf32>,
      %gather3A_598 = tpu.vector_load_idx %arg11[%get3A_595] : memref<15360xf32, #tpu.memory_space<vmem>>[vector<16xi32>], vector<16xf32>,
      %add3A_599 = arith.constant 5120 : i32
      %add3A_600 = vector.broadcast %add3A_599 : i32 to vector<16xi32>
      %add3A_601 = arith.addi %get3A_595, %add3A_600 : vector<16xi32>
      %gather3A_602 = tpu.vector_load_idx %arg11[%add3A_601] : memref<15360xf32, #tpu.memory_space<vmem>>[vector<16xi32>], vector<16xf32>,
      %add3A_603 = arith.constant 10240 : i32
      %add3A_604 = vector.broadcast %add3A_603 : i32 to vector<16xi32>
      %add3A_605 = arith.addi %get3A_595, %add3A_604 : vector<16xi32>
      %gather3A_606 = tpu.vector_load_idx %arg11[%add3A_605] : memref<15360xf32, #tpu.memory_space<vmem>>[vector<16xi32>], vector<16xf32>,
      %get3A_607 = arith.index_cast %add3A_521 : i32 to index
      %get3A_608 = tpu.vector_load %arg12[%get3A_607] {strides = array<i32>} : memref<15360xf32, #tpu.memory_space<vmem>>, vector<16xf32>,
      %add3A_609 = arith.constant 5120 : i32
      %add3A_610 = arith.addi %add3A_609, %add3A_521 : i32
      %get3A_611 = arith.index_cast %add3A_610 : i32 to index
      %get3A_612 = tpu.vector_load %arg12[%get3A_611] {strides = array<i32>} : memref<15360xf32, #tpu.memory_space<vmem>>, vector<16xf32>,
      %add3A_613 = arith.constant 10240 : i32
      %add3A_614 = arith.addi %add3A_613, %add3A_521 : i32
      %get3A_615 = arith.index_cast %add3A_614 : i32 to index
      %get3A_616 = tpu.vector_load %arg12[%get3A_615] {strides = array<i32>} : memref<15360xf32, #tpu.memory_space<vmem>>, vector<16xf32>,
      %le3A_617 = arith.constant 2.500000e-05 : f32
      %le3A_618 = vector.broadcast %le3A_617 : f32 to vector<16xf32>
      %le3A_619 = arith.cmpf ole, %get3A_597, %le3A_618 : vector<16xf32>
      %and3A_620 = arith.andi %lt3A_525, %le3A_619 : vector<16xi1>
      %jit3A_621 = arith.constant 1.000000e+00 : f32
      %jit3A_622 = arith.constant 0.000000e+00 : f32
      %broadcast_in_dim3A_623 = vector.broadcast %jit3A_621 : f32 to vector<16xf32>
      %broadcast_in_dim3A_624 = vector.broadcast %jit3A_622 : f32 to vector<16xf32>
      %select_n3A_625 = arith.select %and3A_620, %broadcast_in_dim3A_623, %broadcast_in_dim3A_624 : vector<16xi1>, vector<16xf32>
      %sub3A_626 = arith.subf %get3A_608, %gather3A_598 : vector<16xf32>
      %abs3A_627 = math.absf %sub3A_626 : vector<16xf32>
      %mul3A_628 = arith.mulf %abs3A_627, %select_n3A_625 : vector<16xf32>
      %add3A_629 = arith.addf %add3A_583, %mul3A_628 : vector<16xf32>
      %sub3A_630 = arith.subf %get3A_612, %gather3A_602 : vector<16xf32>
      %abs3A_631 = math.absf %sub3A_630 : vector<16xf32>
      %mul3A_632 = arith.mulf %abs3A_631, %select_n3A_625 : vector<16xf32>
      %add3A_633 = arith.addf %add3A_588, %mul3A_632 : vector<16xf32>
      %sub3A_634 = arith.subf %get3A_616, %gather3A_606 : vector<16xf32>
      %abs3A_635 = math.absf %sub3A_634 : vector<16xf32>
      %mul3A_636 = arith.mulf %abs3A_635, %select_n3A_625 : vector<16xf32>
      %add3A_637 = arith.addf %add3A_593, %mul3A_636 : vector<16xf32>
      scf.yield %add3A_629, %add3A_633, %add3A_637 : vector<16xf32>, vector<16xf32>, vector<16xf32>
    }
    %scan3A_237 = arith.constant 10 : i32
    %swap3A_238 = arith.constant 0 : i32
    %swap3A_239 = arith.index_cast %swap3A_238 : i32 to index
    %swap3A_240 = arith.constant 0 : index
    %swap3A_241 = tpu.vector_load %arg19[%swap3A_239, %swap3A_240] {strides = array<i32>} : memref<4x16xf32, #tpu.memory_space<vmem>>, vector<16xf32>,
    tpu.vector_store %arg19[%swap3A_239, %swap3A_240], %scan3A_236#0 {strides = array<i32>} : memref<4x16xf32, #tpu.memory_space<vmem>>, vector<16xf32>,
    %swap3A_242 = arith.constant 1 : i32
    %swap3A_243 = arith.index_cast %swap3A_242 : i32 to index
    %swap3A_244 = arith.constant 0 : index
    %swap3A_245 = tpu.vector_load %arg19[%swap3A_243, %swap3A_244] {strides = array<i32>} : memref<4x16xf32, #tpu.memory_space<vmem>>, vector<16xf32>,
    tpu.vector_store %arg19[%swap3A_243, %swap3A_244], %scan3A_236#1 {strides = array<i32>} : memref<4x16xf32, #tpu.memory_space<vmem>>, vector<16xf32>,
    %swap3A_246 = arith.constant 2 : i32
    %swap3A_247 = arith.index_cast %swap3A_246 : i32 to index
    %swap3A_248 = arith.constant 0 : index
    %swap3A_249 = tpu.vector_load %arg19[%swap3A_247, %swap3A_248] {strides = array<i32>} : memref<4x16xf32, #tpu.memory_space<vmem>>, vector<16xf32>,
    tpu.vector_store %arg19[%swap3A_247, %swap3A_248], %scan3A_236#2 {strides = array<i32>} : memref<4x16xf32, #tpu.memory_space<vmem>>, vector<16xf32>,
    %swap3A_250 = arith.constant 3 : i32
    %swap3A_251 = arith.index_cast %swap3A_250 : i32 to index
    %swap3A_252 = arith.constant 0 : index
    %swap3A_253 = tpu.vector_load %arg19[%swap3A_251, %swap3A_252] {strides = array<i32>} : memref<4x16xf32, #tpu.memory_space<vmem>>, vector<16xf32>,
    tpu.vector_store %arg19[%swap3A_251, %swap3A_252], %broadcast_in_dim3A_1 {strides = array<i32>} : memref<4x16xf32, #tpu.memory_space<vmem>>, vector<16xf32>,
    %run_scoped3A_254 = arith.constant 1 : i32
    "tpu.region"() ({
      %run_scoped3A_513 = tpu.sem_alloc : memref<!tpu.dma_semaphore, #tpu.memory_space<semaphore_mem>>
      %dma_start3A_514 = arith.constant 0 : i32
      %dma_start3A_515 = arith.constant 0 : i32
      %dma_start3A_516 = tpu.memref_slice %arg10[%run_scoped3A_254, %add3A, %dma_start3A_514, %dma_start3A_515] : memref<4x32x4x16xf32, #tpu.memory_space<hbm>> -> memref<1x1x4x16xf32, #tpu.memory_space<hbm>>
      %dma_start3A_517 = tpu.memref_squeeze %dma_start3A_516 : memref<1x1x4x16xf32, #tpu.memory_space<hbm>> -> memref<4x16xf32, #tpu.memory_space<hbm>>
      %dma_start3A_518 = arith.constant 0 : i32
      %dma_start3A_519 = arith.constant 0 : i32
      %dma_start3A_520 = tpu.memref_slice %arg10[%run_scoped3A_254, %add3A, %dma_start3A_518, %dma_start3A_519] : memref<4x32x4x16xf32, #tpu.memory_space<hbm>> -> memref<1x1x4x16xf32, #tpu.memory_space<hbm>>
      %dma_start3A_521 = tpu.memref_squeeze %dma_start3A_520 : memref<1x1x4x16xf32, #tpu.memory_space<hbm>> -> memref<4x16xf32, #tpu.memory_space<hbm>>
      tpu.enqueue_dma source(%arg19 : memref<4x16xf32, #tpu.memory_space<vmem>>) target(%dma_start3A_521 : memref<4x16xf32, #tpu.memory_space<hbm>>) target_semaphore(%run_scoped3A_513 : memref<!tpu.dma_semaphore, #tpu.memory_space<semaphore_mem>>)
      %dma_wait3A_522 = arith.constant 0 : i32
      %dma_wait3A_523 = arith.constant 0 : i32
      %dma_wait3A_524 = tpu.memref_slice %arg10[%run_scoped3A_254, %add3A, %dma_wait3A_522, %dma_wait3A_523] : memref<4x32x4x16xf32, #tpu.memory_space<hbm>> -> memref<1x1x4x16xf32, #tpu.memory_space<hbm>>
      %dma_wait3A_525 = tpu.memref_squeeze %dma_wait3A_524 : memref<1x1x4x16xf32, #tpu.memory_space<hbm>> -> memref<4x16xf32, #tpu.memory_space<hbm>>
      %dma_wait3A_526 = arith.constant 0 : i32
      %dma_wait3A_527 = arith.constant 0 : i32
      %dma_wait3A_528 = tpu.memref_slice %arg10[%run_scoped3A_254, %add3A, %dma_wait3A_526, %dma_wait3A_527] : memref<4x32x4x16xf32, #tpu.memory_space<hbm>> -> memref<1x1x4x16xf32, #tpu.memory_space<hbm>>
      %dma_wait3A_529 = tpu.memref_squeeze %dma_wait3A_528 : memref<1x1x4x16xf32, #tpu.memory_space<hbm>> -> memref<4x16xf32, #tpu.memory_space<hbm>>
      tpu.wait_dma2 semaphore(%run_scoped3A_513 : memref<!tpu.dma_semaphore, #tpu.memory_space<semaphore_mem>>) src(%arg19 : memref<4x16xf32, #tpu.memory_space<vmem>>) dst(%dma_wait3A_529 : memref<4x16xf32, #tpu.memory_space<hbm>>)
      tpu.yield
    }) : () -> ()
    %dma_start3A_255 = arith.constant 2 : i32
    %dma_start3A_256 = arith.constant 0 : i32
    %dma_start3A_257 = tpu.memref_slice %arg2[%dma_start3A_255, %dma_start3A_256] : memref<4x15360xf32, #tpu.memory_space<hbm>> -> memref<1x15360xf32, #tpu.memory_space<hbm>>
    %dma_start3A_258 = tpu.memref_squeeze %dma_start3A_257 : memref<1x15360xf32, #tpu.memory_space<hbm>> -> memref<15360xf32, #tpu.memory_space<hbm>>
    %dma_start3A_259 = arith.constant 0 : i32
    %dma_start3A_260 = tpu.memref_slice %arg2[%dma_start3A_255, %dma_start3A_259] : memref<4x15360xf32, #tpu.memory_space<hbm>> -> memref<1x15360xf32, #tpu.memory_space<hbm>>
    %dma_start3A_261 = tpu.memref_squeeze %dma_start3A_260 : memref<1x15360xf32, #tpu.memory_space<hbm>> -> memref<15360xf32, #tpu.memory_space<hbm>>
    tpu.enqueue_dma source(%dma_start3A_261 : memref<15360xf32, #tpu.memory_space<hbm>>) target(%arg11 : memref<15360xf32, #tpu.memory_space<vmem>>) target_semaphore(%arg20 : memref<!tpu.dma_semaphore, #tpu.memory_space<semaphore_mem>>)
    %dma_start3A_262 = arith.constant 2 : i32
    %dma_start3A_263 = arith.constant 0 : i32
    %dma_start3A_264 = tpu.memref_slice %arg3[%dma_start3A_262, %dma_start3A_263] : memref<4x15360xf32, #tpu.memory_space<hbm>> -> memref<1x15360xf32, #tpu.memory_space<hbm>>
    %dma_start3A_265 = tpu.memref_squeeze %dma_start3A_264 : memref<1x15360xf32, #tpu.memory_space<hbm>> -> memref<15360xf32, #tpu.memory_space<hbm>>
    %dma_start3A_266 = arith.constant 0 : i32
    %dma_start3A_267 = tpu.memref_slice %arg3[%dma_start3A_262, %dma_start3A_266] : memref<4x15360xf32, #tpu.memory_space<hbm>> -> memref<1x15360xf32, #tpu.memory_space<hbm>>
    %dma_start3A_268 = tpu.memref_squeeze %dma_start3A_267 : memref<1x15360xf32, #tpu.memory_space<hbm>> -> memref<15360xf32, #tpu.memory_space<hbm>>
    tpu.enqueue_dma source(%dma_start3A_268 : memref<15360xf32, #tpu.memory_space<hbm>>) target(%arg12 : memref<15360xf32, #tpu.memory_space<vmem>>) target_semaphore(%arg20 : memref<!tpu.dma_semaphore, #tpu.memory_space<semaphore_mem>>)
    %dma_start3A_269 = arith.constant 2 : i32
    %dma_start3A_270 = arith.constant 0 : i32
    %dma_start3A_271 = tpu.memref_slice %arg5[%dma_start3A_269, %dma_start3A_270] : memref<4x15360xf32, #tpu.memory_space<hbm>> -> memref<1x15360xf32, #tpu.memory_space<hbm>>
    %dma_start3A_272 = tpu.memref_squeeze %dma_start3A_271 : memref<1x15360xf32, #tpu.memory_space<hbm>> -> memref<15360xf32, #tpu.memory_space<hbm>>
    %dma_start3A_273 = arith.constant 0 : i32
    %dma_start3A_274 = tpu.memref_slice %arg5[%dma_start3A_269, %dma_start3A_273] : memref<4x15360xf32, #tpu.memory_space<hbm>> -> memref<1x15360xf32, #tpu.memory_space<hbm>>
    %dma_start3A_275 = tpu.memref_squeeze %dma_start3A_274 : memref<1x15360xf32, #tpu.memory_space<hbm>> -> memref<15360xf32, #tpu.memory_space<hbm>>
    tpu.enqueue_dma source(%dma_start3A_275 : memref<15360xf32, #tpu.memory_space<hbm>>) target(%arg13 : memref<15360xf32, #tpu.memory_space<vmem>>) target_semaphore(%arg20 : memref<!tpu.dma_semaphore, #tpu.memory_space<semaphore_mem>>)
    %mul3A_276 = arith.constant 160 : i32
    %mul3A_277 = arith.muli %add3A, %mul3A_276 : i32
    %dma_start3A_278 = arith.constant 2 : i32
    %dma_start3A_279 = arith.constant 0 : i32
    %dma_start3A_280 = tpu.memref_slice %arg4[%dma_start3A_278, %dma_start3A_279, %mul3A_277] : memref<4x3x5120xf32, #tpu.memory_space<hbm>> -> memref<1x3x160xf32, #tpu.memory_space<hbm>>
    %dma_start3A_281 = tpu.memref_squeeze %dma_start3A_280 : memref<1x3x160xf32, #tpu.memory_space<hbm>> -> memref<3x160xf32, #tpu.memory_space<hbm>>
    %dma_start3A_282 = arith.constant 0 : i32
    %dma_start3A_283 = tpu.memref_slice %arg4[%dma_start3A_278, %dma_start3A_282, %mul3A_277] : memref<4x3x5120xf32, #tpu.memory_space<hbm>> -> memref<1x3x160xf32, #tpu.memory_space<hbm>>
    %dma_start3A_284 = tpu.memref_squeeze %dma_start3A_283 : memref<1x3x160xf32, #tpu.memory_space<hbm>> -> memref<3x160xf32, #tpu.memory_space<hbm>>
    tpu.enqueue_dma source(%dma_start3A_284 : memref<3x160xf32, #tpu.memory_space<hbm>>) target(%arg14 : memref<3x160xf32, #tpu.memory_space<vmem>>) target_semaphore(%arg20 : memref<!tpu.dma_semaphore, #tpu.memory_space<semaphore_mem>>)
    %mul3A_285 = arith.constant 160 : i32
    %mul3A_286 = arith.muli %add3A, %mul3A_285 : i32
    %dma_start3A_287 = arith.constant 2 : i32
    %dma_start3A_288 = tpu.memref_slice %arg6[%dma_start3A_287, %mul3A_286] : memref<4x5120xi32, #tpu.memory_space<hbm>> -> memref<1x160xi32, #tpu.memory_space<hbm>>
    %dma_start3A_289 = tpu.memref_squeeze %dma_start3A_288 : memref<1x160xi32, #tpu.memory_space<hbm>> -> memref<160xi32, #tpu.memory_space<hbm>>
    %dma_start3A_290 = tpu.memref_slice %arg6[%dma_start3A_287, %mul3A_286] : memref<4x5120xi32, #tpu.memory_space<hbm>> -> memref<1x160xi32, #tpu.memory_space<hbm>>
    %dma_start3A_291 = tpu.memref_squeeze %dma_start3A_290 : memref<1x160xi32, #tpu.memory_space<hbm>> -> memref<160xi32, #tpu.memory_space<hbm>>
    tpu.enqueue_dma source(%dma_start3A_291 : memref<160xi32, #tpu.memory_space<hbm>>) target(%arg15 : memref<160xi32, #tpu.memory_space<vmem>>) target_semaphore(%arg20 : memref<!tpu.dma_semaphore, #tpu.memory_space<semaphore_mem>>)
    %mul3A_292 = arith.constant 160 : i32
    %mul3A_293 = arith.muli %add3A, %mul3A_292 : i32
    %dma_start3A_294 = arith.constant 2 : i32
    %dma_start3A_295 = tpu.memref_slice %arg7[%dma_start3A_294, %mul3A_293] : memref<4x5120xf32, #tpu.memory_space<hbm>> -> memref<1x160xf32, #tpu.memory_space<hbm>>
    %dma_start3A_296 = tpu.memref_squeeze %dma_start3A_295 : memref<1x160xf32, #tpu.memory_space<hbm>> -> memref<160xf32, #tpu.memory_space<hbm>>
    %dma_start3A_297 = tpu.memref_slice %arg7[%dma_start3A_294, %mul3A_293] : memref<4x5120xf32, #tpu.memory_space<hbm>> -> memref<1x160xf32, #tpu.memory_space<hbm>>
    %dma_start3A_298 = tpu.memref_squeeze %dma_start3A_297 : memref<1x160xf32, #tpu.memory_space<hbm>> -> memref<160xf32, #tpu.memory_space<hbm>>
    tpu.enqueue_dma source(%dma_start3A_298 : memref<160xf32, #tpu.memory_space<hbm>>) target(%arg16 : memref<160xf32, #tpu.memory_space<vmem>>) target_semaphore(%arg20 : memref<!tpu.dma_semaphore, #tpu.memory_space<semaphore_mem>>)
    %mul3A_299 = arith.constant 160 : i32
    %mul3A_300 = arith.muli %add3A, %mul3A_299 : i32
    %dma_start3A_301 = arith.constant 2 : i32
    %dma_start3A_302 = tpu.memref_slice %arg8[%dma_start3A_301, %mul3A_300] : memref<4x5120xi32, #tpu.memory_space<hbm>> -> memref<1x160xi32, #tpu.memory_space<hbm>>
    %dma_start3A_303 = tpu.memref_squeeze %dma_start3A_302 : memref<1x160xi32, #tpu.memory_space<hbm>> -> memref<160xi32, #tpu.memory_space<hbm>>
    %dma_start3A_304 = tpu.memref_slice %arg8[%dma_start3A_301, %mul3A_300] : memref<4x5120xi32, #tpu.memory_space<hbm>> -> memref<1x160xi32, #tpu.memory_space<hbm>>
    %dma_start3A_305 = tpu.memref_squeeze %dma_start3A_304 : memref<1x160xi32, #tpu.memory_space<hbm>> -> memref<160xi32, #tpu.memory_space<hbm>>
    tpu.enqueue_dma source(%dma_start3A_305 : memref<160xi32, #tpu.memory_space<hbm>>) target(%arg17 : memref<160xi32, #tpu.memory_space<vmem>>) target_semaphore(%arg20 : memref<!tpu.dma_semaphore, #tpu.memory_space<semaphore_mem>>)
    %mul3A_306 = arith.constant 160 : i32
    %mul3A_307 = arith.muli %add3A, %mul3A_306 : i32
    %dma_start3A_308 = arith.constant 2 : i32
    %dma_start3A_309 = tpu.memref_slice %arg9[%dma_start3A_308, %mul3A_307] : memref<4x5120xf32, #tpu.memory_space<hbm>> -> memref<1x160xf32, #tpu.memory_space<hbm>>
    %dma_start3A_310 = tpu.memref_squeeze %dma_start3A_309 : memref<1x160xf32, #tpu.memory_space<hbm>> -> memref<160xf32, #tpu.memory_space<hbm>>
    %dma_start3A_311 = tpu.memref_slice %arg9[%dma_start3A_308, %mul3A_307] : memref<4x5120xf32, #tpu.memory_space<hbm>> -> memref<1x160xf32, #tpu.memory_space<hbm>>
    %dma_start3A_312 = tpu.memref_squeeze %dma_start3A_311 : memref<1x160xf32, #tpu.memory_space<hbm>> -> memref<160xf32, #tpu.memory_space<hbm>>
    tpu.enqueue_dma source(%dma_start3A_312 : memref<160xf32, #tpu.memory_space<hbm>>) target(%arg18 : memref<160xf32, #tpu.memory_space<vmem>>) target_semaphore(%arg20 : memref<!tpu.dma_semaphore, #tpu.memory_space<semaphore_mem>>)
    %dma_wait3A_313 = arith.constant 2 : i32
    %dma_wait3A_314 = arith.constant 0 : i32
    %dma_wait3A_315 = tpu.memref_slice %arg2[%dma_wait3A_313, %dma_wait3A_314] : memref<4x15360xf32, #tpu.memory_space<hbm>> -> memref<1x15360xf32, #tpu.memory_space<hbm>>
    %dma_wait3A_316 = tpu.memref_squeeze %dma_wait3A_315 : memref<1x15360xf32, #tpu.memory_space<hbm>> -> memref<15360xf32, #tpu.memory_space<hbm>>
    %dma_wait3A_317 = arith.constant 0 : i32
    %dma_wait3A_318 = tpu.memref_slice %arg2[%dma_wait3A_313, %dma_wait3A_317] : memref<4x15360xf32, #tpu.memory_space<hbm>> -> memref<1x15360xf32, #tpu.memory_space<hbm>>
    %dma_wait3A_319 = tpu.memref_squeeze %dma_wait3A_318 : memref<1x15360xf32, #tpu.memory_space<hbm>> -> memref<15360xf32, #tpu.memory_space<hbm>>
    tpu.wait_dma2 semaphore(%arg20 : memref<!tpu.dma_semaphore, #tpu.memory_space<semaphore_mem>>) src(%dma_wait3A_319 : memref<15360xf32, #tpu.memory_space<hbm>>) dst(%arg11 : memref<15360xf32, #tpu.memory_space<vmem>>)
    %dma_wait3A_320 = arith.constant 2 : i32
    %dma_wait3A_321 = arith.constant 0 : i32
    %dma_wait3A_322 = tpu.memref_slice %arg3[%dma_wait3A_320, %dma_wait3A_321] : memref<4x15360xf32, #tpu.memory_space<hbm>> -> memref<1x15360xf32, #tpu.memory_space<hbm>>
    %dma_wait3A_323 = tpu.memref_squeeze %dma_wait3A_322 : memref<1x15360xf32, #tpu.memory_space<hbm>> -> memref<15360xf32, #tpu.memory_space<hbm>>
    %dma_wait3A_324 = arith.constant 0 : i32
    %dma_wait3A_325 = tpu.memref_slice %arg3[%dma_wait3A_320, %dma_wait3A_324] : memref<4x15360xf32, #tpu.memory_space<hbm>> -> memref<1x15360xf32, #tpu.memory_space<hbm>>
    %dma_wait3A_326 = tpu.memref_squeeze %dma_wait3A_325 : memref<1x15360xf32, #tpu.memory_space<hbm>> -> memref<15360xf32, #tpu.memory_space<hbm>>
    tpu.wait_dma2 semaphore(%arg20 : memref<!tpu.dma_semaphore, #tpu.memory_space<semaphore_mem>>) src(%dma_wait3A_326 : memref<15360xf32, #tpu.memory_space<hbm>>) dst(%arg12 : memref<15360xf32, #tpu.memory_space<vmem>>)
    %dma_wait3A_327 = arith.constant 2 : i32
    %dma_wait3A_328 = arith.constant 0 : i32
    %dma_wait3A_329 = tpu.memref_slice %arg5[%dma_wait3A_327, %dma_wait3A_328] : memref<4x15360xf32, #tpu.memory_space<hbm>> -> memref<1x15360xf32, #tpu.memory_space<hbm>>
    %dma_wait3A_330 = tpu.memref_squeeze %dma_wait3A_329 : memref<1x15360xf32, #tpu.memory_space<hbm>> -> memref<15360xf32, #tpu.memory_space<hbm>>
    %dma_wait3A_331 = arith.constant 0 : i32
    %dma_wait3A_332 = tpu.memref_slice %arg5[%dma_wait3A_327, %dma_wait3A_331] : memref<4x15360xf32, #tpu.memory_space<hbm>> -> memref<1x15360xf32, #tpu.memory_space<hbm>>
    %dma_wait3A_333 = tpu.memref_squeeze %dma_wait3A_332 : memref<1x15360xf32, #tpu.memory_space<hbm>> -> memref<15360xf32, #tpu.memory_space<hbm>>
    tpu.wait_dma2 semaphore(%arg20 : memref<!tpu.dma_semaphore, #tpu.memory_space<semaphore_mem>>) src(%dma_wait3A_333 : memref<15360xf32, #tpu.memory_space<hbm>>) dst(%arg13 : memref<15360xf32, #tpu.memory_space<vmem>>)
    %dma_wait3A_334 = arith.constant 2 : i32
    %dma_wait3A_335 = arith.constant 0 : i32
    %dma_wait3A_336 = tpu.memref_slice %arg4[%dma_wait3A_334, %dma_wait3A_335, %mul3A_277] : memref<4x3x5120xf32, #tpu.memory_space<hbm>> -> memref<1x3x160xf32, #tpu.memory_space<hbm>>
    %dma_wait3A_337 = tpu.memref_squeeze %dma_wait3A_336 : memref<1x3x160xf32, #tpu.memory_space<hbm>> -> memref<3x160xf32, #tpu.memory_space<hbm>>
    %dma_wait3A_338 = arith.constant 0 : i32
    %dma_wait3A_339 = tpu.memref_slice %arg4[%dma_wait3A_334, %dma_wait3A_338, %mul3A_277] : memref<4x3x5120xf32, #tpu.memory_space<hbm>> -> memref<1x3x160xf32, #tpu.memory_space<hbm>>
    %dma_wait3A_340 = tpu.memref_squeeze %dma_wait3A_339 : memref<1x3x160xf32, #tpu.memory_space<hbm>> -> memref<3x160xf32, #tpu.memory_space<hbm>>
    tpu.wait_dma2 semaphore(%arg20 : memref<!tpu.dma_semaphore, #tpu.memory_space<semaphore_mem>>) src(%dma_wait3A_340 : memref<3x160xf32, #tpu.memory_space<hbm>>) dst(%arg14 : memref<3x160xf32, #tpu.memory_space<vmem>>)
    %dma_wait3A_341 = arith.constant 2 : i32
    %dma_wait3A_342 = tpu.memref_slice %arg6[%dma_wait3A_341, %mul3A_286] : memref<4x5120xi32, #tpu.memory_space<hbm>> -> memref<1x160xi32, #tpu.memory_space<hbm>>
    %dma_wait3A_343 = tpu.memref_squeeze %dma_wait3A_342 : memref<1x160xi32, #tpu.memory_space<hbm>> -> memref<160xi32, #tpu.memory_space<hbm>>
    %dma_wait3A_344 = tpu.memref_slice %arg6[%dma_wait3A_341, %mul3A_286] : memref<4x5120xi32, #tpu.memory_space<hbm>> -> memref<1x160xi32, #tpu.memory_space<hbm>>
    %dma_wait3A_345 = tpu.memref_squeeze %dma_wait3A_344 : memref<1x160xi32, #tpu.memory_space<hbm>> -> memref<160xi32, #tpu.memory_space<hbm>>
    tpu.wait_dma2 semaphore(%arg20 : memref<!tpu.dma_semaphore, #tpu.memory_space<semaphore_mem>>) src(%dma_wait3A_345 : memref<160xi32, #tpu.memory_space<hbm>>) dst(%arg15 : memref<160xi32, #tpu.memory_space<vmem>>)
    %dma_wait3A_346 = arith.constant 2 : i32
    %dma_wait3A_347 = tpu.memref_slice %arg7[%dma_wait3A_346, %mul3A_293] : memref<4x5120xf32, #tpu.memory_space<hbm>> -> memref<1x160xf32, #tpu.memory_space<hbm>>
    %dma_wait3A_348 = tpu.memref_squeeze %dma_wait3A_347 : memref<1x160xf32, #tpu.memory_space<hbm>> -> memref<160xf32, #tpu.memory_space<hbm>>
    %dma_wait3A_349 = tpu.memref_slice %arg7[%dma_wait3A_346, %mul3A_293] : memref<4x5120xf32, #tpu.memory_space<hbm>> -> memref<1x160xf32, #tpu.memory_space<hbm>>
    %dma_wait3A_350 = tpu.memref_squeeze %dma_wait3A_349 : memref<1x160xf32, #tpu.memory_space<hbm>> -> memref<160xf32, #tpu.memory_space<hbm>>
    tpu.wait_dma2 semaphore(%arg20 : memref<!tpu.dma_semaphore, #tpu.memory_space<semaphore_mem>>) src(%dma_wait3A_350 : memref<160xf32, #tpu.memory_space<hbm>>) dst(%arg16 : memref<160xf32, #tpu.memory_space<vmem>>)
    %dma_wait3A_351 = arith.constant 2 : i32
    %dma_wait3A_352 = tpu.memref_slice %arg8[%dma_wait3A_351, %mul3A_300] : memref<4x5120xi32, #tpu.memory_space<hbm>> -> memref<1x160xi32, #tpu.memory_space<hbm>>
    %dma_wait3A_353 = tpu.memref_squeeze %dma_wait3A_352 : memref<1x160xi32, #tpu.memory_space<hbm>> -> memref<160xi32, #tpu.memory_space<hbm>>
    %dma_wait3A_354 = tpu.memref_slice %arg8[%dma_wait3A_351, %mul3A_300] : memref<4x5120xi32, #tpu.memory_space<hbm>> -> memref<1x160xi32, #tpu.memory_space<hbm>>
    %dma_wait3A_355 = tpu.memref_squeeze %dma_wait3A_354 : memref<1x160xi32, #tpu.memory_space<hbm>> -> memref<160xi32, #tpu.memory_space<hbm>>
    tpu.wait_dma2 semaphore(%arg20 : memref<!tpu.dma_semaphore, #tpu.memory_space<semaphore_mem>>) src(%dma_wait3A_355 : memref<160xi32, #tpu.memory_space<hbm>>) dst(%arg17 : memref<160xi32, #tpu.memory_space<vmem>>)
    %dma_wait3A_356 = arith.constant 2 : i32
    %dma_wait3A_357 = tpu.memref_slice %arg9[%dma_wait3A_356, %mul3A_307] : memref<4x5120xf32, #tpu.memory_space<hbm>> -> memref<1x160xf32, #tpu.memory_space<hbm>>
    %dma_wait3A_358 = tpu.memref_squeeze %dma_wait3A_357 : memref<1x160xf32, #tpu.memory_space<hbm>> -> memref<160xf32, #tpu.memory_space<hbm>>
    %dma_wait3A_359 = tpu.memref_slice %arg9[%dma_wait3A_356, %mul3A_307] : memref<4x5120xf32, #tpu.memory_space<hbm>> -> memref<1x160xf32, #tpu.memory_space<hbm>>
    %dma_wait3A_360 = tpu.memref_squeeze %dma_wait3A_359 : memref<1x160xf32, #tpu.memory_space<hbm>> -> memref<160xf32, #tpu.memory_space<hbm>>
    tpu.wait_dma2 semaphore(%arg20 : memref<!tpu.dma_semaphore, #tpu.memory_space<semaphore_mem>>) src(%dma_wait3A_360 : memref<160xf32, #tpu.memory_space<hbm>>) dst(%arg18 : memref<160xf32, #tpu.memory_space<vmem>>)
    %scan3A_361 = arith.constant 0 : i32
    %scan3A_362 = arith.constant 10 : i32
    %scan3A_363 = arith.addi %scan3A_361, %scan3A_362 : i32
    %scan3A_364 = arith.constant 1 : i32
    %scan3A_365:3 = scf.for %scan3A_513 = %scan3A_361 to %scan3A_363 step %scan3A_364 iter_args(%scan3A_514 = %broadcast_in_dim3A_1, %scan3A_515 = %broadcast_in_dim3A_1, %scan3A_516 = %broadcast_in_dim3A_1) -> (vector<16xf32>, vector<16xf32>, vector<16xf32>)  : i32 {
      %mul3A_517 = arith.constant 16 : i32
      %mul3A_518 = arith.muli %scan3A_513, %mul3A_517 : i32
      %mul3A_519 = arith.constant 160 : i32
      %mul3A_520 = arith.muli %add3A, %mul3A_519 : i32
      %add3A_521 = arith.addi %mul3A_520, %mul3A_518 : i32
      %add3A_522 = vector.broadcast %add3A_521 : i32 to vector<16xi32>
      %add3A_523 = arith.addi %add3A_522, %iota3A : vector<16xi32>
      %lt3A = arith.constant 5000 : i32
      %lt3A_524 = vector.broadcast %lt3A : i32 to vector<16xi32>
      %lt3A_525 = arith.cmpi slt, %add3A_523, %lt3A_524 : vector<16xi32>
      %get3A = arith.index_cast %mul3A_518 : i32 to index
      %get3A_526 = tpu.vector_load %arg15[%get3A] {strides = array<i32>} : memref<160xi32, #tpu.memory_space<vmem>>, vector<16xi32>,
      %get3A_527 = arith.index_cast %mul3A_518 : i32 to index
      %get3A_528 = tpu.vector_load %arg16[%get3A_527] {strides = array<i32>} : memref<160xf32, #tpu.memory_space<vmem>>, vector<16xf32>,
      %gather3A = tpu.vector_load_idx %arg12[%get3A_526] : memref<15360xf32, #tpu.memory_space<vmem>>[vector<16xi32>], vector<16xf32>,
      %add3A_529 = arith.constant 5120 : i32
      %add3A_530 = vector.broadcast %add3A_529 : i32 to vector<16xi32>
      %add3A_531 = arith.addi %get3A_526, %add3A_530 : vector<16xi32>
      %gather3A_532 = tpu.vector_load_idx %arg12[%add3A_531] : memref<15360xf32, #tpu.memory_space<vmem>>[vector<16xi32>], vector<16xf32>,
      %add3A_533 = arith.constant 10240 : i32
      %add3A_534 = vector.broadcast %add3A_533 : i32 to vector<16xi32>
      %add3A_535 = arith.addi %get3A_526, %add3A_534 : vector<16xi32>
      %gather3A_536 = tpu.vector_load_idx %arg12[%add3A_535] : memref<15360xf32, #tpu.memory_space<vmem>>[vector<16xi32>], vector<16xf32>,
      %gather3A_537 = tpu.vector_load_idx %arg13[%get3A_526] : memref<15360xf32, #tpu.memory_space<vmem>>[vector<16xi32>], vector<16xf32>,
      %add3A_538 = arith.constant 5120 : i32
      %add3A_539 = vector.broadcast %add3A_538 : i32 to vector<16xi32>
      %add3A_540 = arith.addi %get3A_526, %add3A_539 : vector<16xi32>
      %gather3A_541 = tpu.vector_load_idx %arg13[%add3A_540] : memref<15360xf32, #tpu.memory_space<vmem>>[vector<16xi32>], vector<16xf32>,
      %add3A_542 = arith.constant 10240 : i32
      %add3A_543 = vector.broadcast %add3A_542 : i32 to vector<16xi32>
      %add3A_544 = arith.addi %get3A_526, %add3A_543 : vector<16xi32>
      %gather3A_545 = tpu.vector_load_idx %arg13[%add3A_544] : memref<15360xf32, #tpu.memory_space<vmem>>[vector<16xi32>], vector<16xf32>,
      %get3A_546 = arith.index_cast %add3A_521 : i32 to index
      %get3A_547 = tpu.vector_load %arg11[%get3A_546] {strides = array<i32>} : memref<15360xf32, #tpu.memory_space<vmem>>, vector<16xf32>,
      %add3A_548 = arith.constant 5120 : i32
      %add3A_549 = arith.addi %add3A_548, %add3A_521 : i32
      %get3A_550 = arith.index_cast %add3A_549 : i32 to index
      %get3A_551 = tpu.vector_load %arg11[%get3A_550] {strides = array<i32>} : memref<15360xf32, #tpu.memory_space<vmem>>, vector<16xf32>,
      %add3A_552 = arith.constant 10240 : i32
      %add3A_553 = arith.addi %add3A_552, %add3A_521 : i32
      %get3A_554 = arith.index_cast %add3A_553 : i32 to index
      %get3A_555 = tpu.vector_load %arg11[%get3A_554] {strides = array<i32>} : memref<15360xf32, #tpu.memory_space<vmem>>, vector<16xf32>,
      %get3A_556 = arith.constant 0 : i32
      %get3A_557 = arith.index_cast %get3A_556 : i32 to index
      %get3A_558 = arith.index_cast %mul3A_518 : i32 to index
      %get3A_559 = tpu.vector_load %arg14[%get3A_557, %get3A_558] {strides = array<i32>} : memref<3x160xf32, #tpu.memory_space<vmem>>, vector<16xf32>,
      %get3A_560 = arith.constant 1 : i32
      %get3A_561 = arith.index_cast %get3A_560 : i32 to index
      %get3A_562 = arith.index_cast %mul3A_518 : i32 to index
      %get3A_563 = tpu.vector_load %arg14[%get3A_561, %get3A_562] {strides = array<i32>} : memref<3x160xf32, #tpu.memory_space<vmem>>, vector<16xf32>,
      %get3A_564 = arith.constant 2 : i32
      %get3A_565 = arith.index_cast %get3A_564 : i32 to index
      %get3A_566 = arith.index_cast %mul3A_518 : i32 to index
      %get3A_567 = tpu.vector_load %arg14[%get3A_565, %get3A_566] {strides = array<i32>} : memref<3x160xf32, #tpu.memory_space<vmem>>, vector<16xf32>,
      %mul3A_568 = arith.mulf %get3A_559, %gather3A_537 : vector<16xf32>
      %mul3A_569 = arith.mulf %get3A_563, %gather3A_541 : vector<16xf32>
      %add3A_570 = arith.addf %mul3A_568, %mul3A_569 : vector<16xf32>
      %mul3A_571 = arith.mulf %get3A_567, %gather3A_545 : vector<16xf32>
      %add3A_572 = arith.addf %add3A_570, %mul3A_571 : vector<16xf32>
      %ge3A = arith.constant 4.500000e-01 : f32
      %ge3A_573 = vector.broadcast %ge3A : f32 to vector<16xf32>
      %ge3A_574 = arith.cmpf oge, %add3A_572, %ge3A_573 : vector<16xf32>
      %and3A = arith.andi %lt3A_525, %ge3A_574 : vector<16xi1>
      %le3A = arith.constant 2.500000e-05 : f32
      %le3A_575 = vector.broadcast %le3A : f32 to vector<16xf32>
      %le3A_576 = arith.cmpf ole, %get3A_528, %le3A_575 : vector<16xf32>
      %and3A_577 = arith.andi %and3A, %le3A_576 : vector<16xi1>
      %jit3A = arith.constant 1.000000e+00 : f32
      %jit3A_578 = arith.constant 0.000000e+00 : f32
      %broadcast_in_dim3A_579 = vector.broadcast %jit3A : f32 to vector<16xf32>
      %broadcast_in_dim3A_580 = vector.broadcast %jit3A_578 : f32 to vector<16xf32>
      %select_n3A = arith.select %and3A_577, %broadcast_in_dim3A_579, %broadcast_in_dim3A_580 : vector<16xi1>, vector<16xf32>
      %sub3A = arith.subf %get3A_547, %gather3A : vector<16xf32>
      %mul3A_581 = arith.mulf %sub3A, %gather3A_537 : vector<16xf32>
      %abs3A = math.absf %mul3A_581 : vector<16xf32>
      %mul3A_582 = arith.mulf %abs3A, %select_n3A : vector<16xf32>
      %add3A_583 = arith.addf %scan3A_514, %mul3A_582 : vector<16xf32>
      %sub3A_584 = arith.subf %get3A_551, %gather3A_532 : vector<16xf32>
      %mul3A_585 = arith.mulf %sub3A_584, %gather3A_541 : vector<16xf32>
      %abs3A_586 = math.absf %mul3A_585 : vector<16xf32>
      %mul3A_587 = arith.mulf %abs3A_586, %select_n3A : vector<16xf32>
      %add3A_588 = arith.addf %scan3A_515, %mul3A_587 : vector<16xf32>
      %sub3A_589 = arith.subf %get3A_555, %gather3A_536 : vector<16xf32>
      %mul3A_590 = arith.mulf %sub3A_589, %gather3A_545 : vector<16xf32>
      %abs3A_591 = math.absf %mul3A_590 : vector<16xf32>
      %mul3A_592 = arith.mulf %abs3A_591, %select_n3A : vector<16xf32>
      %add3A_593 = arith.addf %scan3A_516, %mul3A_592 : vector<16xf32>
      %get3A_594 = arith.index_cast %mul3A_518 : i32 to index
      %get3A_595 = tpu.vector_load %arg17[%get3A_594] {strides = array<i32>} : memref<160xi32, #tpu.memory_space<vmem>>, vector<16xi32>,
      %get3A_596 = arith.index_cast %mul3A_518 : i32 to index
      %get3A_597 = tpu.vector_load %arg18[%get3A_596] {strides = array<i32>} : memref<160xf32, #tpu.memory_space<vmem>>, vector<16xf32>,
      %gather3A_598 = tpu.vector_load_idx %arg11[%get3A_595] : memref<15360xf32, #tpu.memory_space<vmem>>[vector<16xi32>], vector<16xf32>,
      %add3A_599 = arith.constant 5120 : i32
      %add3A_600 = vector.broadcast %add3A_599 : i32 to vector<16xi32>
      %add3A_601 = arith.addi %get3A_595, %add3A_600 : vector<16xi32>
      %gather3A_602 = tpu.vector_load_idx %arg11[%add3A_601] : memref<15360xf32, #tpu.memory_space<vmem>>[vector<16xi32>], vector<16xf32>,
      %add3A_603 = arith.constant 10240 : i32
      %add3A_604 = vector.broadcast %add3A_603 : i32 to vector<16xi32>
      %add3A_605 = arith.addi %get3A_595, %add3A_604 : vector<16xi32>
      %gather3A_606 = tpu.vector_load_idx %arg11[%add3A_605] : memref<15360xf32, #tpu.memory_space<vmem>>[vector<16xi32>], vector<16xf32>,
      %get3A_607 = arith.index_cast %add3A_521 : i32 to index
      %get3A_608 = tpu.vector_load %arg12[%get3A_607] {strides = array<i32>} : memref<15360xf32, #tpu.memory_space<vmem>>, vector<16xf32>,
      %add3A_609 = arith.constant 5120 : i32
      %add3A_610 = arith.addi %add3A_609, %add3A_521 : i32
      %get3A_611 = arith.index_cast %add3A_610 : i32 to index
      %get3A_612 = tpu.vector_load %arg12[%get3A_611] {strides = array<i32>} : memref<15360xf32, #tpu.memory_space<vmem>>, vector<16xf32>,
      %add3A_613 = arith.constant 10240 : i32
      %add3A_614 = arith.addi %add3A_613, %add3A_521 : i32
      %get3A_615 = arith.index_cast %add3A_614 : i32 to index
      %get3A_616 = tpu.vector_load %arg12[%get3A_615] {strides = array<i32>} : memref<15360xf32, #tpu.memory_space<vmem>>, vector<16xf32>,
      %le3A_617 = arith.constant 2.500000e-05 : f32
      %le3A_618 = vector.broadcast %le3A_617 : f32 to vector<16xf32>
      %le3A_619 = arith.cmpf ole, %get3A_597, %le3A_618 : vector<16xf32>
      %and3A_620 = arith.andi %lt3A_525, %le3A_619 : vector<16xi1>
      %jit3A_621 = arith.constant 1.000000e+00 : f32
      %jit3A_622 = arith.constant 0.000000e+00 : f32
      %broadcast_in_dim3A_623 = vector.broadcast %jit3A_621 : f32 to vector<16xf32>
      %broadcast_in_dim3A_624 = vector.broadcast %jit3A_622 : f32 to vector<16xf32>
      %select_n3A_625 = arith.select %and3A_620, %broadcast_in_dim3A_623, %broadcast_in_dim3A_624 : vector<16xi1>, vector<16xf32>
      %sub3A_626 = arith.subf %get3A_608, %gather3A_598 : vector<16xf32>
      %abs3A_627 = math.absf %sub3A_626 : vector<16xf32>
      %mul3A_628 = arith.mulf %abs3A_627, %select_n3A_625 : vector<16xf32>
      %add3A_629 = arith.addf %add3A_583, %mul3A_628 : vector<16xf32>
      %sub3A_630 = arith.subf %get3A_612, %gather3A_602 : vector<16xf32>
      %abs3A_631 = math.absf %sub3A_630 : vector<16xf32>
      %mul3A_632 = arith.mulf %abs3A_631, %select_n3A_625 : vector<16xf32>
      %add3A_633 = arith.addf %add3A_588, %mul3A_632 : vector<16xf32>
      %sub3A_634 = arith.subf %get3A_616, %gather3A_606 : vector<16xf32>
      %abs3A_635 = math.absf %sub3A_634 : vector<16xf32>
      %mul3A_636 = arith.mulf %abs3A_635, %select_n3A_625 : vector<16xf32>
      %add3A_637 = arith.addf %add3A_593, %mul3A_636 : vector<16xf32>
      scf.yield %add3A_629, %add3A_633, %add3A_637 : vector<16xf32>, vector<16xf32>, vector<16xf32>
    }
    %scan3A_366 = arith.constant 10 : i32
    %swap3A_367 = arith.constant 0 : i32
    %swap3A_368 = arith.index_cast %swap3A_367 : i32 to index
    %swap3A_369 = arith.constant 0 : index
    %swap3A_370 = tpu.vector_load %arg19[%swap3A_368, %swap3A_369] {strides = array<i32>} : memref<4x16xf32, #tpu.memory_space<vmem>>, vector<16xf32>,
    tpu.vector_store %arg19[%swap3A_368, %swap3A_369], %scan3A_365#0 {strides = array<i32>} : memref<4x16xf32, #tpu.memory_space<vmem>>, vector<16xf32>,
    %swap3A_371 = arith.constant 1 : i32
    %swap3A_372 = arith.index_cast %swap3A_371 : i32 to index
    %swap3A_373 = arith.constant 0 : index
    %swap3A_374 = tpu.vector_load %arg19[%swap3A_372, %swap3A_373] {strides = array<i32>} : memref<4x16xf32, #tpu.memory_space<vmem>>, vector<16xf32>,
    tpu.vector_store %arg19[%swap3A_372, %swap3A_373], %scan3A_365#1 {strides = array<i32>} : memref<4x16xf32, #tpu.memory_space<vmem>>, vector<16xf32>,
    %swap3A_375 = arith.constant 2 : i32
    %swap3A_376 = arith.index_cast %swap3A_375 : i32 to index
    %swap3A_377 = arith.constant 0 : index
    %swap3A_378 = tpu.vector_load %arg19[%swap3A_376, %swap3A_377] {strides = array<i32>} : memref<4x16xf32, #tpu.memory_space<vmem>>, vector<16xf32>,
    tpu.vector_store %arg19[%swap3A_376, %swap3A_377], %scan3A_365#2 {strides = array<i32>} : memref<4x16xf32, #tpu.memory_space<vmem>>, vector<16xf32>,
    %swap3A_379 = arith.constant 3 : i32
    %swap3A_380 = arith.index_cast %swap3A_379 : i32 to index
    %swap3A_381 = arith.constant 0 : index
    %swap3A_382 = tpu.vector_load %arg19[%swap3A_380, %swap3A_381] {strides = array<i32>} : memref<4x16xf32, #tpu.memory_space<vmem>>, vector<16xf32>,
    tpu.vector_store %arg19[%swap3A_380, %swap3A_381], %broadcast_in_dim3A_1 {strides = array<i32>} : memref<4x16xf32, #tpu.memory_space<vmem>>, vector<16xf32>,
    %run_scoped3A_383 = arith.constant 2 : i32
    "tpu.region"() ({
      %run_scoped3A_513 = tpu.sem_alloc : memref<!tpu.dma_semaphore, #tpu.memory_space<semaphore_mem>>
      %dma_start3A_514 = arith.constant 0 : i32
      %dma_start3A_515 = arith.constant 0 : i32
      %dma_start3A_516 = tpu.memref_slice %arg10[%run_scoped3A_383, %add3A, %dma_start3A_514, %dma_start3A_515] : memref<4x32x4x16xf32, #tpu.memory_space<hbm>> -> memref<1x1x4x16xf32, #tpu.memory_space<hbm>>
      %dma_start3A_517 = tpu.memref_squeeze %dma_start3A_516 : memref<1x1x4x16xf32, #tpu.memory_space<hbm>> -> memref<4x16xf32, #tpu.memory_space<hbm>>
      %dma_start3A_518 = arith.constant 0 : i32
      %dma_start3A_519 = arith.constant 0 : i32
      %dma_start3A_520 = tpu.memref_slice %arg10[%run_scoped3A_383, %add3A, %dma_start3A_518, %dma_start3A_519] : memref<4x32x4x16xf32, #tpu.memory_space<hbm>> -> memref<1x1x4x16xf32, #tpu.memory_space<hbm>>
      %dma_start3A_521 = tpu.memref_squeeze %dma_start3A_520 : memref<1x1x4x16xf32, #tpu.memory_space<hbm>> -> memref<4x16xf32, #tpu.memory_space<hbm>>
      tpu.enqueue_dma source(%arg19 : memref<4x16xf32, #tpu.memory_space<vmem>>) target(%dma_start3A_521 : memref<4x16xf32, #tpu.memory_space<hbm>>) target_semaphore(%run_scoped3A_513 : memref<!tpu.dma_semaphore, #tpu.memory_space<semaphore_mem>>)
      %dma_wait3A_522 = arith.constant 0 : i32
      %dma_wait3A_523 = arith.constant 0 : i32
      %dma_wait3A_524 = tpu.memref_slice %arg10[%run_scoped3A_383, %add3A, %dma_wait3A_522, %dma_wait3A_523] : memref<4x32x4x16xf32, #tpu.memory_space<hbm>> -> memref<1x1x4x16xf32, #tpu.memory_space<hbm>>
      %dma_wait3A_525 = tpu.memref_squeeze %dma_wait3A_524 : memref<1x1x4x16xf32, #tpu.memory_space<hbm>> -> memref<4x16xf32, #tpu.memory_space<hbm>>
      %dma_wait3A_526 = arith.constant 0 : i32
      %dma_wait3A_527 = arith.constant 0 : i32
      %dma_wait3A_528 = tpu.memref_slice %arg10[%run_scoped3A_383, %add3A, %dma_wait3A_526, %dma_wait3A_527] : memref<4x32x4x16xf32, #tpu.memory_space<hbm>> -> memref<1x1x4x16xf32, #tpu.memory_space<hbm>>
      %dma_wait3A_529 = tpu.memref_squeeze %dma_wait3A_528 : memref<1x1x4x16xf32, #tpu.memory_space<hbm>> -> memref<4x16xf32, #tpu.memory_space<hbm>>
      tpu.wait_dma2 semaphore(%run_scoped3A_513 : memref<!tpu.dma_semaphore, #tpu.memory_space<semaphore_mem>>) src(%arg19 : memref<4x16xf32, #tpu.memory_space<vmem>>) dst(%dma_wait3A_529 : memref<4x16xf32, #tpu.memory_space<hbm>>)
      tpu.yield
    }) : () -> ()
    %dma_start3A_384 = arith.constant 3 : i32
    %dma_start3A_385 = arith.constant 0 : i32
    %dma_start3A_386 = tpu.memref_slice %arg2[%dma_start3A_384, %dma_start3A_385] : memref<4x15360xf32, #tpu.memory_space<hbm>> -> memref<1x15360xf32, #tpu.memory_space<hbm>>
    %dma_start3A_387 = tpu.memref_squeeze %dma_start3A_386 : memref<1x15360xf32, #tpu.memory_space<hbm>> -> memref<15360xf32, #tpu.memory_space<hbm>>
    %dma_start3A_388 = arith.constant 0 : i32
    %dma_start3A_389 = tpu.memref_slice %arg2[%dma_start3A_384, %dma_start3A_388] : memref<4x15360xf32, #tpu.memory_space<hbm>> -> memref<1x15360xf32, #tpu.memory_space<hbm>>
    %dma_start3A_390 = tpu.memref_squeeze %dma_start3A_389 : memref<1x15360xf32, #tpu.memory_space<hbm>> -> memref<15360xf32, #tpu.memory_space<hbm>>
    tpu.enqueue_dma source(%dma_start3A_390 : memref<15360xf32, #tpu.memory_space<hbm>>) target(%arg11 : memref<15360xf32, #tpu.memory_space<vmem>>) target_semaphore(%arg20 : memref<!tpu.dma_semaphore, #tpu.memory_space<semaphore_mem>>)
    %dma_start3A_391 = arith.constant 3 : i32
    %dma_start3A_392 = arith.constant 0 : i32
    %dma_start3A_393 = tpu.memref_slice %arg3[%dma_start3A_391, %dma_start3A_392] : memref<4x15360xf32, #tpu.memory_space<hbm>> -> memref<1x15360xf32, #tpu.memory_space<hbm>>
    %dma_start3A_394 = tpu.memref_squeeze %dma_start3A_393 : memref<1x15360xf32, #tpu.memory_space<hbm>> -> memref<15360xf32, #tpu.memory_space<hbm>>
    %dma_start3A_395 = arith.constant 0 : i32
    %dma_start3A_396 = tpu.memref_slice %arg3[%dma_start3A_391, %dma_start3A_395] : memref<4x15360xf32, #tpu.memory_space<hbm>> -> memref<1x15360xf32, #tpu.memory_space<hbm>>
    %dma_start3A_397 = tpu.memref_squeeze %dma_start3A_396 : memref<1x15360xf32, #tpu.memory_space<hbm>> -> memref<15360xf32, #tpu.memory_space<hbm>>
    tpu.enqueue_dma source(%dma_start3A_397 : memref<15360xf32, #tpu.memory_space<hbm>>) target(%arg12 : memref<15360xf32, #tpu.memory_space<vmem>>) target_semaphore(%arg20 : memref<!tpu.dma_semaphore, #tpu.memory_space<semaphore_mem>>)
    %dma_start3A_398 = arith.constant 3 : i32
    %dma_start3A_399 = arith.constant 0 : i32
    %dma_start3A_400 = tpu.memref_slice %arg5[%dma_start3A_398, %dma_start3A_399] : memref<4x15360xf32, #tpu.memory_space<hbm>> -> memref<1x15360xf32, #tpu.memory_space<hbm>>
    %dma_start3A_401 = tpu.memref_squeeze %dma_start3A_400 : memref<1x15360xf32, #tpu.memory_space<hbm>> -> memref<15360xf32, #tpu.memory_space<hbm>>
    %dma_start3A_402 = arith.constant 0 : i32
    %dma_start3A_403 = tpu.memref_slice %arg5[%dma_start3A_398, %dma_start3A_402] : memref<4x15360xf32, #tpu.memory_space<hbm>> -> memref<1x15360xf32, #tpu.memory_space<hbm>>
    %dma_start3A_404 = tpu.memref_squeeze %dma_start3A_403 : memref<1x15360xf32, #tpu.memory_space<hbm>> -> memref<15360xf32, #tpu.memory_space<hbm>>
    tpu.enqueue_dma source(%dma_start3A_404 : memref<15360xf32, #tpu.memory_space<hbm>>) target(%arg13 : memref<15360xf32, #tpu.memory_space<vmem>>) target_semaphore(%arg20 : memref<!tpu.dma_semaphore, #tpu.memory_space<semaphore_mem>>)
    %mul3A_405 = arith.constant 160 : i32
    %mul3A_406 = arith.muli %add3A, %mul3A_405 : i32
    %dma_start3A_407 = arith.constant 3 : i32
    %dma_start3A_408 = arith.constant 0 : i32
    %dma_start3A_409 = tpu.memref_slice %arg4[%dma_start3A_407, %dma_start3A_408, %mul3A_406] : memref<4x3x5120xf32, #tpu.memory_space<hbm>> -> memref<1x3x160xf32, #tpu.memory_space<hbm>>
    %dma_start3A_410 = tpu.memref_squeeze %dma_start3A_409 : memref<1x3x160xf32, #tpu.memory_space<hbm>> -> memref<3x160xf32, #tpu.memory_space<hbm>>
    %dma_start3A_411 = arith.constant 0 : i32
    %dma_start3A_412 = tpu.memref_slice %arg4[%dma_start3A_407, %dma_start3A_411, %mul3A_406] : memref<4x3x5120xf32, #tpu.memory_space<hbm>> -> memref<1x3x160xf32, #tpu.memory_space<hbm>>
    %dma_start3A_413 = tpu.memref_squeeze %dma_start3A_412 : memref<1x3x160xf32, #tpu.memory_space<hbm>> -> memref<3x160xf32, #tpu.memory_space<hbm>>
    tpu.enqueue_dma source(%dma_start3A_413 : memref<3x160xf32, #tpu.memory_space<hbm>>) target(%arg14 : memref<3x160xf32, #tpu.memory_space<vmem>>) target_semaphore(%arg20 : memref<!tpu.dma_semaphore, #tpu.memory_space<semaphore_mem>>)
    %mul3A_414 = arith.constant 160 : i32
    %mul3A_415 = arith.muli %add3A, %mul3A_414 : i32
    %dma_start3A_416 = arith.constant 3 : i32
    %dma_start3A_417 = tpu.memref_slice %arg6[%dma_start3A_416, %mul3A_415] : memref<4x5120xi32, #tpu.memory_space<hbm>> -> memref<1x160xi32, #tpu.memory_space<hbm>>
    %dma_start3A_418 = tpu.memref_squeeze %dma_start3A_417 : memref<1x160xi32, #tpu.memory_space<hbm>> -> memref<160xi32, #tpu.memory_space<hbm>>
    %dma_start3A_419 = tpu.memref_slice %arg6[%dma_start3A_416, %mul3A_415] : memref<4x5120xi32, #tpu.memory_space<hbm>> -> memref<1x160xi32, #tpu.memory_space<hbm>>
    %dma_start3A_420 = tpu.memref_squeeze %dma_start3A_419 : memref<1x160xi32, #tpu.memory_space<hbm>> -> memref<160xi32, #tpu.memory_space<hbm>>
    tpu.enqueue_dma source(%dma_start3A_420 : memref<160xi32, #tpu.memory_space<hbm>>) target(%arg15 : memref<160xi32, #tpu.memory_space<vmem>>) target_semaphore(%arg20 : memref<!tpu.dma_semaphore, #tpu.memory_space<semaphore_mem>>)
    %mul3A_421 = arith.constant 160 : i32
    %mul3A_422 = arith.muli %add3A, %mul3A_421 : i32
    %dma_start3A_423 = arith.constant 3 : i32
    %dma_start3A_424 = tpu.memref_slice %arg7[%dma_start3A_423, %mul3A_422] : memref<4x5120xf32, #tpu.memory_space<hbm>> -> memref<1x160xf32, #tpu.memory_space<hbm>>
    %dma_start3A_425 = tpu.memref_squeeze %dma_start3A_424 : memref<1x160xf32, #tpu.memory_space<hbm>> -> memref<160xf32, #tpu.memory_space<hbm>>
    %dma_start3A_426 = tpu.memref_slice %arg7[%dma_start3A_423, %mul3A_422] : memref<4x5120xf32, #tpu.memory_space<hbm>> -> memref<1x160xf32, #tpu.memory_space<hbm>>
    %dma_start3A_427 = tpu.memref_squeeze %dma_start3A_426 : memref<1x160xf32, #tpu.memory_space<hbm>> -> memref<160xf32, #tpu.memory_space<hbm>>
    tpu.enqueue_dma source(%dma_start3A_427 : memref<160xf32, #tpu.memory_space<hbm>>) target(%arg16 : memref<160xf32, #tpu.memory_space<vmem>>) target_semaphore(%arg20 : memref<!tpu.dma_semaphore, #tpu.memory_space<semaphore_mem>>)
    %mul3A_428 = arith.constant 160 : i32
    %mul3A_429 = arith.muli %add3A, %mul3A_428 : i32
    %dma_start3A_430 = arith.constant 3 : i32
    %dma_start3A_431 = tpu.memref_slice %arg8[%dma_start3A_430, %mul3A_429] : memref<4x5120xi32, #tpu.memory_space<hbm>> -> memref<1x160xi32, #tpu.memory_space<hbm>>
    %dma_start3A_432 = tpu.memref_squeeze %dma_start3A_431 : memref<1x160xi32, #tpu.memory_space<hbm>> -> memref<160xi32, #tpu.memory_space<hbm>>
    %dma_start3A_433 = tpu.memref_slice %arg8[%dma_start3A_430, %mul3A_429] : memref<4x5120xi32, #tpu.memory_space<hbm>> -> memref<1x160xi32, #tpu.memory_space<hbm>>
    %dma_start3A_434 = tpu.memref_squeeze %dma_start3A_433 : memref<1x160xi32, #tpu.memory_space<hbm>> -> memref<160xi32, #tpu.memory_space<hbm>>
    tpu.enqueue_dma source(%dma_start3A_434 : memref<160xi32, #tpu.memory_space<hbm>>) target(%arg17 : memref<160xi32, #tpu.memory_space<vmem>>) target_semaphore(%arg20 : memref<!tpu.dma_semaphore, #tpu.memory_space<semaphore_mem>>)
    %mul3A_435 = arith.constant 160 : i32
    %mul3A_436 = arith.muli %add3A, %mul3A_435 : i32
    %dma_start3A_437 = arith.constant 3 : i32
    %dma_start3A_438 = tpu.memref_slice %arg9[%dma_start3A_437, %mul3A_436] : memref<4x5120xf32, #tpu.memory_space<hbm>> -> memref<1x160xf32, #tpu.memory_space<hbm>>
    %dma_start3A_439 = tpu.memref_squeeze %dma_start3A_438 : memref<1x160xf32, #tpu.memory_space<hbm>> -> memref<160xf32, #tpu.memory_space<hbm>>
    %dma_start3A_440 = tpu.memref_slice %arg9[%dma_start3A_437, %mul3A_436] : memref<4x5120xf32, #tpu.memory_space<hbm>> -> memref<1x160xf32, #tpu.memory_space<hbm>>
    %dma_start3A_441 = tpu.memref_squeeze %dma_start3A_440 : memref<1x160xf32, #tpu.memory_space<hbm>> -> memref<160xf32, #tpu.memory_space<hbm>>
    tpu.enqueue_dma source(%dma_start3A_441 : memref<160xf32, #tpu.memory_space<hbm>>) target(%arg18 : memref<160xf32, #tpu.memory_space<vmem>>) target_semaphore(%arg20 : memref<!tpu.dma_semaphore, #tpu.memory_space<semaphore_mem>>)
    %dma_wait3A_442 = arith.constant 3 : i32
    %dma_wait3A_443 = arith.constant 0 : i32
    %dma_wait3A_444 = tpu.memref_slice %arg2[%dma_wait3A_442, %dma_wait3A_443] : memref<4x15360xf32, #tpu.memory_space<hbm>> -> memref<1x15360xf32, #tpu.memory_space<hbm>>
    %dma_wait3A_445 = tpu.memref_squeeze %dma_wait3A_444 : memref<1x15360xf32, #tpu.memory_space<hbm>> -> memref<15360xf32, #tpu.memory_space<hbm>>
    %dma_wait3A_446 = arith.constant 0 : i32
    %dma_wait3A_447 = tpu.memref_slice %arg2[%dma_wait3A_442, %dma_wait3A_446] : memref<4x15360xf32, #tpu.memory_space<hbm>> -> memref<1x15360xf32, #tpu.memory_space<hbm>>
    %dma_wait3A_448 = tpu.memref_squeeze %dma_wait3A_447 : memref<1x15360xf32, #tpu.memory_space<hbm>> -> memref<15360xf32, #tpu.memory_space<hbm>>
    tpu.wait_dma2 semaphore(%arg20 : memref<!tpu.dma_semaphore, #tpu.memory_space<semaphore_mem>>) src(%dma_wait3A_448 : memref<15360xf32, #tpu.memory_space<hbm>>) dst(%arg11 : memref<15360xf32, #tpu.memory_space<vmem>>)
    %dma_wait3A_449 = arith.constant 3 : i32
    %dma_wait3A_450 = arith.constant 0 : i32
    %dma_wait3A_451 = tpu.memref_slice %arg3[%dma_wait3A_449, %dma_wait3A_450] : memref<4x15360xf32, #tpu.memory_space<hbm>> -> memref<1x15360xf32, #tpu.memory_space<hbm>>
    %dma_wait3A_452 = tpu.memref_squeeze %dma_wait3A_451 : memref<1x15360xf32, #tpu.memory_space<hbm>> -> memref<15360xf32, #tpu.memory_space<hbm>>
    %dma_wait3A_453 = arith.constant 0 : i32
    %dma_wait3A_454 = tpu.memref_slice %arg3[%dma_wait3A_449, %dma_wait3A_453] : memref<4x15360xf32, #tpu.memory_space<hbm>> -> memref<1x15360xf32, #tpu.memory_space<hbm>>
    %dma_wait3A_455 = tpu.memref_squeeze %dma_wait3A_454 : memref<1x15360xf32, #tpu.memory_space<hbm>> -> memref<15360xf32, #tpu.memory_space<hbm>>
    tpu.wait_dma2 semaphore(%arg20 : memref<!tpu.dma_semaphore, #tpu.memory_space<semaphore_mem>>) src(%dma_wait3A_455 : memref<15360xf32, #tpu.memory_space<hbm>>) dst(%arg12 : memref<15360xf32, #tpu.memory_space<vmem>>)
    %dma_wait3A_456 = arith.constant 3 : i32
    %dma_wait3A_457 = arith.constant 0 : i32
    %dma_wait3A_458 = tpu.memref_slice %arg5[%dma_wait3A_456, %dma_wait3A_457] : memref<4x15360xf32, #tpu.memory_space<hbm>> -> memref<1x15360xf32, #tpu.memory_space<hbm>>
    %dma_wait3A_459 = tpu.memref_squeeze %dma_wait3A_458 : memref<1x15360xf32, #tpu.memory_space<hbm>> -> memref<15360xf32, #tpu.memory_space<hbm>>
    %dma_wait3A_460 = arith.constant 0 : i32
    %dma_wait3A_461 = tpu.memref_slice %arg5[%dma_wait3A_456, %dma_wait3A_460] : memref<4x15360xf32, #tpu.memory_space<hbm>> -> memref<1x15360xf32, #tpu.memory_space<hbm>>
    %dma_wait3A_462 = tpu.memref_squeeze %dma_wait3A_461 : memref<1x15360xf32, #tpu.memory_space<hbm>> -> memref<15360xf32, #tpu.memory_space<hbm>>
    tpu.wait_dma2 semaphore(%arg20 : memref<!tpu.dma_semaphore, #tpu.memory_space<semaphore_mem>>) src(%dma_wait3A_462 : memref<15360xf32, #tpu.memory_space<hbm>>) dst(%arg13 : memref<15360xf32, #tpu.memory_space<vmem>>)
    %dma_wait3A_463 = arith.constant 3 : i32
    %dma_wait3A_464 = arith.constant 0 : i32
    %dma_wait3A_465 = tpu.memref_slice %arg4[%dma_wait3A_463, %dma_wait3A_464, %mul3A_406] : memref<4x3x5120xf32, #tpu.memory_space<hbm>> -> memref<1x3x160xf32, #tpu.memory_space<hbm>>
    %dma_wait3A_466 = tpu.memref_squeeze %dma_wait3A_465 : memref<1x3x160xf32, #tpu.memory_space<hbm>> -> memref<3x160xf32, #tpu.memory_space<hbm>>
    %dma_wait3A_467 = arith.constant 0 : i32
    %dma_wait3A_468 = tpu.memref_slice %arg4[%dma_wait3A_463, %dma_wait3A_467, %mul3A_406] : memref<4x3x5120xf32, #tpu.memory_space<hbm>> -> memref<1x3x160xf32, #tpu.memory_space<hbm>>
    %dma_wait3A_469 = tpu.memref_squeeze %dma_wait3A_468 : memref<1x3x160xf32, #tpu.memory_space<hbm>> -> memref<3x160xf32, #tpu.memory_space<hbm>>
    tpu.wait_dma2 semaphore(%arg20 : memref<!tpu.dma_semaphore, #tpu.memory_space<semaphore_mem>>) src(%dma_wait3A_469 : memref<3x160xf32, #tpu.memory_space<hbm>>) dst(%arg14 : memref<3x160xf32, #tpu.memory_space<vmem>>)
    %dma_wait3A_470 = arith.constant 3 : i32
    %dma_wait3A_471 = tpu.memref_slice %arg6[%dma_wait3A_470, %mul3A_415] : memref<4x5120xi32, #tpu.memory_space<hbm>> -> memref<1x160xi32, #tpu.memory_space<hbm>>
    %dma_wait3A_472 = tpu.memref_squeeze %dma_wait3A_471 : memref<1x160xi32, #tpu.memory_space<hbm>> -> memref<160xi32, #tpu.memory_space<hbm>>
    %dma_wait3A_473 = tpu.memref_slice %arg6[%dma_wait3A_470, %mul3A_415] : memref<4x5120xi32, #tpu.memory_space<hbm>> -> memref<1x160xi32, #tpu.memory_space<hbm>>
    %dma_wait3A_474 = tpu.memref_squeeze %dma_wait3A_473 : memref<1x160xi32, #tpu.memory_space<hbm>> -> memref<160xi32, #tpu.memory_space<hbm>>
    tpu.wait_dma2 semaphore(%arg20 : memref<!tpu.dma_semaphore, #tpu.memory_space<semaphore_mem>>) src(%dma_wait3A_474 : memref<160xi32, #tpu.memory_space<hbm>>) dst(%arg15 : memref<160xi32, #tpu.memory_space<vmem>>)
    %dma_wait3A_475 = arith.constant 3 : i32
    %dma_wait3A_476 = tpu.memref_slice %arg7[%dma_wait3A_475, %mul3A_422] : memref<4x5120xf32, #tpu.memory_space<hbm>> -> memref<1x160xf32, #tpu.memory_space<hbm>>
    %dma_wait3A_477 = tpu.memref_squeeze %dma_wait3A_476 : memref<1x160xf32, #tpu.memory_space<hbm>> -> memref<160xf32, #tpu.memory_space<hbm>>
    %dma_wait3A_478 = tpu.memref_slice %arg7[%dma_wait3A_475, %mul3A_422] : memref<4x5120xf32, #tpu.memory_space<hbm>> -> memref<1x160xf32, #tpu.memory_space<hbm>>
    %dma_wait3A_479 = tpu.memref_squeeze %dma_wait3A_478 : memref<1x160xf32, #tpu.memory_space<hbm>> -> memref<160xf32, #tpu.memory_space<hbm>>
    tpu.wait_dma2 semaphore(%arg20 : memref<!tpu.dma_semaphore, #tpu.memory_space<semaphore_mem>>) src(%dma_wait3A_479 : memref<160xf32, #tpu.memory_space<hbm>>) dst(%arg16 : memref<160xf32, #tpu.memory_space<vmem>>)
    %dma_wait3A_480 = arith.constant 3 : i32
    %dma_wait3A_481 = tpu.memref_slice %arg8[%dma_wait3A_480, %mul3A_429] : memref<4x5120xi32, #tpu.memory_space<hbm>> -> memref<1x160xi32, #tpu.memory_space<hbm>>
    %dma_wait3A_482 = tpu.memref_squeeze %dma_wait3A_481 : memref<1x160xi32, #tpu.memory_space<hbm>> -> memref<160xi32, #tpu.memory_space<hbm>>
    %dma_wait3A_483 = tpu.memref_slice %arg8[%dma_wait3A_480, %mul3A_429] : memref<4x5120xi32, #tpu.memory_space<hbm>> -> memref<1x160xi32, #tpu.memory_space<hbm>>
    %dma_wait3A_484 = tpu.memref_squeeze %dma_wait3A_483 : memref<1x160xi32, #tpu.memory_space<hbm>> -> memref<160xi32, #tpu.memory_space<hbm>>
    tpu.wait_dma2 semaphore(%arg20 : memref<!tpu.dma_semaphore, #tpu.memory_space<semaphore_mem>>) src(%dma_wait3A_484 : memref<160xi32, #tpu.memory_space<hbm>>) dst(%arg17 : memref<160xi32, #tpu.memory_space<vmem>>)
    %dma_wait3A_485 = arith.constant 3 : i32
    %dma_wait3A_486 = tpu.memref_slice %arg9[%dma_wait3A_485, %mul3A_436] : memref<4x5120xf32, #tpu.memory_space<hbm>> -> memref<1x160xf32, #tpu.memory_space<hbm>>
    %dma_wait3A_487 = tpu.memref_squeeze %dma_wait3A_486 : memref<1x160xf32, #tpu.memory_space<hbm>> -> memref<160xf32, #tpu.memory_space<hbm>>
    %dma_wait3A_488 = tpu.memref_slice %arg9[%dma_wait3A_485, %mul3A_436] : memref<4x5120xf32, #tpu.memory_space<hbm>> -> memref<1x160xf32, #tpu.memory_space<hbm>>
    %dma_wait3A_489 = tpu.memref_squeeze %dma_wait3A_488 : memref<1x160xf32, #tpu.memory_space<hbm>> -> memref<160xf32, #tpu.memory_space<hbm>>
    tpu.wait_dma2 semaphore(%arg20 : memref<!tpu.dma_semaphore, #tpu.memory_space<semaphore_mem>>) src(%dma_wait3A_489 : memref<160xf32, #tpu.memory_space<hbm>>) dst(%arg18 : memref<160xf32, #tpu.memory_space<vmem>>)
    %scan3A_490 = arith.constant 0 : i32
    %scan3A_491 = arith.constant 10 : i32
    %scan3A_492 = arith.addi %scan3A_490, %scan3A_491 : i32
    %scan3A_493 = arith.constant 1 : i32
    %scan3A_494:3 = scf.for %scan3A_513 = %scan3A_490 to %scan3A_492 step %scan3A_493 iter_args(%scan3A_514 = %broadcast_in_dim3A_1, %scan3A_515 = %broadcast_in_dim3A_1, %scan3A_516 = %broadcast_in_dim3A_1) -> (vector<16xf32>, vector<16xf32>, vector<16xf32>)  : i32 {
      %mul3A_517 = arith.constant 16 : i32
      %mul3A_518 = arith.muli %scan3A_513, %mul3A_517 : i32
      %mul3A_519 = arith.constant 160 : i32
      %mul3A_520 = arith.muli %add3A, %mul3A_519 : i32
      %add3A_521 = arith.addi %mul3A_520, %mul3A_518 : i32
      %add3A_522 = vector.broadcast %add3A_521 : i32 to vector<16xi32>
      %add3A_523 = arith.addi %add3A_522, %iota3A : vector<16xi32>
      %lt3A = arith.constant 5000 : i32
      %lt3A_524 = vector.broadcast %lt3A : i32 to vector<16xi32>
      %lt3A_525 = arith.cmpi slt, %add3A_523, %lt3A_524 : vector<16xi32>
      %get3A = arith.index_cast %mul3A_518 : i32 to index
      %get3A_526 = tpu.vector_load %arg15[%get3A] {strides = array<i32>} : memref<160xi32, #tpu.memory_space<vmem>>, vector<16xi32>,
      %get3A_527 = arith.index_cast %mul3A_518 : i32 to index
      %get3A_528 = tpu.vector_load %arg16[%get3A_527] {strides = array<i32>} : memref<160xf32, #tpu.memory_space<vmem>>, vector<16xf32>,
      %gather3A = tpu.vector_load_idx %arg12[%get3A_526] : memref<15360xf32, #tpu.memory_space<vmem>>[vector<16xi32>], vector<16xf32>,
      %add3A_529 = arith.constant 5120 : i32
      %add3A_530 = vector.broadcast %add3A_529 : i32 to vector<16xi32>
      %add3A_531 = arith.addi %get3A_526, %add3A_530 : vector<16xi32>
      %gather3A_532 = tpu.vector_load_idx %arg12[%add3A_531] : memref<15360xf32, #tpu.memory_space<vmem>>[vector<16xi32>], vector<16xf32>,
      %add3A_533 = arith.constant 10240 : i32
      %add3A_534 = vector.broadcast %add3A_533 : i32 to vector<16xi32>
      %add3A_535 = arith.addi %get3A_526, %add3A_534 : vector<16xi32>
      %gather3A_536 = tpu.vector_load_idx %arg12[%add3A_535] : memref<15360xf32, #tpu.memory_space<vmem>>[vector<16xi32>], vector<16xf32>,
      %gather3A_537 = tpu.vector_load_idx %arg13[%get3A_526] : memref<15360xf32, #tpu.memory_space<vmem>>[vector<16xi32>], vector<16xf32>,
      %add3A_538 = arith.constant 5120 : i32
      %add3A_539 = vector.broadcast %add3A_538 : i32 to vector<16xi32>
      %add3A_540 = arith.addi %get3A_526, %add3A_539 : vector<16xi32>
      %gather3A_541 = tpu.vector_load_idx %arg13[%add3A_540] : memref<15360xf32, #tpu.memory_space<vmem>>[vector<16xi32>], vector<16xf32>,
      %add3A_542 = arith.constant 10240 : i32
      %add3A_543 = vector.broadcast %add3A_542 : i32 to vector<16xi32>
      %add3A_544 = arith.addi %get3A_526, %add3A_543 : vector<16xi32>
      %gather3A_545 = tpu.vector_load_idx %arg13[%add3A_544] : memref<15360xf32, #tpu.memory_space<vmem>>[vector<16xi32>], vector<16xf32>,
      %get3A_546 = arith.index_cast %add3A_521 : i32 to index
      %get3A_547 = tpu.vector_load %arg11[%get3A_546] {strides = array<i32>} : memref<15360xf32, #tpu.memory_space<vmem>>, vector<16xf32>,
      %add3A_548 = arith.constant 5120 : i32
      %add3A_549 = arith.addi %add3A_548, %add3A_521 : i32
      %get3A_550 = arith.index_cast %add3A_549 : i32 to index
      %get3A_551 = tpu.vector_load %arg11[%get3A_550] {strides = array<i32>} : memref<15360xf32, #tpu.memory_space<vmem>>, vector<16xf32>,
      %add3A_552 = arith.constant 10240 : i32
      %add3A_553 = arith.addi %add3A_552, %add3A_521 : i32
      %get3A_554 = arith.index_cast %add3A_553 : i32 to index
      %get3A_555 = tpu.vector_load %arg11[%get3A_554] {strides = array<i32>} : memref<15360xf32, #tpu.memory_space<vmem>>, vector<16xf32>,
      %get3A_556 = arith.constant 0 : i32
      %get3A_557 = arith.index_cast %get3A_556 : i32 to index
      %get3A_558 = arith.index_cast %mul3A_518 : i32 to index
      %get3A_559 = tpu.vector_load %arg14[%get3A_557, %get3A_558] {strides = array<i32>} : memref<3x160xf32, #tpu.memory_space<vmem>>, vector<16xf32>,
      %get3A_560 = arith.constant 1 : i32
      %get3A_561 = arith.index_cast %get3A_560 : i32 to index
      %get3A_562 = arith.index_cast %mul3A_518 : i32 to index
      %get3A_563 = tpu.vector_load %arg14[%get3A_561, %get3A_562] {strides = array<i32>} : memref<3x160xf32, #tpu.memory_space<vmem>>, vector<16xf32>,
      %get3A_564 = arith.constant 2 : i32
      %get3A_565 = arith.index_cast %get3A_564 : i32 to index
      %get3A_566 = arith.index_cast %mul3A_518 : i32 to index
      %get3A_567 = tpu.vector_load %arg14[%get3A_565, %get3A_566] {strides = array<i32>} : memref<3x160xf32, #tpu.memory_space<vmem>>, vector<16xf32>,
      %mul3A_568 = arith.mulf %get3A_559, %gather3A_537 : vector<16xf32>
      %mul3A_569 = arith.mulf %get3A_563, %gather3A_541 : vector<16xf32>
      %add3A_570 = arith.addf %mul3A_568, %mul3A_569 : vector<16xf32>
      %mul3A_571 = arith.mulf %get3A_567, %gather3A_545 : vector<16xf32>
      %add3A_572 = arith.addf %add3A_570, %mul3A_571 : vector<16xf32>
      %ge3A = arith.constant 4.500000e-01 : f32
      %ge3A_573 = vector.broadcast %ge3A : f32 to vector<16xf32>
      %ge3A_574 = arith.cmpf oge, %add3A_572, %ge3A_573 : vector<16xf32>
      %and3A = arith.andi %lt3A_525, %ge3A_574 : vector<16xi1>
      %le3A = arith.constant 2.500000e-05 : f32
      %le3A_575 = vector.broadcast %le3A : f32 to vector<16xf32>
      %le3A_576 = arith.cmpf ole, %get3A_528, %le3A_575 : vector<16xf32>
      %and3A_577 = arith.andi %and3A, %le3A_576 : vector<16xi1>
      %jit3A = arith.constant 1.000000e+00 : f32
      %jit3A_578 = arith.constant 0.000000e+00 : f32
      %broadcast_in_dim3A_579 = vector.broadcast %jit3A : f32 to vector<16xf32>
      %broadcast_in_dim3A_580 = vector.broadcast %jit3A_578 : f32 to vector<16xf32>
      %select_n3A = arith.select %and3A_577, %broadcast_in_dim3A_579, %broadcast_in_dim3A_580 : vector<16xi1>, vector<16xf32>
      %sub3A = arith.subf %get3A_547, %gather3A : vector<16xf32>
      %mul3A_581 = arith.mulf %sub3A, %gather3A_537 : vector<16xf32>
      %abs3A = math.absf %mul3A_581 : vector<16xf32>
      %mul3A_582 = arith.mulf %abs3A, %select_n3A : vector<16xf32>
      %add3A_583 = arith.addf %scan3A_514, %mul3A_582 : vector<16xf32>
      %sub3A_584 = arith.subf %get3A_551, %gather3A_532 : vector<16xf32>
      %mul3A_585 = arith.mulf %sub3A_584, %gather3A_541 : vector<16xf32>
      %abs3A_586 = math.absf %mul3A_585 : vector<16xf32>
      %mul3A_587 = arith.mulf %abs3A_586, %select_n3A : vector<16xf32>
      %add3A_588 = arith.addf %scan3A_515, %mul3A_587 : vector<16xf32>
      %sub3A_589 = arith.subf %get3A_555, %gather3A_536 : vector<16xf32>
      %mul3A_590 = arith.mulf %sub3A_589, %gather3A_545 : vector<16xf32>
      %abs3A_591 = math.absf %mul3A_590 : vector<16xf32>
      %mul3A_592 = arith.mulf %abs3A_591, %select_n3A : vector<16xf32>
      %add3A_593 = arith.addf %scan3A_516, %mul3A_592 : vector<16xf32>
      %get3A_594 = arith.index_cast %mul3A_518 : i32 to index
      %get3A_595 = tpu.vector_load %arg17[%get3A_594] {strides = array<i32>} : memref<160xi32, #tpu.memory_space<vmem>>, vector<16xi32>,
      %get3A_596 = arith.index_cast %mul3A_518 : i32 to index
      %get3A_597 = tpu.vector_load %arg18[%get3A_596] {strides = array<i32>} : memref<160xf32, #tpu.memory_space<vmem>>, vector<16xf32>,
      %gather3A_598 = tpu.vector_load_idx %arg11[%get3A_595] : memref<15360xf32, #tpu.memory_space<vmem>>[vector<16xi32>], vector<16xf32>,
      %add3A_599 = arith.constant 5120 : i32
      %add3A_600 = vector.broadcast %add3A_599 : i32 to vector<16xi32>
      %add3A_601 = arith.addi %get3A_595, %add3A_600 : vector<16xi32>
      %gather3A_602 = tpu.vector_load_idx %arg11[%add3A_601] : memref<15360xf32, #tpu.memory_space<vmem>>[vector<16xi32>], vector<16xf32>,
      %add3A_603 = arith.constant 10240 : i32
      %add3A_604 = vector.broadcast %add3A_603 : i32 to vector<16xi32>
      %add3A_605 = arith.addi %get3A_595, %add3A_604 : vector<16xi32>
      %gather3A_606 = tpu.vector_load_idx %arg11[%add3A_605] : memref<15360xf32, #tpu.memory_space<vmem>>[vector<16xi32>], vector<16xf32>,
      %get3A_607 = arith.index_cast %add3A_521 : i32 to index
      %get3A_608 = tpu.vector_load %arg12[%get3A_607] {strides = array<i32>} : memref<15360xf32, #tpu.memory_space<vmem>>, vector<16xf32>,
      %add3A_609 = arith.constant 5120 : i32
      %add3A_610 = arith.addi %add3A_609, %add3A_521 : i32
      %get3A_611 = arith.index_cast %add3A_610 : i32 to index
      %get3A_612 = tpu.vector_load %arg12[%get3A_611] {strides = array<i32>} : memref<15360xf32, #tpu.memory_space<vmem>>, vector<16xf32>,
      %add3A_613 = arith.constant 10240 : i32
      %add3A_614 = arith.addi %add3A_613, %add3A_521 : i32
      %get3A_615 = arith.index_cast %add3A_614 : i32 to index
      %get3A_616 = tpu.vector_load %arg12[%get3A_615] {strides = array<i32>} : memref<15360xf32, #tpu.memory_space<vmem>>, vector<16xf32>,
      %le3A_617 = arith.constant 2.500000e-05 : f32
      %le3A_618 = vector.broadcast %le3A_617 : f32 to vector<16xf32>
      %le3A_619 = arith.cmpf ole, %get3A_597, %le3A_618 : vector<16xf32>
      %and3A_620 = arith.andi %lt3A_525, %le3A_619 : vector<16xi1>
      %jit3A_621 = arith.constant 1.000000e+00 : f32
      %jit3A_622 = arith.constant 0.000000e+00 : f32
      %broadcast_in_dim3A_623 = vector.broadcast %jit3A_621 : f32 to vector<16xf32>
      %broadcast_in_dim3A_624 = vector.broadcast %jit3A_622 : f32 to vector<16xf32>
      %select_n3A_625 = arith.select %and3A_620, %broadcast_in_dim3A_623, %broadcast_in_dim3A_624 : vector<16xi1>, vector<16xf32>
      %sub3A_626 = arith.subf %get3A_608, %gather3A_598 : vector<16xf32>
      %abs3A_627 = math.absf %sub3A_626 : vector<16xf32>
      %mul3A_628 = arith.mulf %abs3A_627, %select_n3A_625 : vector<16xf32>
      %add3A_629 = arith.addf %add3A_583, %mul3A_628 : vector<16xf32>
      %sub3A_630 = arith.subf %get3A_612, %gather3A_602 : vector<16xf32>
      %abs3A_631 = math.absf %sub3A_630 : vector<16xf32>
      %mul3A_632 = arith.mulf %abs3A_631, %select_n3A_625 : vector<16xf32>
      %add3A_633 = arith.addf %add3A_588, %mul3A_632 : vector<16xf32>
      %sub3A_634 = arith.subf %get3A_616, %gather3A_606 : vector<16xf32>
      %abs3A_635 = math.absf %sub3A_634 : vector<16xf32>
      %mul3A_636 = arith.mulf %abs3A_635, %select_n3A_625 : vector<16xf32>
      %add3A_637 = arith.addf %add3A_593, %mul3A_636 : vector<16xf32>
      scf.yield %add3A_629, %add3A_633, %add3A_637 : vector<16xf32>, vector<16xf32>, vector<16xf32>
    }
    %scan3A_495 = arith.constant 10 : i32
    %swap3A_496 = arith.constant 0 : i32
    %swap3A_497 = arith.index_cast %swap3A_496 : i32 to index
    %swap3A_498 = arith.constant 0 : index
    %swap3A_499 = tpu.vector_load %arg19[%swap3A_497, %swap3A_498] {strides = array<i32>} : memref<4x16xf32, #tpu.memory_space<vmem>>, vector<16xf32>,
    tpu.vector_store %arg19[%swap3A_497, %swap3A_498], %scan3A_494#0 {strides = array<i32>} : memref<4x16xf32, #tpu.memory_space<vmem>>, vector<16xf32>,
    %swap3A_500 = arith.constant 1 : i32
    %swap3A_501 = arith.index_cast %swap3A_500 : i32 to index
    %swap3A_502 = arith.constant 0 : index
    %swap3A_503 = tpu.vector_load %arg19[%swap3A_501, %swap3A_502] {strides = array<i32>} : memref<4x16xf32, #tpu.memory_space<vmem>>, vector<16xf32>,
    tpu.vector_store %arg19[%swap3A_501, %swap3A_502], %scan3A_494#1 {strides = array<i32>} : memref<4x16xf32, #tpu.memory_space<vmem>>, vector<16xf32>,
    %swap3A_504 = arith.constant 2 : i32
    %swap3A_505 = arith.index_cast %swap3A_504 : i32 to index
    %swap3A_506 = arith.constant 0 : index
    %swap3A_507 = tpu.vector_load %arg19[%swap3A_505, %swap3A_506] {strides = array<i32>} : memref<4x16xf32, #tpu.memory_space<vmem>>, vector<16xf32>,
    tpu.vector_store %arg19[%swap3A_505, %swap3A_506], %scan3A_494#2 {strides = array<i32>} : memref<4x16xf32, #tpu.memory_space<vmem>>, vector<16xf32>,
    %swap3A_508 = arith.constant 3 : i32
    %swap3A_509 = arith.index_cast %swap3A_508 : i32 to index
    %swap3A_510 = arith.constant 0 : index
    %swap3A_511 = tpu.vector_load %arg19[%swap3A_509, %swap3A_510] {strides = array<i32>} : memref<4x16xf32, #tpu.memory_space<vmem>>, vector<16xf32>,
    tpu.vector_store %arg19[%swap3A_509, %swap3A_510], %broadcast_in_dim3A_1 {strides = array<i32>} : memref<4x16xf32, #tpu.memory_space<vmem>>, vector<16xf32>,
    %run_scoped3A_512 = arith.constant 3 : i32
    "tpu.region"() ({
      %run_scoped3A_513 = tpu.sem_alloc : memref<!tpu.dma_semaphore, #tpu.memory_space<semaphore_mem>>
      %dma_start3A_514 = arith.constant 0 : i32
      %dma_start3A_515 = arith.constant 0 : i32
      %dma_start3A_516 = tpu.memref_slice %arg10[%run_scoped3A_512, %add3A, %dma_start3A_514, %dma_start3A_515] : memref<4x32x4x16xf32, #tpu.memory_space<hbm>> -> memref<1x1x4x16xf32, #tpu.memory_space<hbm>>
      %dma_start3A_517 = tpu.memref_squeeze %dma_start3A_516 : memref<1x1x4x16xf32, #tpu.memory_space<hbm>> -> memref<4x16xf32, #tpu.memory_space<hbm>>
      %dma_start3A_518 = arith.constant 0 : i32
      %dma_start3A_519 = arith.constant 0 : i32
      %dma_start3A_520 = tpu.memref_slice %arg10[%run_scoped3A_512, %add3A, %dma_start3A_518, %dma_start3A_519] : memref<4x32x4x16xf32, #tpu.memory_space<hbm>> -> memref<1x1x4x16xf32, #tpu.memory_space<hbm>>
      %dma_start3A_521 = tpu.memref_squeeze %dma_start3A_520 : memref<1x1x4x16xf32, #tpu.memory_space<hbm>> -> memref<4x16xf32, #tpu.memory_space<hbm>>
      tpu.enqueue_dma source(%arg19 : memref<4x16xf32, #tpu.memory_space<vmem>>) target(%dma_start3A_521 : memref<4x16xf32, #tpu.memory_space<hbm>>) target_semaphore(%run_scoped3A_513 : memref<!tpu.dma_semaphore, #tpu.memory_space<semaphore_mem>>)
      %dma_wait3A_522 = arith.constant 0 : i32
      %dma_wait3A_523 = arith.constant 0 : i32
      %dma_wait3A_524 = tpu.memref_slice %arg10[%run_scoped3A_512, %add3A, %dma_wait3A_522, %dma_wait3A_523] : memref<4x32x4x16xf32, #tpu.memory_space<hbm>> -> memref<1x1x4x16xf32, #tpu.memory_space<hbm>>
      %dma_wait3A_525 = tpu.memref_squeeze %dma_wait3A_524 : memref<1x1x4x16xf32, #tpu.memory_space<hbm>> -> memref<4x16xf32, #tpu.memory_space<hbm>>
      %dma_wait3A_526 = arith.constant 0 : i32
      %dma_wait3A_527 = arith.constant 0 : i32
      %dma_wait3A_528 = tpu.memref_slice %arg10[%run_scoped3A_512, %add3A, %dma_wait3A_526, %dma_wait3A_527] : memref<4x32x4x16xf32, #tpu.memory_space<hbm>> -> memref<1x1x4x16xf32, #tpu.memory_space<hbm>>
      %dma_wait3A_529 = tpu.memref_squeeze %dma_wait3A_528 : memref<1x1x4x16xf32, #tpu.memory_space<hbm>> -> memref<4x16xf32, #tpu.memory_space<hbm>>
      tpu.wait_dma2 semaphore(%run_scoped3A_513 : memref<!tpu.dma_semaphore, #tpu.memory_space<semaphore_mem>>) src(%arg19 : memref<4x16xf32, #tpu.memory_space<vmem>>) dst(%dma_wait3A_529 : memref<4x16xf32, #tpu.memory_space<hbm>>)
      tpu.yield
    }) : () -> ()
    return
  }
}

#map = affine_map<(d0, d1) -> (0, 0)>
#map1 = affine_map<(d0, d1) -> (0)>
#map2 = affine_map<(d0, d1) -> (0, 0, 0)>
module attributes {stable_mosaic.version = 14 : i64} {
  func.func @_normals_body(%arg0: i32, %arg1: i32, %arg2: memref<4x15000xf32, #tpu.memory_space<hbm>>, %arg3: memref<4x15000xf32, #tpu.memory_space<hbm>>, %arg4: memref<30720xi32, #tpu.memory_space<hbm>>, %arg5: memref<4x30720xi32, #tpu.memory_space<hbm>>, %arg6: memref<8x32x15360xf32, #tpu.memory_space<hbm>>, %arg7: memref<15000xf32, #tpu.memory_space<vmem>>, %arg8: memref<960xi32, #tpu.memory_space<vmem>>, %arg9: memref<960xi32, #tpu.memory_space<vmem>>, %arg10: memref<15360xf32, #tpu.memory_space<vmem>>, %arg11: memref<!tpu.dma_semaphore, #tpu.memory_space<semaphore_mem>>) attributes {dimension_semantics = [#tpu.dimension_semantics<core_parallel>, #tpu.dimension_semantics<subcore_parallel>], iteration_bounds = array<i64: 2, 16>, scalar_prefetch = 0 : i64, scratch_operands = 5 : i64, tpu.core_type = #tpu.core_type<sc_vector_subcore>, window_params = [{transform_indices = #map}, {transform_indices = #map}, {transform_indices = #map1}, {transform_indices = #map}, {transform_indices = #map2}]} {
    %mul3A = arith.constant 2 : i32
    %mul3A_0 = arith.muli %arg1, %mul3A : i32
    %add3A = arith.addi %mul3A_0, %arg0 : i32
    %iota3A = tpu.iota {dimensions = array<i32: 0>} : vector<16xi32>
    %mul3A_1 = arith.constant 320 : i32
    %mul3A_2 = arith.muli %add3A, %mul3A_1 : i32
    %mul3A_3 = arith.constant 3 : i32
    %mul3A_4 = arith.muli %mul3A_2, %mul3A_3 : i32
    "tpu.region"() ({
      %run_scoped3A_237 = tpu.sem_alloc : memref<!tpu.dma_semaphore, #tpu.memory_space<semaphore_mem>>
      %dma_start3A_238 = tpu.memref_slice %arg4[%mul3A_4] : memref<30720xi32, #tpu.memory_space<hbm>> -> memref<960xi32, #tpu.memory_space<hbm>>
      %dma_start3A_239 = tpu.memref_slice %arg4[%mul3A_4] : memref<30720xi32, #tpu.memory_space<hbm>> -> memref<960xi32, #tpu.memory_space<hbm>>
      tpu.enqueue_dma source(%dma_start3A_239 : memref<960xi32, #tpu.memory_space<hbm>>) target(%arg8 : memref<960xi32, #tpu.memory_space<vmem>>) target_semaphore(%run_scoped3A_237 : memref<!tpu.dma_semaphore, #tpu.memory_space<semaphore_mem>>)
      %dma_wait3A_240 = tpu.memref_slice %arg4[%mul3A_4] : memref<30720xi32, #tpu.memory_space<hbm>> -> memref<960xi32, #tpu.memory_space<hbm>>
      %dma_wait3A_241 = tpu.memref_slice %arg4[%mul3A_4] : memref<30720xi32, #tpu.memory_space<hbm>> -> memref<960xi32, #tpu.memory_space<hbm>>
      tpu.wait_dma2 semaphore(%run_scoped3A_237 : memref<!tpu.dma_semaphore, #tpu.memory_space<semaphore_mem>>) src(%dma_wait3A_241 : memref<960xi32, #tpu.memory_space<hbm>>) dst(%arg8 : memref<960xi32, #tpu.memory_space<vmem>>)
      tpu.yield
    }) : () -> ()
    %dma_start3A = arith.constant 0 : i32
    %dma_start3A_5 = arith.constant 0 : i32
    %dma_start3A_6 = tpu.memref_slice %arg2[%dma_start3A, %dma_start3A_5] : memref<4x15000xf32, #tpu.memory_space<hbm>> -> memref<1x15000xf32, #tpu.memory_space<hbm>>
    %dma_start3A_7 = tpu.memref_squeeze %dma_start3A_6 : memref<1x15000xf32, #tpu.memory_space<hbm>> -> memref<15000xf32, #tpu.memory_space<hbm>>
    %dma_start3A_8 = arith.constant 0 : i32
    %dma_start3A_9 = tpu.memref_slice %arg2[%dma_start3A, %dma_start3A_8] : memref<4x15000xf32, #tpu.memory_space<hbm>> -> memref<1x15000xf32, #tpu.memory_space<hbm>>
    %dma_start3A_10 = tpu.memref_squeeze %dma_start3A_9 : memref<1x15000xf32, #tpu.memory_space<hbm>> -> memref<15000xf32, #tpu.memory_space<hbm>>
    tpu.enqueue_dma source(%dma_start3A_10 : memref<15000xf32, #tpu.memory_space<hbm>>) target(%arg7 : memref<15000xf32, #tpu.memory_space<vmem>>) target_semaphore(%arg11 : memref<!tpu.dma_semaphore, #tpu.memory_space<semaphore_mem>>)
    %scan3A = arith.constant 0 : i32
    %scan3A_11 = arith.constant 0 : i32
    %scan3A_12 = arith.constant 960 : i32
    %scan3A_13 = arith.addi %scan3A_11, %scan3A_12 : i32
    %scan3A_14 = arith.constant 1 : i32
    scf.for %scan3A_237 = %scan3A_11 to %scan3A_13 step %scan3A_14  : i32 {
      %broadcast_in_dim3A = arith.constant 0.000000e+00 : f32
      %broadcast_in_dim3A_238 = vector.broadcast %broadcast_in_dim3A : f32 to vector<16xf32>
      %mul3A_239 = arith.constant 16 : i32
      %mul3A_240 = arith.muli %scan3A_237, %mul3A_239 : i32
      %swap3A = arith.index_cast %mul3A_240 : i32 to index
      %swap3A_241 = tpu.vector_load %arg10[%swap3A] {strides = array<i32>} : memref<15360xf32, #tpu.memory_space<vmem>>, vector<16xf32>,
      tpu.vector_store %arg10[%swap3A], %broadcast_in_dim3A_238 {strides = array<i32>} : memref<15360xf32, #tpu.memory_space<vmem>>, vector<16xf32>,
    }
    %scan3A_15 = arith.constant 960 : i32
    %dma_wait3A = arith.constant 0 : i32
    %dma_wait3A_16 = arith.constant 0 : i32
    %dma_wait3A_17 = tpu.memref_slice %arg2[%dma_wait3A, %dma_wait3A_16] : memref<4x15000xf32, #tpu.memory_space<hbm>> -> memref<1x15000xf32, #tpu.memory_space<hbm>>
    %dma_wait3A_18 = tpu.memref_squeeze %dma_wait3A_17 : memref<1x15000xf32, #tpu.memory_space<hbm>> -> memref<15000xf32, #tpu.memory_space<hbm>>
    %dma_wait3A_19 = arith.constant 0 : i32
    %dma_wait3A_20 = tpu.memref_slice %arg2[%dma_wait3A, %dma_wait3A_19] : memref<4x15000xf32, #tpu.memory_space<hbm>> -> memref<1x15000xf32, #tpu.memory_space<hbm>>
    %dma_wait3A_21 = tpu.memref_squeeze %dma_wait3A_20 : memref<1x15000xf32, #tpu.memory_space<hbm>> -> memref<15000xf32, #tpu.memory_space<hbm>>
    tpu.wait_dma2 semaphore(%arg11 : memref<!tpu.dma_semaphore, #tpu.memory_space<semaphore_mem>>) src(%dma_wait3A_21 : memref<15000xf32, #tpu.memory_space<hbm>>) dst(%arg7 : memref<15000xf32, #tpu.memory_space<vmem>>)
    %scan3A_22 = arith.constant 0 : i32
    %scan3A_23 = arith.constant 0 : i32
    %scan3A_24 = arith.constant 20 : i32
    %scan3A_25 = arith.addi %scan3A_23, %scan3A_24 : i32
    %scan3A_26 = arith.constant 1 : i32
    scf.for %scan3A_237 = %scan3A_23 to %scan3A_25 step %scan3A_26  : i32 {
      %mul3A_238 = arith.constant 16 : i32
      %mul3A_239 = arith.muli %scan3A_237, %mul3A_238 : i32
      %mul3A_240 = arith.constant 320 : i32
      %mul3A_241 = arith.muli %add3A, %mul3A_240 : i32
      %add3A_242 = arith.addi %mul3A_241, %mul3A_239 : i32
      %add3A_243 = vector.broadcast %add3A_242 : i32 to vector<16xi32>
      %add3A_244 = arith.addi %add3A_243, %iota3A : vector<16xi32>
      %lt3A = arith.constant 10000 : i32
      %lt3A_245 = vector.broadcast %lt3A : i32 to vector<16xi32>
      %lt3A_246 = arith.cmpi slt, %add3A_244, %lt3A_245 : vector<16xi32>
      %add3A_247 = vector.broadcast %mul3A_239 : i32 to vector<16xi32>
      %add3A_248 = arith.addi %add3A_247, %iota3A : vector<16xi32>
      %mul3A_249 = arith.constant 3 : i32
      %mul3A_250 = vector.broadcast %mul3A_249 : i32 to vector<16xi32>
      %mul3A_251 = arith.muli %add3A_248, %mul3A_250 : vector<16xi32>
      %gather3A = tpu.vector_load_idx %arg8[%mul3A_251] : memref<960xi32, #tpu.memory_space<vmem>>[vector<16xi32>], vector<16xi32>,
      %add3A_252 = arith.constant 1 : i32
      %add3A_253 = vector.broadcast %add3A_252 : i32 to vector<16xi32>
      %add3A_254 = arith.addi %mul3A_251, %add3A_253 : vector<16xi32>
      %gather3A_255 = tpu.vector_load_idx %arg8[%add3A_254] : memref<960xi32, #tpu.memory_space<vmem>>[vector<16xi32>], vector<16xi32>,
      %add3A_256 = arith.constant 2 : i32
      %add3A_257 = vector.broadcast %add3A_256 : i32 to vector<16xi32>
      %add3A_258 = arith.addi %mul3A_251, %add3A_257 : vector<16xi32>
      %gather3A_259 = tpu.vector_load_idx %arg8[%add3A_258] : memref<960xi32, #tpu.memory_space<vmem>>[vector<16xi32>], vector<16xi32>,
      %mul3A_260 = arith.constant 3 : i32
      %mul3A_261 = vector.broadcast %mul3A_260 : i32 to vector<16xi32>
      %mul3A_262 = arith.muli %gather3A, %mul3A_261 : vector<16xi32>
      %add3A_263 = arith.constant 0 : i32
      %add3A_264 = vector.broadcast %add3A_263 : i32 to vector<16xi32>
      %add3A_265 = arith.addi %mul3A_262, %add3A_264 : vector<16xi32>
      %gather3A_266 = tpu.vector_load_idx %arg7[%add3A_265] : memref<15000xf32, #tpu.memory_space<vmem>>[vector<16xi32>], vector<16xf32>,
      %mul3A_267 = arith.constant 3 : i32
      %mul3A_268 = vector.broadcast %mul3A_267 : i32 to vector<16xi32>
      %mul3A_269 = arith.muli %gather3A, %mul3A_268 : vector<16xi32>
      %add3A_270 = arith.constant 1 : i32
      %add3A_271 = vector.broadcast %add3A_270 : i32 to vector<16xi32>
      %add3A_272 = arith.addi %mul3A_269, %add3A_271 : vector<16xi32>
      %gather3A_273 = tpu.vector_load_idx %arg7[%add3A_272] : memref<15000xf32, #tpu.memory_space<vmem>>[vector<16xi32>], vector<16xf32>,
      %mul3A_274 = arith.constant 3 : i32
      %mul3A_275 = vector.broadcast %mul3A_274 : i32 to vector<16xi32>
      %mul3A_276 = arith.muli %gather3A, %mul3A_275 : vector<16xi32>
      %add3A_277 = arith.constant 2 : i32
      %add3A_278 = vector.broadcast %add3A_277 : i32 to vector<16xi32>
      %add3A_279 = arith.addi %mul3A_276, %add3A_278 : vector<16xi32>
      %gather3A_280 = tpu.vector_load_idx %arg7[%add3A_279] : memref<15000xf32, #tpu.memory_space<vmem>>[vector<16xi32>], vector<16xf32>,
      %mul3A_281 = arith.constant 3 : i32
      %mul3A_282 = vector.broadcast %mul3A_281 : i32 to vector<16xi32>
      %mul3A_283 = arith.muli %gather3A_255, %mul3A_282 : vector<16xi32>
      %add3A_284 = arith.constant 0 : i32
      %add3A_285 = vector.broadcast %add3A_284 : i32 to vector<16xi32>
      %add3A_286 = arith.addi %mul3A_283, %add3A_285 : vector<16xi32>
      %gather3A_287 = tpu.vector_load_idx %arg7[%add3A_286] : memref<15000xf32, #tpu.memory_space<vmem>>[vector<16xi32>], vector<16xf32>,
      %sub3A = arith.subf %gather3A_287, %gather3A_266 : vector<16xf32>
      %mul3A_288 = arith.constant 3 : i32
      %mul3A_289 = vector.broadcast %mul3A_288 : i32 to vector<16xi32>
      %mul3A_290 = arith.muli %gather3A_255, %mul3A_289 : vector<16xi32>
      %add3A_291 = arith.constant 1 : i32
      %add3A_292 = vector.broadcast %add3A_291 : i32 to vector<16xi32>
      %add3A_293 = arith.addi %mul3A_290, %add3A_292 : vector<16xi32>
      %gather3A_294 = tpu.vector_load_idx %arg7[%add3A_293] : memref<15000xf32, #tpu.memory_space<vmem>>[vector<16xi32>], vector<16xf32>,
      %sub3A_295 = arith.subf %gather3A_294, %gather3A_273 : vector<16xf32>
      %mul3A_296 = arith.constant 3 : i32
      %mul3A_297 = vector.broadcast %mul3A_296 : i32 to vector<16xi32>
      %mul3A_298 = arith.muli %gather3A_255, %mul3A_297 : vector<16xi32>
      %add3A_299 = arith.constant 2 : i32
      %add3A_300 = vector.broadcast %add3A_299 : i32 to vector<16xi32>
      %add3A_301 = arith.addi %mul3A_298, %add3A_300 : vector<16xi32>
      %gather3A_302 = tpu.vector_load_idx %arg7[%add3A_301] : memref<15000xf32, #tpu.memory_space<vmem>>[vector<16xi32>], vector<16xf32>,
      %sub3A_303 = arith.subf %gather3A_302, %gather3A_280 : vector<16xf32>
      %mul3A_304 = arith.constant 3 : i32
      %mul3A_305 = vector.broadcast %mul3A_304 : i32 to vector<16xi32>
      %mul3A_306 = arith.muli %gather3A_259, %mul3A_305 : vector<16xi32>
      %add3A_307 = arith.constant 0 : i32
      %add3A_308 = vector.broadcast %add3A_307 : i32 to vector<16xi32>
      %add3A_309 = arith.addi %mul3A_306, %add3A_308 : vector<16xi32>
      %gather3A_310 = tpu.vector_load_idx %arg7[%add3A_309] : memref<15000xf32, #tpu.memory_space<vmem>>[vector<16xi32>], vector<16xf32>,
      %sub3A_311 = arith.subf %gather3A_310, %gather3A_266 : vector<16xf32>
      %mul3A_312 = arith.constant 3 : i32
      %mul3A_313 = vector.broadcast %mul3A_312 : i32 to vector<16xi32>
      %mul3A_314 = arith.muli %gather3A_259, %mul3A_313 : vector<16xi32>
      %add3A_315 = arith.constant 1 : i32
      %add3A_316 = vector.broadcast %add3A_315 : i32 to vector<16xi32>
      %add3A_317 = arith.addi %mul3A_314, %add3A_316 : vector<16xi32>
      %gather3A_318 = tpu.vector_load_idx %arg7[%add3A_317] : memref<15000xf32, #tpu.memory_space<vmem>>[vector<16xi32>], vector<16xf32>,
      %sub3A_319 = arith.subf %gather3A_318, %gather3A_273 : vector<16xf32>
      %mul3A_320 = arith.constant 3 : i32
      %mul3A_321 = vector.broadcast %mul3A_320 : i32 to vector<16xi32>
      %mul3A_322 = arith.muli %gather3A_259, %mul3A_321 : vector<16xi32>
      %add3A_323 = arith.constant 2 : i32
      %add3A_324 = vector.broadcast %add3A_323 : i32 to vector<16xi32>
      %add3A_325 = arith.addi %mul3A_322, %add3A_324 : vector<16xi32>
      %gather3A_326 = tpu.vector_load_idx %arg7[%add3A_325] : memref<15000xf32, #tpu.memory_space<vmem>>[vector<16xi32>], vector<16xf32>,
      %sub3A_327 = arith.subf %gather3A_326, %gather3A_280 : vector<16xf32>
      %mul3A_328 = arith.mulf %sub3A_295, %sub3A_327 : vector<16xf32>
      %mul3A_329 = arith.mulf %sub3A_303, %sub3A_319 : vector<16xf32>
      %sub3A_330 = arith.subf %mul3A_328, %mul3A_329 : vector<16xf32>
      %mul3A_331 = arith.mulf %sub3A_303, %sub3A_311 : vector<16xf32>
      %mul3A_332 = arith.mulf %sub3A, %sub3A_327 : vector<16xf32>
      %sub3A_333 = arith.subf %mul3A_331, %mul3A_332 : vector<16xf32>
      %mul3A_334 = arith.mulf %sub3A, %sub3A_319 : vector<16xf32>
      %mul3A_335 = arith.mulf %sub3A_295, %sub3A_311 : vector<16xf32>
      %sub3A_336 = arith.subf %mul3A_334, %mul3A_335 : vector<16xf32>
      tpu.vector_store_idx %arg10[%gather3A], %sub3A_330 masked %lt3A_246 {add = true} : memref<15360xf32, #tpu.memory_space<vmem>>[vector<16xi32>], vector<16xf32>, vector<16xi1>
      %add3A_337 = arith.constant 5120 : i32
      %add3A_338 = vector.broadcast %add3A_337 : i32 to vector<16xi32>
      %add3A_339 = arith.addi %gather3A, %add3A_338 : vector<16xi32>
      tpu.vector_store_idx %arg10[%add3A_339], %sub3A_333 masked %lt3A_246 {add = true} : memref<15360xf32, #tpu.memory_space<vmem>>[vector<16xi32>], vector<16xf32>, vector<16xi1>
      %add3A_340 = arith.constant 10240 : i32
      %add3A_341 = vector.broadcast %add3A_340 : i32 to vector<16xi32>
      %add3A_342 = arith.addi %gather3A, %add3A_341 : vector<16xi32>
      tpu.vector_store_idx %arg10[%add3A_342], %sub3A_336 masked %lt3A_246 {add = true} : memref<15360xf32, #tpu.memory_space<vmem>>[vector<16xi32>], vector<16xf32>, vector<16xi1>
      tpu.vector_store_idx %arg10[%gather3A_255], %sub3A_330 masked %lt3A_246 {add = true} : memref<15360xf32, #tpu.memory_space<vmem>>[vector<16xi32>], vector<16xf32>, vector<16xi1>
      %add3A_343 = arith.constant 5120 : i32
      %add3A_344 = vector.broadcast %add3A_343 : i32 to vector<16xi32>
      %add3A_345 = arith.addi %gather3A_255, %add3A_344 : vector<16xi32>
      tpu.vector_store_idx %arg10[%add3A_345], %sub3A_333 masked %lt3A_246 {add = true} : memref<15360xf32, #tpu.memory_space<vmem>>[vector<16xi32>], vector<16xf32>, vector<16xi1>
      %add3A_346 = arith.constant 10240 : i32
      %add3A_347 = vector.broadcast %add3A_346 : i32 to vector<16xi32>
      %add3A_348 = arith.addi %gather3A_255, %add3A_347 : vector<16xi32>
      tpu.vector_store_idx %arg10[%add3A_348], %sub3A_336 masked %lt3A_246 {add = true} : memref<15360xf32, #tpu.memory_space<vmem>>[vector<16xi32>], vector<16xf32>, vector<16xi1>
      tpu.vector_store_idx %arg10[%gather3A_259], %sub3A_330 masked %lt3A_246 {add = true} : memref<15360xf32, #tpu.memory_space<vmem>>[vector<16xi32>], vector<16xf32>, vector<16xi1>
      %add3A_349 = arith.constant 5120 : i32
      %add3A_350 = vector.broadcast %add3A_349 : i32 to vector<16xi32>
      %add3A_351 = arith.addi %gather3A_259, %add3A_350 : vector<16xi32>
      tpu.vector_store_idx %arg10[%add3A_351], %sub3A_333 masked %lt3A_246 {add = true} : memref<15360xf32, #tpu.memory_space<vmem>>[vector<16xi32>], vector<16xf32>, vector<16xi1>
      %add3A_352 = arith.constant 10240 : i32
      %add3A_353 = vector.broadcast %add3A_352 : i32 to vector<16xi32>
      %add3A_354 = arith.addi %gather3A_259, %add3A_353 : vector<16xi32>
      tpu.vector_store_idx %arg10[%add3A_354], %sub3A_336 masked %lt3A_246 {add = true} : memref<15360xf32, #tpu.memory_space<vmem>>[vector<16xi32>], vector<16xf32>, vector<16xi1>
    }
    %scan3A_27 = arith.constant 20 : i32
    %run_scoped3A = arith.constant 0 : i32
    "tpu.region"() ({
      %run_scoped3A_237 = tpu.sem_alloc : memref<!tpu.dma_semaphore, #tpu.memory_space<semaphore_mem>>
      %dma_start3A_238 = arith.constant 0 : i32
      %dma_start3A_239 = tpu.memref_slice %arg6[%run_scoped3A, %add3A, %dma_start3A_238] : memref<8x32x15360xf32, #tpu.memory_space<hbm>> -> memref<1x1x15360xf32, #tpu.memory_space<hbm>>
      %dma_start3A_240 = tpu.memref_squeeze %dma_start3A_239 : memref<1x1x15360xf32, #tpu.memory_space<hbm>> -> memref<15360xf32, #tpu.memory_space<hbm>>
      %dma_start3A_241 = arith.constant 0 : i32
      %dma_start3A_242 = tpu.memref_slice %arg6[%run_scoped3A, %add3A, %dma_start3A_241] : memref<8x32x15360xf32, #tpu.memory_space<hbm>> -> memref<1x1x15360xf32, #tpu.memory_space<hbm>>
      %dma_start3A_243 = tpu.memref_squeeze %dma_start3A_242 : memref<1x1x15360xf32, #tpu.memory_space<hbm>> -> memref<15360xf32, #tpu.memory_space<hbm>>
      tpu.enqueue_dma source(%arg10 : memref<15360xf32, #tpu.memory_space<vmem>>) target(%dma_start3A_243 : memref<15360xf32, #tpu.memory_space<hbm>>) target_semaphore(%run_scoped3A_237 : memref<!tpu.dma_semaphore, #tpu.memory_space<semaphore_mem>>)
      %dma_wait3A_244 = arith.constant 0 : i32
      %dma_wait3A_245 = tpu.memref_slice %arg6[%run_scoped3A, %add3A, %dma_wait3A_244] : memref<8x32x15360xf32, #tpu.memory_space<hbm>> -> memref<1x1x15360xf32, #tpu.memory_space<hbm>>
      %dma_wait3A_246 = tpu.memref_squeeze %dma_wait3A_245 : memref<1x1x15360xf32, #tpu.memory_space<hbm>> -> memref<15360xf32, #tpu.memory_space<hbm>>
      %dma_wait3A_247 = arith.constant 0 : i32
      %dma_wait3A_248 = tpu.memref_slice %arg6[%run_scoped3A, %add3A, %dma_wait3A_247] : memref<8x32x15360xf32, #tpu.memory_space<hbm>> -> memref<1x1x15360xf32, #tpu.memory_space<hbm>>
      %dma_wait3A_249 = tpu.memref_squeeze %dma_wait3A_248 : memref<1x1x15360xf32, #tpu.memory_space<hbm>> -> memref<15360xf32, #tpu.memory_space<hbm>>
      tpu.wait_dma2 semaphore(%run_scoped3A_237 : memref<!tpu.dma_semaphore, #tpu.memory_space<semaphore_mem>>) src(%arg10 : memref<15360xf32, #tpu.memory_space<vmem>>) dst(%dma_wait3A_249 : memref<15360xf32, #tpu.memory_space<hbm>>)
      tpu.yield
    }) : () -> ()
    %mul3A_28 = arith.constant 320 : i32
    %mul3A_29 = arith.muli %add3A, %mul3A_28 : i32
    %mul3A_30 = arith.constant 3 : i32
    %mul3A_31 = arith.muli %mul3A_29, %mul3A_30 : i32
    %run_scoped3A_32 = arith.constant 0 : i32
    "tpu.region"() ({
      %run_scoped3A_237 = tpu.sem_alloc : memref<!tpu.dma_semaphore, #tpu.memory_space<semaphore_mem>>
      %dma_start3A_238 = tpu.memref_slice %arg5[%run_scoped3A_32, %mul3A_31] : memref<4x30720xi32, #tpu.memory_space<hbm>> -> memref<1x960xi32, #tpu.memory_space<hbm>>
      %dma_start3A_239 = tpu.memref_squeeze %dma_start3A_238 : memref<1x960xi32, #tpu.memory_space<hbm>> -> memref<960xi32, #tpu.memory_space<hbm>>
      %dma_start3A_240 = tpu.memref_slice %arg5[%run_scoped3A_32, %mul3A_31] : memref<4x30720xi32, #tpu.memory_space<hbm>> -> memref<1x960xi32, #tpu.memory_space<hbm>>
      %dma_start3A_241 = tpu.memref_squeeze %dma_start3A_240 : memref<1x960xi32, #tpu.memory_space<hbm>> -> memref<960xi32, #tpu.memory_space<hbm>>
      tpu.enqueue_dma source(%dma_start3A_241 : memref<960xi32, #tpu.memory_space<hbm>>) target(%arg9 : memref<960xi32, #tpu.memory_space<vmem>>) target_semaphore(%run_scoped3A_237 : memref<!tpu.dma_semaphore, #tpu.memory_space<semaphore_mem>>)
      %dma_wait3A_242 = tpu.memref_slice %arg5[%run_scoped3A_32, %mul3A_31] : memref<4x30720xi32, #tpu.memory_space<hbm>> -> memref<1x960xi32, #tpu.memory_space<hbm>>
      %dma_wait3A_243 = tpu.memref_squeeze %dma_wait3A_242 : memref<1x960xi32, #tpu.memory_space<hbm>> -> memref<960xi32, #tpu.memory_space<hbm>>
      %dma_wait3A_244 = tpu.memref_slice %arg5[%run_scoped3A_32, %mul3A_31] : memref<4x30720xi32, #tpu.memory_space<hbm>> -> memref<1x960xi32, #tpu.memory_space<hbm>>
      %dma_wait3A_245 = tpu.memref_squeeze %dma_wait3A_244 : memref<1x960xi32, #tpu.memory_space<hbm>> -> memref<960xi32, #tpu.memory_space<hbm>>
      tpu.wait_dma2 semaphore(%run_scoped3A_237 : memref<!tpu.dma_semaphore, #tpu.memory_space<semaphore_mem>>) src(%dma_wait3A_245 : memref<960xi32, #tpu.memory_space<hbm>>) dst(%arg9 : memref<960xi32, #tpu.memory_space<vmem>>)
      tpu.yield
    }) : () -> ()
    %dma_start3A_33 = arith.constant 0 : i32
    %dma_start3A_34 = arith.constant 0 : i32
    %dma_start3A_35 = tpu.memref_slice %arg3[%dma_start3A_33, %dma_start3A_34] : memref<4x15000xf32, #tpu.memory_space<hbm>> -> memref<1x15000xf32, #tpu.memory_space<hbm>>
    %dma_start3A_36 = tpu.memref_squeeze %dma_start3A_35 : memref<1x15000xf32, #tpu.memory_space<hbm>> -> memref<15000xf32, #tpu.memory_space<hbm>>
    %dma_start3A_37 = arith.constant 0 : i32
    %dma_start3A_38 = tpu.memref_slice %arg3[%dma_start3A_33, %dma_start3A_37] : memref<4x15000xf32, #tpu.memory_space<hbm>> -> memref<1x15000xf32, #tpu.memory_space<hbm>>
    %dma_start3A_39 = tpu.memref_squeeze %dma_start3A_38 : memref<1x15000xf32, #tpu.memory_space<hbm>> -> memref<15000xf32, #tpu.memory_space<hbm>>
    tpu.enqueue_dma source(%dma_start3A_39 : memref<15000xf32, #tpu.memory_space<hbm>>) target(%arg7 : memref<15000xf32, #tpu.memory_space<vmem>>) target_semaphore(%arg11 : memref<!tpu.dma_semaphore, #tpu.memory_space<semaphore_mem>>)
    %scan3A_40 = arith.constant 0 : i32
    %scan3A_41 = arith.constant 0 : i32
    %scan3A_42 = arith.constant 960 : i32
    %scan3A_43 = arith.addi %scan3A_41, %scan3A_42 : i32
    %scan3A_44 = arith.constant 1 : i32
    scf.for %scan3A_237 = %scan3A_41 to %scan3A_43 step %scan3A_44  : i32 {
      %broadcast_in_dim3A = arith.constant 0.000000e+00 : f32
      %broadcast_in_dim3A_238 = vector.broadcast %broadcast_in_dim3A : f32 to vector<16xf32>
      %mul3A_239 = arith.constant 16 : i32
      %mul3A_240 = arith.muli %scan3A_237, %mul3A_239 : i32
      %swap3A = arith.index_cast %mul3A_240 : i32 to index
      %swap3A_241 = tpu.vector_load %arg10[%swap3A] {strides = array<i32>} : memref<15360xf32, #tpu.memory_space<vmem>>, vector<16xf32>,
      tpu.vector_store %arg10[%swap3A], %broadcast_in_dim3A_238 {strides = array<i32>} : memref<15360xf32, #tpu.memory_space<vmem>>, vector<16xf32>,
    }
    %scan3A_45 = arith.constant 960 : i32
    %dma_wait3A_46 = arith.constant 0 : i32
    %dma_wait3A_47 = arith.constant 0 : i32
    %dma_wait3A_48 = tpu.memref_slice %arg3[%dma_wait3A_46, %dma_wait3A_47] : memref<4x15000xf32, #tpu.memory_space<hbm>> -> memref<1x15000xf32, #tpu.memory_space<hbm>>
    %dma_wait3A_49 = tpu.memref_squeeze %dma_wait3A_48 : memref<1x15000xf32, #tpu.memory_space<hbm>> -> memref<15000xf32, #tpu.memory_space<hbm>>
    %dma_wait3A_50 = arith.constant 0 : i32
    %dma_wait3A_51 = tpu.memref_slice %arg3[%dma_wait3A_46, %dma_wait3A_50] : memref<4x15000xf32, #tpu.memory_space<hbm>> -> memref<1x15000xf32, #tpu.memory_space<hbm>>
    %dma_wait3A_52 = tpu.memref_squeeze %dma_wait3A_51 : memref<1x15000xf32, #tpu.memory_space<hbm>> -> memref<15000xf32, #tpu.memory_space<hbm>>
    tpu.wait_dma2 semaphore(%arg11 : memref<!tpu.dma_semaphore, #tpu.memory_space<semaphore_mem>>) src(%dma_wait3A_52 : memref<15000xf32, #tpu.memory_space<hbm>>) dst(%arg7 : memref<15000xf32, #tpu.memory_space<vmem>>)
    %scan3A_53 = arith.constant 0 : i32
    %scan3A_54 = arith.constant 0 : i32
    %scan3A_55 = arith.constant 20 : i32
    %scan3A_56 = arith.addi %scan3A_54, %scan3A_55 : i32
    %scan3A_57 = arith.constant 1 : i32
    scf.for %scan3A_237 = %scan3A_54 to %scan3A_56 step %scan3A_57  : i32 {
      %mul3A_238 = arith.constant 16 : i32
      %mul3A_239 = arith.muli %scan3A_237, %mul3A_238 : i32
      %mul3A_240 = arith.constant 320 : i32
      %mul3A_241 = arith.muli %add3A, %mul3A_240 : i32
      %add3A_242 = arith.addi %mul3A_241, %mul3A_239 : i32
      %add3A_243 = vector.broadcast %add3A_242 : i32 to vector<16xi32>
      %add3A_244 = arith.addi %add3A_243, %iota3A : vector<16xi32>
      %lt3A = arith.constant 10000 : i32
      %lt3A_245 = vector.broadcast %lt3A : i32 to vector<16xi32>
      %lt3A_246 = arith.cmpi slt, %add3A_244, %lt3A_245 : vector<16xi32>
      %add3A_247 = vector.broadcast %mul3A_239 : i32 to vector<16xi32>
      %add3A_248 = arith.addi %add3A_247, %iota3A : vector<16xi32>
      %mul3A_249 = arith.constant 3 : i32
      %mul3A_250 = vector.broadcast %mul3A_249 : i32 to vector<16xi32>
      %mul3A_251 = arith.muli %add3A_248, %mul3A_250 : vector<16xi32>
      %gather3A = tpu.vector_load_idx %arg9[%mul3A_251] : memref<960xi32, #tpu.memory_space<vmem>>[vector<16xi32>], vector<16xi32>,
      %add3A_252 = arith.constant 1 : i32
      %add3A_253 = vector.broadcast %add3A_252 : i32 to vector<16xi32>
      %add3A_254 = arith.addi %mul3A_251, %add3A_253 : vector<16xi32>
      %gather3A_255 = tpu.vector_load_idx %arg9[%add3A_254] : memref<960xi32, #tpu.memory_space<vmem>>[vector<16xi32>], vector<16xi32>,
      %add3A_256 = arith.constant 2 : i32
      %add3A_257 = vector.broadcast %add3A_256 : i32 to vector<16xi32>
      %add3A_258 = arith.addi %mul3A_251, %add3A_257 : vector<16xi32>
      %gather3A_259 = tpu.vector_load_idx %arg9[%add3A_258] : memref<960xi32, #tpu.memory_space<vmem>>[vector<16xi32>], vector<16xi32>,
      %mul3A_260 = arith.constant 3 : i32
      %mul3A_261 = vector.broadcast %mul3A_260 : i32 to vector<16xi32>
      %mul3A_262 = arith.muli %gather3A, %mul3A_261 : vector<16xi32>
      %add3A_263 = arith.constant 0 : i32
      %add3A_264 = vector.broadcast %add3A_263 : i32 to vector<16xi32>
      %add3A_265 = arith.addi %mul3A_262, %add3A_264 : vector<16xi32>
      %gather3A_266 = tpu.vector_load_idx %arg7[%add3A_265] : memref<15000xf32, #tpu.memory_space<vmem>>[vector<16xi32>], vector<16xf32>,
      %mul3A_267 = arith.constant 3 : i32
      %mul3A_268 = vector.broadcast %mul3A_267 : i32 to vector<16xi32>
      %mul3A_269 = arith.muli %gather3A, %mul3A_268 : vector<16xi32>
      %add3A_270 = arith.constant 1 : i32
      %add3A_271 = vector.broadcast %add3A_270 : i32 to vector<16xi32>
      %add3A_272 = arith.addi %mul3A_269, %add3A_271 : vector<16xi32>
      %gather3A_273 = tpu.vector_load_idx %arg7[%add3A_272] : memref<15000xf32, #tpu.memory_space<vmem>>[vector<16xi32>], vector<16xf32>,
      %mul3A_274 = arith.constant 3 : i32
      %mul3A_275 = vector.broadcast %mul3A_274 : i32 to vector<16xi32>
      %mul3A_276 = arith.muli %gather3A, %mul3A_275 : vector<16xi32>
      %add3A_277 = arith.constant 2 : i32
      %add3A_278 = vector.broadcast %add3A_277 : i32 to vector<16xi32>
      %add3A_279 = arith.addi %mul3A_276, %add3A_278 : vector<16xi32>
      %gather3A_280 = tpu.vector_load_idx %arg7[%add3A_279] : memref<15000xf32, #tpu.memory_space<vmem>>[vector<16xi32>], vector<16xf32>,
      %mul3A_281 = arith.constant 3 : i32
      %mul3A_282 = vector.broadcast %mul3A_281 : i32 to vector<16xi32>
      %mul3A_283 = arith.muli %gather3A_255, %mul3A_282 : vector<16xi32>
      %add3A_284 = arith.constant 0 : i32
      %add3A_285 = vector.broadcast %add3A_284 : i32 to vector<16xi32>
      %add3A_286 = arith.addi %mul3A_283, %add3A_285 : vector<16xi32>
      %gather3A_287 = tpu.vector_load_idx %arg7[%add3A_286] : memref<15000xf32, #tpu.memory_space<vmem>>[vector<16xi32>], vector<16xf32>,
      %sub3A = arith.subf %gather3A_287, %gather3A_266 : vector<16xf32>
      %mul3A_288 = arith.constant 3 : i32
      %mul3A_289 = vector.broadcast %mul3A_288 : i32 to vector<16xi32>
      %mul3A_290 = arith.muli %gather3A_255, %mul3A_289 : vector<16xi32>
      %add3A_291 = arith.constant 1 : i32
      %add3A_292 = vector.broadcast %add3A_291 : i32 to vector<16xi32>
      %add3A_293 = arith.addi %mul3A_290, %add3A_292 : vector<16xi32>
      %gather3A_294 = tpu.vector_load_idx %arg7[%add3A_293] : memref<15000xf32, #tpu.memory_space<vmem>>[vector<16xi32>], vector<16xf32>,
      %sub3A_295 = arith.subf %gather3A_294, %gather3A_273 : vector<16xf32>
      %mul3A_296 = arith.constant 3 : i32
      %mul3A_297 = vector.broadcast %mul3A_296 : i32 to vector<16xi32>
      %mul3A_298 = arith.muli %gather3A_255, %mul3A_297 : vector<16xi32>
      %add3A_299 = arith.constant 2 : i32
      %add3A_300 = vector.broadcast %add3A_299 : i32 to vector<16xi32>
      %add3A_301 = arith.addi %mul3A_298, %add3A_300 : vector<16xi32>
      %gather3A_302 = tpu.vector_load_idx %arg7[%add3A_301] : memref<15000xf32, #tpu.memory_space<vmem>>[vector<16xi32>], vector<16xf32>,
      %sub3A_303 = arith.subf %gather3A_302, %gather3A_280 : vector<16xf32>
      %mul3A_304 = arith.constant 3 : i32
      %mul3A_305 = vector.broadcast %mul3A_304 : i32 to vector<16xi32>
      %mul3A_306 = arith.muli %gather3A_259, %mul3A_305 : vector<16xi32>
      %add3A_307 = arith.constant 0 : i32
      %add3A_308 = vector.broadcast %add3A_307 : i32 to vector<16xi32>
      %add3A_309 = arith.addi %mul3A_306, %add3A_308 : vector<16xi32>
      %gather3A_310 = tpu.vector_load_idx %arg7[%add3A_309] : memref<15000xf32, #tpu.memory_space<vmem>>[vector<16xi32>], vector<16xf32>,
      %sub3A_311 = arith.subf %gather3A_310, %gather3A_266 : vector<16xf32>
      %mul3A_312 = arith.constant 3 : i32
      %mul3A_313 = vector.broadcast %mul3A_312 : i32 to vector<16xi32>
      %mul3A_314 = arith.muli %gather3A_259, %mul3A_313 : vector<16xi32>
      %add3A_315 = arith.constant 1 : i32
      %add3A_316 = vector.broadcast %add3A_315 : i32 to vector<16xi32>
      %add3A_317 = arith.addi %mul3A_314, %add3A_316 : vector<16xi32>
      %gather3A_318 = tpu.vector_load_idx %arg7[%add3A_317] : memref<15000xf32, #tpu.memory_space<vmem>>[vector<16xi32>], vector<16xf32>,
      %sub3A_319 = arith.subf %gather3A_318, %gather3A_273 : vector<16xf32>
      %mul3A_320 = arith.constant 3 : i32
      %mul3A_321 = vector.broadcast %mul3A_320 : i32 to vector<16xi32>
      %mul3A_322 = arith.muli %gather3A_259, %mul3A_321 : vector<16xi32>
      %add3A_323 = arith.constant 2 : i32
      %add3A_324 = vector.broadcast %add3A_323 : i32 to vector<16xi32>
      %add3A_325 = arith.addi %mul3A_322, %add3A_324 : vector<16xi32>
      %gather3A_326 = tpu.vector_load_idx %arg7[%add3A_325] : memref<15000xf32, #tpu.memory_space<vmem>>[vector<16xi32>], vector<16xf32>,
      %sub3A_327 = arith.subf %gather3A_326, %gather3A_280 : vector<16xf32>
      %mul3A_328 = arith.mulf %sub3A_295, %sub3A_327 : vector<16xf32>
      %mul3A_329 = arith.mulf %sub3A_303, %sub3A_319 : vector<16xf32>
      %sub3A_330 = arith.subf %mul3A_328, %mul3A_329 : vector<16xf32>
      %mul3A_331 = arith.mulf %sub3A_303, %sub3A_311 : vector<16xf32>
      %mul3A_332 = arith.mulf %sub3A, %sub3A_327 : vector<16xf32>
      %sub3A_333 = arith.subf %mul3A_331, %mul3A_332 : vector<16xf32>
      %mul3A_334 = arith.mulf %sub3A, %sub3A_319 : vector<16xf32>
      %mul3A_335 = arith.mulf %sub3A_295, %sub3A_311 : vector<16xf32>
      %sub3A_336 = arith.subf %mul3A_334, %mul3A_335 : vector<16xf32>
      tpu.vector_store_idx %arg10[%gather3A], %sub3A_330 masked %lt3A_246 {add = true} : memref<15360xf32, #tpu.memory_space<vmem>>[vector<16xi32>], vector<16xf32>, vector<16xi1>
      %add3A_337 = arith.constant 5120 : i32
      %add3A_338 = vector.broadcast %add3A_337 : i32 to vector<16xi32>
      %add3A_339 = arith.addi %gather3A, %add3A_338 : vector<16xi32>
      tpu.vector_store_idx %arg10[%add3A_339], %sub3A_333 masked %lt3A_246 {add = true} : memref<15360xf32, #tpu.memory_space<vmem>>[vector<16xi32>], vector<16xf32>, vector<16xi1>
      %add3A_340 = arith.constant 10240 : i32
      %add3A_341 = vector.broadcast %add3A_340 : i32 to vector<16xi32>
      %add3A_342 = arith.addi %gather3A, %add3A_341 : vector<16xi32>
      tpu.vector_store_idx %arg10[%add3A_342], %sub3A_336 masked %lt3A_246 {add = true} : memref<15360xf32, #tpu.memory_space<vmem>>[vector<16xi32>], vector<16xf32>, vector<16xi1>
      tpu.vector_store_idx %arg10[%gather3A_255], %sub3A_330 masked %lt3A_246 {add = true} : memref<15360xf32, #tpu.memory_space<vmem>>[vector<16xi32>], vector<16xf32>, vector<16xi1>
      %add3A_343 = arith.constant 5120 : i32
      %add3A_344 = vector.broadcast %add3A_343 : i32 to vector<16xi32>
      %add3A_345 = arith.addi %gather3A_255, %add3A_344 : vector<16xi32>
      tpu.vector_store_idx %arg10[%add3A_345], %sub3A_333 masked %lt3A_246 {add = true} : memref<15360xf32, #tpu.memory_space<vmem>>[vector<16xi32>], vector<16xf32>, vector<16xi1>
      %add3A_346 = arith.constant 10240 : i32
      %add3A_347 = vector.broadcast %add3A_346 : i32 to vector<16xi32>
      %add3A_348 = arith.addi %gather3A_255, %add3A_347 : vector<16xi32>
      tpu.vector_store_idx %arg10[%add3A_348], %sub3A_336 masked %lt3A_246 {add = true} : memref<15360xf32, #tpu.memory_space<vmem>>[vector<16xi32>], vector<16xf32>, vector<16xi1>
      tpu.vector_store_idx %arg10[%gather3A_259], %sub3A_330 masked %lt3A_246 {add = true} : memref<15360xf32, #tpu.memory_space<vmem>>[vector<16xi32>], vector<16xf32>, vector<16xi1>
      %add3A_349 = arith.constant 5120 : i32
      %add3A_350 = vector.broadcast %add3A_349 : i32 to vector<16xi32>
      %add3A_351 = arith.addi %gather3A_259, %add3A_350 : vector<16xi32>
      tpu.vector_store_idx %arg10[%add3A_351], %sub3A_333 masked %lt3A_246 {add = true} : memref<15360xf32, #tpu.memory_space<vmem>>[vector<16xi32>], vector<16xf32>, vector<16xi1>
      %add3A_352 = arith.constant 10240 : i32
      %add3A_353 = vector.broadcast %add3A_352 : i32 to vector<16xi32>
      %add3A_354 = arith.addi %gather3A_259, %add3A_353 : vector<16xi32>
      tpu.vector_store_idx %arg10[%add3A_354], %sub3A_336 masked %lt3A_246 {add = true} : memref<15360xf32, #tpu.memory_space<vmem>>[vector<16xi32>], vector<16xf32>, vector<16xi1>
    }
    %scan3A_58 = arith.constant 20 : i32
    %run_scoped3A_59 = arith.constant 4 : i32
    "tpu.region"() ({
      %run_scoped3A_237 = tpu.sem_alloc : memref<!tpu.dma_semaphore, #tpu.memory_space<semaphore_mem>>
      %dma_start3A_238 = arith.constant 0 : i32
      %dma_start3A_239 = tpu.memref_slice %arg6[%run_scoped3A_59, %add3A, %dma_start3A_238] : memref<8x32x15360xf32, #tpu.memory_space<hbm>> -> memref<1x1x15360xf32, #tpu.memory_space<hbm>>
      %dma_start3A_240 = tpu.memref_squeeze %dma_start3A_239 : memref<1x1x15360xf32, #tpu.memory_space<hbm>> -> memref<15360xf32, #tpu.memory_space<hbm>>
      %dma_start3A_241 = arith.constant 0 : i32
      %dma_start3A_242 = tpu.memref_slice %arg6[%run_scoped3A_59, %add3A, %dma_start3A_241] : memref<8x32x15360xf32, #tpu.memory_space<hbm>> -> memref<1x1x15360xf32, #tpu.memory_space<hbm>>
      %dma_start3A_243 = tpu.memref_squeeze %dma_start3A_242 : memref<1x1x15360xf32, #tpu.memory_space<hbm>> -> memref<15360xf32, #tpu.memory_space<hbm>>
      tpu.enqueue_dma source(%arg10 : memref<15360xf32, #tpu.memory_space<vmem>>) target(%dma_start3A_243 : memref<15360xf32, #tpu.memory_space<hbm>>) target_semaphore(%run_scoped3A_237 : memref<!tpu.dma_semaphore, #tpu.memory_space<semaphore_mem>>)
      %dma_wait3A_244 = arith.constant 0 : i32
      %dma_wait3A_245 = tpu.memref_slice %arg6[%run_scoped3A_59, %add3A, %dma_wait3A_244] : memref<8x32x15360xf32, #tpu.memory_space<hbm>> -> memref<1x1x15360xf32, #tpu.memory_space<hbm>>
      %dma_wait3A_246 = tpu.memref_squeeze %dma_wait3A_245 : memref<1x1x15360xf32, #tpu.memory_space<hbm>> -> memref<15360xf32, #tpu.memory_space<hbm>>
      %dma_wait3A_247 = arith.constant 0 : i32
      %dma_wait3A_248 = tpu.memref_slice %arg6[%run_scoped3A_59, %add3A, %dma_wait3A_247] : memref<8x32x15360xf32, #tpu.memory_space<hbm>> -> memref<1x1x15360xf32, #tpu.memory_space<hbm>>
      %dma_wait3A_249 = tpu.memref_squeeze %dma_wait3A_248 : memref<1x1x15360xf32, #tpu.memory_space<hbm>> -> memref<15360xf32, #tpu.memory_space<hbm>>
      tpu.wait_dma2 semaphore(%run_scoped3A_237 : memref<!tpu.dma_semaphore, #tpu.memory_space<semaphore_mem>>) src(%arg10 : memref<15360xf32, #tpu.memory_space<vmem>>) dst(%dma_wait3A_249 : memref<15360xf32, #tpu.memory_space<hbm>>)
      tpu.yield
    }) : () -> ()
    %dma_start3A_60 = arith.constant 1 : i32
    %dma_start3A_61 = arith.constant 0 : i32
    %dma_start3A_62 = tpu.memref_slice %arg2[%dma_start3A_60, %dma_start3A_61] : memref<4x15000xf32, #tpu.memory_space<hbm>> -> memref<1x15000xf32, #tpu.memory_space<hbm>>
    %dma_start3A_63 = tpu.memref_squeeze %dma_start3A_62 : memref<1x15000xf32, #tpu.memory_space<hbm>> -> memref<15000xf32, #tpu.memory_space<hbm>>
    %dma_start3A_64 = arith.constant 0 : i32
    %dma_start3A_65 = tpu.memref_slice %arg2[%dma_start3A_60, %dma_start3A_64] : memref<4x15000xf32, #tpu.memory_space<hbm>> -> memref<1x15000xf32, #tpu.memory_space<hbm>>
    %dma_start3A_66 = tpu.memref_squeeze %dma_start3A_65 : memref<1x15000xf32, #tpu.memory_space<hbm>> -> memref<15000xf32, #tpu.memory_space<hbm>>
    tpu.enqueue_dma source(%dma_start3A_66 : memref<15000xf32, #tpu.memory_space<hbm>>) target(%arg7 : memref<15000xf32, #tpu.memory_space<vmem>>) target_semaphore(%arg11 : memref<!tpu.dma_semaphore, #tpu.memory_space<semaphore_mem>>)
    %scan3A_67 = arith.constant 0 : i32
    %scan3A_68 = arith.constant 0 : i32
    %scan3A_69 = arith.constant 960 : i32
    %scan3A_70 = arith.addi %scan3A_68, %scan3A_69 : i32
    %scan3A_71 = arith.constant 1 : i32
    scf.for %scan3A_237 = %scan3A_68 to %scan3A_70 step %scan3A_71  : i32 {
      %broadcast_in_dim3A = arith.constant 0.000000e+00 : f32
      %broadcast_in_dim3A_238 = vector.broadcast %broadcast_in_dim3A : f32 to vector<16xf32>
      %mul3A_239 = arith.constant 16 : i32
      %mul3A_240 = arith.muli %scan3A_237, %mul3A_239 : i32
      %swap3A = arith.index_cast %mul3A_240 : i32 to index
      %swap3A_241 = tpu.vector_load %arg10[%swap3A] {strides = array<i32>} : memref<15360xf32, #tpu.memory_space<vmem>>, vector<16xf32>,
      tpu.vector_store %arg10[%swap3A], %broadcast_in_dim3A_238 {strides = array<i32>} : memref<15360xf32, #tpu.memory_space<vmem>>, vector<16xf32>,
    }
    %scan3A_72 = arith.constant 960 : i32
    %dma_wait3A_73 = arith.constant 1 : i32
    %dma_wait3A_74 = arith.constant 0 : i32
    %dma_wait3A_75 = tpu.memref_slice %arg2[%dma_wait3A_73, %dma_wait3A_74] : memref<4x15000xf32, #tpu.memory_space<hbm>> -> memref<1x15000xf32, #tpu.memory_space<hbm>>
    %dma_wait3A_76 = tpu.memref_squeeze %dma_wait3A_75 : memref<1x15000xf32, #tpu.memory_space<hbm>> -> memref<15000xf32, #tpu.memory_space<hbm>>
    %dma_wait3A_77 = arith.constant 0 : i32
    %dma_wait3A_78 = tpu.memref_slice %arg2[%dma_wait3A_73, %dma_wait3A_77] : memref<4x15000xf32, #tpu.memory_space<hbm>> -> memref<1x15000xf32, #tpu.memory_space<hbm>>
    %dma_wait3A_79 = tpu.memref_squeeze %dma_wait3A_78 : memref<1x15000xf32, #tpu.memory_space<hbm>> -> memref<15000xf32, #tpu.memory_space<hbm>>
    tpu.wait_dma2 semaphore(%arg11 : memref<!tpu.dma_semaphore, #tpu.memory_space<semaphore_mem>>) src(%dma_wait3A_79 : memref<15000xf32, #tpu.memory_space<hbm>>) dst(%arg7 : memref<15000xf32, #tpu.memory_space<vmem>>)
    %scan3A_80 = arith.constant 0 : i32
    %scan3A_81 = arith.constant 0 : i32
    %scan3A_82 = arith.constant 20 : i32
    %scan3A_83 = arith.addi %scan3A_81, %scan3A_82 : i32
    %scan3A_84 = arith.constant 1 : i32
    scf.for %scan3A_237 = %scan3A_81 to %scan3A_83 step %scan3A_84  : i32 {
      %mul3A_238 = arith.constant 16 : i32
      %mul3A_239 = arith.muli %scan3A_237, %mul3A_238 : i32
      %mul3A_240 = arith.constant 320 : i32
      %mul3A_241 = arith.muli %add3A, %mul3A_240 : i32
      %add3A_242 = arith.addi %mul3A_241, %mul3A_239 : i32
      %add3A_243 = vector.broadcast %add3A_242 : i32 to vector<16xi32>
      %add3A_244 = arith.addi %add3A_243, %iota3A : vector<16xi32>
      %lt3A = arith.constant 10000 : i32
      %lt3A_245 = vector.broadcast %lt3A : i32 to vector<16xi32>
      %lt3A_246 = arith.cmpi slt, %add3A_244, %lt3A_245 : vector<16xi32>
      %add3A_247 = vector.broadcast %mul3A_239 : i32 to vector<16xi32>
      %add3A_248 = arith.addi %add3A_247, %iota3A : vector<16xi32>
      %mul3A_249 = arith.constant 3 : i32
      %mul3A_250 = vector.broadcast %mul3A_249 : i32 to vector<16xi32>
      %mul3A_251 = arith.muli %add3A_248, %mul3A_250 : vector<16xi32>
      %gather3A = tpu.vector_load_idx %arg8[%mul3A_251] : memref<960xi32, #tpu.memory_space<vmem>>[vector<16xi32>], vector<16xi32>,
      %add3A_252 = arith.constant 1 : i32
      %add3A_253 = vector.broadcast %add3A_252 : i32 to vector<16xi32>
      %add3A_254 = arith.addi %mul3A_251, %add3A_253 : vector<16xi32>
      %gather3A_255 = tpu.vector_load_idx %arg8[%add3A_254] : memref<960xi32, #tpu.memory_space<vmem>>[vector<16xi32>], vector<16xi32>,
      %add3A_256 = arith.constant 2 : i32
      %add3A_257 = vector.broadcast %add3A_256 : i32 to vector<16xi32>
      %add3A_258 = arith.addi %mul3A_251, %add3A_257 : vector<16xi32>
      %gather3A_259 = tpu.vector_load_idx %arg8[%add3A_258] : memref<960xi32, #tpu.memory_space<vmem>>[vector<16xi32>], vector<16xi32>,
      %mul3A_260 = arith.constant 3 : i32
      %mul3A_261 = vector.broadcast %mul3A_260 : i32 to vector<16xi32>
      %mul3A_262 = arith.muli %gather3A, %mul3A_261 : vector<16xi32>
      %add3A_263 = arith.constant 0 : i32
      %add3A_264 = vector.broadcast %add3A_263 : i32 to vector<16xi32>
      %add3A_265 = arith.addi %mul3A_262, %add3A_264 : vector<16xi32>
      %gather3A_266 = tpu.vector_load_idx %arg7[%add3A_265] : memref<15000xf32, #tpu.memory_space<vmem>>[vector<16xi32>], vector<16xf32>,
      %mul3A_267 = arith.constant 3 : i32
      %mul3A_268 = vector.broadcast %mul3A_267 : i32 to vector<16xi32>
      %mul3A_269 = arith.muli %gather3A, %mul3A_268 : vector<16xi32>
      %add3A_270 = arith.constant 1 : i32
      %add3A_271 = vector.broadcast %add3A_270 : i32 to vector<16xi32>
      %add3A_272 = arith.addi %mul3A_269, %add3A_271 : vector<16xi32>
      %gather3A_273 = tpu.vector_load_idx %arg7[%add3A_272] : memref<15000xf32, #tpu.memory_space<vmem>>[vector<16xi32>], vector<16xf32>,
      %mul3A_274 = arith.constant 3 : i32
      %mul3A_275 = vector.broadcast %mul3A_274 : i32 to vector<16xi32>
      %mul3A_276 = arith.muli %gather3A, %mul3A_275 : vector<16xi32>
      %add3A_277 = arith.constant 2 : i32
      %add3A_278 = vector.broadcast %add3A_277 : i32 to vector<16xi32>
      %add3A_279 = arith.addi %mul3A_276, %add3A_278 : vector<16xi32>
      %gather3A_280 = tpu.vector_load_idx %arg7[%add3A_279] : memref<15000xf32, #tpu.memory_space<vmem>>[vector<16xi32>], vector<16xf32>,
      %mul3A_281 = arith.constant 3 : i32
      %mul3A_282 = vector.broadcast %mul3A_281 : i32 to vector<16xi32>
      %mul3A_283 = arith.muli %gather3A_255, %mul3A_282 : vector<16xi32>
      %add3A_284 = arith.constant 0 : i32
      %add3A_285 = vector.broadcast %add3A_284 : i32 to vector<16xi32>
      %add3A_286 = arith.addi %mul3A_283, %add3A_285 : vector<16xi32>
      %gather3A_287 = tpu.vector_load_idx %arg7[%add3A_286] : memref<15000xf32, #tpu.memory_space<vmem>>[vector<16xi32>], vector<16xf32>,
      %sub3A = arith.subf %gather3A_287, %gather3A_266 : vector<16xf32>
      %mul3A_288 = arith.constant 3 : i32
      %mul3A_289 = vector.broadcast %mul3A_288 : i32 to vector<16xi32>
      %mul3A_290 = arith.muli %gather3A_255, %mul3A_289 : vector<16xi32>
      %add3A_291 = arith.constant 1 : i32
      %add3A_292 = vector.broadcast %add3A_291 : i32 to vector<16xi32>
      %add3A_293 = arith.addi %mul3A_290, %add3A_292 : vector<16xi32>
      %gather3A_294 = tpu.vector_load_idx %arg7[%add3A_293] : memref<15000xf32, #tpu.memory_space<vmem>>[vector<16xi32>], vector<16xf32>,
      %sub3A_295 = arith.subf %gather3A_294, %gather3A_273 : vector<16xf32>
      %mul3A_296 = arith.constant 3 : i32
      %mul3A_297 = vector.broadcast %mul3A_296 : i32 to vector<16xi32>
      %mul3A_298 = arith.muli %gather3A_255, %mul3A_297 : vector<16xi32>
      %add3A_299 = arith.constant 2 : i32
      %add3A_300 = vector.broadcast %add3A_299 : i32 to vector<16xi32>
      %add3A_301 = arith.addi %mul3A_298, %add3A_300 : vector<16xi32>
      %gather3A_302 = tpu.vector_load_idx %arg7[%add3A_301] : memref<15000xf32, #tpu.memory_space<vmem>>[vector<16xi32>], vector<16xf32>,
      %sub3A_303 = arith.subf %gather3A_302, %gather3A_280 : vector<16xf32>
      %mul3A_304 = arith.constant 3 : i32
      %mul3A_305 = vector.broadcast %mul3A_304 : i32 to vector<16xi32>
      %mul3A_306 = arith.muli %gather3A_259, %mul3A_305 : vector<16xi32>
      %add3A_307 = arith.constant 0 : i32
      %add3A_308 = vector.broadcast %add3A_307 : i32 to vector<16xi32>
      %add3A_309 = arith.addi %mul3A_306, %add3A_308 : vector<16xi32>
      %gather3A_310 = tpu.vector_load_idx %arg7[%add3A_309] : memref<15000xf32, #tpu.memory_space<vmem>>[vector<16xi32>], vector<16xf32>,
      %sub3A_311 = arith.subf %gather3A_310, %gather3A_266 : vector<16xf32>
      %mul3A_312 = arith.constant 3 : i32
      %mul3A_313 = vector.broadcast %mul3A_312 : i32 to vector<16xi32>
      %mul3A_314 = arith.muli %gather3A_259, %mul3A_313 : vector<16xi32>
      %add3A_315 = arith.constant 1 : i32
      %add3A_316 = vector.broadcast %add3A_315 : i32 to vector<16xi32>
      %add3A_317 = arith.addi %mul3A_314, %add3A_316 : vector<16xi32>
      %gather3A_318 = tpu.vector_load_idx %arg7[%add3A_317] : memref<15000xf32, #tpu.memory_space<vmem>>[vector<16xi32>], vector<16xf32>,
      %sub3A_319 = arith.subf %gather3A_318, %gather3A_273 : vector<16xf32>
      %mul3A_320 = arith.constant 3 : i32
      %mul3A_321 = vector.broadcast %mul3A_320 : i32 to vector<16xi32>
      %mul3A_322 = arith.muli %gather3A_259, %mul3A_321 : vector<16xi32>
      %add3A_323 = arith.constant 2 : i32
      %add3A_324 = vector.broadcast %add3A_323 : i32 to vector<16xi32>
      %add3A_325 = arith.addi %mul3A_322, %add3A_324 : vector<16xi32>
      %gather3A_326 = tpu.vector_load_idx %arg7[%add3A_325] : memref<15000xf32, #tpu.memory_space<vmem>>[vector<16xi32>], vector<16xf32>,
      %sub3A_327 = arith.subf %gather3A_326, %gather3A_280 : vector<16xf32>
      %mul3A_328 = arith.mulf %sub3A_295, %sub3A_327 : vector<16xf32>
      %mul3A_329 = arith.mulf %sub3A_303, %sub3A_319 : vector<16xf32>
      %sub3A_330 = arith.subf %mul3A_328, %mul3A_329 : vector<16xf32>
      %mul3A_331 = arith.mulf %sub3A_303, %sub3A_311 : vector<16xf32>
      %mul3A_332 = arith.mulf %sub3A, %sub3A_327 : vector<16xf32>
      %sub3A_333 = arith.subf %mul3A_331, %mul3A_332 : vector<16xf32>
      %mul3A_334 = arith.mulf %sub3A, %sub3A_319 : vector<16xf32>
      %mul3A_335 = arith.mulf %sub3A_295, %sub3A_311 : vector<16xf32>
      %sub3A_336 = arith.subf %mul3A_334, %mul3A_335 : vector<16xf32>
      tpu.vector_store_idx %arg10[%gather3A], %sub3A_330 masked %lt3A_246 {add = true} : memref<15360xf32, #tpu.memory_space<vmem>>[vector<16xi32>], vector<16xf32>, vector<16xi1>
      %add3A_337 = arith.constant 5120 : i32
      %add3A_338 = vector.broadcast %add3A_337 : i32 to vector<16xi32>
      %add3A_339 = arith.addi %gather3A, %add3A_338 : vector<16xi32>
      tpu.vector_store_idx %arg10[%add3A_339], %sub3A_333 masked %lt3A_246 {add = true} : memref<15360xf32, #tpu.memory_space<vmem>>[vector<16xi32>], vector<16xf32>, vector<16xi1>
      %add3A_340 = arith.constant 10240 : i32
      %add3A_341 = vector.broadcast %add3A_340 : i32 to vector<16xi32>
      %add3A_342 = arith.addi %gather3A, %add3A_341 : vector<16xi32>
      tpu.vector_store_idx %arg10[%add3A_342], %sub3A_336 masked %lt3A_246 {add = true} : memref<15360xf32, #tpu.memory_space<vmem>>[vector<16xi32>], vector<16xf32>, vector<16xi1>
      tpu.vector_store_idx %arg10[%gather3A_255], %sub3A_330 masked %lt3A_246 {add = true} : memref<15360xf32, #tpu.memory_space<vmem>>[vector<16xi32>], vector<16xf32>, vector<16xi1>
      %add3A_343 = arith.constant 5120 : i32
      %add3A_344 = vector.broadcast %add3A_343 : i32 to vector<16xi32>
      %add3A_345 = arith.addi %gather3A_255, %add3A_344 : vector<16xi32>
      tpu.vector_store_idx %arg10[%add3A_345], %sub3A_333 masked %lt3A_246 {add = true} : memref<15360xf32, #tpu.memory_space<vmem>>[vector<16xi32>], vector<16xf32>, vector<16xi1>
      %add3A_346 = arith.constant 10240 : i32
      %add3A_347 = vector.broadcast %add3A_346 : i32 to vector<16xi32>
      %add3A_348 = arith.addi %gather3A_255, %add3A_347 : vector<16xi32>
      tpu.vector_store_idx %arg10[%add3A_348], %sub3A_336 masked %lt3A_246 {add = true} : memref<15360xf32, #tpu.memory_space<vmem>>[vector<16xi32>], vector<16xf32>, vector<16xi1>
      tpu.vector_store_idx %arg10[%gather3A_259], %sub3A_330 masked %lt3A_246 {add = true} : memref<15360xf32, #tpu.memory_space<vmem>>[vector<16xi32>], vector<16xf32>, vector<16xi1>
      %add3A_349 = arith.constant 5120 : i32
      %add3A_350 = vector.broadcast %add3A_349 : i32 to vector<16xi32>
      %add3A_351 = arith.addi %gather3A_259, %add3A_350 : vector<16xi32>
      tpu.vector_store_idx %arg10[%add3A_351], %sub3A_333 masked %lt3A_246 {add = true} : memref<15360xf32, #tpu.memory_space<vmem>>[vector<16xi32>], vector<16xf32>, vector<16xi1>
      %add3A_352 = arith.constant 10240 : i32
      %add3A_353 = vector.broadcast %add3A_352 : i32 to vector<16xi32>
      %add3A_354 = arith.addi %gather3A_259, %add3A_353 : vector<16xi32>
      tpu.vector_store_idx %arg10[%add3A_354], %sub3A_336 masked %lt3A_246 {add = true} : memref<15360xf32, #tpu.memory_space<vmem>>[vector<16xi32>], vector<16xf32>, vector<16xi1>
    }
    %scan3A_85 = arith.constant 20 : i32
    %run_scoped3A_86 = arith.constant 1 : i32
    "tpu.region"() ({
      %run_scoped3A_237 = tpu.sem_alloc : memref<!tpu.dma_semaphore, #tpu.memory_space<semaphore_mem>>
      %dma_start3A_238 = arith.constant 0 : i32
      %dma_start3A_239 = tpu.memref_slice %arg6[%run_scoped3A_86, %add3A, %dma_start3A_238] : memref<8x32x15360xf32, #tpu.memory_space<hbm>> -> memref<1x1x15360xf32, #tpu.memory_space<hbm>>
      %dma_start3A_240 = tpu.memref_squeeze %dma_start3A_239 : memref<1x1x15360xf32, #tpu.memory_space<hbm>> -> memref<15360xf32, #tpu.memory_space<hbm>>
      %dma_start3A_241 = arith.constant 0 : i32
      %dma_start3A_242 = tpu.memref_slice %arg6[%run_scoped3A_86, %add3A, %dma_start3A_241] : memref<8x32x15360xf32, #tpu.memory_space<hbm>> -> memref<1x1x15360xf32, #tpu.memory_space<hbm>>
      %dma_start3A_243 = tpu.memref_squeeze %dma_start3A_242 : memref<1x1x15360xf32, #tpu.memory_space<hbm>> -> memref<15360xf32, #tpu.memory_space<hbm>>
      tpu.enqueue_dma source(%arg10 : memref<15360xf32, #tpu.memory_space<vmem>>) target(%dma_start3A_243 : memref<15360xf32, #tpu.memory_space<hbm>>) target_semaphore(%run_scoped3A_237 : memref<!tpu.dma_semaphore, #tpu.memory_space<semaphore_mem>>)
      %dma_wait3A_244 = arith.constant 0 : i32
      %dma_wait3A_245 = tpu.memref_slice %arg6[%run_scoped3A_86, %add3A, %dma_wait3A_244] : memref<8x32x15360xf32, #tpu.memory_space<hbm>> -> memref<1x1x15360xf32, #tpu.memory_space<hbm>>
      %dma_wait3A_246 = tpu.memref_squeeze %dma_wait3A_245 : memref<1x1x15360xf32, #tpu.memory_space<hbm>> -> memref<15360xf32, #tpu.memory_space<hbm>>
      %dma_wait3A_247 = arith.constant 0 : i32
      %dma_wait3A_248 = tpu.memref_slice %arg6[%run_scoped3A_86, %add3A, %dma_wait3A_247] : memref<8x32x15360xf32, #tpu.memory_space<hbm>> -> memref<1x1x15360xf32, #tpu.memory_space<hbm>>
      %dma_wait3A_249 = tpu.memref_squeeze %dma_wait3A_248 : memref<1x1x15360xf32, #tpu.memory_space<hbm>> -> memref<15360xf32, #tpu.memory_space<hbm>>
      tpu.wait_dma2 semaphore(%run_scoped3A_237 : memref<!tpu.dma_semaphore, #tpu.memory_space<semaphore_mem>>) src(%arg10 : memref<15360xf32, #tpu.memory_space<vmem>>) dst(%dma_wait3A_249 : memref<15360xf32, #tpu.memory_space<hbm>>)
      tpu.yield
    }) : () -> ()
    %mul3A_87 = arith.constant 320 : i32
    %mul3A_88 = arith.muli %add3A, %mul3A_87 : i32
    %mul3A_89 = arith.constant 3 : i32
    %mul3A_90 = arith.muli %mul3A_88, %mul3A_89 : i32
    %run_scoped3A_91 = arith.constant 1 : i32
    "tpu.region"() ({
      %run_scoped3A_237 = tpu.sem_alloc : memref<!tpu.dma_semaphore, #tpu.memory_space<semaphore_mem>>
      %dma_start3A_238 = tpu.memref_slice %arg5[%run_scoped3A_91, %mul3A_90] : memref<4x30720xi32, #tpu.memory_space<hbm>> -> memref<1x960xi32, #tpu.memory_space<hbm>>
      %dma_start3A_239 = tpu.memref_squeeze %dma_start3A_238 : memref<1x960xi32, #tpu.memory_space<hbm>> -> memref<960xi32, #tpu.memory_space<hbm>>
      %dma_start3A_240 = tpu.memref_slice %arg5[%run_scoped3A_91, %mul3A_90] : memref<4x30720xi32, #tpu.memory_space<hbm>> -> memref<1x960xi32, #tpu.memory_space<hbm>>
      %dma_start3A_241 = tpu.memref_squeeze %dma_start3A_240 : memref<1x960xi32, #tpu.memory_space<hbm>> -> memref<960xi32, #tpu.memory_space<hbm>>
      tpu.enqueue_dma source(%dma_start3A_241 : memref<960xi32, #tpu.memory_space<hbm>>) target(%arg9 : memref<960xi32, #tpu.memory_space<vmem>>) target_semaphore(%run_scoped3A_237 : memref<!tpu.dma_semaphore, #tpu.memory_space<semaphore_mem>>)
      %dma_wait3A_242 = tpu.memref_slice %arg5[%run_scoped3A_91, %mul3A_90] : memref<4x30720xi32, #tpu.memory_space<hbm>> -> memref<1x960xi32, #tpu.memory_space<hbm>>
      %dma_wait3A_243 = tpu.memref_squeeze %dma_wait3A_242 : memref<1x960xi32, #tpu.memory_space<hbm>> -> memref<960xi32, #tpu.memory_space<hbm>>
      %dma_wait3A_244 = tpu.memref_slice %arg5[%run_scoped3A_91, %mul3A_90] : memref<4x30720xi32, #tpu.memory_space<hbm>> -> memref<1x960xi32, #tpu.memory_space<hbm>>
      %dma_wait3A_245 = tpu.memref_squeeze %dma_wait3A_244 : memref<1x960xi32, #tpu.memory_space<hbm>> -> memref<960xi32, #tpu.memory_space<hbm>>
      tpu.wait_dma2 semaphore(%run_scoped3A_237 : memref<!tpu.dma_semaphore, #tpu.memory_space<semaphore_mem>>) src(%dma_wait3A_245 : memref<960xi32, #tpu.memory_space<hbm>>) dst(%arg9 : memref<960xi32, #tpu.memory_space<vmem>>)
      tpu.yield
    }) : () -> ()
    %dma_start3A_92 = arith.constant 1 : i32
    %dma_start3A_93 = arith.constant 0 : i32
    %dma_start3A_94 = tpu.memref_slice %arg3[%dma_start3A_92, %dma_start3A_93] : memref<4x15000xf32, #tpu.memory_space<hbm>> -> memref<1x15000xf32, #tpu.memory_space<hbm>>
    %dma_start3A_95 = tpu.memref_squeeze %dma_start3A_94 : memref<1x15000xf32, #tpu.memory_space<hbm>> -> memref<15000xf32, #tpu.memory_space<hbm>>
    %dma_start3A_96 = arith.constant 0 : i32
    %dma_start3A_97 = tpu.memref_slice %arg3[%dma_start3A_92, %dma_start3A_96] : memref<4x15000xf32, #tpu.memory_space<hbm>> -> memref<1x15000xf32, #tpu.memory_space<hbm>>
    %dma_start3A_98 = tpu.memref_squeeze %dma_start3A_97 : memref<1x15000xf32, #tpu.memory_space<hbm>> -> memref<15000xf32, #tpu.memory_space<hbm>>
    tpu.enqueue_dma source(%dma_start3A_98 : memref<15000xf32, #tpu.memory_space<hbm>>) target(%arg7 : memref<15000xf32, #tpu.memory_space<vmem>>) target_semaphore(%arg11 : memref<!tpu.dma_semaphore, #tpu.memory_space<semaphore_mem>>)
    %scan3A_99 = arith.constant 0 : i32
    %scan3A_100 = arith.constant 0 : i32
    %scan3A_101 = arith.constant 960 : i32
    %scan3A_102 = arith.addi %scan3A_100, %scan3A_101 : i32
    %scan3A_103 = arith.constant 1 : i32
    scf.for %scan3A_237 = %scan3A_100 to %scan3A_102 step %scan3A_103  : i32 {
      %broadcast_in_dim3A = arith.constant 0.000000e+00 : f32
      %broadcast_in_dim3A_238 = vector.broadcast %broadcast_in_dim3A : f32 to vector<16xf32>
      %mul3A_239 = arith.constant 16 : i32
      %mul3A_240 = arith.muli %scan3A_237, %mul3A_239 : i32
      %swap3A = arith.index_cast %mul3A_240 : i32 to index
      %swap3A_241 = tpu.vector_load %arg10[%swap3A] {strides = array<i32>} : memref<15360xf32, #tpu.memory_space<vmem>>, vector<16xf32>,
      tpu.vector_store %arg10[%swap3A], %broadcast_in_dim3A_238 {strides = array<i32>} : memref<15360xf32, #tpu.memory_space<vmem>>, vector<16xf32>,
    }
    %scan3A_104 = arith.constant 960 : i32
    %dma_wait3A_105 = arith.constant 1 : i32
    %dma_wait3A_106 = arith.constant 0 : i32
    %dma_wait3A_107 = tpu.memref_slice %arg3[%dma_wait3A_105, %dma_wait3A_106] : memref<4x15000xf32, #tpu.memory_space<hbm>> -> memref<1x15000xf32, #tpu.memory_space<hbm>>
    %dma_wait3A_108 = tpu.memref_squeeze %dma_wait3A_107 : memref<1x15000xf32, #tpu.memory_space<hbm>> -> memref<15000xf32, #tpu.memory_space<hbm>>
    %dma_wait3A_109 = arith.constant 0 : i32
    %dma_wait3A_110 = tpu.memref_slice %arg3[%dma_wait3A_105, %dma_wait3A_109] : memref<4x15000xf32, #tpu.memory_space<hbm>> -> memref<1x15000xf32, #tpu.memory_space<hbm>>
    %dma_wait3A_111 = tpu.memref_squeeze %dma_wait3A_110 : memref<1x15000xf32, #tpu.memory_space<hbm>> -> memref<15000xf32, #tpu.memory_space<hbm>>
    tpu.wait_dma2 semaphore(%arg11 : memref<!tpu.dma_semaphore, #tpu.memory_space<semaphore_mem>>) src(%dma_wait3A_111 : memref<15000xf32, #tpu.memory_space<hbm>>) dst(%arg7 : memref<15000xf32, #tpu.memory_space<vmem>>)
    %scan3A_112 = arith.constant 0 : i32
    %scan3A_113 = arith.constant 0 : i32
    %scan3A_114 = arith.constant 20 : i32
    %scan3A_115 = arith.addi %scan3A_113, %scan3A_114 : i32
    %scan3A_116 = arith.constant 1 : i32
    scf.for %scan3A_237 = %scan3A_113 to %scan3A_115 step %scan3A_116  : i32 {
      %mul3A_238 = arith.constant 16 : i32
      %mul3A_239 = arith.muli %scan3A_237, %mul3A_238 : i32
      %mul3A_240 = arith.constant 320 : i32
      %mul3A_241 = arith.muli %add3A, %mul3A_240 : i32
      %add3A_242 = arith.addi %mul3A_241, %mul3A_239 : i32
      %add3A_243 = vector.broadcast %add3A_242 : i32 to vector<16xi32>
      %add3A_244 = arith.addi %add3A_243, %iota3A : vector<16xi32>
      %lt3A = arith.constant 10000 : i32
      %lt3A_245 = vector.broadcast %lt3A : i32 to vector<16xi32>
      %lt3A_246 = arith.cmpi slt, %add3A_244, %lt3A_245 : vector<16xi32>
      %add3A_247 = vector.broadcast %mul3A_239 : i32 to vector<16xi32>
      %add3A_248 = arith.addi %add3A_247, %iota3A : vector<16xi32>
      %mul3A_249 = arith.constant 3 : i32
      %mul3A_250 = vector.broadcast %mul3A_249 : i32 to vector<16xi32>
      %mul3A_251 = arith.muli %add3A_248, %mul3A_250 : vector<16xi32>
      %gather3A = tpu.vector_load_idx %arg9[%mul3A_251] : memref<960xi32, #tpu.memory_space<vmem>>[vector<16xi32>], vector<16xi32>,
      %add3A_252 = arith.constant 1 : i32
      %add3A_253 = vector.broadcast %add3A_252 : i32 to vector<16xi32>
      %add3A_254 = arith.addi %mul3A_251, %add3A_253 : vector<16xi32>
      %gather3A_255 = tpu.vector_load_idx %arg9[%add3A_254] : memref<960xi32, #tpu.memory_space<vmem>>[vector<16xi32>], vector<16xi32>,
      %add3A_256 = arith.constant 2 : i32
      %add3A_257 = vector.broadcast %add3A_256 : i32 to vector<16xi32>
      %add3A_258 = arith.addi %mul3A_251, %add3A_257 : vector<16xi32>
      %gather3A_259 = tpu.vector_load_idx %arg9[%add3A_258] : memref<960xi32, #tpu.memory_space<vmem>>[vector<16xi32>], vector<16xi32>,
      %mul3A_260 = arith.constant 3 : i32
      %mul3A_261 = vector.broadcast %mul3A_260 : i32 to vector<16xi32>
      %mul3A_262 = arith.muli %gather3A, %mul3A_261 : vector<16xi32>
      %add3A_263 = arith.constant 0 : i32
      %add3A_264 = vector.broadcast %add3A_263 : i32 to vector<16xi32>
      %add3A_265 = arith.addi %mul3A_262, %add3A_264 : vector<16xi32>
      %gather3A_266 = tpu.vector_load_idx %arg7[%add3A_265] : memref<15000xf32, #tpu.memory_space<vmem>>[vector<16xi32>], vector<16xf32>,
      %mul3A_267 = arith.constant 3 : i32
      %mul3A_268 = vector.broadcast %mul3A_267 : i32 to vector<16xi32>
      %mul3A_269 = arith.muli %gather3A, %mul3A_268 : vector<16xi32>
      %add3A_270 = arith.constant 1 : i32
      %add3A_271 = vector.broadcast %add3A_270 : i32 to vector<16xi32>
      %add3A_272 = arith.addi %mul3A_269, %add3A_271 : vector<16xi32>
      %gather3A_273 = tpu.vector_load_idx %arg7[%add3A_272] : memref<15000xf32, #tpu.memory_space<vmem>>[vector<16xi32>], vector<16xf32>,
      %mul3A_274 = arith.constant 3 : i32
      %mul3A_275 = vector.broadcast %mul3A_274 : i32 to vector<16xi32>
      %mul3A_276 = arith.muli %gather3A, %mul3A_275 : vector<16xi32>
      %add3A_277 = arith.constant 2 : i32
      %add3A_278 = vector.broadcast %add3A_277 : i32 to vector<16xi32>
      %add3A_279 = arith.addi %mul3A_276, %add3A_278 : vector<16xi32>
      %gather3A_280 = tpu.vector_load_idx %arg7[%add3A_279] : memref<15000xf32, #tpu.memory_space<vmem>>[vector<16xi32>], vector<16xf32>,
      %mul3A_281 = arith.constant 3 : i32
      %mul3A_282 = vector.broadcast %mul3A_281 : i32 to vector<16xi32>
      %mul3A_283 = arith.muli %gather3A_255, %mul3A_282 : vector<16xi32>
      %add3A_284 = arith.constant 0 : i32
      %add3A_285 = vector.broadcast %add3A_284 : i32 to vector<16xi32>
      %add3A_286 = arith.addi %mul3A_283, %add3A_285 : vector<16xi32>
      %gather3A_287 = tpu.vector_load_idx %arg7[%add3A_286] : memref<15000xf32, #tpu.memory_space<vmem>>[vector<16xi32>], vector<16xf32>,
      %sub3A = arith.subf %gather3A_287, %gather3A_266 : vector<16xf32>
      %mul3A_288 = arith.constant 3 : i32
      %mul3A_289 = vector.broadcast %mul3A_288 : i32 to vector<16xi32>
      %mul3A_290 = arith.muli %gather3A_255, %mul3A_289 : vector<16xi32>
      %add3A_291 = arith.constant 1 : i32
      %add3A_292 = vector.broadcast %add3A_291 : i32 to vector<16xi32>
      %add3A_293 = arith.addi %mul3A_290, %add3A_292 : vector<16xi32>
      %gather3A_294 = tpu.vector_load_idx %arg7[%add3A_293] : memref<15000xf32, #tpu.memory_space<vmem>>[vector<16xi32>], vector<16xf32>,
      %sub3A_295 = arith.subf %gather3A_294, %gather3A_273 : vector<16xf32>
      %mul3A_296 = arith.constant 3 : i32
      %mul3A_297 = vector.broadcast %mul3A_296 : i32 to vector<16xi32>
      %mul3A_298 = arith.muli %gather3A_255, %mul3A_297 : vector<16xi32>
      %add3A_299 = arith.constant 2 : i32
      %add3A_300 = vector.broadcast %add3A_299 : i32 to vector<16xi32>
      %add3A_301 = arith.addi %mul3A_298, %add3A_300 : vector<16xi32>
      %gather3A_302 = tpu.vector_load_idx %arg7[%add3A_301] : memref<15000xf32, #tpu.memory_space<vmem>>[vector<16xi32>], vector<16xf32>,
      %sub3A_303 = arith.subf %gather3A_302, %gather3A_280 : vector<16xf32>
      %mul3A_304 = arith.constant 3 : i32
      %mul3A_305 = vector.broadcast %mul3A_304 : i32 to vector<16xi32>
      %mul3A_306 = arith.muli %gather3A_259, %mul3A_305 : vector<16xi32>
      %add3A_307 = arith.constant 0 : i32
      %add3A_308 = vector.broadcast %add3A_307 : i32 to vector<16xi32>
      %add3A_309 = arith.addi %mul3A_306, %add3A_308 : vector<16xi32>
      %gather3A_310 = tpu.vector_load_idx %arg7[%add3A_309] : memref<15000xf32, #tpu.memory_space<vmem>>[vector<16xi32>], vector<16xf32>,
      %sub3A_311 = arith.subf %gather3A_310, %gather3A_266 : vector<16xf32>
      %mul3A_312 = arith.constant 3 : i32
      %mul3A_313 = vector.broadcast %mul3A_312 : i32 to vector<16xi32>
      %mul3A_314 = arith.muli %gather3A_259, %mul3A_313 : vector<16xi32>
      %add3A_315 = arith.constant 1 : i32
      %add3A_316 = vector.broadcast %add3A_315 : i32 to vector<16xi32>
      %add3A_317 = arith.addi %mul3A_314, %add3A_316 : vector<16xi32>
      %gather3A_318 = tpu.vector_load_idx %arg7[%add3A_317] : memref<15000xf32, #tpu.memory_space<vmem>>[vector<16xi32>], vector<16xf32>,
      %sub3A_319 = arith.subf %gather3A_318, %gather3A_273 : vector<16xf32>
      %mul3A_320 = arith.constant 3 : i32
      %mul3A_321 = vector.broadcast %mul3A_320 : i32 to vector<16xi32>
      %mul3A_322 = arith.muli %gather3A_259, %mul3A_321 : vector<16xi32>
      %add3A_323 = arith.constant 2 : i32
      %add3A_324 = vector.broadcast %add3A_323 : i32 to vector<16xi32>
      %add3A_325 = arith.addi %mul3A_322, %add3A_324 : vector<16xi32>
      %gather3A_326 = tpu.vector_load_idx %arg7[%add3A_325] : memref<15000xf32, #tpu.memory_space<vmem>>[vector<16xi32>], vector<16xf32>,
      %sub3A_327 = arith.subf %gather3A_326, %gather3A_280 : vector<16xf32>
      %mul3A_328 = arith.mulf %sub3A_295, %sub3A_327 : vector<16xf32>
      %mul3A_329 = arith.mulf %sub3A_303, %sub3A_319 : vector<16xf32>
      %sub3A_330 = arith.subf %mul3A_328, %mul3A_329 : vector<16xf32>
      %mul3A_331 = arith.mulf %sub3A_303, %sub3A_311 : vector<16xf32>
      %mul3A_332 = arith.mulf %sub3A, %sub3A_327 : vector<16xf32>
      %sub3A_333 = arith.subf %mul3A_331, %mul3A_332 : vector<16xf32>
      %mul3A_334 = arith.mulf %sub3A, %sub3A_319 : vector<16xf32>
      %mul3A_335 = arith.mulf %sub3A_295, %sub3A_311 : vector<16xf32>
      %sub3A_336 = arith.subf %mul3A_334, %mul3A_335 : vector<16xf32>
      tpu.vector_store_idx %arg10[%gather3A], %sub3A_330 masked %lt3A_246 {add = true} : memref<15360xf32, #tpu.memory_space<vmem>>[vector<16xi32>], vector<16xf32>, vector<16xi1>
      %add3A_337 = arith.constant 5120 : i32
      %add3A_338 = vector.broadcast %add3A_337 : i32 to vector<16xi32>
      %add3A_339 = arith.addi %gather3A, %add3A_338 : vector<16xi32>
      tpu.vector_store_idx %arg10[%add3A_339], %sub3A_333 masked %lt3A_246 {add = true} : memref<15360xf32, #tpu.memory_space<vmem>>[vector<16xi32>], vector<16xf32>, vector<16xi1>
      %add3A_340 = arith.constant 10240 : i32
      %add3A_341 = vector.broadcast %add3A_340 : i32 to vector<16xi32>
      %add3A_342 = arith.addi %gather3A, %add3A_341 : vector<16xi32>
      tpu.vector_store_idx %arg10[%add3A_342], %sub3A_336 masked %lt3A_246 {add = true} : memref<15360xf32, #tpu.memory_space<vmem>>[vector<16xi32>], vector<16xf32>, vector<16xi1>
      tpu.vector_store_idx %arg10[%gather3A_255], %sub3A_330 masked %lt3A_246 {add = true} : memref<15360xf32, #tpu.memory_space<vmem>>[vector<16xi32>], vector<16xf32>, vector<16xi1>
      %add3A_343 = arith.constant 5120 : i32
      %add3A_344 = vector.broadcast %add3A_343 : i32 to vector<16xi32>
      %add3A_345 = arith.addi %gather3A_255, %add3A_344 : vector<16xi32>
      tpu.vector_store_idx %arg10[%add3A_345], %sub3A_333 masked %lt3A_246 {add = true} : memref<15360xf32, #tpu.memory_space<vmem>>[vector<16xi32>], vector<16xf32>, vector<16xi1>
      %add3A_346 = arith.constant 10240 : i32
      %add3A_347 = vector.broadcast %add3A_346 : i32 to vector<16xi32>
      %add3A_348 = arith.addi %gather3A_255, %add3A_347 : vector<16xi32>
      tpu.vector_store_idx %arg10[%add3A_348], %sub3A_336 masked %lt3A_246 {add = true} : memref<15360xf32, #tpu.memory_space<vmem>>[vector<16xi32>], vector<16xf32>, vector<16xi1>
      tpu.vector_store_idx %arg10[%gather3A_259], %sub3A_330 masked %lt3A_246 {add = true} : memref<15360xf32, #tpu.memory_space<vmem>>[vector<16xi32>], vector<16xf32>, vector<16xi1>
      %add3A_349 = arith.constant 5120 : i32
      %add3A_350 = vector.broadcast %add3A_349 : i32 to vector<16xi32>
      %add3A_351 = arith.addi %gather3A_259, %add3A_350 : vector<16xi32>
      tpu.vector_store_idx %arg10[%add3A_351], %sub3A_333 masked %lt3A_246 {add = true} : memref<15360xf32, #tpu.memory_space<vmem>>[vector<16xi32>], vector<16xf32>, vector<16xi1>
      %add3A_352 = arith.constant 10240 : i32
      %add3A_353 = vector.broadcast %add3A_352 : i32 to vector<16xi32>
      %add3A_354 = arith.addi %gather3A_259, %add3A_353 : vector<16xi32>
      tpu.vector_store_idx %arg10[%add3A_354], %sub3A_336 masked %lt3A_246 {add = true} : memref<15360xf32, #tpu.memory_space<vmem>>[vector<16xi32>], vector<16xf32>, vector<16xi1>
    }
    %scan3A_117 = arith.constant 20 : i32
    %run_scoped3A_118 = arith.constant 5 : i32
    "tpu.region"() ({
      %run_scoped3A_237 = tpu.sem_alloc : memref<!tpu.dma_semaphore, #tpu.memory_space<semaphore_mem>>
      %dma_start3A_238 = arith.constant 0 : i32
      %dma_start3A_239 = tpu.memref_slice %arg6[%run_scoped3A_118, %add3A, %dma_start3A_238] : memref<8x32x15360xf32, #tpu.memory_space<hbm>> -> memref<1x1x15360xf32, #tpu.memory_space<hbm>>
      %dma_start3A_240 = tpu.memref_squeeze %dma_start3A_239 : memref<1x1x15360xf32, #tpu.memory_space<hbm>> -> memref<15360xf32, #tpu.memory_space<hbm>>
      %dma_start3A_241 = arith.constant 0 : i32
      %dma_start3A_242 = tpu.memref_slice %arg6[%run_scoped3A_118, %add3A, %dma_start3A_241] : memref<8x32x15360xf32, #tpu.memory_space<hbm>> -> memref<1x1x15360xf32, #tpu.memory_space<hbm>>
      %dma_start3A_243 = tpu.memref_squeeze %dma_start3A_242 : memref<1x1x15360xf32, #tpu.memory_space<hbm>> -> memref<15360xf32, #tpu.memory_space<hbm>>
      tpu.enqueue_dma source(%arg10 : memref<15360xf32, #tpu.memory_space<vmem>>) target(%dma_start3A_243 : memref<15360xf32, #tpu.memory_space<hbm>>) target_semaphore(%run_scoped3A_237 : memref<!tpu.dma_semaphore, #tpu.memory_space<semaphore_mem>>)
      %dma_wait3A_244 = arith.constant 0 : i32
      %dma_wait3A_245 = tpu.memref_slice %arg6[%run_scoped3A_118, %add3A, %dma_wait3A_244] : memref<8x32x15360xf32, #tpu.memory_space<hbm>> -> memref<1x1x15360xf32, #tpu.memory_space<hbm>>
      %dma_wait3A_246 = tpu.memref_squeeze %dma_wait3A_245 : memref<1x1x15360xf32, #tpu.memory_space<hbm>> -> memref<15360xf32, #tpu.memory_space<hbm>>
      %dma_wait3A_247 = arith.constant 0 : i32
      %dma_wait3A_248 = tpu.memref_slice %arg6[%run_scoped3A_118, %add3A, %dma_wait3A_247] : memref<8x32x15360xf32, #tpu.memory_space<hbm>> -> memref<1x1x15360xf32, #tpu.memory_space<hbm>>
      %dma_wait3A_249 = tpu.memref_squeeze %dma_wait3A_248 : memref<1x1x15360xf32, #tpu.memory_space<hbm>> -> memref<15360xf32, #tpu.memory_space<hbm>>
      tpu.wait_dma2 semaphore(%run_scoped3A_237 : memref<!tpu.dma_semaphore, #tpu.memory_space<semaphore_mem>>) src(%arg10 : memref<15360xf32, #tpu.memory_space<vmem>>) dst(%dma_wait3A_249 : memref<15360xf32, #tpu.memory_space<hbm>>)
      tpu.yield
    }) : () -> ()
    %dma_start3A_119 = arith.constant 2 : i32
    %dma_start3A_120 = arith.constant 0 : i32
    %dma_start3A_121 = tpu.memref_slice %arg2[%dma_start3A_119, %dma_start3A_120] : memref<4x15000xf32, #tpu.memory_space<hbm>> -> memref<1x15000xf32, #tpu.memory_space<hbm>>
    %dma_start3A_122 = tpu.memref_squeeze %dma_start3A_121 : memref<1x15000xf32, #tpu.memory_space<hbm>> -> memref<15000xf32, #tpu.memory_space<hbm>>
    %dma_start3A_123 = arith.constant 0 : i32
    %dma_start3A_124 = tpu.memref_slice %arg2[%dma_start3A_119, %dma_start3A_123] : memref<4x15000xf32, #tpu.memory_space<hbm>> -> memref<1x15000xf32, #tpu.memory_space<hbm>>
    %dma_start3A_125 = tpu.memref_squeeze %dma_start3A_124 : memref<1x15000xf32, #tpu.memory_space<hbm>> -> memref<15000xf32, #tpu.memory_space<hbm>>
    tpu.enqueue_dma source(%dma_start3A_125 : memref<15000xf32, #tpu.memory_space<hbm>>) target(%arg7 : memref<15000xf32, #tpu.memory_space<vmem>>) target_semaphore(%arg11 : memref<!tpu.dma_semaphore, #tpu.memory_space<semaphore_mem>>)
    %scan3A_126 = arith.constant 0 : i32
    %scan3A_127 = arith.constant 0 : i32
    %scan3A_128 = arith.constant 960 : i32
    %scan3A_129 = arith.addi %scan3A_127, %scan3A_128 : i32
    %scan3A_130 = arith.constant 1 : i32
    scf.for %scan3A_237 = %scan3A_127 to %scan3A_129 step %scan3A_130  : i32 {
      %broadcast_in_dim3A = arith.constant 0.000000e+00 : f32
      %broadcast_in_dim3A_238 = vector.broadcast %broadcast_in_dim3A : f32 to vector<16xf32>
      %mul3A_239 = arith.constant 16 : i32
      %mul3A_240 = arith.muli %scan3A_237, %mul3A_239 : i32
      %swap3A = arith.index_cast %mul3A_240 : i32 to index
      %swap3A_241 = tpu.vector_load %arg10[%swap3A] {strides = array<i32>} : memref<15360xf32, #tpu.memory_space<vmem>>, vector<16xf32>,
      tpu.vector_store %arg10[%swap3A], %broadcast_in_dim3A_238 {strides = array<i32>} : memref<15360xf32, #tpu.memory_space<vmem>>, vector<16xf32>,
    }
    %scan3A_131 = arith.constant 960 : i32
    %dma_wait3A_132 = arith.constant 2 : i32
    %dma_wait3A_133 = arith.constant 0 : i32
    %dma_wait3A_134 = tpu.memref_slice %arg2[%dma_wait3A_132, %dma_wait3A_133] : memref<4x15000xf32, #tpu.memory_space<hbm>> -> memref<1x15000xf32, #tpu.memory_space<hbm>>
    %dma_wait3A_135 = tpu.memref_squeeze %dma_wait3A_134 : memref<1x15000xf32, #tpu.memory_space<hbm>> -> memref<15000xf32, #tpu.memory_space<hbm>>
    %dma_wait3A_136 = arith.constant 0 : i32
    %dma_wait3A_137 = tpu.memref_slice %arg2[%dma_wait3A_132, %dma_wait3A_136] : memref<4x15000xf32, #tpu.memory_space<hbm>> -> memref<1x15000xf32, #tpu.memory_space<hbm>>
    %dma_wait3A_138 = tpu.memref_squeeze %dma_wait3A_137 : memref<1x15000xf32, #tpu.memory_space<hbm>> -> memref<15000xf32, #tpu.memory_space<hbm>>
    tpu.wait_dma2 semaphore(%arg11 : memref<!tpu.dma_semaphore, #tpu.memory_space<semaphore_mem>>) src(%dma_wait3A_138 : memref<15000xf32, #tpu.memory_space<hbm>>) dst(%arg7 : memref<15000xf32, #tpu.memory_space<vmem>>)
    %scan3A_139 = arith.constant 0 : i32
    %scan3A_140 = arith.constant 0 : i32
    %scan3A_141 = arith.constant 20 : i32
    %scan3A_142 = arith.addi %scan3A_140, %scan3A_141 : i32
    %scan3A_143 = arith.constant 1 : i32
    scf.for %scan3A_237 = %scan3A_140 to %scan3A_142 step %scan3A_143  : i32 {
      %mul3A_238 = arith.constant 16 : i32
      %mul3A_239 = arith.muli %scan3A_237, %mul3A_238 : i32
      %mul3A_240 = arith.constant 320 : i32
      %mul3A_241 = arith.muli %add3A, %mul3A_240 : i32
      %add3A_242 = arith.addi %mul3A_241, %mul3A_239 : i32
      %add3A_243 = vector.broadcast %add3A_242 : i32 to vector<16xi32>
      %add3A_244 = arith.addi %add3A_243, %iota3A : vector<16xi32>
      %lt3A = arith.constant 10000 : i32
      %lt3A_245 = vector.broadcast %lt3A : i32 to vector<16xi32>
      %lt3A_246 = arith.cmpi slt, %add3A_244, %lt3A_245 : vector<16xi32>
      %add3A_247 = vector.broadcast %mul3A_239 : i32 to vector<16xi32>
      %add3A_248 = arith.addi %add3A_247, %iota3A : vector<16xi32>
      %mul3A_249 = arith.constant 3 : i32
      %mul3A_250 = vector.broadcast %mul3A_249 : i32 to vector<16xi32>
      %mul3A_251 = arith.muli %add3A_248, %mul3A_250 : vector<16xi32>
      %gather3A = tpu.vector_load_idx %arg8[%mul3A_251] : memref<960xi32, #tpu.memory_space<vmem>>[vector<16xi32>], vector<16xi32>,
      %add3A_252 = arith.constant 1 : i32
      %add3A_253 = vector.broadcast %add3A_252 : i32 to vector<16xi32>
      %add3A_254 = arith.addi %mul3A_251, %add3A_253 : vector<16xi32>
      %gather3A_255 = tpu.vector_load_idx %arg8[%add3A_254] : memref<960xi32, #tpu.memory_space<vmem>>[vector<16xi32>], vector<16xi32>,
      %add3A_256 = arith.constant 2 : i32
      %add3A_257 = vector.broadcast %add3A_256 : i32 to vector<16xi32>
      %add3A_258 = arith.addi %mul3A_251, %add3A_257 : vector<16xi32>
      %gather3A_259 = tpu.vector_load_idx %arg8[%add3A_258] : memref<960xi32, #tpu.memory_space<vmem>>[vector<16xi32>], vector<16xi32>,
      %mul3A_260 = arith.constant 3 : i32
      %mul3A_261 = vector.broadcast %mul3A_260 : i32 to vector<16xi32>
      %mul3A_262 = arith.muli %gather3A, %mul3A_261 : vector<16xi32>
      %add3A_263 = arith.constant 0 : i32
      %add3A_264 = vector.broadcast %add3A_263 : i32 to vector<16xi32>
      %add3A_265 = arith.addi %mul3A_262, %add3A_264 : vector<16xi32>
      %gather3A_266 = tpu.vector_load_idx %arg7[%add3A_265] : memref<15000xf32, #tpu.memory_space<vmem>>[vector<16xi32>], vector<16xf32>,
      %mul3A_267 = arith.constant 3 : i32
      %mul3A_268 = vector.broadcast %mul3A_267 : i32 to vector<16xi32>
      %mul3A_269 = arith.muli %gather3A, %mul3A_268 : vector<16xi32>
      %add3A_270 = arith.constant 1 : i32
      %add3A_271 = vector.broadcast %add3A_270 : i32 to vector<16xi32>
      %add3A_272 = arith.addi %mul3A_269, %add3A_271 : vector<16xi32>
      %gather3A_273 = tpu.vector_load_idx %arg7[%add3A_272] : memref<15000xf32, #tpu.memory_space<vmem>>[vector<16xi32>], vector<16xf32>,
      %mul3A_274 = arith.constant 3 : i32
      %mul3A_275 = vector.broadcast %mul3A_274 : i32 to vector<16xi32>
      %mul3A_276 = arith.muli %gather3A, %mul3A_275 : vector<16xi32>
      %add3A_277 = arith.constant 2 : i32
      %add3A_278 = vector.broadcast %add3A_277 : i32 to vector<16xi32>
      %add3A_279 = arith.addi %mul3A_276, %add3A_278 : vector<16xi32>
      %gather3A_280 = tpu.vector_load_idx %arg7[%add3A_279] : memref<15000xf32, #tpu.memory_space<vmem>>[vector<16xi32>], vector<16xf32>,
      %mul3A_281 = arith.constant 3 : i32
      %mul3A_282 = vector.broadcast %mul3A_281 : i32 to vector<16xi32>
      %mul3A_283 = arith.muli %gather3A_255, %mul3A_282 : vector<16xi32>
      %add3A_284 = arith.constant 0 : i32
      %add3A_285 = vector.broadcast %add3A_284 : i32 to vector<16xi32>
      %add3A_286 = arith.addi %mul3A_283, %add3A_285 : vector<16xi32>
      %gather3A_287 = tpu.vector_load_idx %arg7[%add3A_286] : memref<15000xf32, #tpu.memory_space<vmem>>[vector<16xi32>], vector<16xf32>,
      %sub3A = arith.subf %gather3A_287, %gather3A_266 : vector<16xf32>
      %mul3A_288 = arith.constant 3 : i32
      %mul3A_289 = vector.broadcast %mul3A_288 : i32 to vector<16xi32>
      %mul3A_290 = arith.muli %gather3A_255, %mul3A_289 : vector<16xi32>
      %add3A_291 = arith.constant 1 : i32
      %add3A_292 = vector.broadcast %add3A_291 : i32 to vector<16xi32>
      %add3A_293 = arith.addi %mul3A_290, %add3A_292 : vector<16xi32>
      %gather3A_294 = tpu.vector_load_idx %arg7[%add3A_293] : memref<15000xf32, #tpu.memory_space<vmem>>[vector<16xi32>], vector<16xf32>,
      %sub3A_295 = arith.subf %gather3A_294, %gather3A_273 : vector<16xf32>
      %mul3A_296 = arith.constant 3 : i32
      %mul3A_297 = vector.broadcast %mul3A_296 : i32 to vector<16xi32>
      %mul3A_298 = arith.muli %gather3A_255, %mul3A_297 : vector<16xi32>
      %add3A_299 = arith.constant 2 : i32
      %add3A_300 = vector.broadcast %add3A_299 : i32 to vector<16xi32>
      %add3A_301 = arith.addi %mul3A_298, %add3A_300 : vector<16xi32>
      %gather3A_302 = tpu.vector_load_idx %arg7[%add3A_301] : memref<15000xf32, #tpu.memory_space<vmem>>[vector<16xi32>], vector<16xf32>,
      %sub3A_303 = arith.subf %gather3A_302, %gather3A_280 : vector<16xf32>
      %mul3A_304 = arith.constant 3 : i32
      %mul3A_305 = vector.broadcast %mul3A_304 : i32 to vector<16xi32>
      %mul3A_306 = arith.muli %gather3A_259, %mul3A_305 : vector<16xi32>
      %add3A_307 = arith.constant 0 : i32
      %add3A_308 = vector.broadcast %add3A_307 : i32 to vector<16xi32>
      %add3A_309 = arith.addi %mul3A_306, %add3A_308 : vector<16xi32>
      %gather3A_310 = tpu.vector_load_idx %arg7[%add3A_309] : memref<15000xf32, #tpu.memory_space<vmem>>[vector<16xi32>], vector<16xf32>,
      %sub3A_311 = arith.subf %gather3A_310, %gather3A_266 : vector<16xf32>
      %mul3A_312 = arith.constant 3 : i32
      %mul3A_313 = vector.broadcast %mul3A_312 : i32 to vector<16xi32>
      %mul3A_314 = arith.muli %gather3A_259, %mul3A_313 : vector<16xi32>
      %add3A_315 = arith.constant 1 : i32
      %add3A_316 = vector.broadcast %add3A_315 : i32 to vector<16xi32>
      %add3A_317 = arith.addi %mul3A_314, %add3A_316 : vector<16xi32>
      %gather3A_318 = tpu.vector_load_idx %arg7[%add3A_317] : memref<15000xf32, #tpu.memory_space<vmem>>[vector<16xi32>], vector<16xf32>,
      %sub3A_319 = arith.subf %gather3A_318, %gather3A_273 : vector<16xf32>
      %mul3A_320 = arith.constant 3 : i32
      %mul3A_321 = vector.broadcast %mul3A_320 : i32 to vector<16xi32>
      %mul3A_322 = arith.muli %gather3A_259, %mul3A_321 : vector<16xi32>
      %add3A_323 = arith.constant 2 : i32
      %add3A_324 = vector.broadcast %add3A_323 : i32 to vector<16xi32>
      %add3A_325 = arith.addi %mul3A_322, %add3A_324 : vector<16xi32>
      %gather3A_326 = tpu.vector_load_idx %arg7[%add3A_325] : memref<15000xf32, #tpu.memory_space<vmem>>[vector<16xi32>], vector<16xf32>,
      %sub3A_327 = arith.subf %gather3A_326, %gather3A_280 : vector<16xf32>
      %mul3A_328 = arith.mulf %sub3A_295, %sub3A_327 : vector<16xf32>
      %mul3A_329 = arith.mulf %sub3A_303, %sub3A_319 : vector<16xf32>
      %sub3A_330 = arith.subf %mul3A_328, %mul3A_329 : vector<16xf32>
      %mul3A_331 = arith.mulf %sub3A_303, %sub3A_311 : vector<16xf32>
      %mul3A_332 = arith.mulf %sub3A, %sub3A_327 : vector<16xf32>
      %sub3A_333 = arith.subf %mul3A_331, %mul3A_332 : vector<16xf32>
      %mul3A_334 = arith.mulf %sub3A, %sub3A_319 : vector<16xf32>
      %mul3A_335 = arith.mulf %sub3A_295, %sub3A_311 : vector<16xf32>
      %sub3A_336 = arith.subf %mul3A_334, %mul3A_335 : vector<16xf32>
      tpu.vector_store_idx %arg10[%gather3A], %sub3A_330 masked %lt3A_246 {add = true} : memref<15360xf32, #tpu.memory_space<vmem>>[vector<16xi32>], vector<16xf32>, vector<16xi1>
      %add3A_337 = arith.constant 5120 : i32
      %add3A_338 = vector.broadcast %add3A_337 : i32 to vector<16xi32>
      %add3A_339 = arith.addi %gather3A, %add3A_338 : vector<16xi32>
      tpu.vector_store_idx %arg10[%add3A_339], %sub3A_333 masked %lt3A_246 {add = true} : memref<15360xf32, #tpu.memory_space<vmem>>[vector<16xi32>], vector<16xf32>, vector<16xi1>
      %add3A_340 = arith.constant 10240 : i32
      %add3A_341 = vector.broadcast %add3A_340 : i32 to vector<16xi32>
      %add3A_342 = arith.addi %gather3A, %add3A_341 : vector<16xi32>
      tpu.vector_store_idx %arg10[%add3A_342], %sub3A_336 masked %lt3A_246 {add = true} : memref<15360xf32, #tpu.memory_space<vmem>>[vector<16xi32>], vector<16xf32>, vector<16xi1>
      tpu.vector_store_idx %arg10[%gather3A_255], %sub3A_330 masked %lt3A_246 {add = true} : memref<15360xf32, #tpu.memory_space<vmem>>[vector<16xi32>], vector<16xf32>, vector<16xi1>
      %add3A_343 = arith.constant 5120 : i32
      %add3A_344 = vector.broadcast %add3A_343 : i32 to vector<16xi32>
      %add3A_345 = arith.addi %gather3A_255, %add3A_344 : vector<16xi32>
      tpu.vector_store_idx %arg10[%add3A_345], %sub3A_333 masked %lt3A_246 {add = true} : memref<15360xf32, #tpu.memory_space<vmem>>[vector<16xi32>], vector<16xf32>, vector<16xi1>
      %add3A_346 = arith.constant 10240 : i32
      %add3A_347 = vector.broadcast %add3A_346 : i32 to vector<16xi32>
      %add3A_348 = arith.addi %gather3A_255, %add3A_347 : vector<16xi32>
      tpu.vector_store_idx %arg10[%add3A_348], %sub3A_336 masked %lt3A_246 {add = true} : memref<15360xf32, #tpu.memory_space<vmem>>[vector<16xi32>], vector<16xf32>, vector<16xi1>
      tpu.vector_store_idx %arg10[%gather3A_259], %sub3A_330 masked %lt3A_246 {add = true} : memref<15360xf32, #tpu.memory_space<vmem>>[vector<16xi32>], vector<16xf32>, vector<16xi1>
      %add3A_349 = arith.constant 5120 : i32
      %add3A_350 = vector.broadcast %add3A_349 : i32 to vector<16xi32>
      %add3A_351 = arith.addi %gather3A_259, %add3A_350 : vector<16xi32>
      tpu.vector_store_idx %arg10[%add3A_351], %sub3A_333 masked %lt3A_246 {add = true} : memref<15360xf32, #tpu.memory_space<vmem>>[vector<16xi32>], vector<16xf32>, vector<16xi1>
      %add3A_352 = arith.constant 10240 : i32
      %add3A_353 = vector.broadcast %add3A_352 : i32 to vector<16xi32>
      %add3A_354 = arith.addi %gather3A_259, %add3A_353 : vector<16xi32>
      tpu.vector_store_idx %arg10[%add3A_354], %sub3A_336 masked %lt3A_246 {add = true} : memref<15360xf32, #tpu.memory_space<vmem>>[vector<16xi32>], vector<16xf32>, vector<16xi1>
    }
    %scan3A_144 = arith.constant 20 : i32
    %run_scoped3A_145 = arith.constant 2 : i32
    "tpu.region"() ({
      %run_scoped3A_237 = tpu.sem_alloc : memref<!tpu.dma_semaphore, #tpu.memory_space<semaphore_mem>>
      %dma_start3A_238 = arith.constant 0 : i32
      %dma_start3A_239 = tpu.memref_slice %arg6[%run_scoped3A_145, %add3A, %dma_start3A_238] : memref<8x32x15360xf32, #tpu.memory_space<hbm>> -> memref<1x1x15360xf32, #tpu.memory_space<hbm>>
      %dma_start3A_240 = tpu.memref_squeeze %dma_start3A_239 : memref<1x1x15360xf32, #tpu.memory_space<hbm>> -> memref<15360xf32, #tpu.memory_space<hbm>>
      %dma_start3A_241 = arith.constant 0 : i32
      %dma_start3A_242 = tpu.memref_slice %arg6[%run_scoped3A_145, %add3A, %dma_start3A_241] : memref<8x32x15360xf32, #tpu.memory_space<hbm>> -> memref<1x1x15360xf32, #tpu.memory_space<hbm>>
      %dma_start3A_243 = tpu.memref_squeeze %dma_start3A_242 : memref<1x1x15360xf32, #tpu.memory_space<hbm>> -> memref<15360xf32, #tpu.memory_space<hbm>>
      tpu.enqueue_dma source(%arg10 : memref<15360xf32, #tpu.memory_space<vmem>>) target(%dma_start3A_243 : memref<15360xf32, #tpu.memory_space<hbm>>) target_semaphore(%run_scoped3A_237 : memref<!tpu.dma_semaphore, #tpu.memory_space<semaphore_mem>>)
      %dma_wait3A_244 = arith.constant 0 : i32
      %dma_wait3A_245 = tpu.memref_slice %arg6[%run_scoped3A_145, %add3A, %dma_wait3A_244] : memref<8x32x15360xf32, #tpu.memory_space<hbm>> -> memref<1x1x15360xf32, #tpu.memory_space<hbm>>
      %dma_wait3A_246 = tpu.memref_squeeze %dma_wait3A_245 : memref<1x1x15360xf32, #tpu.memory_space<hbm>> -> memref<15360xf32, #tpu.memory_space<hbm>>
      %dma_wait3A_247 = arith.constant 0 : i32
      %dma_wait3A_248 = tpu.memref_slice %arg6[%run_scoped3A_145, %add3A, %dma_wait3A_247] : memref<8x32x15360xf32, #tpu.memory_space<hbm>> -> memref<1x1x15360xf32, #tpu.memory_space<hbm>>
      %dma_wait3A_249 = tpu.memref_squeeze %dma_wait3A_248 : memref<1x1x15360xf32, #tpu.memory_space<hbm>> -> memref<15360xf32, #tpu.memory_space<hbm>>
      tpu.wait_dma2 semaphore(%run_scoped3A_237 : memref<!tpu.dma_semaphore, #tpu.memory_space<semaphore_mem>>) src(%arg10 : memref<15360xf32, #tpu.memory_space<vmem>>) dst(%dma_wait3A_249 : memref<15360xf32, #tpu.memory_space<hbm>>)
      tpu.yield
    }) : () -> ()
    %mul3A_146 = arith.constant 320 : i32
    %mul3A_147 = arith.muli %add3A, %mul3A_146 : i32
    %mul3A_148 = arith.constant 3 : i32
    %mul3A_149 = arith.muli %mul3A_147, %mul3A_148 : i32
    %run_scoped3A_150 = arith.constant 2 : i32
    "tpu.region"() ({
      %run_scoped3A_237 = tpu.sem_alloc : memref<!tpu.dma_semaphore, #tpu.memory_space<semaphore_mem>>
      %dma_start3A_238 = tpu.memref_slice %arg5[%run_scoped3A_150, %mul3A_149] : memref<4x30720xi32, #tpu.memory_space<hbm>> -> memref<1x960xi32, #tpu.memory_space<hbm>>
      %dma_start3A_239 = tpu.memref_squeeze %dma_start3A_238 : memref<1x960xi32, #tpu.memory_space<hbm>> -> memref<960xi32, #tpu.memory_space<hbm>>
      %dma_start3A_240 = tpu.memref_slice %arg5[%run_scoped3A_150, %mul3A_149] : memref<4x30720xi32, #tpu.memory_space<hbm>> -> memref<1x960xi32, #tpu.memory_space<hbm>>
      %dma_start3A_241 = tpu.memref_squeeze %dma_start3A_240 : memref<1x960xi32, #tpu.memory_space<hbm>> -> memref<960xi32, #tpu.memory_space<hbm>>
      tpu.enqueue_dma source(%dma_start3A_241 : memref<960xi32, #tpu.memory_space<hbm>>) target(%arg9 : memref<960xi32, #tpu.memory_space<vmem>>) target_semaphore(%run_scoped3A_237 : memref<!tpu.dma_semaphore, #tpu.memory_space<semaphore_mem>>)
      %dma_wait3A_242 = tpu.memref_slice %arg5[%run_scoped3A_150, %mul3A_149] : memref<4x30720xi32, #tpu.memory_space<hbm>> -> memref<1x960xi32, #tpu.memory_space<hbm>>
      %dma_wait3A_243 = tpu.memref_squeeze %dma_wait3A_242 : memref<1x960xi32, #tpu.memory_space<hbm>> -> memref<960xi32, #tpu.memory_space<hbm>>
      %dma_wait3A_244 = tpu.memref_slice %arg5[%run_scoped3A_150, %mul3A_149] : memref<4x30720xi32, #tpu.memory_space<hbm>> -> memref<1x960xi32, #tpu.memory_space<hbm>>
      %dma_wait3A_245 = tpu.memref_squeeze %dma_wait3A_244 : memref<1x960xi32, #tpu.memory_space<hbm>> -> memref<960xi32, #tpu.memory_space<hbm>>
      tpu.wait_dma2 semaphore(%run_scoped3A_237 : memref<!tpu.dma_semaphore, #tpu.memory_space<semaphore_mem>>) src(%dma_wait3A_245 : memref<960xi32, #tpu.memory_space<hbm>>) dst(%arg9 : memref<960xi32, #tpu.memory_space<vmem>>)
      tpu.yield
    }) : () -> ()
    %dma_start3A_151 = arith.constant 2 : i32
    %dma_start3A_152 = arith.constant 0 : i32
    %dma_start3A_153 = tpu.memref_slice %arg3[%dma_start3A_151, %dma_start3A_152] : memref<4x15000xf32, #tpu.memory_space<hbm>> -> memref<1x15000xf32, #tpu.memory_space<hbm>>
    %dma_start3A_154 = tpu.memref_squeeze %dma_start3A_153 : memref<1x15000xf32, #tpu.memory_space<hbm>> -> memref<15000xf32, #tpu.memory_space<hbm>>
    %dma_start3A_155 = arith.constant 0 : i32
    %dma_start3A_156 = tpu.memref_slice %arg3[%dma_start3A_151, %dma_start3A_155] : memref<4x15000xf32, #tpu.memory_space<hbm>> -> memref<1x15000xf32, #tpu.memory_space<hbm>>
    %dma_start3A_157 = tpu.memref_squeeze %dma_start3A_156 : memref<1x15000xf32, #tpu.memory_space<hbm>> -> memref<15000xf32, #tpu.memory_space<hbm>>
    tpu.enqueue_dma source(%dma_start3A_157 : memref<15000xf32, #tpu.memory_space<hbm>>) target(%arg7 : memref<15000xf32, #tpu.memory_space<vmem>>) target_semaphore(%arg11 : memref<!tpu.dma_semaphore, #tpu.memory_space<semaphore_mem>>)
    %scan3A_158 = arith.constant 0 : i32
    %scan3A_159 = arith.constant 0 : i32
    %scan3A_160 = arith.constant 960 : i32
    %scan3A_161 = arith.addi %scan3A_159, %scan3A_160 : i32
    %scan3A_162 = arith.constant 1 : i32
    scf.for %scan3A_237 = %scan3A_159 to %scan3A_161 step %scan3A_162  : i32 {
      %broadcast_in_dim3A = arith.constant 0.000000e+00 : f32
      %broadcast_in_dim3A_238 = vector.broadcast %broadcast_in_dim3A : f32 to vector<16xf32>
      %mul3A_239 = arith.constant 16 : i32
      %mul3A_240 = arith.muli %scan3A_237, %mul3A_239 : i32
      %swap3A = arith.index_cast %mul3A_240 : i32 to index
      %swap3A_241 = tpu.vector_load %arg10[%swap3A] {strides = array<i32>} : memref<15360xf32, #tpu.memory_space<vmem>>, vector<16xf32>,
      tpu.vector_store %arg10[%swap3A], %broadcast_in_dim3A_238 {strides = array<i32>} : memref<15360xf32, #tpu.memory_space<vmem>>, vector<16xf32>,
    }
    %scan3A_163 = arith.constant 960 : i32
    %dma_wait3A_164 = arith.constant 2 : i32
    %dma_wait3A_165 = arith.constant 0 : i32
    %dma_wait3A_166 = tpu.memref_slice %arg3[%dma_wait3A_164, %dma_wait3A_165] : memref<4x15000xf32, #tpu.memory_space<hbm>> -> memref<1x15000xf32, #tpu.memory_space<hbm>>
    %dma_wait3A_167 = tpu.memref_squeeze %dma_wait3A_166 : memref<1x15000xf32, #tpu.memory_space<hbm>> -> memref<15000xf32, #tpu.memory_space<hbm>>
    %dma_wait3A_168 = arith.constant 0 : i32
    %dma_wait3A_169 = tpu.memref_slice %arg3[%dma_wait3A_164, %dma_wait3A_168] : memref<4x15000xf32, #tpu.memory_space<hbm>> -> memref<1x15000xf32, #tpu.memory_space<hbm>>
    %dma_wait3A_170 = tpu.memref_squeeze %dma_wait3A_169 : memref<1x15000xf32, #tpu.memory_space<hbm>> -> memref<15000xf32, #tpu.memory_space<hbm>>
    tpu.wait_dma2 semaphore(%arg11 : memref<!tpu.dma_semaphore, #tpu.memory_space<semaphore_mem>>) src(%dma_wait3A_170 : memref<15000xf32, #tpu.memory_space<hbm>>) dst(%arg7 : memref<15000xf32, #tpu.memory_space<vmem>>)
    %scan3A_171 = arith.constant 0 : i32
    %scan3A_172 = arith.constant 0 : i32
    %scan3A_173 = arith.constant 20 : i32
    %scan3A_174 = arith.addi %scan3A_172, %scan3A_173 : i32
    %scan3A_175 = arith.constant 1 : i32
    scf.for %scan3A_237 = %scan3A_172 to %scan3A_174 step %scan3A_175  : i32 {
      %mul3A_238 = arith.constant 16 : i32
      %mul3A_239 = arith.muli %scan3A_237, %mul3A_238 : i32
      %mul3A_240 = arith.constant 320 : i32
      %mul3A_241 = arith.muli %add3A, %mul3A_240 : i32
      %add3A_242 = arith.addi %mul3A_241, %mul3A_239 : i32
      %add3A_243 = vector.broadcast %add3A_242 : i32 to vector<16xi32>
      %add3A_244 = arith.addi %add3A_243, %iota3A : vector<16xi32>
      %lt3A = arith.constant 10000 : i32
      %lt3A_245 = vector.broadcast %lt3A : i32 to vector<16xi32>
      %lt3A_246 = arith.cmpi slt, %add3A_244, %lt3A_245 : vector<16xi32>
      %add3A_247 = vector.broadcast %mul3A_239 : i32 to vector<16xi32>
      %add3A_248 = arith.addi %add3A_247, %iota3A : vector<16xi32>
      %mul3A_249 = arith.constant 3 : i32
      %mul3A_250 = vector.broadcast %mul3A_249 : i32 to vector<16xi32>
      %mul3A_251 = arith.muli %add3A_248, %mul3A_250 : vector<16xi32>
      %gather3A = tpu.vector_load_idx %arg9[%mul3A_251] : memref<960xi32, #tpu.memory_space<vmem>>[vector<16xi32>], vector<16xi32>,
      %add3A_252 = arith.constant 1 : i32
      %add3A_253 = vector.broadcast %add3A_252 : i32 to vector<16xi32>
      %add3A_254 = arith.addi %mul3A_251, %add3A_253 : vector<16xi32>
      %gather3A_255 = tpu.vector_load_idx %arg9[%add3A_254] : memref<960xi32, #tpu.memory_space<vmem>>[vector<16xi32>], vector<16xi32>,
      %add3A_256 = arith.constant 2 : i32
      %add3A_257 = vector.broadcast %add3A_256 : i32 to vector<16xi32>
      %add3A_258 = arith.addi %mul3A_251, %add3A_257 : vector<16xi32>
      %gather3A_259 = tpu.vector_load_idx %arg9[%add3A_258] : memref<960xi32, #tpu.memory_space<vmem>>[vector<16xi32>], vector<16xi32>,
      %mul3A_260 = arith.constant 3 : i32
      %mul3A_261 = vector.broadcast %mul3A_260 : i32 to vector<16xi32>
      %mul3A_262 = arith.muli %gather3A, %mul3A_261 : vector<16xi32>
      %add3A_263 = arith.constant 0 : i32
      %add3A_264 = vector.broadcast %add3A_263 : i32 to vector<16xi32>
      %add3A_265 = arith.addi %mul3A_262, %add3A_264 : vector<16xi32>
      %gather3A_266 = tpu.vector_load_idx %arg7[%add3A_265] : memref<15000xf32, #tpu.memory_space<vmem>>[vector<16xi32>], vector<16xf32>,
      %mul3A_267 = arith.constant 3 : i32
      %mul3A_268 = vector.broadcast %mul3A_267 : i32 to vector<16xi32>
      %mul3A_269 = arith.muli %gather3A, %mul3A_268 : vector<16xi32>
      %add3A_270 = arith.constant 1 : i32
      %add3A_271 = vector.broadcast %add3A_270 : i32 to vector<16xi32>
      %add3A_272 = arith.addi %mul3A_269, %add3A_271 : vector<16xi32>
      %gather3A_273 = tpu.vector_load_idx %arg7[%add3A_272] : memref<15000xf32, #tpu.memory_space<vmem>>[vector<16xi32>], vector<16xf32>,
      %mul3A_274 = arith.constant 3 : i32
      %mul3A_275 = vector.broadcast %mul3A_274 : i32 to vector<16xi32>
      %mul3A_276 = arith.muli %gather3A, %mul3A_275 : vector<16xi32>
      %add3A_277 = arith.constant 2 : i32
      %add3A_278 = vector.broadcast %add3A_277 : i32 to vector<16xi32>
      %add3A_279 = arith.addi %mul3A_276, %add3A_278 : vector<16xi32>
      %gather3A_280 = tpu.vector_load_idx %arg7[%add3A_279] : memref<15000xf32, #tpu.memory_space<vmem>>[vector<16xi32>], vector<16xf32>,
      %mul3A_281 = arith.constant 3 : i32
      %mul3A_282 = vector.broadcast %mul3A_281 : i32 to vector<16xi32>
      %mul3A_283 = arith.muli %gather3A_255, %mul3A_282 : vector<16xi32>
      %add3A_284 = arith.constant 0 : i32
      %add3A_285 = vector.broadcast %add3A_284 : i32 to vector<16xi32>
      %add3A_286 = arith.addi %mul3A_283, %add3A_285 : vector<16xi32>
      %gather3A_287 = tpu.vector_load_idx %arg7[%add3A_286] : memref<15000xf32, #tpu.memory_space<vmem>>[vector<16xi32>], vector<16xf32>,
      %sub3A = arith.subf %gather3A_287, %gather3A_266 : vector<16xf32>
      %mul3A_288 = arith.constant 3 : i32
      %mul3A_289 = vector.broadcast %mul3A_288 : i32 to vector<16xi32>
      %mul3A_290 = arith.muli %gather3A_255, %mul3A_289 : vector<16xi32>
      %add3A_291 = arith.constant 1 : i32
      %add3A_292 = vector.broadcast %add3A_291 : i32 to vector<16xi32>
      %add3A_293 = arith.addi %mul3A_290, %add3A_292 : vector<16xi32>
      %gather3A_294 = tpu.vector_load_idx %arg7[%add3A_293] : memref<15000xf32, #tpu.memory_space<vmem>>[vector<16xi32>], vector<16xf32>,
      %sub3A_295 = arith.subf %gather3A_294, %gather3A_273 : vector<16xf32>
      %mul3A_296 = arith.constant 3 : i32
      %mul3A_297 = vector.broadcast %mul3A_296 : i32 to vector<16xi32>
      %mul3A_298 = arith.muli %gather3A_255, %mul3A_297 : vector<16xi32>
      %add3A_299 = arith.constant 2 : i32
      %add3A_300 = vector.broadcast %add3A_299 : i32 to vector<16xi32>
      %add3A_301 = arith.addi %mul3A_298, %add3A_300 : vector<16xi32>
      %gather3A_302 = tpu.vector_load_idx %arg7[%add3A_301] : memref<15000xf32, #tpu.memory_space<vmem>>[vector<16xi32>], vector<16xf32>,
      %sub3A_303 = arith.subf %gather3A_302, %gather3A_280 : vector<16xf32>
      %mul3A_304 = arith.constant 3 : i32
      %mul3A_305 = vector.broadcast %mul3A_304 : i32 to vector<16xi32>
      %mul3A_306 = arith.muli %gather3A_259, %mul3A_305 : vector<16xi32>
      %add3A_307 = arith.constant 0 : i32
      %add3A_308 = vector.broadcast %add3A_307 : i32 to vector<16xi32>
      %add3A_309 = arith.addi %mul3A_306, %add3A_308 : vector<16xi32>
      %gather3A_310 = tpu.vector_load_idx %arg7[%add3A_309] : memref<15000xf32, #tpu.memory_space<vmem>>[vector<16xi32>], vector<16xf32>,
      %sub3A_311 = arith.subf %gather3A_310, %gather3A_266 : vector<16xf32>
      %mul3A_312 = arith.constant 3 : i32
      %mul3A_313 = vector.broadcast %mul3A_312 : i32 to vector<16xi32>
      %mul3A_314 = arith.muli %gather3A_259, %mul3A_313 : vector<16xi32>
      %add3A_315 = arith.constant 1 : i32
      %add3A_316 = vector.broadcast %add3A_315 : i32 to vector<16xi32>
      %add3A_317 = arith.addi %mul3A_314, %add3A_316 : vector<16xi32>
      %gather3A_318 = tpu.vector_load_idx %arg7[%add3A_317] : memref<15000xf32, #tpu.memory_space<vmem>>[vector<16xi32>], vector<16xf32>,
      %sub3A_319 = arith.subf %gather3A_318, %gather3A_273 : vector<16xf32>
      %mul3A_320 = arith.constant 3 : i32
      %mul3A_321 = vector.broadcast %mul3A_320 : i32 to vector<16xi32>
      %mul3A_322 = arith.muli %gather3A_259, %mul3A_321 : vector<16xi32>
      %add3A_323 = arith.constant 2 : i32
      %add3A_324 = vector.broadcast %add3A_323 : i32 to vector<16xi32>
      %add3A_325 = arith.addi %mul3A_322, %add3A_324 : vector<16xi32>
      %gather3A_326 = tpu.vector_load_idx %arg7[%add3A_325] : memref<15000xf32, #tpu.memory_space<vmem>>[vector<16xi32>], vector<16xf32>,
      %sub3A_327 = arith.subf %gather3A_326, %gather3A_280 : vector<16xf32>
      %mul3A_328 = arith.mulf %sub3A_295, %sub3A_327 : vector<16xf32>
      %mul3A_329 = arith.mulf %sub3A_303, %sub3A_319 : vector<16xf32>
      %sub3A_330 = arith.subf %mul3A_328, %mul3A_329 : vector<16xf32>
      %mul3A_331 = arith.mulf %sub3A_303, %sub3A_311 : vector<16xf32>
      %mul3A_332 = arith.mulf %sub3A, %sub3A_327 : vector<16xf32>
      %sub3A_333 = arith.subf %mul3A_331, %mul3A_332 : vector<16xf32>
      %mul3A_334 = arith.mulf %sub3A, %sub3A_319 : vector<16xf32>
      %mul3A_335 = arith.mulf %sub3A_295, %sub3A_311 : vector<16xf32>
      %sub3A_336 = arith.subf %mul3A_334, %mul3A_335 : vector<16xf32>
      tpu.vector_store_idx %arg10[%gather3A], %sub3A_330 masked %lt3A_246 {add = true} : memref<15360xf32, #tpu.memory_space<vmem>>[vector<16xi32>], vector<16xf32>, vector<16xi1>
      %add3A_337 = arith.constant 5120 : i32
      %add3A_338 = vector.broadcast %add3A_337 : i32 to vector<16xi32>
      %add3A_339 = arith.addi %gather3A, %add3A_338 : vector<16xi32>
      tpu.vector_store_idx %arg10[%add3A_339], %sub3A_333 masked %lt3A_246 {add = true} : memref<15360xf32, #tpu.memory_space<vmem>>[vector<16xi32>], vector<16xf32>, vector<16xi1>
      %add3A_340 = arith.constant 10240 : i32
      %add3A_341 = vector.broadcast %add3A_340 : i32 to vector<16xi32>
      %add3A_342 = arith.addi %gather3A, %add3A_341 : vector<16xi32>
      tpu.vector_store_idx %arg10[%add3A_342], %sub3A_336 masked %lt3A_246 {add = true} : memref<15360xf32, #tpu.memory_space<vmem>>[vector<16xi32>], vector<16xf32>, vector<16xi1>
      tpu.vector_store_idx %arg10[%gather3A_255], %sub3A_330 masked %lt3A_246 {add = true} : memref<15360xf32, #tpu.memory_space<vmem>>[vector<16xi32>], vector<16xf32>, vector<16xi1>
      %add3A_343 = arith.constant 5120 : i32
      %add3A_344 = vector.broadcast %add3A_343 : i32 to vector<16xi32>
      %add3A_345 = arith.addi %gather3A_255, %add3A_344 : vector<16xi32>
      tpu.vector_store_idx %arg10[%add3A_345], %sub3A_333 masked %lt3A_246 {add = true} : memref<15360xf32, #tpu.memory_space<vmem>>[vector<16xi32>], vector<16xf32>, vector<16xi1>
      %add3A_346 = arith.constant 10240 : i32
      %add3A_347 = vector.broadcast %add3A_346 : i32 to vector<16xi32>
      %add3A_348 = arith.addi %gather3A_255, %add3A_347 : vector<16xi32>
      tpu.vector_store_idx %arg10[%add3A_348], %sub3A_336 masked %lt3A_246 {add = true} : memref<15360xf32, #tpu.memory_space<vmem>>[vector<16xi32>], vector<16xf32>, vector<16xi1>
      tpu.vector_store_idx %arg10[%gather3A_259], %sub3A_330 masked %lt3A_246 {add = true} : memref<15360xf32, #tpu.memory_space<vmem>>[vector<16xi32>], vector<16xf32>, vector<16xi1>
      %add3A_349 = arith.constant 5120 : i32
      %add3A_350 = vector.broadcast %add3A_349 : i32 to vector<16xi32>
      %add3A_351 = arith.addi %gather3A_259, %add3A_350 : vector<16xi32>
      tpu.vector_store_idx %arg10[%add3A_351], %sub3A_333 masked %lt3A_246 {add = true} : memref<15360xf32, #tpu.memory_space<vmem>>[vector<16xi32>], vector<16xf32>, vector<16xi1>
      %add3A_352 = arith.constant 10240 : i32
      %add3A_353 = vector.broadcast %add3A_352 : i32 to vector<16xi32>
      %add3A_354 = arith.addi %gather3A_259, %add3A_353 : vector<16xi32>
      tpu.vector_store_idx %arg10[%add3A_354], %sub3A_336 masked %lt3A_246 {add = true} : memref<15360xf32, #tpu.memory_space<vmem>>[vector<16xi32>], vector<16xf32>, vector<16xi1>
    }
    %scan3A_176 = arith.constant 20 : i32
    %run_scoped3A_177 = arith.constant 6 : i32
    "tpu.region"() ({
      %run_scoped3A_237 = tpu.sem_alloc : memref<!tpu.dma_semaphore, #tpu.memory_space<semaphore_mem>>
      %dma_start3A_238 = arith.constant 0 : i32
      %dma_start3A_239 = tpu.memref_slice %arg6[%run_scoped3A_177, %add3A, %dma_start3A_238] : memref<8x32x15360xf32, #tpu.memory_space<hbm>> -> memref<1x1x15360xf32, #tpu.memory_space<hbm>>
      %dma_start3A_240 = tpu.memref_squeeze %dma_start3A_239 : memref<1x1x15360xf32, #tpu.memory_space<hbm>> -> memref<15360xf32, #tpu.memory_space<hbm>>
      %dma_start3A_241 = arith.constant 0 : i32
      %dma_start3A_242 = tpu.memref_slice %arg6[%run_scoped3A_177, %add3A, %dma_start3A_241] : memref<8x32x15360xf32, #tpu.memory_space<hbm>> -> memref<1x1x15360xf32, #tpu.memory_space<hbm>>
      %dma_start3A_243 = tpu.memref_squeeze %dma_start3A_242 : memref<1x1x15360xf32, #tpu.memory_space<hbm>> -> memref<15360xf32, #tpu.memory_space<hbm>>
      tpu.enqueue_dma source(%arg10 : memref<15360xf32, #tpu.memory_space<vmem>>) target(%dma_start3A_243 : memref<15360xf32, #tpu.memory_space<hbm>>) target_semaphore(%run_scoped3A_237 : memref<!tpu.dma_semaphore, #tpu.memory_space<semaphore_mem>>)
      %dma_wait3A_244 = arith.constant 0 : i32
      %dma_wait3A_245 = tpu.memref_slice %arg6[%run_scoped3A_177, %add3A, %dma_wait3A_244] : memref<8x32x15360xf32, #tpu.memory_space<hbm>> -> memref<1x1x15360xf32, #tpu.memory_space<hbm>>
      %dma_wait3A_246 = tpu.memref_squeeze %dma_wait3A_245 : memref<1x1x15360xf32, #tpu.memory_space<hbm>> -> memref<15360xf32, #tpu.memory_space<hbm>>
      %dma_wait3A_247 = arith.constant 0 : i32
      %dma_wait3A_248 = tpu.memref_slice %arg6[%run_scoped3A_177, %add3A, %dma_wait3A_247] : memref<8x32x15360xf32, #tpu.memory_space<hbm>> -> memref<1x1x15360xf32, #tpu.memory_space<hbm>>
      %dma_wait3A_249 = tpu.memref_squeeze %dma_wait3A_248 : memref<1x1x15360xf32, #tpu.memory_space<hbm>> -> memref<15360xf32, #tpu.memory_space<hbm>>
      tpu.wait_dma2 semaphore(%run_scoped3A_237 : memref<!tpu.dma_semaphore, #tpu.memory_space<semaphore_mem>>) src(%arg10 : memref<15360xf32, #tpu.memory_space<vmem>>) dst(%dma_wait3A_249 : memref<15360xf32, #tpu.memory_space<hbm>>)
      tpu.yield
    }) : () -> ()
    %dma_start3A_178 = arith.constant 3 : i32
    %dma_start3A_179 = arith.constant 0 : i32
    %dma_start3A_180 = tpu.memref_slice %arg2[%dma_start3A_178, %dma_start3A_179] : memref<4x15000xf32, #tpu.memory_space<hbm>> -> memref<1x15000xf32, #tpu.memory_space<hbm>>
    %dma_start3A_181 = tpu.memref_squeeze %dma_start3A_180 : memref<1x15000xf32, #tpu.memory_space<hbm>> -> memref<15000xf32, #tpu.memory_space<hbm>>
    %dma_start3A_182 = arith.constant 0 : i32
    %dma_start3A_183 = tpu.memref_slice %arg2[%dma_start3A_178, %dma_start3A_182] : memref<4x15000xf32, #tpu.memory_space<hbm>> -> memref<1x15000xf32, #tpu.memory_space<hbm>>
    %dma_start3A_184 = tpu.memref_squeeze %dma_start3A_183 : memref<1x15000xf32, #tpu.memory_space<hbm>> -> memref<15000xf32, #tpu.memory_space<hbm>>
    tpu.enqueue_dma source(%dma_start3A_184 : memref<15000xf32, #tpu.memory_space<hbm>>) target(%arg7 : memref<15000xf32, #tpu.memory_space<vmem>>) target_semaphore(%arg11 : memref<!tpu.dma_semaphore, #tpu.memory_space<semaphore_mem>>)
    %scan3A_185 = arith.constant 0 : i32
    %scan3A_186 = arith.constant 0 : i32
    %scan3A_187 = arith.constant 960 : i32
    %scan3A_188 = arith.addi %scan3A_186, %scan3A_187 : i32
    %scan3A_189 = arith.constant 1 : i32
    scf.for %scan3A_237 = %scan3A_186 to %scan3A_188 step %scan3A_189  : i32 {
      %broadcast_in_dim3A = arith.constant 0.000000e+00 : f32
      %broadcast_in_dim3A_238 = vector.broadcast %broadcast_in_dim3A : f32 to vector<16xf32>
      %mul3A_239 = arith.constant 16 : i32
      %mul3A_240 = arith.muli %scan3A_237, %mul3A_239 : i32
      %swap3A = arith.index_cast %mul3A_240 : i32 to index
      %swap3A_241 = tpu.vector_load %arg10[%swap3A] {strides = array<i32>} : memref<15360xf32, #tpu.memory_space<vmem>>, vector<16xf32>,
      tpu.vector_store %arg10[%swap3A], %broadcast_in_dim3A_238 {strides = array<i32>} : memref<15360xf32, #tpu.memory_space<vmem>>, vector<16xf32>,
    }
    %scan3A_190 = arith.constant 960 : i32
    %dma_wait3A_191 = arith.constant 3 : i32
    %dma_wait3A_192 = arith.constant 0 : i32
    %dma_wait3A_193 = tpu.memref_slice %arg2[%dma_wait3A_191, %dma_wait3A_192] : memref<4x15000xf32, #tpu.memory_space<hbm>> -> memref<1x15000xf32, #tpu.memory_space<hbm>>
    %dma_wait3A_194 = tpu.memref_squeeze %dma_wait3A_193 : memref<1x15000xf32, #tpu.memory_space<hbm>> -> memref<15000xf32, #tpu.memory_space<hbm>>
    %dma_wait3A_195 = arith.constant 0 : i32
    %dma_wait3A_196 = tpu.memref_slice %arg2[%dma_wait3A_191, %dma_wait3A_195] : memref<4x15000xf32, #tpu.memory_space<hbm>> -> memref<1x15000xf32, #tpu.memory_space<hbm>>
    %dma_wait3A_197 = tpu.memref_squeeze %dma_wait3A_196 : memref<1x15000xf32, #tpu.memory_space<hbm>> -> memref<15000xf32, #tpu.memory_space<hbm>>
    tpu.wait_dma2 semaphore(%arg11 : memref<!tpu.dma_semaphore, #tpu.memory_space<semaphore_mem>>) src(%dma_wait3A_197 : memref<15000xf32, #tpu.memory_space<hbm>>) dst(%arg7 : memref<15000xf32, #tpu.memory_space<vmem>>)
    %scan3A_198 = arith.constant 0 : i32
    %scan3A_199 = arith.constant 0 : i32
    %scan3A_200 = arith.constant 20 : i32
    %scan3A_201 = arith.addi %scan3A_199, %scan3A_200 : i32
    %scan3A_202 = arith.constant 1 : i32
    scf.for %scan3A_237 = %scan3A_199 to %scan3A_201 step %scan3A_202  : i32 {
      %mul3A_238 = arith.constant 16 : i32
      %mul3A_239 = arith.muli %scan3A_237, %mul3A_238 : i32
      %mul3A_240 = arith.constant 320 : i32
      %mul3A_241 = arith.muli %add3A, %mul3A_240 : i32
      %add3A_242 = arith.addi %mul3A_241, %mul3A_239 : i32
      %add3A_243 = vector.broadcast %add3A_242 : i32 to vector<16xi32>
      %add3A_244 = arith.addi %add3A_243, %iota3A : vector<16xi32>
      %lt3A = arith.constant 10000 : i32
      %lt3A_245 = vector.broadcast %lt3A : i32 to vector<16xi32>
      %lt3A_246 = arith.cmpi slt, %add3A_244, %lt3A_245 : vector<16xi32>
      %add3A_247 = vector.broadcast %mul3A_239 : i32 to vector<16xi32>
      %add3A_248 = arith.addi %add3A_247, %iota3A : vector<16xi32>
      %mul3A_249 = arith.constant 3 : i32
      %mul3A_250 = vector.broadcast %mul3A_249 : i32 to vector<16xi32>
      %mul3A_251 = arith.muli %add3A_248, %mul3A_250 : vector<16xi32>
      %gather3A = tpu.vector_load_idx %arg8[%mul3A_251] : memref<960xi32, #tpu.memory_space<vmem>>[vector<16xi32>], vector<16xi32>,
      %add3A_252 = arith.constant 1 : i32
      %add3A_253 = vector.broadcast %add3A_252 : i32 to vector<16xi32>
      %add3A_254 = arith.addi %mul3A_251, %add3A_253 : vector<16xi32>
      %gather3A_255 = tpu.vector_load_idx %arg8[%add3A_254] : memref<960xi32, #tpu.memory_space<vmem>>[vector<16xi32>], vector<16xi32>,
      %add3A_256 = arith.constant 2 : i32
      %add3A_257 = vector.broadcast %add3A_256 : i32 to vector<16xi32>
      %add3A_258 = arith.addi %mul3A_251, %add3A_257 : vector<16xi32>
      %gather3A_259 = tpu.vector_load_idx %arg8[%add3A_258] : memref<960xi32, #tpu.memory_space<vmem>>[vector<16xi32>], vector<16xi32>,
      %mul3A_260 = arith.constant 3 : i32
      %mul3A_261 = vector.broadcast %mul3A_260 : i32 to vector<16xi32>
      %mul3A_262 = arith.muli %gather3A, %mul3A_261 : vector<16xi32>
      %add3A_263 = arith.constant 0 : i32
      %add3A_264 = vector.broadcast %add3A_263 : i32 to vector<16xi32>
      %add3A_265 = arith.addi %mul3A_262, %add3A_264 : vector<16xi32>
      %gather3A_266 = tpu.vector_load_idx %arg7[%add3A_265] : memref<15000xf32, #tpu.memory_space<vmem>>[vector<16xi32>], vector<16xf32>,
      %mul3A_267 = arith.constant 3 : i32
      %mul3A_268 = vector.broadcast %mul3A_267 : i32 to vector<16xi32>
      %mul3A_269 = arith.muli %gather3A, %mul3A_268 : vector<16xi32>
      %add3A_270 = arith.constant 1 : i32
      %add3A_271 = vector.broadcast %add3A_270 : i32 to vector<16xi32>
      %add3A_272 = arith.addi %mul3A_269, %add3A_271 : vector<16xi32>
      %gather3A_273 = tpu.vector_load_idx %arg7[%add3A_272] : memref<15000xf32, #tpu.memory_space<vmem>>[vector<16xi32>], vector<16xf32>,
      %mul3A_274 = arith.constant 3 : i32
      %mul3A_275 = vector.broadcast %mul3A_274 : i32 to vector<16xi32>
      %mul3A_276 = arith.muli %gather3A, %mul3A_275 : vector<16xi32>
      %add3A_277 = arith.constant 2 : i32
      %add3A_278 = vector.broadcast %add3A_277 : i32 to vector<16xi32>
      %add3A_279 = arith.addi %mul3A_276, %add3A_278 : vector<16xi32>
      %gather3A_280 = tpu.vector_load_idx %arg7[%add3A_279] : memref<15000xf32, #tpu.memory_space<vmem>>[vector<16xi32>], vector<16xf32>,
      %mul3A_281 = arith.constant 3 : i32
      %mul3A_282 = vector.broadcast %mul3A_281 : i32 to vector<16xi32>
      %mul3A_283 = arith.muli %gather3A_255, %mul3A_282 : vector<16xi32>
      %add3A_284 = arith.constant 0 : i32
      %add3A_285 = vector.broadcast %add3A_284 : i32 to vector<16xi32>
      %add3A_286 = arith.addi %mul3A_283, %add3A_285 : vector<16xi32>
      %gather3A_287 = tpu.vector_load_idx %arg7[%add3A_286] : memref<15000xf32, #tpu.memory_space<vmem>>[vector<16xi32>], vector<16xf32>,
      %sub3A = arith.subf %gather3A_287, %gather3A_266 : vector<16xf32>
      %mul3A_288 = arith.constant 3 : i32
      %mul3A_289 = vector.broadcast %mul3A_288 : i32 to vector<16xi32>
      %mul3A_290 = arith.muli %gather3A_255, %mul3A_289 : vector<16xi32>
      %add3A_291 = arith.constant 1 : i32
      %add3A_292 = vector.broadcast %add3A_291 : i32 to vector<16xi32>
      %add3A_293 = arith.addi %mul3A_290, %add3A_292 : vector<16xi32>
      %gather3A_294 = tpu.vector_load_idx %arg7[%add3A_293] : memref<15000xf32, #tpu.memory_space<vmem>>[vector<16xi32>], vector<16xf32>,
      %sub3A_295 = arith.subf %gather3A_294, %gather3A_273 : vector<16xf32>
      %mul3A_296 = arith.constant 3 : i32
      %mul3A_297 = vector.broadcast %mul3A_296 : i32 to vector<16xi32>
      %mul3A_298 = arith.muli %gather3A_255, %mul3A_297 : vector<16xi32>
      %add3A_299 = arith.constant 2 : i32
      %add3A_300 = vector.broadcast %add3A_299 : i32 to vector<16xi32>
      %add3A_301 = arith.addi %mul3A_298, %add3A_300 : vector<16xi32>
      %gather3A_302 = tpu.vector_load_idx %arg7[%add3A_301] : memref<15000xf32, #tpu.memory_space<vmem>>[vector<16xi32>], vector<16xf32>,
      %sub3A_303 = arith.subf %gather3A_302, %gather3A_280 : vector<16xf32>
      %mul3A_304 = arith.constant 3 : i32
      %mul3A_305 = vector.broadcast %mul3A_304 : i32 to vector<16xi32>
      %mul3A_306 = arith.muli %gather3A_259, %mul3A_305 : vector<16xi32>
      %add3A_307 = arith.constant 0 : i32
      %add3A_308 = vector.broadcast %add3A_307 : i32 to vector<16xi32>
      %add3A_309 = arith.addi %mul3A_306, %add3A_308 : vector<16xi32>
      %gather3A_310 = tpu.vector_load_idx %arg7[%add3A_309] : memref<15000xf32, #tpu.memory_space<vmem>>[vector<16xi32>], vector<16xf32>,
      %sub3A_311 = arith.subf %gather3A_310, %gather3A_266 : vector<16xf32>
      %mul3A_312 = arith.constant 3 : i32
      %mul3A_313 = vector.broadcast %mul3A_312 : i32 to vector<16xi32>
      %mul3A_314 = arith.muli %gather3A_259, %mul3A_313 : vector<16xi32>
      %add3A_315 = arith.constant 1 : i32
      %add3A_316 = vector.broadcast %add3A_315 : i32 to vector<16xi32>
      %add3A_317 = arith.addi %mul3A_314, %add3A_316 : vector<16xi32>
      %gather3A_318 = tpu.vector_load_idx %arg7[%add3A_317] : memref<15000xf32, #tpu.memory_space<vmem>>[vector<16xi32>], vector<16xf32>,
      %sub3A_319 = arith.subf %gather3A_318, %gather3A_273 : vector<16xf32>
      %mul3A_320 = arith.constant 3 : i32
      %mul3A_321 = vector.broadcast %mul3A_320 : i32 to vector<16xi32>
      %mul3A_322 = arith.muli %gather3A_259, %mul3A_321 : vector<16xi32>
      %add3A_323 = arith.constant 2 : i32
      %add3A_324 = vector.broadcast %add3A_323 : i32 to vector<16xi32>
      %add3A_325 = arith.addi %mul3A_322, %add3A_324 : vector<16xi32>
      %gather3A_326 = tpu.vector_load_idx %arg7[%add3A_325] : memref<15000xf32, #tpu.memory_space<vmem>>[vector<16xi32>], vector<16xf32>,
      %sub3A_327 = arith.subf %gather3A_326, %gather3A_280 : vector<16xf32>
      %mul3A_328 = arith.mulf %sub3A_295, %sub3A_327 : vector<16xf32>
      %mul3A_329 = arith.mulf %sub3A_303, %sub3A_319 : vector<16xf32>
      %sub3A_330 = arith.subf %mul3A_328, %mul3A_329 : vector<16xf32>
      %mul3A_331 = arith.mulf %sub3A_303, %sub3A_311 : vector<16xf32>
      %mul3A_332 = arith.mulf %sub3A, %sub3A_327 : vector<16xf32>
      %sub3A_333 = arith.subf %mul3A_331, %mul3A_332 : vector<16xf32>
      %mul3A_334 = arith.mulf %sub3A, %sub3A_319 : vector<16xf32>
      %mul3A_335 = arith.mulf %sub3A_295, %sub3A_311 : vector<16xf32>
      %sub3A_336 = arith.subf %mul3A_334, %mul3A_335 : vector<16xf32>
      tpu.vector_store_idx %arg10[%gather3A], %sub3A_330 masked %lt3A_246 {add = true} : memref<15360xf32, #tpu.memory_space<vmem>>[vector<16xi32>], vector<16xf32>, vector<16xi1>
      %add3A_337 = arith.constant 5120 : i32
      %add3A_338 = vector.broadcast %add3A_337 : i32 to vector<16xi32>
      %add3A_339 = arith.addi %gather3A, %add3A_338 : vector<16xi32>
      tpu.vector_store_idx %arg10[%add3A_339], %sub3A_333 masked %lt3A_246 {add = true} : memref<15360xf32, #tpu.memory_space<vmem>>[vector<16xi32>], vector<16xf32>, vector<16xi1>
      %add3A_340 = arith.constant 10240 : i32
      %add3A_341 = vector.broadcast %add3A_340 : i32 to vector<16xi32>
      %add3A_342 = arith.addi %gather3A, %add3A_341 : vector<16xi32>
      tpu.vector_store_idx %arg10[%add3A_342], %sub3A_336 masked %lt3A_246 {add = true} : memref<15360xf32, #tpu.memory_space<vmem>>[vector<16xi32>], vector<16xf32>, vector<16xi1>
      tpu.vector_store_idx %arg10[%gather3A_255], %sub3A_330 masked %lt3A_246 {add = true} : memref<15360xf32, #tpu.memory_space<vmem>>[vector<16xi32>], vector<16xf32>, vector<16xi1>
      %add3A_343 = arith.constant 5120 : i32
      %add3A_344 = vector.broadcast %add3A_343 : i32 to vector<16xi32>
      %add3A_345 = arith.addi %gather3A_255, %add3A_344 : vector<16xi32>
      tpu.vector_store_idx %arg10[%add3A_345], %sub3A_333 masked %lt3A_246 {add = true} : memref<15360xf32, #tpu.memory_space<vmem>>[vector<16xi32>], vector<16xf32>, vector<16xi1>
      %add3A_346 = arith.constant 10240 : i32
      %add3A_347 = vector.broadcast %add3A_346 : i32 to vector<16xi32>
      %add3A_348 = arith.addi %gather3A_255, %add3A_347 : vector<16xi32>
      tpu.vector_store_idx %arg10[%add3A_348], %sub3A_336 masked %lt3A_246 {add = true} : memref<15360xf32, #tpu.memory_space<vmem>>[vector<16xi32>], vector<16xf32>, vector<16xi1>
      tpu.vector_store_idx %arg10[%gather3A_259], %sub3A_330 masked %lt3A_246 {add = true} : memref<15360xf32, #tpu.memory_space<vmem>>[vector<16xi32>], vector<16xf32>, vector<16xi1>
      %add3A_349 = arith.constant 5120 : i32
      %add3A_350 = vector.broadcast %add3A_349 : i32 to vector<16xi32>
      %add3A_351 = arith.addi %gather3A_259, %add3A_350 : vector<16xi32>
      tpu.vector_store_idx %arg10[%add3A_351], %sub3A_333 masked %lt3A_246 {add = true} : memref<15360xf32, #tpu.memory_space<vmem>>[vector<16xi32>], vector<16xf32>, vector<16xi1>
      %add3A_352 = arith.constant 10240 : i32
      %add3A_353 = vector.broadcast %add3A_352 : i32 to vector<16xi32>
      %add3A_354 = arith.addi %gather3A_259, %add3A_353 : vector<16xi32>
      tpu.vector_store_idx %arg10[%add3A_354], %sub3A_336 masked %lt3A_246 {add = true} : memref<15360xf32, #tpu.memory_space<vmem>>[vector<16xi32>], vector<16xf32>, vector<16xi1>
    }
    %scan3A_203 = arith.constant 20 : i32
    %run_scoped3A_204 = arith.constant 3 : i32
    "tpu.region"() ({
      %run_scoped3A_237 = tpu.sem_alloc : memref<!tpu.dma_semaphore, #tpu.memory_space<semaphore_mem>>
      %dma_start3A_238 = arith.constant 0 : i32
      %dma_start3A_239 = tpu.memref_slice %arg6[%run_scoped3A_204, %add3A, %dma_start3A_238] : memref<8x32x15360xf32, #tpu.memory_space<hbm>> -> memref<1x1x15360xf32, #tpu.memory_space<hbm>>
      %dma_start3A_240 = tpu.memref_squeeze %dma_start3A_239 : memref<1x1x15360xf32, #tpu.memory_space<hbm>> -> memref<15360xf32, #tpu.memory_space<hbm>>
      %dma_start3A_241 = arith.constant 0 : i32
      %dma_start3A_242 = tpu.memref_slice %arg6[%run_scoped3A_204, %add3A, %dma_start3A_241] : memref<8x32x15360xf32, #tpu.memory_space<hbm>> -> memref<1x1x15360xf32, #tpu.memory_space<hbm>>
      %dma_start3A_243 = tpu.memref_squeeze %dma_start3A_242 : memref<1x1x15360xf32, #tpu.memory_space<hbm>> -> memref<15360xf32, #tpu.memory_space<hbm>>
      tpu.enqueue_dma source(%arg10 : memref<15360xf32, #tpu.memory_space<vmem>>) target(%dma_start3A_243 : memref<15360xf32, #tpu.memory_space<hbm>>) target_semaphore(%run_scoped3A_237 : memref<!tpu.dma_semaphore, #tpu.memory_space<semaphore_mem>>)
      %dma_wait3A_244 = arith.constant 0 : i32
      %dma_wait3A_245 = tpu.memref_slice %arg6[%run_scoped3A_204, %add3A, %dma_wait3A_244] : memref<8x32x15360xf32, #tpu.memory_space<hbm>> -> memref<1x1x15360xf32, #tpu.memory_space<hbm>>
      %dma_wait3A_246 = tpu.memref_squeeze %dma_wait3A_245 : memref<1x1x15360xf32, #tpu.memory_space<hbm>> -> memref<15360xf32, #tpu.memory_space<hbm>>
      %dma_wait3A_247 = arith.constant 0 : i32
      %dma_wait3A_248 = tpu.memref_slice %arg6[%run_scoped3A_204, %add3A, %dma_wait3A_247] : memref<8x32x15360xf32, #tpu.memory_space<hbm>> -> memref<1x1x15360xf32, #tpu.memory_space<hbm>>
      %dma_wait3A_249 = tpu.memref_squeeze %dma_wait3A_248 : memref<1x1x15360xf32, #tpu.memory_space<hbm>> -> memref<15360xf32, #tpu.memory_space<hbm>>
      tpu.wait_dma2 semaphore(%run_scoped3A_237 : memref<!tpu.dma_semaphore, #tpu.memory_space<semaphore_mem>>) src(%arg10 : memref<15360xf32, #tpu.memory_space<vmem>>) dst(%dma_wait3A_249 : memref<15360xf32, #tpu.memory_space<hbm>>)
      tpu.yield
    }) : () -> ()
    %mul3A_205 = arith.constant 320 : i32
    %mul3A_206 = arith.muli %add3A, %mul3A_205 : i32
    %mul3A_207 = arith.constant 3 : i32
    %mul3A_208 = arith.muli %mul3A_206, %mul3A_207 : i32
    %run_scoped3A_209 = arith.constant 3 : i32
    "tpu.region"() ({
      %run_scoped3A_237 = tpu.sem_alloc : memref<!tpu.dma_semaphore, #tpu.memory_space<semaphore_mem>>
      %dma_start3A_238 = tpu.memref_slice %arg5[%run_scoped3A_209, %mul3A_208] : memref<4x30720xi32, #tpu.memory_space<hbm>> -> memref<1x960xi32, #tpu.memory_space<hbm>>
      %dma_start3A_239 = tpu.memref_squeeze %dma_start3A_238 : memref<1x960xi32, #tpu.memory_space<hbm>> -> memref<960xi32, #tpu.memory_space<hbm>>
      %dma_start3A_240 = tpu.memref_slice %arg5[%run_scoped3A_209, %mul3A_208] : memref<4x30720xi32, #tpu.memory_space<hbm>> -> memref<1x960xi32, #tpu.memory_space<hbm>>
      %dma_start3A_241 = tpu.memref_squeeze %dma_start3A_240 : memref<1x960xi32, #tpu.memory_space<hbm>> -> memref<960xi32, #tpu.memory_space<hbm>>
      tpu.enqueue_dma source(%dma_start3A_241 : memref<960xi32, #tpu.memory_space<hbm>>) target(%arg9 : memref<960xi32, #tpu.memory_space<vmem>>) target_semaphore(%run_scoped3A_237 : memref<!tpu.dma_semaphore, #tpu.memory_space<semaphore_mem>>)
      %dma_wait3A_242 = tpu.memref_slice %arg5[%run_scoped3A_209, %mul3A_208] : memref<4x30720xi32, #tpu.memory_space<hbm>> -> memref<1x960xi32, #tpu.memory_space<hbm>>
      %dma_wait3A_243 = tpu.memref_squeeze %dma_wait3A_242 : memref<1x960xi32, #tpu.memory_space<hbm>> -> memref<960xi32, #tpu.memory_space<hbm>>
      %dma_wait3A_244 = tpu.memref_slice %arg5[%run_scoped3A_209, %mul3A_208] : memref<4x30720xi32, #tpu.memory_space<hbm>> -> memref<1x960xi32, #tpu.memory_space<hbm>>
      %dma_wait3A_245 = tpu.memref_squeeze %dma_wait3A_244 : memref<1x960xi32, #tpu.memory_space<hbm>> -> memref<960xi32, #tpu.memory_space<hbm>>
      tpu.wait_dma2 semaphore(%run_scoped3A_237 : memref<!tpu.dma_semaphore, #tpu.memory_space<semaphore_mem>>) src(%dma_wait3A_245 : memref<960xi32, #tpu.memory_space<hbm>>) dst(%arg9 : memref<960xi32, #tpu.memory_space<vmem>>)
      tpu.yield
    }) : () -> ()
    %dma_start3A_210 = arith.constant 3 : i32
    %dma_start3A_211 = arith.constant 0 : i32
    %dma_start3A_212 = tpu.memref_slice %arg3[%dma_start3A_210, %dma_start3A_211] : memref<4x15000xf32, #tpu.memory_space<hbm>> -> memref<1x15000xf32, #tpu.memory_space<hbm>>
    %dma_start3A_213 = tpu.memref_squeeze %dma_start3A_212 : memref<1x15000xf32, #tpu.memory_space<hbm>> -> memref<15000xf32, #tpu.memory_space<hbm>>
    %dma_start3A_214 = arith.constant 0 : i32
    %dma_start3A_215 = tpu.memref_slice %arg3[%dma_start3A_210, %dma_start3A_214] : memref<4x15000xf32, #tpu.memory_space<hbm>> -> memref<1x15000xf32, #tpu.memory_space<hbm>>
    %dma_start3A_216 = tpu.memref_squeeze %dma_start3A_215 : memref<1x15000xf32, #tpu.memory_space<hbm>> -> memref<15000xf32, #tpu.memory_space<hbm>>
    tpu.enqueue_dma source(%dma_start3A_216 : memref<15000xf32, #tpu.memory_space<hbm>>) target(%arg7 : memref<15000xf32, #tpu.memory_space<vmem>>) target_semaphore(%arg11 : memref<!tpu.dma_semaphore, #tpu.memory_space<semaphore_mem>>)
    %scan3A_217 = arith.constant 0 : i32
    %scan3A_218 = arith.constant 0 : i32
    %scan3A_219 = arith.constant 960 : i32
    %scan3A_220 = arith.addi %scan3A_218, %scan3A_219 : i32
    %scan3A_221 = arith.constant 1 : i32
    scf.for %scan3A_237 = %scan3A_218 to %scan3A_220 step %scan3A_221  : i32 {
      %broadcast_in_dim3A = arith.constant 0.000000e+00 : f32
      %broadcast_in_dim3A_238 = vector.broadcast %broadcast_in_dim3A : f32 to vector<16xf32>
      %mul3A_239 = arith.constant 16 : i32
      %mul3A_240 = arith.muli %scan3A_237, %mul3A_239 : i32
      %swap3A = arith.index_cast %mul3A_240 : i32 to index
      %swap3A_241 = tpu.vector_load %arg10[%swap3A] {strides = array<i32>} : memref<15360xf32, #tpu.memory_space<vmem>>, vector<16xf32>,
      tpu.vector_store %arg10[%swap3A], %broadcast_in_dim3A_238 {strides = array<i32>} : memref<15360xf32, #tpu.memory_space<vmem>>, vector<16xf32>,
    }
    %scan3A_222 = arith.constant 960 : i32
    %dma_wait3A_223 = arith.constant 3 : i32
    %dma_wait3A_224 = arith.constant 0 : i32
    %dma_wait3A_225 = tpu.memref_slice %arg3[%dma_wait3A_223, %dma_wait3A_224] : memref<4x15000xf32, #tpu.memory_space<hbm>> -> memref<1x15000xf32, #tpu.memory_space<hbm>>
    %dma_wait3A_226 = tpu.memref_squeeze %dma_wait3A_225 : memref<1x15000xf32, #tpu.memory_space<hbm>> -> memref<15000xf32, #tpu.memory_space<hbm>>
    %dma_wait3A_227 = arith.constant 0 : i32
    %dma_wait3A_228 = tpu.memref_slice %arg3[%dma_wait3A_223, %dma_wait3A_227] : memref<4x15000xf32, #tpu.memory_space<hbm>> -> memref<1x15000xf32, #tpu.memory_space<hbm>>
    %dma_wait3A_229 = tpu.memref_squeeze %dma_wait3A_228 : memref<1x15000xf32, #tpu.memory_space<hbm>> -> memref<15000xf32, #tpu.memory_space<hbm>>
    tpu.wait_dma2 semaphore(%arg11 : memref<!tpu.dma_semaphore, #tpu.memory_space<semaphore_mem>>) src(%dma_wait3A_229 : memref<15000xf32, #tpu.memory_space<hbm>>) dst(%arg7 : memref<15000xf32, #tpu.memory_space<vmem>>)
    %scan3A_230 = arith.constant 0 : i32
    %scan3A_231 = arith.constant 0 : i32
    %scan3A_232 = arith.constant 20 : i32
    %scan3A_233 = arith.addi %scan3A_231, %scan3A_232 : i32
    %scan3A_234 = arith.constant 1 : i32
    scf.for %scan3A_237 = %scan3A_231 to %scan3A_233 step %scan3A_234  : i32 {
      %mul3A_238 = arith.constant 16 : i32
      %mul3A_239 = arith.muli %scan3A_237, %mul3A_238 : i32
      %mul3A_240 = arith.constant 320 : i32
      %mul3A_241 = arith.muli %add3A, %mul3A_240 : i32
      %add3A_242 = arith.addi %mul3A_241, %mul3A_239 : i32
      %add3A_243 = vector.broadcast %add3A_242 : i32 to vector<16xi32>
      %add3A_244 = arith.addi %add3A_243, %iota3A : vector<16xi32>
      %lt3A = arith.constant 10000 : i32
      %lt3A_245 = vector.broadcast %lt3A : i32 to vector<16xi32>
      %lt3A_246 = arith.cmpi slt, %add3A_244, %lt3A_245 : vector<16xi32>
      %add3A_247 = vector.broadcast %mul3A_239 : i32 to vector<16xi32>
      %add3A_248 = arith.addi %add3A_247, %iota3A : vector<16xi32>
      %mul3A_249 = arith.constant 3 : i32
      %mul3A_250 = vector.broadcast %mul3A_249 : i32 to vector<16xi32>
      %mul3A_251 = arith.muli %add3A_248, %mul3A_250 : vector<16xi32>
      %gather3A = tpu.vector_load_idx %arg9[%mul3A_251] : memref<960xi32, #tpu.memory_space<vmem>>[vector<16xi32>], vector<16xi32>,
      %add3A_252 = arith.constant 1 : i32
      %add3A_253 = vector.broadcast %add3A_252 : i32 to vector<16xi32>
      %add3A_254 = arith.addi %mul3A_251, %add3A_253 : vector<16xi32>
      %gather3A_255 = tpu.vector_load_idx %arg9[%add3A_254] : memref<960xi32, #tpu.memory_space<vmem>>[vector<16xi32>], vector<16xi32>,
      %add3A_256 = arith.constant 2 : i32
      %add3A_257 = vector.broadcast %add3A_256 : i32 to vector<16xi32>
      %add3A_258 = arith.addi %mul3A_251, %add3A_257 : vector<16xi32>
      %gather3A_259 = tpu.vector_load_idx %arg9[%add3A_258] : memref<960xi32, #tpu.memory_space<vmem>>[vector<16xi32>], vector<16xi32>,
      %mul3A_260 = arith.constant 3 : i32
      %mul3A_261 = vector.broadcast %mul3A_260 : i32 to vector<16xi32>
      %mul3A_262 = arith.muli %gather3A, %mul3A_261 : vector<16xi32>
      %add3A_263 = arith.constant 0 : i32
      %add3A_264 = vector.broadcast %add3A_263 : i32 to vector<16xi32>
      %add3A_265 = arith.addi %mul3A_262, %add3A_264 : vector<16xi32>
      %gather3A_266 = tpu.vector_load_idx %arg7[%add3A_265] : memref<15000xf32, #tpu.memory_space<vmem>>[vector<16xi32>], vector<16xf32>,
      %mul3A_267 = arith.constant 3 : i32
      %mul3A_268 = vector.broadcast %mul3A_267 : i32 to vector<16xi32>
      %mul3A_269 = arith.muli %gather3A, %mul3A_268 : vector<16xi32>
      %add3A_270 = arith.constant 1 : i32
      %add3A_271 = vector.broadcast %add3A_270 : i32 to vector<16xi32>
      %add3A_272 = arith.addi %mul3A_269, %add3A_271 : vector<16xi32>
      %gather3A_273 = tpu.vector_load_idx %arg7[%add3A_272] : memref<15000xf32, #tpu.memory_space<vmem>>[vector<16xi32>], vector<16xf32>,
      %mul3A_274 = arith.constant 3 : i32
      %mul3A_275 = vector.broadcast %mul3A_274 : i32 to vector<16xi32>
      %mul3A_276 = arith.muli %gather3A, %mul3A_275 : vector<16xi32>
      %add3A_277 = arith.constant 2 : i32
      %add3A_278 = vector.broadcast %add3A_277 : i32 to vector<16xi32>
      %add3A_279 = arith.addi %mul3A_276, %add3A_278 : vector<16xi32>
      %gather3A_280 = tpu.vector_load_idx %arg7[%add3A_279] : memref<15000xf32, #tpu.memory_space<vmem>>[vector<16xi32>], vector<16xf32>,
      %mul3A_281 = arith.constant 3 : i32
      %mul3A_282 = vector.broadcast %mul3A_281 : i32 to vector<16xi32>
      %mul3A_283 = arith.muli %gather3A_255, %mul3A_282 : vector<16xi32>
      %add3A_284 = arith.constant 0 : i32
      %add3A_285 = vector.broadcast %add3A_284 : i32 to vector<16xi32>
      %add3A_286 = arith.addi %mul3A_283, %add3A_285 : vector<16xi32>
      %gather3A_287 = tpu.vector_load_idx %arg7[%add3A_286] : memref<15000xf32, #tpu.memory_space<vmem>>[vector<16xi32>], vector<16xf32>,
      %sub3A = arith.subf %gather3A_287, %gather3A_266 : vector<16xf32>
      %mul3A_288 = arith.constant 3 : i32
      %mul3A_289 = vector.broadcast %mul3A_288 : i32 to vector<16xi32>
      %mul3A_290 = arith.muli %gather3A_255, %mul3A_289 : vector<16xi32>
      %add3A_291 = arith.constant 1 : i32
      %add3A_292 = vector.broadcast %add3A_291 : i32 to vector<16xi32>
      %add3A_293 = arith.addi %mul3A_290, %add3A_292 : vector<16xi32>
      %gather3A_294 = tpu.vector_load_idx %arg7[%add3A_293] : memref<15000xf32, #tpu.memory_space<vmem>>[vector<16xi32>], vector<16xf32>,
      %sub3A_295 = arith.subf %gather3A_294, %gather3A_273 : vector<16xf32>
      %mul3A_296 = arith.constant 3 : i32
      %mul3A_297 = vector.broadcast %mul3A_296 : i32 to vector<16xi32>
      %mul3A_298 = arith.muli %gather3A_255, %mul3A_297 : vector<16xi32>
      %add3A_299 = arith.constant 2 : i32
      %add3A_300 = vector.broadcast %add3A_299 : i32 to vector<16xi32>
      %add3A_301 = arith.addi %mul3A_298, %add3A_300 : vector<16xi32>
      %gather3A_302 = tpu.vector_load_idx %arg7[%add3A_301] : memref<15000xf32, #tpu.memory_space<vmem>>[vector<16xi32>], vector<16xf32>,
      %sub3A_303 = arith.subf %gather3A_302, %gather3A_280 : vector<16xf32>
      %mul3A_304 = arith.constant 3 : i32
      %mul3A_305 = vector.broadcast %mul3A_304 : i32 to vector<16xi32>
      %mul3A_306 = arith.muli %gather3A_259, %mul3A_305 : vector<16xi32>
      %add3A_307 = arith.constant 0 : i32
      %add3A_308 = vector.broadcast %add3A_307 : i32 to vector<16xi32>
      %add3A_309 = arith.addi %mul3A_306, %add3A_308 : vector<16xi32>
      %gather3A_310 = tpu.vector_load_idx %arg7[%add3A_309] : memref<15000xf32, #tpu.memory_space<vmem>>[vector<16xi32>], vector<16xf32>,
      %sub3A_311 = arith.subf %gather3A_310, %gather3A_266 : vector<16xf32>
      %mul3A_312 = arith.constant 3 : i32
      %mul3A_313 = vector.broadcast %mul3A_312 : i32 to vector<16xi32>
      %mul3A_314 = arith.muli %gather3A_259, %mul3A_313 : vector<16xi32>
      %add3A_315 = arith.constant 1 : i32
      %add3A_316 = vector.broadcast %add3A_315 : i32 to vector<16xi32>
      %add3A_317 = arith.addi %mul3A_314, %add3A_316 : vector<16xi32>
      %gather3A_318 = tpu.vector_load_idx %arg7[%add3A_317] : memref<15000xf32, #tpu.memory_space<vmem>>[vector<16xi32>], vector<16xf32>,
      %sub3A_319 = arith.subf %gather3A_318, %gather3A_273 : vector<16xf32>
      %mul3A_320 = arith.constant 3 : i32
      %mul3A_321 = vector.broadcast %mul3A_320 : i32 to vector<16xi32>
      %mul3A_322 = arith.muli %gather3A_259, %mul3A_321 : vector<16xi32>
      %add3A_323 = arith.constant 2 : i32
      %add3A_324 = vector.broadcast %add3A_323 : i32 to vector<16xi32>
      %add3A_325 = arith.addi %mul3A_322, %add3A_324 : vector<16xi32>
      %gather3A_326 = tpu.vector_load_idx %arg7[%add3A_325] : memref<15000xf32, #tpu.memory_space<vmem>>[vector<16xi32>], vector<16xf32>,
      %sub3A_327 = arith.subf %gather3A_326, %gather3A_280 : vector<16xf32>
      %mul3A_328 = arith.mulf %sub3A_295, %sub3A_327 : vector<16xf32>
      %mul3A_329 = arith.mulf %sub3A_303, %sub3A_319 : vector<16xf32>
      %sub3A_330 = arith.subf %mul3A_328, %mul3A_329 : vector<16xf32>
      %mul3A_331 = arith.mulf %sub3A_303, %sub3A_311 : vector<16xf32>
      %mul3A_332 = arith.mulf %sub3A, %sub3A_327 : vector<16xf32>
      %sub3A_333 = arith.subf %mul3A_331, %mul3A_332 : vector<16xf32>
      %mul3A_334 = arith.mulf %sub3A, %sub3A_319 : vector<16xf32>
      %mul3A_335 = arith.mulf %sub3A_295, %sub3A_311 : vector<16xf32>
      %sub3A_336 = arith.subf %mul3A_334, %mul3A_335 : vector<16xf32>
      tpu.vector_store_idx %arg10[%gather3A], %sub3A_330 masked %lt3A_246 {add = true} : memref<15360xf32, #tpu.memory_space<vmem>>[vector<16xi32>], vector<16xf32>, vector<16xi1>
      %add3A_337 = arith.constant 5120 : i32
      %add3A_338 = vector.broadcast %add3A_337 : i32 to vector<16xi32>
      %add3A_339 = arith.addi %gather3A, %add3A_338 : vector<16xi32>
      tpu.vector_store_idx %arg10[%add3A_339], %sub3A_333 masked %lt3A_246 {add = true} : memref<15360xf32, #tpu.memory_space<vmem>>[vector<16xi32>], vector<16xf32>, vector<16xi1>
      %add3A_340 = arith.constant 10240 : i32
      %add3A_341 = vector.broadcast %add3A_340 : i32 to vector<16xi32>
      %add3A_342 = arith.addi %gather3A, %add3A_341 : vector<16xi32>
      tpu.vector_store_idx %arg10[%add3A_342], %sub3A_336 masked %lt3A_246 {add = true} : memref<15360xf32, #tpu.memory_space<vmem>>[vector<16xi32>], vector<16xf32>, vector<16xi1>
      tpu.vector_store_idx %arg10[%gather3A_255], %sub3A_330 masked %lt3A_246 {add = true} : memref<15360xf32, #tpu.memory_space<vmem>>[vector<16xi32>], vector<16xf32>, vector<16xi1>
      %add3A_343 = arith.constant 5120 : i32
      %add3A_344 = vector.broadcast %add3A_343 : i32 to vector<16xi32>
      %add3A_345 = arith.addi %gather3A_255, %add3A_344 : vector<16xi32>
      tpu.vector_store_idx %arg10[%add3A_345], %sub3A_333 masked %lt3A_246 {add = true} : memref<15360xf32, #tpu.memory_space<vmem>>[vector<16xi32>], vector<16xf32>, vector<16xi1>
      %add3A_346 = arith.constant 10240 : i32
      %add3A_347 = vector.broadcast %add3A_346 : i32 to vector<16xi32>
      %add3A_348 = arith.addi %gather3A_255, %add3A_347 : vector<16xi32>
      tpu.vector_store_idx %arg10[%add3A_348], %sub3A_336 masked %lt3A_246 {add = true} : memref<15360xf32, #tpu.memory_space<vmem>>[vector<16xi32>], vector<16xf32>, vector<16xi1>
      tpu.vector_store_idx %arg10[%gather3A_259], %sub3A_330 masked %lt3A_246 {add = true} : memref<15360xf32, #tpu.memory_space<vmem>>[vector<16xi32>], vector<16xf32>, vector<16xi1>
      %add3A_349 = arith.constant 5120 : i32
      %add3A_350 = vector.broadcast %add3A_349 : i32 to vector<16xi32>
      %add3A_351 = arith.addi %gather3A_259, %add3A_350 : vector<16xi32>
      tpu.vector_store_idx %arg10[%add3A_351], %sub3A_333 masked %lt3A_246 {add = true} : memref<15360xf32, #tpu.memory_space<vmem>>[vector<16xi32>], vector<16xf32>, vector<16xi1>
      %add3A_352 = arith.constant 10240 : i32
      %add3A_353 = vector.broadcast %add3A_352 : i32 to vector<16xi32>
      %add3A_354 = arith.addi %gather3A_259, %add3A_353 : vector<16xi32>
      tpu.vector_store_idx %arg10[%add3A_354], %sub3A_336 masked %lt3A_246 {add = true} : memref<15360xf32, #tpu.memory_space<vmem>>[vector<16xi32>], vector<16xf32>, vector<16xi1>
    }
    %scan3A_235 = arith.constant 20 : i32
    %run_scoped3A_236 = arith.constant 7 : i32
    "tpu.region"() ({
      %run_scoped3A_237 = tpu.sem_alloc : memref<!tpu.dma_semaphore, #tpu.memory_space<semaphore_mem>>
      %dma_start3A_238 = arith.constant 0 : i32
      %dma_start3A_239 = tpu.memref_slice %arg6[%run_scoped3A_236, %add3A, %dma_start3A_238] : memref<8x32x15360xf32, #tpu.memory_space<hbm>> -> memref<1x1x15360xf32, #tpu.memory_space<hbm>>
      %dma_start3A_240 = tpu.memref_squeeze %dma_start3A_239 : memref<1x1x15360xf32, #tpu.memory_space<hbm>> -> memref<15360xf32, #tpu.memory_space<hbm>>
      %dma_start3A_241 = arith.constant 0 : i32
      %dma_start3A_242 = tpu.memref_slice %arg6[%run_scoped3A_236, %add3A, %dma_start3A_241] : memref<8x32x15360xf32, #tpu.memory_space<hbm>> -> memref<1x1x15360xf32, #tpu.memory_space<hbm>>
      %dma_start3A_243 = tpu.memref_squeeze %dma_start3A_242 : memref<1x1x15360xf32, #tpu.memory_space<hbm>> -> memref<15360xf32, #tpu.memory_space<hbm>>
      tpu.enqueue_dma source(%arg10 : memref<15360xf32, #tpu.memory_space<vmem>>) target(%dma_start3A_243 : memref<15360xf32, #tpu.memory_space<hbm>>) target_semaphore(%run_scoped3A_237 : memref<!tpu.dma_semaphore, #tpu.memory_space<semaphore_mem>>)
      %dma_wait3A_244 = arith.constant 0 : i32
      %dma_wait3A_245 = tpu.memref_slice %arg6[%run_scoped3A_236, %add3A, %dma_wait3A_244] : memref<8x32x15360xf32, #tpu.memory_space<hbm>> -> memref<1x1x15360xf32, #tpu.memory_space<hbm>>
      %dma_wait3A_246 = tpu.memref_squeeze %dma_wait3A_245 : memref<1x1x15360xf32, #tpu.memory_space<hbm>> -> memref<15360xf32, #tpu.memory_space<hbm>>
      %dma_wait3A_247 = arith.constant 0 : i32
      %dma_wait3A_248 = tpu.memref_slice %arg6[%run_scoped3A_236, %add3A, %dma_wait3A_247] : memref<8x32x15360xf32, #tpu.memory_space<hbm>> -> memref<1x1x15360xf32, #tpu.memory_space<hbm>>
      %dma_wait3A_249 = tpu.memref_squeeze %dma_wait3A_248 : memref<1x1x15360xf32, #tpu.memory_space<hbm>> -> memref<15360xf32, #tpu.memory_space<hbm>>
      tpu.wait_dma2 semaphore(%run_scoped3A_237 : memref<!tpu.dma_semaphore, #tpu.memory_space<semaphore_mem>>) src(%arg10 : memref<15360xf32, #tpu.memory_space<vmem>>) dst(%dma_wait3A_249 : memref<15360xf32, #tpu.memory_space<hbm>>)
      tpu.yield
    }) : () -> ()
    return
  }
}

module attributes {stable_mosaic.version = 14 : i64} {
  func.func @_knn_body(%arg0: i32, %arg1: i32, %arg2: memref<1x1280x3xf32, #tpu.memory_space<vmem>>, %arg3: memref<1x3x5120xf32, #tpu.memory_space<vmem>>, %arg4: memref<1x40x128xf32, #tpu.memory_space<vmem>>, %arg5: memref<1x40x128xi32, #tpu.memory_space<vmem>>, %arg6: memref<1x40x128xf32, #tpu.memory_space<vmem>>, %arg7: memref<1x40x128xi32, #tpu.memory_space<vmem>>) attributes {dimension_semantics = [#tpu.dimension_semantics<arbitrary>, #tpu.dimension_semantics<arbitrary>], iteration_bounds = array<i64: 4, 4>, scalar_prefetch = 0 : i64, scratch_operands = 0 : i64, tpu.core_type = #tpu.core_type<tc>, window_params = [{transform_indices = @transform_0, window_bounds = array<i64: 1, 1280, 3>}, {transform_indices = @transform_1, window_bounds = array<i64: 1, 3, 5120>}, {transform_indices = @transform_2, window_bounds = array<i64: 1, 40, 128>}, {transform_indices = @transform_3, window_bounds = array<i64: 1, 40, 128>}, {transform_indices = @transform_4, window_bounds = array<i64: 1, 40, 128>}, {transform_indices = @transform_5, window_bounds = array<i64: 1, 40, 128>}]} {
    %get3A = arith.constant 0 : index
    %get3A_0 = arith.constant 0 : index
    %get3A_1 = arith.constant 0 : index
    %get3A_2 = vector.load %arg2[%get3A, %get3A_0, %get3A_1] : memref<1x1280x3xf32, #tpu.memory_space<vmem>>, vector<1x1280x3xf32>
    %get3A_3 = vector.shape_cast %get3A_2 : vector<1x1280x3xf32> to vector<1280x3xf32>
    %get3A_4 = arith.constant 0 : index
    %get3A_5 = arith.constant 0 : index
    %get3A_6 = arith.constant 0 : index
    %get3A_7 = vector.load %arg3[%get3A_4, %get3A_5, %get3A_6] : memref<1x3x5120xf32, #tpu.memory_space<vmem>>, vector<1x3x5120xf32>
    %get3A_8 = vector.shape_cast %get3A_7 : vector<1x3x5120xf32> to vector<3x5120xf32>
    %slice3A = vector.extract_strided_slice %get3A_3 {offsets = [0, 0], sizes = [1280, 1], strides = [1, 1]} : vector<1280x3xf32> to vector<1280x1xf32>
    %slice3A_9 = vector.extract_strided_slice %get3A_8 {offsets = [0, 0], sizes = [1, 5120], strides = [1, 1]} : vector<3x5120xf32> to vector<1x5120xf32>
    %sub3A = vector.broadcast %slice3A : vector<1280x1xf32> to vector<1280x5120xf32>
    %sub3A_10 = vector.broadcast %slice3A_9 : vector<1x5120xf32> to vector<1280x5120xf32>
    %sub3A_11 = arith.subf %sub3A, %sub3A_10 : vector<1280x5120xf32>
    %slice3A_12 = vector.extract_strided_slice %get3A_3 {offsets = [0, 1], sizes = [1280, 1], strides = [1, 1]} : vector<1280x3xf32> to vector<1280x1xf32>
    %slice3A_13 = vector.extract_strided_slice %get3A_8 {offsets = [1, 0], sizes = [1, 5120], strides = [1, 1]} : vector<3x5120xf32> to vector<1x5120xf32>
    %sub3A_14 = vector.broadcast %slice3A_12 : vector<1280x1xf32> to vector<1280x5120xf32>
    %sub3A_15 = vector.broadcast %slice3A_13 : vector<1x5120xf32> to vector<1280x5120xf32>
    %sub3A_16 = arith.subf %sub3A_14, %sub3A_15 : vector<1280x5120xf32>
    %slice3A_17 = vector.extract_strided_slice %get3A_3 {offsets = [0, 2], sizes = [1280, 1], strides = [1, 1]} : vector<1280x3xf32> to vector<1280x1xf32>
    %slice3A_18 = vector.extract_strided_slice %get3A_8 {offsets = [2, 0], sizes = [1, 5120], strides = [1, 1]} : vector<3x5120xf32> to vector<1x5120xf32>
    %sub3A_19 = vector.broadcast %slice3A_17 : vector<1280x1xf32> to vector<1280x5120xf32>
    %sub3A_20 = vector.broadcast %slice3A_18 : vector<1x5120xf32> to vector<1280x5120xf32>
    %sub3A_21 = arith.subf %sub3A_19, %sub3A_20 : vector<1280x5120xf32>
    %mul3A = arith.mulf %sub3A_11, %sub3A_11 : vector<1280x5120xf32>
    %mul3A_22 = arith.mulf %sub3A_16, %sub3A_16 : vector<1280x5120xf32>
    %add3A = arith.addf %mul3A, %mul3A_22 : vector<1280x5120xf32>
    %mul3A_23 = arith.mulf %sub3A_21, %sub3A_21 : vector<1280x5120xf32>
    %add3A_24 = arith.addf %add3A, %mul3A_23 : vector<1280x5120xf32>
    %iota3A = tpu.iota {dimensions = array<i32: 1>} : vector<1280x5120xi32>
    %iota3A_25 = tpu.iota {dimensions = array<i32: 0>} : vector<1280x5120xi32>
    %mul3A_26 = arith.constant 1280 : i32
    %mul3A_27 = arith.muli %arg1, %mul3A_26 : i32
    %add3A_28 = vector.broadcast %mul3A_27 : i32 to vector<1280x5120xi32>
    %add3A_29 = arith.addi %iota3A_25, %add3A_28 : vector<1280x5120xi32>
    %reduce_min3A = arith.constant dense<0x7F800000> : vector<1280xf32>
    %reduce_min3A_30 = vector.multi_reduction <minimumf>, %add3A_24, %reduce_min3A [1] : vector<1280x5120xf32> to vector<1280xf32>
    %broadcast_in_dim3A = vector.shape_cast %reduce_min3A_30 : vector<1280xf32> to vector<1280x1xf32>
    %eq3A = vector.broadcast %broadcast_in_dim3A : vector<1280x1xf32> to vector<1280x5120xf32>
    %eq3A_31 = arith.cmpf oeq, %add3A_24, %eq3A : vector<1280x5120xf32>
    %jit3A = arith.constant 1073741824 : i32
    %broadcast_in_dim3A_32 = vector.broadcast %jit3A : i32 to vector<1280x5120xi32>
    %select_n3A = arith.select %eq3A_31, %iota3A, %broadcast_in_dim3A_32 : vector<1280x5120xi1>, vector<1280x5120xi32>
    %reduce_min3A_33 = arith.constant dense<2147483647> : vector<1280xi32>
    %reduce_min3A_34 = vector.multi_reduction <minsi>, %select_n3A, %reduce_min3A_33 [1] : vector<1280x5120xi32> to vector<1280xi32>
    %reshape3A = vector.shape_cast %reduce_min3A_30 : vector<1280xf32> to vector<10x128xf32>
    %mul3A_35 = arith.constant 10 : i32
    %mul3A_36 = arith.muli %arg1, %mul3A_35 : i32
    %swap3A = arith.constant 0 : index
    %swap3A_37 = arith.index_cast %mul3A_36 : i32 to index
    %swap3A_38 = arith.constant 0 : index
    %swap3A_39 = vector.load %arg4[%swap3A, %swap3A_37, %swap3A_38] : memref<1x40x128xf32, #tpu.memory_space<vmem>>, vector<1x10x128xf32>
    %swap3A_40 = vector.shape_cast %swap3A_39 : vector<1x10x128xf32> to vector<10x128xf32>
    %swap3A_41 = vector.shape_cast %reshape3A : vector<10x128xf32> to vector<1x10x128xf32>
    tpu.vector_store %arg4[%swap3A, %swap3A_37, %swap3A_38], %swap3A_41 {strides = array<i32>} : memref<1x40x128xf32, #tpu.memory_space<vmem>>, vector<1x10x128xf32>,
    %reshape3A_42 = vector.shape_cast %reduce_min3A_34 : vector<1280xi32> to vector<10x128xi32>
    %mul3A_43 = arith.constant 10 : i32
    %mul3A_44 = arith.muli %arg1, %mul3A_43 : i32
    %swap3A_45 = arith.constant 0 : index
    %swap3A_46 = arith.index_cast %mul3A_44 : i32 to index
    %swap3A_47 = arith.constant 0 : index
    %swap3A_48 = vector.load %arg5[%swap3A_45, %swap3A_46, %swap3A_47] : memref<1x40x128xi32, #tpu.memory_space<vmem>>, vector<1x10x128xi32>
    %swap3A_49 = vector.shape_cast %swap3A_48 : vector<1x10x128xi32> to vector<10x128xi32>
    %swap3A_50 = vector.shape_cast %reshape3A_42 : vector<10x128xi32> to vector<1x10x128xi32>
    tpu.vector_store %arg5[%swap3A_45, %swap3A_46, %swap3A_47], %swap3A_50 {strides = array<i32>} : memref<1x40x128xi32, #tpu.memory_space<vmem>>, vector<1x10x128xi32>,
    %reduce_min3A_51 = arith.constant dense<0x7F800000> : vector<5120xf32>
    %reduce_min3A_52 = vector.multi_reduction <minimumf>, %add3A_24, %reduce_min3A_51 [0] : vector<1280x5120xf32> to vector<5120xf32>
    %broadcast_in_dim3A_53 = vector.shape_cast %reduce_min3A_52 : vector<5120xf32> to vector<1x5120xf32>
    %eq3A_54 = vector.broadcast %broadcast_in_dim3A_53 : vector<1x5120xf32> to vector<1280x5120xf32>
    %eq3A_55 = arith.cmpf oeq, %add3A_24, %eq3A_54 : vector<1280x5120xf32>
    %jit3A_56 = arith.constant 1073741824 : i32
    %broadcast_in_dim3A_57 = vector.broadcast %jit3A_56 : i32 to vector<1280x5120xi32>
    %select_n3A_58 = arith.select %eq3A_55, %add3A_29, %broadcast_in_dim3A_57 : vector<1280x5120xi1>, vector<1280x5120xi32>
    %reduce_min3A_59 = arith.constant dense<2147483647> : vector<5120xi32>
    %reduce_min3A_60 = vector.multi_reduction <minsi>, %select_n3A_58, %reduce_min3A_59 [0] : vector<1280x5120xi32> to vector<5120xi32>
    %eq3A_61 = arith.constant 0 : i32
    %eq3A_62 = arith.cmpi eq, %arg1, %eq3A_61 : i32
    %convert_element_type3A = arith.extui %eq3A_62 : i1 to i32
    %cond3A = arith.constant 0 : i32
    %cond3A_63 = arith.cmpi ne, %convert_element_type3A, %cond3A : i32
    scf.if %cond3A_63 {
      %reshape3A_68 = vector.shape_cast %reduce_min3A_52 : vector<5120xf32> to vector<40x128xf32>
      %swap3A_69 = arith.constant 0 : index
      %swap3A_70 = arith.constant 0 : index
      %swap3A_71 = arith.constant 0 : index
      %swap3A_72 = vector.load %arg6[%swap3A_69, %swap3A_70, %swap3A_71] : memref<1x40x128xf32, #tpu.memory_space<vmem>>, vector<1x40x128xf32>
      %swap3A_73 = vector.shape_cast %swap3A_72 : vector<1x40x128xf32> to vector<40x128xf32>
      %swap3A_74 = vector.shape_cast %reshape3A_68 : vector<40x128xf32> to vector<1x40x128xf32>
      tpu.vector_store %arg6[%swap3A_69, %swap3A_70, %swap3A_71], %swap3A_74 {strides = array<i32>} : memref<1x40x128xf32, #tpu.memory_space<vmem>>, vector<1x40x128xf32>,
      %reshape3A_75 = vector.shape_cast %reduce_min3A_60 : vector<5120xi32> to vector<40x128xi32>
      %swap3A_76 = arith.constant 0 : index
      %swap3A_77 = arith.constant 0 : index
      %swap3A_78 = arith.constant 0 : index
      %swap3A_79 = vector.load %arg7[%swap3A_76, %swap3A_77, %swap3A_78] : memref<1x40x128xi32, #tpu.memory_space<vmem>>, vector<1x40x128xi32>
      %swap3A_80 = vector.shape_cast %swap3A_79 : vector<1x40x128xi32> to vector<40x128xi32>
      %swap3A_81 = vector.shape_cast %reshape3A_75 : vector<40x128xi32> to vector<1x40x128xi32>
      tpu.vector_store %arg7[%swap3A_76, %swap3A_77, %swap3A_78], %swap3A_81 {strides = array<i32>} : memref<1x40x128xi32, #tpu.memory_space<vmem>>, vector<1x40x128xi32>,
    } else {
    }
    %gt3A = arith.constant 0 : i32
    %gt3A_64 = arith.cmpi sgt, %arg1, %gt3A : i32
    %convert_element_type3A_65 = arith.extui %gt3A_64 : i1 to i32
    %cond3A_66 = arith.constant 0 : i32
    %cond3A_67 = arith.cmpi ne, %convert_element_type3A_65, %cond3A_66 : i32
    scf.if %cond3A_67 {
      %get3A_68 = arith.constant 0 : index
      %get3A_69 = arith.constant 0 : index
      %get3A_70 = arith.constant 0 : index
      %get3A_71 = vector.load %arg6[%get3A_68, %get3A_69, %get3A_70] : memref<1x40x128xf32, #tpu.memory_space<vmem>>, vector<1x40x128xf32>
      %get3A_72 = vector.shape_cast %get3A_71 : vector<1x40x128xf32> to vector<40x128xf32>
      %reshape3A_73 = vector.shape_cast %get3A_72 : vector<40x128xf32> to vector<5120xf32>
      %lt3A = arith.cmpf olt, %reduce_min3A_52, %reshape3A_73 : vector<5120xf32>
      %select_n3A_74 = arith.select %lt3A, %reduce_min3A_52, %reshape3A_73 : vector<5120xi1>, vector<5120xf32>
      %reshape3A_75 = vector.shape_cast %select_n3A_74 : vector<5120xf32> to vector<40x128xf32>
      %swap3A_76 = arith.constant 0 : index
      %swap3A_77 = arith.constant 0 : index
      %swap3A_78 = arith.constant 0 : index
      %swap3A_79 = vector.load %arg6[%swap3A_76, %swap3A_77, %swap3A_78] : memref<1x40x128xf32, #tpu.memory_space<vmem>>, vector<1x40x128xf32>
      %swap3A_80 = vector.shape_cast %swap3A_79 : vector<1x40x128xf32> to vector<40x128xf32>
      %swap3A_81 = vector.shape_cast %reshape3A_75 : vector<40x128xf32> to vector<1x40x128xf32>
      tpu.vector_store %arg6[%swap3A_76, %swap3A_77, %swap3A_78], %swap3A_81 {strides = array<i32>} : memref<1x40x128xf32, #tpu.memory_space<vmem>>, vector<1x40x128xf32>,
      %get3A_82 = arith.constant 0 : index
      %get3A_83 = arith.constant 0 : index
      %get3A_84 = arith.constant 0 : index
      %get3A_85 = vector.load %arg7[%get3A_82, %get3A_83, %get3A_84] : memref<1x40x128xi32, #tpu.memory_space<vmem>>, vector<1x40x128xi32>
      %get3A_86 = vector.shape_cast %get3A_85 : vector<1x40x128xi32> to vector<40x128xi32>
      %reshape3A_87 = vector.shape_cast %get3A_86 : vector<40x128xi32> to vector<5120xi32>
      %select_n3A_88 = arith.select %lt3A, %reduce_min3A_60, %reshape3A_87 : vector<5120xi1>, vector<5120xi32>
      %reshape3A_89 = vector.shape_cast %select_n3A_88 : vector<5120xi32> to vector<40x128xi32>
      %swap3A_90 = arith.constant 0 : index
      %swap3A_91 = arith.constant 0 : index
      %swap3A_92 = arith.constant 0 : index
      %swap3A_93 = vector.load %arg7[%swap3A_90, %swap3A_91, %swap3A_92] : memref<1x40x128xi32, #tpu.memory_space<vmem>>, vector<1x40x128xi32>
      %swap3A_94 = vector.shape_cast %swap3A_93 : vector<1x40x128xi32> to vector<40x128xi32>
      %swap3A_95 = vector.shape_cast %reshape3A_89 : vector<40x128xi32> to vector<1x40x128xi32>
      tpu.vector_store %arg7[%swap3A_90, %swap3A_91, %swap3A_92], %swap3A_95 {strides = array<i32>} : memref<1x40x128xi32, #tpu.memory_space<vmem>>, vector<1x40x128xi32>,
    } else {
    }
    return
  }
  func.func @transform_0(%arg0: i32, %arg1: i32) -> (i32, i32, i32) {
    %c0_i32 = arith.constant 0 : i32
    %c0_i32_0 = arith.constant 0 : i32
    return %arg0, %arg1, %c0_i32 : i32, i32, i32
  }
  func.func @transform_1(%arg0: i32, %arg1: i32) -> (i32, i32, i32) {
    %c0_i32 = arith.constant 0 : i32
    %c0_i32_0 = arith.constant 0 : i32
    %c0_i32_1 = arith.constant 0 : i32
    return %arg0, %c0_i32, %c0_i32_0 : i32, i32, i32
  }
  func.func @transform_2(%arg0: i32, %arg1: i32) -> (i32, i32, i32) {
    %c0_i32 = arith.constant 0 : i32
    %c0_i32_0 = arith.constant 0 : i32
    %c0_i32_1 = arith.constant 0 : i32
    return %arg0, %c0_i32, %c0_i32_0 : i32, i32, i32
  }
  func.func @transform_3(%arg0: i32, %arg1: i32) -> (i32, i32, i32) {
    %c0_i32 = arith.constant 0 : i32
    %c0_i32_0 = arith.constant 0 : i32
    %c0_i32_1 = arith.constant 0 : i32
    return %arg0, %c0_i32, %c0_i32_0 : i32, i32, i32
  }
  func.func @transform_4(%arg0: i32, %arg1: i32) -> (i32, i32, i32) {
    %c0_i32 = arith.constant 0 : i32
    %c0_i32_0 = arith.constant 0 : i32
    %c0_i32_1 = arith.constant 0 : i32
    return %arg0, %c0_i32, %c0_i32_0 : i32, i32, i32
  }
  func.func @transform_5(%arg0: i32, %arg1: i32) -> (i32, i32, i32) {
    %c0_i32 = arith.constant 0 : i32
    %c0_i32_0 = arith.constant 0 : i32
    %c0_i32_1 = arith.constant 0 : i32
    return %arg0, %c0_i32, %c0_i32_0 : i32, i32, i32
  }
}

module attributes {stable_mosaic.version = 14 : i64} {
  func.func @_norm_body(%arg0: i32, %arg1: memref<1x32x3x5120xf32, #tpu.memory_space<vmem>>, %arg2: memref<1x3x5120xf32, #tpu.memory_space<vmem>>) attributes {dimension_semantics = [#tpu.dimension_semantics<arbitrary>], iteration_bounds = array<i64: 8>, scalar_prefetch = 0 : i64, scratch_operands = 0 : i64, tpu.core_type = #tpu.core_type<tc>, window_params = [{transform_indices = @transform_0, window_bounds = array<i64: 1, 32, 3, 5120>}, {transform_indices = @transform_1, window_bounds = array<i64: 1, 3, 5120>}]} {
    %get3A = arith.constant 0 : index
    %get3A_0 = arith.constant 0 : index
    %get3A_1 = arith.constant 0 : index
    %get3A_2 = arith.constant 0 : index
    %get3A_3 = vector.load %arg1[%get3A, %get3A_0, %get3A_1, %get3A_2] : memref<1x32x3x5120xf32, #tpu.memory_space<vmem>>, vector<1x32x3x5120xf32>
    %get3A_4 = vector.shape_cast %get3A_3 : vector<1x32x3x5120xf32> to vector<32x3x5120xf32>
    %reduce_sum3A = arith.constant dense<0.000000e+00> : vector<3x5120xf32>
    %reduce_sum3A_5 = vector.multi_reduction <add>, %get3A_4, %reduce_sum3A [0] : vector<32x3x5120xf32> to vector<3x5120xf32>
    %mul3A = arith.mulf %reduce_sum3A_5, %reduce_sum3A_5 : vector<3x5120xf32>
    %reduce_sum3A_6 = arith.constant dense<0.000000e+00> : vector<5120xf32>
    %reduce_sum3A_7 = vector.multi_reduction <add>, %mul3A, %reduce_sum3A_6 [0] : vector<3x5120xf32> to vector<5120xf32>
    %broadcast_in_dim3A = vector.shape_cast %reduce_sum3A_7 : vector<5120xf32> to vector<1x5120xf32>
    %sqrt3A = math.sqrt %broadcast_in_dim3A : vector<1x5120xf32>
    %max3A = arith.constant 9.99999996E-13 : f32
    %max3A_8 = vector.broadcast %max3A : f32 to vector<1x5120xf32>
    %max3A_9 = arith.maximumf %sqrt3A, %max3A_8 : vector<1x5120xf32>
    %div3A = vector.broadcast %max3A_9 : vector<1x5120xf32> to vector<3x5120xf32>
    %div3A_10 = arith.divf %reduce_sum3A_5, %div3A : vector<3x5120xf32>
    %swap3A = arith.constant 0 : index
    %swap3A_11 = arith.constant 0 : index
    %swap3A_12 = arith.constant 0 : index
    %swap3A_13 = vector.load %arg2[%swap3A, %swap3A_11, %swap3A_12] : memref<1x3x5120xf32, #tpu.memory_space<vmem>>, vector<1x3x5120xf32>
    %swap3A_14 = vector.shape_cast %swap3A_13 : vector<1x3x5120xf32> to vector<3x5120xf32>
    %swap3A_15 = vector.shape_cast %div3A_10 : vector<3x5120xf32> to vector<1x3x5120xf32>
    tpu.vector_store %arg2[%swap3A, %swap3A_11, %swap3A_12], %swap3A_15 {strides = array<i32>} : memref<1x3x5120xf32, #tpu.memory_space<vmem>>, vector<1x3x5120xf32>,
    return
  }
  func.func @transform_0(%arg0: i32) -> (i32, i32, i32, i32) {
    %c0_i32 = arith.constant 0 : i32
    %c0_i32_0 = arith.constant 0 : i32
    %c0_i32_1 = arith.constant 0 : i32
    %c0_i32_2 = arith.constant 0 : i32
    return %arg0, %c0_i32, %c0_i32_0, %c0_i32_1 : i32, i32, i32, i32
  }
  func.func @transform_1(%arg0: i32) -> (i32, i32, i32) {
    %c0_i32 = arith.constant 0 : i32
    %c0_i32_0 = arith.constant 0 : i32
    %c0_i32_1 = arith.constant 0 : i32
    return %arg0, %c0_i32, %c0_i32_0 : i32, i32, i32
  }
}

module attributes {stable_mosaic.version = 14 : i64} {
  func.func @_fin_body(%arg0: i32, %arg1: memref<1x32x4x16xf32, #tpu.memory_space<vmem>>, %arg2: memref<1x1x4xf32, #tpu.memory_space<vmem>>) attributes {dimension_semantics = [#tpu.dimension_semantics<arbitrary>], iteration_bounds = array<i64: 4>, scalar_prefetch = 0 : i64, scratch_operands = 0 : i64, tpu.core_type = #tpu.core_type<tc>, window_params = [{transform_indices = @transform_0, window_bounds = array<i64: 1, 32, 4, 16>}, {transform_indices = @transform_1, window_bounds = array<i64: 1, 1, 4>}]} {
    %get3A = arith.constant 0 : index
    %get3A_0 = arith.constant 0 : index
    %get3A_1 = arith.constant 0 : index
    %get3A_2 = arith.constant 0 : index
    %get3A_3 = vector.load %arg1[%get3A, %get3A_0, %get3A_1, %get3A_2] : memref<1x32x4x16xf32, #tpu.memory_space<vmem>>, vector<1x32x4x16xf32>
    %get3A_4 = vector.shape_cast %get3A_3 : vector<1x32x4x16xf32> to vector<32x4x16xf32>
    %reduce_sum3A = arith.constant dense<0.000000e+00> : vector<4x16xf32>
    %reduce_sum3A_5 = vector.multi_reduction <add>, %get3A_4, %reduce_sum3A [0] : vector<32x4x16xf32> to vector<4x16xf32>
    %reduce_sum3A_6 = arith.constant dense<0.000000e+00> : vector<4xf32>
    %reduce_sum3A_7 = vector.multi_reduction <add>, %reduce_sum3A_5, %reduce_sum3A_6 [1] : vector<4x16xf32> to vector<4xf32>
    %mul3A = arith.constant 2.000000e-04 : f32
    %mul3A_8 = vector.broadcast %mul3A : f32 to vector<4xf32>
    %mul3A_9 = arith.mulf %reduce_sum3A_7, %mul3A_8 : vector<4xf32>
    %swap3A = arith.constant 0 : index
    %swap3A_10 = arith.constant 0 : index
    %swap3A_11 = arith.constant 0 : index
    %swap3A_12 = vector.load %arg2[%swap3A, %swap3A_10, %swap3A_11] : memref<1x1x4xf32, #tpu.memory_space<vmem>>, vector<1x1x4xf32>
    %swap3A_13 = vector.shape_cast %swap3A_12 : vector<1x1x4xf32> to vector<4xf32>
    %swap3A_14 = vector.shape_cast %mul3A_9 : vector<4xf32> to vector<1x1x4xf32>
    tpu.vector_store %arg2[%swap3A, %swap3A_10, %swap3A_11], %swap3A_14 {strides = array<i32>} : memref<1x1x4xf32, #tpu.memory_space<vmem>>, vector<1x1x4xf32>,
    return
  }
  func.func @transform_0(%arg0: i32) -> (i32, i32, i32, i32) {
    %c0_i32 = arith.constant 0 : i32
    %c0_i32_0 = arith.constant 0 : i32
    %c0_i32_1 = arith.constant 0 : i32
    %c0_i32_2 = arith.constant 0 : i32
    return %arg0, %c0_i32, %c0_i32_0, %c0_i32_1 : i32, i32, i32, i32
  }
  func.func @transform_1(%arg0: i32) -> (i32, i32, i32) {
    %c0_i32 = arith.constant 0 : i32
    %c0_i32_0 = arith.constant 0 : i32
    %c0_i32_1 = arith.constant 0 : i32
    return %arg0, %c0_i32, %c0_i32_0 : i32, i32, i32
  }
}

</mosaic_0001>

<sc_bundles>
// kernel: _impl.10.cloned.1.call-start
scs
__scs_entry_jumppad:
0x0: {  	(pc) =	sbr.rel $0x88, $3  }
0x1: {  	(tag) =	ssettag $0x0;
	lr =	simm.s32 $0x1  }
0x2: {  	[smem:$0x3F9D] =	sst lr;
	_ =	strace $0xD0000000  }
0x3: {  	_ = 	snop  }
0x4: {  	_ = 	snop  }
0x5: {  	_ = 	snop  }
0x6: {  	_ = 	snop  }
0x7: {  	_ = 	snop  }
__scs_overlays_trampoline_lowered:
0x8: {  	[smem:$0x3FAC] =	sst s0  }
0x9: {  	[smem:$0x3FAD] =	sst s1  }
0xa: {  	[smem:$0x3FAE] =	sst s2  }
0xb: {  	[smem:$0x3FAF] =	sst s3  }
0xc: {  	[smem:$0x3FB0] =	sst s4  }
0xd: {  	[smem:$0x3FB1] =	sst s5  }
0xe: {  	[smem:$0x3FB2] =	sst s6  }
0xf: {  	[smem:$0x3FB3] =	sst s7  }
0x10: {  	[smem:$0x3FB4] =	sst s8  }
0x11: {  	[smem:$0x3FB5] =	sst s9;
	s0 =	simm.s32 @!p0 $0x0  }
0x12: {  	s1 =	sld [smem:$0x3F9B];
	s0 =	simm.s32 @p0 $0x1  }
0x13: {  	[smem:$0x3FB6] =	sst s0;
	s0 =	simm.s32 @!p1 $0x0  }
0x14: {  	s2 =	sld [smem:$0x3F9A];
	s0 =	simm.s32 @p1 $0x1  }
0x15: {  	[smem:$0x3FB7] =	sst s0;
	s0 =	simm.s32 @!p2 $0x0  }
0x16: {  	s3 =	sld [smem:$0x3FDB];
	s0 =	simm.s32 @p2 $0x1  }
0x17: {  	s4 =	simm.s32 $0x1BF5;
	[smem:$0x3FB9] =	sst s0  }
0x18: {  	s0 =	sld [smem:$0x3F9C];
	_ =	swait.ge [sflag:s4], $0x0  }
0x19: {  	s7 =	sld [smem:$0x3F9D]  }
0x1a: {  	s8 =	sadd.s32 $0xFFFFE003, lr  }
0x1b: {  	s9 =	sadd.s32 $0xFFFFFEF7, lr;
	s5 =	simm.s32 $0xFFFFFFFF;
	p2 =	slt.u32 s8, $0xFFFFF086  }
0x1c: {  	p1 =	slt.u32 s9, $0xF7A;
	s5 =	simm.s32 @!p2 $0x0  }
0x1d: {  	s5 =	simm.s32 @p1 $0x1;
	p0 =	seq.s32 s7, s2  }
0x1e: {  	s7 =	smul.u32 @!p0 $0xF7A, s2;
	p2 =	seq.s32 @!p0 s5, $0x0  }
0x1f: {  	s9 =	smul.u32 $0xF7A, s1;
	s8 =	simm.s32 @!p0 $0x1BF5;
	p2 =	por !p2, p0  }
0x20: {  	[sflag:s8] =	ssyncset.s32 @!p0 $0xFFFFF086;
	s6 =	sadd.s32 @!p0 s3, s7;
	s7 =	simm.s32 @!p0 $0x108  }
0x21: {  	s3 =	sadd.s32 s3, s9;
	s6 =	sadd.s32 @!p0 $0x88, s6;
	s7 =	simm.s32 @p2 $0x1082  }
0x22: {  	[simem:s7], [sflag:s8] =	dma.local @!p0 [hbm:s6], $0xF7A  }
0x23: {  	s9 =	sor.u32 $0xD0000000, s2;
	s6 =	simm.s32 $0x108;
	_ =	swait.ge @!p0 [sflag:s8], $0x0  }
0x24: {  	s3 =	sadd.s32 $0x88, s3;
	s6 =	simm.s32 @!p1 $0x1082;
	[sflag:s4] =	ssyncset.s32 $0xFFFFF086  }
0x25: {  	[simem:s6], [sflag:s4] =	dma.local [hbm:s3], $0xF7A  }
0x26: {  	[smem:$0x3F9D] =	sst s1;
	(tag) =	ssettag s2;
	_ =	strace s9  }
0x27: {  	s1 =	sld [smem:$0x3FAD]  }
0x28: {  	s2 =	sld [smem:$0x3FAE]  }
0x29: {  	s4 =	sld [smem:$0x3FB0]  }
0x2a: {  	p0 =	seq.s32 s5, $0x0;
	s5 =	sld [smem:$0x3FB1]  }
0x2b: {  	s6 =	sld [smem:$0x3FB2]  }
0x2c: {  	s7 =	sld [smem:$0x3FB3]  }
0x2d: {  	s3 =	simm.s32 $0x108;
	s8 =	sld [smem:$0x3FB4]  }
0x2e: {  	s3 =	simm.s32 @!p0 $0x1082;
	s9 =	sld [smem:$0x3FB5]  }
0x2f: {  	lr =	sadd.s32 s0, s3;
	s0 =	sld [smem:$0x3FAC]  }
0x30: {  	s3 =	sld [smem:$0x3FAF]  }
0x31: {  	[smem:$0x3FB8] =	sst s10  }
0x32: {  	s10 =	sld [smem:$0x3FB6];
	_ =	sdelay $0x3  }
0x33: {  	p0 =	seq.s32 s10, $0x1;
	s10 =	sld [smem:$0x3FB8];
	_ =	sdelay $0x3  }
0x34: {  	[smem:$0x3FB8] =	sst s10  }
0x35: {  	s10 =	sld [smem:$0x3FB7];
	_ =	sdelay $0x3  }
0x36: {  	p1 =	seq.s32 s10, $0x1;
	s10 =	sld [smem:$0x3FB8];
	_ =	sdelay $0x3  }
0x37: {  	[smem:$0x3FB8] =	sst s10  }
0x38: {  	s10 =	sld [smem:$0x3FB9]  }
0x39: {  	_ = 	snop;
	(pc) =	sbr.ind lr, $3  }
0x3a: {  	_ = 	snop  }
0x3b: {  	_ = 	snop  }
0x3c: {  	p2 =	seq.s32 s10, $0x1;
	s10 =	sld [smem:$0x3FB8]  }
0x3d: {  	_ =	shalt  }
0x3e: {  	_ =	shalt  }
0x3f: {  	_ =	shalt  }
0x40: {  	_ =	shalt  }
0x41: {  	_ =	shalt  }
0x42: {  	_ =	shalt  }
0x43: {  	_ =	shalt  }
0x44: {  	_ =	shalt  }
0x45: {  	_ =	shalt  }
0x46: {  	_ =	shalt  }
0x47: {  	_ =	shalt  }
0x48: {  	_ =	shalt  }
0x49: {  	_ =	shalt  }
0x4a: {  	_ =	shalt  }
0x4b: {  	_ =	shalt  }
0x4c: {  	_ =	shalt  }
0x4d: {  	_ =	shalt  }
0x4e: {  	_ =	shalt  }
0x4f: {  	_ =	shalt  }
0x50: {  	_ =	shalt  }
0x51: {  	_ =	shalt  }
0x52: {  	_ =	shalt  }
0x53: {  	_ =	shalt  }
0x54: {  	_ =	shalt  }
0x55: {  	_ =	shalt  }
0x56: {  	_ =	shalt  }
0x57: {  	_ =	shalt  }
0x58: {  	_ =	shalt  }
0x59: {  	_ =	shalt  }
0x5a: {  	_ =	shalt  }
0x5b: {  	_ =	shalt  }
0x5c: {  	_ =	shalt  }
0x5d: {  	_ =	shalt  }
0x5e: {  	_ =	shalt  }
0x5f: {  	_ =	shalt  }
0x60: {  	_ =	shalt  }
0x61: {  	_ =	shalt  }
0x62: {  	_ =	shalt  }
0x63: {  	_ =	shalt  }
0x64: {  	_ =	shalt  }
0x65: {  	_ =	shalt  }
0x66: {  	_ =	shalt  }
0x67: {  	_ =	shalt  }
0x68: {  	_ =	shalt  }
0x69: {  	_ =	shalt  }
0x6a: {  	_ =	shalt  }
0x6b: {  	_ =	shalt  }
0x6c: {  	_ =	shalt  }
0x6d: {  	_ =	shalt  }
0x6e: {  	_ =	shalt  }
0x6f: {  	_ =	shalt  }
0x70: {  	_ =	shalt  }
0x71: {  	_ =	shalt  }
0x72: {  	_ =	shalt  }
0x73: {  	_ =	shalt  }
0x74: {  	_ =	shalt  }
0x75: {  	_ =	shalt  }
0x76: {  	_ =	shalt  }
0x77: {  	_ =	shalt  }
0x78: {  	_ =	shalt  }
0x79: {  	_ =	shalt  }
0x7a: {  	_ =	shalt  }
0x7b: {  	_ =	shalt  }
0x7c: {  	_ =	shalt  }
0x7d: {  	_ =	shalt  }
0x7e: {  	_ =	shalt  }
0x7f: {  	_ =	shalt  }
0x80: {  	_ =	shalt  }
0x81: {  	_ =	shalt  }
0x82: {  	_ =	shalt  }
0x83: {  	_ =	shalt  }
0x84: {  	_ =	shalt  }
0x85: {  	_ =	shalt  }
0x86: {  	_ =	shalt  }
0x87: {  	_ =	shalt  }
.Lfunc_end0:
.L_simem_size_0:
called_computation.1_lowered:
.L_overlay_start_0:
0x88: {  	s2 =	sld [smem:$0x3FD9]  }
0x89: {  	s3 =	sld [smem:$0x3FFE];
	_ =	sdelay $0x1  }
0x8a: {  	s1 =	srdreg.scid  }
0x8b: {  	s0 =	sand.u32 $0x1, s1  }
0x8c: {  	s16 =	sshll.u32 s0, $0xA;
	s2 =	sadd.s32 s3, s2  }
0x8d: {  	s2 =	sadd.s32 s2, s16  }
0x8e: {  	[smem:$0x3FC4] =	sst s2  }
0x8f: {  	_ = 	snop  }
0x90: {  	(tm) =	ssettm $0x1  }
0x91: {  	s17 =	sld [smem:$0x3FFB];
	_ =	sdelay $0x3  }
0x92: {  	_ =	strace s17  }
0x93: {  	s2 =	sld [smem:$0x3FFC];
	_ =	sdelay $0x3  }
0x94: {  	_ =	strace s2  }
0x95: {  	s2 =	sld [smem:$0x3FFD];
	_ =	sdelay $0x3  }
0x96: {  	_ =	strace s2  }
0x97: {  	_ =	strace $0x8FFFFFFF  }
0x98: {  	s18 =	sld [smem:$0x3FDB];
	_ =	sdelay $0x1  }
0x99: {  	s19 =	simm.s32 $_scs_section_size  }
0x9a: {  	s4 =	simm.s32 $_size__tile_overlayer_lowered;
	s5 =	simm.s32 $_tile_overlayer_lowered  }
0x9b: {  	s22 =	simm.s32 $0x1BFF;
	s21 =	sshll.u32 s5, $0x1;
	s2 =	sadd.s32 s19, s18  }
0x9c: {  	s6 =	simm.s32 $0x0;
	s20 =	sshll.u32 s4, $0x1;
	s4 =	sadd.s32 s21, s2  }
0x9d: {  	[timem:s6], [sflag:s22] =	dma.local [hbm:s4], s20  }
0x9e: {  	_ =	swait.ge [sflag:s22], s20  }
0x9f: {  	s3 =	ssub.s32 $0x0, s20;
	[sflag:s22] =	ssyncset.done $0x0  }
0xa0: {  	[sflag:s22] =	ssyncadd.s32 s3;
	_ =	sdelay $0x1  }
0xa1: {  	s23 =	simm.s32 $0x1B8B  }
0xa2: {  	_ =	swait.ge [sflag:s23], $0x1  }
0xa3: {  	[sflag:s23] =	ssyncset.done $0x0  }
0xa4: {  	s25 =	simm.s32 $0x1B8E;
	s24 =	sld [smem:$0x3FFE];
	[sflag:s23] =	ssyncadd.s32 $0xFFFFFFFF  }
0xa5: {  	s26 =	simm.s32 $execute0_lowered;
	[smem:$0x3FD2] =	sst s25  }
0xa6: {  	s4 =	sshll.u32 s26, $0x1;
	_ =	strace $0x80000049;
	[dreg:$0x1] =	wrdreg $0xFFFFFFFF  }
0xa7: {  	s28 =	simm.s32 $_size_execute0_lowered;
	s2 =	sadd.s32 s2, s4;
	[dreg:$0x0] =	wrdreg $0x0  }
0xa8: {  	s4 =	sshll.u32 s28, $0x1;
	[dreg:$0x2] =	wrdreg s2  }
0xa9: {  	[dreg:$0x3] =	wrdreg s4  }
0xaa: {  	[dreg:$0x4] =	wrdreg $0xC0  }
0xab: {  	_ =	task [dreg:s6], $0x5FFFF  }
0xac: {  	[dreg:$0x1] =	wrdreg $0xFFFFFFFF  }
0xad: {  	[dreg:$0x0] =	wrdreg $0x60  }
0xae: {  	[dreg:$0x2] =	wrdreg s24  }
0xaf: {  	[dreg:$0x3] =	wrdreg $0x9  }
0xb0: {  	_ =	task.clear_ibuf [dreg:s6], $0x4FFFF;
	_ =	strace $0x90000049  }
0xb1: {  	s29 =	simm.s32 $0x9;
	_ =	strace $0x8000004B  }
0xb2: {  	_ =	swait.ge [sflag:s29], $0x1  }
0xb3: {  	[sflag:s29] =	ssyncadd.s32 $0xFFFFFFFF  }
0xb4: {  	_ =	strace $0x9000004B  }
0xb5: {  	_ =	sfence  }
0xb6: {  	s30 =	sld [smem:$0x0];
	_ =	sdelay $0x2  }
0xb7: {  	s31 =	sshll.u32 s1, $0xD;
	s1 =	sshrl.u32 s1, $0x2  }
0xb8: {  	s3 =	sand.u32 $0x4000, s31;
	s1 =	sadd.s32 s1, s30  }
0xb9: {  	s0 =	sor.u32 s3, s0;
	s1 =	sshll.u32 s1, $0x11  }
0xba: {  	s0 =	sor.u32 s1, s0  }
0xbb: {  	s0 =	sadd.s32 $0x8F2B, s0  }
0xbc: {  	[sflag:s0] =	ssyncadd.remote.s32 $0x1  }
0xbd: {  	_ =	sfence.sel $0xFFFF  }
0xbe: {  	[dreg:$0x0] =	wrdreg $0xFFFFFFFF;
	(pc) =	sbr.abs _section_cstart, $3  }
0xbf: {  	[dreg:$0x1] =	wrdreg $0xFFFFFFFF  }
0xc0: {  	_ =	task.clear_ibuf [dreg:s6], $0x2FFFF;
	_ =	strace $0x9FFFFFFF  }
0xc1: {  	(tm) =	ssettm $0x7FFFFFFF  }
tec
execute0_lowered:
.L_overlay_start_1:
0x0: {  	(tag) =	ssettag $0x1  }
0x1: {  	s0 =	srdreg.scid;
	s13 =	stileid.u32  }
0x2: {  	s2 =	rddreg [dreg:$0x0];
	s0 =	sand.u32 $0x1, s0;
	s1 =	sshll.u32 s13, $0x1  }
0x3: {  	s5 =	sadd.s32 $0x126E00, s2;
	s6 =	sadd.s32 $0x126400, s2;
	s3 =	sor.u32 s0, s1  }
0x4: {  	s8 =	sadd.s32 $0x128200, s2;
	s1 =	smul.u32 $0xA0, s3  }
0x5: {  	s4 =	sadd.s32 $0x3400, s2;
	s11 =	sadd.s32 $0x127800, s2;
	s25 =	smul.u32 $0x140, s13  }
0x6: {  	s30 =	sadd.s32 $0x85500, s2;
	s31 =	sadd.s32 $0x2500, s2;
	s10 =	sshrl.u32 s1, $0x3  }
0x7: {  	s7 =	ssub.s32 $0x2, s0;
	s29 =	smul.u32 $0xA0, s0;
	s14 =	sadd.s32 s5, s10  }
0x8: {  	s0 =	smul.u32 $0x280, s0;
	s15 =	sadd.s32 s6, s10;
	[dreg:$0x2] =	wrdreg s14  }
0x9: {  	s1 =	sadd.s32 s4, s10;
	s16 =	sadd.s32 s8, s10;
	[dreg:$0x3] =	wrdreg s15  }
0xa: {  	s17 =	sadd.s32 s11, s10;
	s18 =	sadd.s32 $0x780, s10;
	[dreg:$0x4] =	wrdreg s16  }
0xb: {  	s12 =	sadd.s32 $0x280, s10;
	[dreg:$0x5] =	wrdreg s17;
	s4 =	sadd.s32 s4, s18  }
0xc: {  	s9 =	sshrl.u32 s7, $0x1;
	s19 =	sadd.s32 s5, s12;
	[dreg:$0x6] =	wrdreg s4  }
0xd: {  	s7 =	ssub.s32 s7, s9;
	s20 =	sadd.s32 s6, s12;
	[dreg:$0x7] =	wrdreg s19  }
0xe: {  	s28 =	sadd.s32 s29, s25;
	s21 =	sadd.s32 s8, s12;
	[dreg:$0x8] =	wrdreg s20  }
0xf: {  	s23 =	sadd.s32 $0x500, s10;
	s22 =	sadd.s32 s11, s12;
	[dreg:$0x9] =	wrdreg s21  }
0x10: {  	s25 =	sadd.s32 $0x84D80, s2;
	s10 =	sadd.s32 s5, s23;
	[dreg:$0xa] =	wrdreg s22  }
0x11: {  	s29 =	sadd.s32 $0x82D00, s2;
	s24 =	sadd.s32 s6, s23;
	[dreg:$0xb] =	wrdreg s10  }
0x12: {  	s7 =	smax.u32 s7, $0x1;
	s26 =	sadd.s32 s8, s23;
	[dreg:$0xc] =	wrdreg s24  }
0x13: {  	s5 =	sadd.s32 s5, s18;
	s12 =	sadd.s32 s6, s18;
	[dreg:$0xd] =	wrdreg s26  }
0x14: {  	s14 =	smul.u32 $0x500, s13;
	s15 =	sadd.s32 s8, s18;
	[dreg:$0xf] =	wrdreg s5  }
0x15: {  	s16 =	sadd.s32 s11, s18;
	s18 =	sshll.u32 s3, $0x3;
	[dreg:$0x10] =	wrdreg s12  }
0x16: {  	s8 =	sadd.s32 $0xF00, s1;
	s9 =	sadd.s32 $0x1680, s1;
	[dreg:$0x11] =	wrdreg s15  }
0x17: {  	s13 =	simm.s32 $0x1400;
	s4 =	sadd.s32 s11, s23;
	[dreg:$0x12] =	wrdreg s16  }
0x18: {  	s21 =	simm.s32 $0x0;
	s19 =	sadd.s32 s18, s2;
	s20 =	sadd.s32 $0x81E00, s2  }
0x19: {  	s22 =	sadd.s32 $0x84600, s2;
	s23 =	sadd.s32 $0x1600, s2;
	s24 =	sadd.s32 $0x82580, s2  }
0x1a: {  	s26 =	sadd.s32 $0x1D80, s2;
	s16 =	sadd.s32 $0x83480, s2;
	[dreg:$0xe] =	wrdreg s4  }
0x1b: {  	s10 =	simm.s32 $0x3C00;
	s11 =	simm.s32 $0x7800;
	[smem:$0x7FF] =	sst s21  }
0x1c: {  	s12 =	simm.s32 $0xA0;
	_ =	strace $0x8000004A;
	[dreg:$0x13] =	wrdreg s20  }
0x1d: {  	s15 =	simm.s32 $0xB5E0;
	s17 =	sadd.s32 s0, s14;
	[dreg:$0x14] =	wrdreg s22  }
0x1e: {  	s0 =	sadd.s32 $0x85C80, s2;
	s2 =	sadd.s32 $0x2C80, s2;
	[dreg:$0x15] =	wrdreg s23  }
0x1f: {  	v0 =	vlaneseq.u32;
	s3 =	sadd.s32 $0x83C00, s19;
	[dreg:$0x16] =	wrdreg s24;
	s18 =	sshrl.u32 s17, $0x2  }
0x20: {  	v2 =	vmul.u32 $0xFFFFFFFF, v0;
	s4 =	sadd.s32 $0x83D00, s19;
	s5 =	sadd.s32 $0x83E00, s19;
	[dreg:$0x17] =	wrdreg s25;
	v0 =	vmov s18  }
0x21: {  	s6 =	sadd.s32 $0x83F00, s19;
	s14 =	simm.s32 $0xB400;
	[dreg:$0x18] =	wrdreg s26  }
0x22: {  	s19 =	simm.s32 $0xB7C0;
	[dreg:$0x19] =	wrdreg s29;
	s17 =	simm.s32 $0xB680  }
0x23: {  	s22 =	simm.s32 $0x1;
	s23 =	simm.s32 $0xB860;
	s20 =	sadd.s32 $0x3C00, s18  }
0x24: {  	v3 =	vimm.f32 $0.0e+00;
	v2 =	vadd.s32 $0x1388, v2;
	s24 =	simm.s32 $0x2;
	s25 =	simm.s32 $0x0;
	s18 =	simm.s32 $0xB720;
	v1 =	vmov s20  }
.LBB2_1:
0x25: {  	s20 =	rddreg [dreg:$0x13]  }
0x26: {  	[tilespmem:s21], [sflag:$0x1] =	stream.linear.gather [hbm4b:s20+s21], $0x3C00, $0x38;
	[tilespmem:$0xB8A0] =	vst v63  }
0x27: {  	s26 =	rddreg [dreg:$0x14]  }
0x28: {  	[tilespmem:s10], [sflag:$0x1] =	stream.linear.gather [hbm4b:s26+s21], $0x3C00, $0x38;
	[tilespmem:$0xB8A0] =	vst v63  }
0x29: {  	s26 =	rddreg [dreg:$0x15]  }
0x2a: {  	[tilespmem:s11], [sflag:$0x1] =	stream.linear.gather [hbm4b:s26+s21], $0x3C00, $0x38;
	[tilespmem:$0xB8A0] =	vst v63  }
0x2b: {  	_ = 	snop  }
0x2c: {  	[tilespmem:s14], [sflag:$0x1] =	stream.strided.gather [hbm4b:s1+s12], $0x1E0, s13, s12, $0x38;
	[tilespmem:$0xB8A0] =	vst v63  }
0x2d: {  	s26 =	rddreg [dreg:$0x2]  }
0x2e: {  	[tilespmem:s15], [sflag:$0x1] =	stream.linear.gather [hbm4b:s26+s21], $0xA0, $0x38;
	[tilespmem:$0xB8A0] =	vst v63  }
0x2f: {  	s26 =	rddreg [dreg:$0x3]  }
0x30: {  	[tilespmem:s17], [sflag:$0x1] =	stream.linear.gather [hbm4b:s26+s21], $0xA0, $0x38;
	[tilespmem:$0xB8A0] =	vst v63  }
0x31: {  	s26 =	rddreg [dreg:$0x4]  }
0x32: {  	[tilespmem:s18], [sflag:$0x1] =	stream.linear.gather [hbm4b:s26+s21], $0xA0, $0x38;
	[tilespmem:$0xB8A0] =	vst v63  }
0x33: {  	s26 =	rddreg [dreg:$0x5]  }
0x34: {  	[tilespmem:s19], [sflag:$0x1] =	stream.linear.gather [hbm4b:s26+s21], $0xA0, $0x38;
	[tilespmem:$0xB8A0] =	vst v63  }
0x35: {  	_ =	swait.ge [sflag:s22], $0x3C00  }
0x36: {  	[sflag:s22] =	ssyncset.done $0x0  }
0x37: {  	[sflag:s22] =	ssyncadd.s32 $0xFFFFC400  }
0x38: {  	_ =	swait.ge [sflag:s22], $0x3C00  }
0x39: {  	[sflag:s22] =	ssyncset.done $0x0  }
0x3a: {  	[sflag:s22] =	ssyncadd.s32 $0xFFFFC400  }
0x3b: {  	_ =	swait.ge [sflag:s22], $0x3C00  }
0x3c: {  	[sflag:s22] =	ssyncset.done $0x0  }
0x3d: {  	[sflag:s22] =	ssyncadd.s32 $0xFFFFC400  }
0x3e: {  	_ =	swait.ge [sflag:s22], $0x1E0  }
0x3f: {  	[sflag:s22] =	ssyncset.done $0x0  }
0x40: {  	[sflag:s22] =	ssyncadd.s32 $0xFFFFFE20  }
0x41: {  	_ =	swait.ge [sflag:s22], $0xA0  }
0x42: {  	[sflag:s22] =	ssyncset.done $0x0  }
0x43: {  	[sflag:s22] =	ssyncadd.s32 $0xFFFFFF60  }
0x44: {  	_ =	swait.ge [sflag:s22], $0xA0  }
0x45: {  	[sflag:s22] =	ssyncset.done $0x0  }
0x46: {  	[sflag:s22] =	ssyncadd.s32 $0xFFFFFF60  }
0x47: {  	_ =	swait.ge [sflag:s22], $0xA0  }
0x48: {  	[sflag:s22] =	ssyncset.done $0x0  }
0x49: {  	[sflag:s22] =	ssyncadd.s32 $0xFFFFFF60  }
0x4a: {  	_ =	swait.ge [sflag:s22], $0xA0  }
0x4b: {  	[sflag:s22] =	ssyncset.done $0x0  }
0x4c: {  	s20 =	simm.s32 $0x0;
	[sflag:s22] =	ssyncadd.s32 $0xFFFFFF60  }
0x4d: {  	v4 =	vld [tilespmem:s20+$0xB5E0]  }
0x4e: {  	v5 =	vld [tilespmem:s20+$0xB7C0]  }
0x4f: {  	v8 =	vld.idx.msk [tilespmem:v1+s20+$0x0 ss:$0x1], $0xffff  }
0x50: {  	v10 =	vld.idx.msk [tilespmem:v1+s20+$0x1400 ss:$0x1], $0xffff  }
0x51: {  	v11 =	vld.idx.msk [tilespmem:v1+s20+$0x2800 ss:$0x1], $0xffff  }
0x52: {  	v7 =	vld [tilespmem:s20+$0xB680]  }
0x53: {  	v9 =	vld [tilespmem:s20+$0xB720]  }
0x54: {  	v12 =	vld.idx.msk [tilespmem:v0+s20+$0x0 ss:$0x1], $0xffff  }
0x55: {  	v13 =	vld.idx.msk [tilespmem:v0+s20+$0x1400 ss:$0x1], $0xffff  }
0x56: {  	v21 =	vld.idx.msk [tilespmem:v0+s20+$0x2800 ss:$0x1], $0xffff  }
0x57: {  	v14 =	vld [tilespmem:s20+$0xB540]  }
0x58: {  	v19 =	vld [tilespmem:s20+$0xB400]  }
0x59: {  	s26 =	simm.s32 $0x10;
	v20 =	vld [tilespmem:s20+$0xB4A0];
	v15 =	vadd.s32 $0x1400, v4  }
0x5a: {  	v6 =	vld [tilespmem:s26+$0xB5E0];
	v22 =	vadd.s32 $0x2800, v4  }
0x5b: {  	v24 =	vadd.s32 $0x1400, v9;
	v23 =	vld.idx.msk [tilespmem:v9+s21+$0x0], $0xffff  }
0x5c: {  	v17 =	vld.idx.msk [tilespmem:v4+s11+$0x0], $0xffff  }
0x5d: {  	v25 =	vld.idx.msk [tilespmem:v4+s10+$0x0], $0xffff  }
0x5e: {  	v9 =	vadd.s32 $0x2800, v9;
	v16 =	vld.idx.msk [tilespmem:v15+s11+$0x0], $0xffff  }
0x5f: {  	v18 =	vld.idx.msk [tilespmem:v22+s11+$0x0], $0xffff  }
0x60: {  	v26 =	vld.idx.msk [tilespmem:v24+s21+$0x0], $0xffff  }
0x61: {  	v28 =	vld.idx.msk [tilespmem:v15+s10+$0x0], $0xffff  }
0x62: {  	vm2 =	vle.f32 v5, $2.499999940e-05;
	vm1 =	vle.f32 v7, $2.499999940e-05;
	v29 =	vld.idx.msk [tilespmem:v22+s10+$0x0], $0xffff  }
0x63: {  	v4 =	vmov s28;
	v27 =	vld.idx.msk [tilespmem:v9+s21+$0x0], $0xffff;
	v9 =	vmul.f32 v19, v17;
	v15 =	vmul.f32 v20, v16  }
0x64: {  	v5 =	vld [tilespmem:s26+$0xB7C0];
	v7 =	vadd.s32 $0x2800, v6;
	vm0 =	vlt.u32 v4, v2;
	v23 =	vsub.f32 v8, v23  }
0x65: {  	v24 =	vsub.f32 v12, v25;
	v12 =	vld.idx.msk [tilespmem:v1+s26+$0x2800 ss:$0x1], $0xffff;
	v20 =	vmul.f32 v14, v18;
	v19 =	vadd.f32 v15, v9  }
0x66: {  	vm2 =	vmand vm0, vm2;
	v14 =	vld.idx.msk [tilespmem:v1+s26+$0x0 ss:$0x1], $0xffff;
	v22 =	vsub.f32 v10, v26;
	v26 =	vsub.f32 v13, v28  }
0x67: {  	v25 =	vsub.f32 v21, v29;
	v13 =	vimm.f32 $0.0e+00;
	v15 =	vld.idx.msk [tilespmem:v1+s26+$0x1400 ss:$0x1], $0xffff;
	v30 =	vadd.f32 v20, v19  }
0x68: {  	v8 =	vld [tilespmem:s26+$0xB680];
	v10 =	vimm.f32 $0.0e+00;
	v9 =	vadd.s32 $0x1400, v6;
	v19 =	vsel vm2, $0x3F800000, v3  }
0x69: {  	s29 =	simm.s32 $0x80;
	s20 =	smov.u32 s28;
	v21 =	vld [tilespmem:s26+$0xB720];
	v20 =	vsub.f32 v11, v27;
	v11 =	vimm.f32 $0.0e+00;
	vm2 =	vge.f32 v30, $4.499999880e-01  }
.LBB2_2:
0x6a: {  	p0 =	sne.s32 s29, $0x240;
	v27 =	vld.idx.msk [tilespmem:v0+s26+$0x0 ss:$0x1], $0xffff;
	vm1 =	vmand vm1, vm2;
	v17 =	vmul.f32 v24, v17;
	v23 =	vand.u32 $0x7FFFFFFF, v23  }
0x6b: {  	v24 =	vmovc v14;
	v28 =	vld.idx.msk [tilespmem:v0+s26+$0x1400 ss:$0x1], $0xffff;
	vm0 =	vmand vm0, vm1;
	v16 =	vmul.f32 v26, v16;
	v18 =	vmul.f32 v25, v18  }
0x6c: {  	v23 =	vmul.f32 v23, v19;
	v26 =	vmovc v15;
	v25 =	vld.idx.msk [tilespmem:v0+s26+$0x2800 ss:$0x1], $0xffff;
	v14 =	vsel vm0, $0x3F800000, v3;
	v17 =	vand.u32 $0x7FFFFFFF, v17  }
0x6d: {  	v29 =	vmovc v12;
	v15 =	vld [tilespmem:s26+$0xB540];
	v17 =	vmul.f32 v14, v17;
	v16 =	vand.u32 $0x7FFFFFFF, v16;
	v18 =	vand.u32 $0x7FFFFFFF, v18  }
0x6e: {  	v12 =	vld [tilespmem:s26+$0xB400];
	v16 =	vmul.f32 v14, v16;
	v14 =	vmul.f32 v14, v18;
	v18 =	vand.u32 $0x7FFFFFFF, v22  }
0x6f: {  	v22 =	vld [tilespmem:s26+$0xB4A0];
	s26 =	sshra.s32 s29, $0x2;
	v13 =	vadd.f32 v17, v13;
	v18 =	vmul.f32 v18, v19;
	v17 =	vand.u32 $0x7FFFFFFF, v20  }
0x70: {  	v20 =	vld [tilespmem:s26+$0xB5E0];
	v11 =	vadd.f32 v16, v11;
	v10 =	vadd.f32 v14, v10;
	v14 =	vmul.f32 v17, v19  }
0x71: {  	v30 =	vadd.s32 $0x1400, v21;
	v19 =	vld.idx.msk [tilespmem:v21+s21+$0x0], $0xffff;
	v13 =	vadd.f32 v23, v13  }
0x72: {  	v21 =	vadd.s32 $0x2800, v21;
	v17 =	vld.idx.msk [tilespmem:v6+s11+$0x0], $0xffff;
	v11 =	vadd.f32 v18, v11;
	v10 =	vadd.f32 v14, v10  }
0x73: {  	v16 =	vld.idx.msk [tilespmem:v9+s11+$0x0], $0xffff  }
0x74: {  	v31 =	vld.idx.msk [tilespmem:v6+s10+$0x0], $0xffff  }
0x75: {  	v18 =	vld.idx.msk [tilespmem:v7+s11+$0x0], $0xffff;
	v6 =	vmov v20  }
0x76: {  	v20 =	vld.idx.msk [tilespmem:v30+s21+$0x0], $0xffff  }
0x77: {  	v21 =	vld.idx.msk [tilespmem:v21+s21+$0x0], $0xffff  }
0x78: {  	s20 =	sadd.s32 $0x10, s20;
	v30 =	vld.idx.msk [tilespmem:v9+s10+$0x0], $0xffff  }
0x79: {  	v9 =	vmov s20;
	v32 =	vld.idx.msk [tilespmem:v7+s10+$0x0], $0xffff;
	v7 =	vmul.f32 v12, v17;
	v12 =	vmul.f32 v22, v16  }
0x7a: {  	vm2 =	vle.f32 v5, $2.499999940e-05;
	vm0 =	vlt.u32 v9, v2;
	v5 =	vld [tilespmem:s26+$0xB7C0]  }
.Ltmp0:
0x7b: {  	vm1 =	vle.f32 v8, $2.499999940e-05;
	v33 =	vmul.f32 v15, v18;
	v14 =	vld.idx.msk [tilespmem:v1+s26+$0x0 ss:$0x1], $0xffff;
	v22 =	vadd.f32 v12, v7;
	(pc) =	sbr.rel @p0 .LBB2_2-.Ltmp0, $4  }
0x7c: {  	v23 =	vsub.f32 v24, v19;
	v9 =	vadd.s32 $0x1400, v6;
	v7 =	vadd.s32 $0x2800, v6;
	v15 =	vld.idx.msk [tilespmem:v1+s26+$0x1400 ss:$0x1], $0xffff  }
0x7d: {  	v24 =	vsub.f32 v27, v31;
	vm2 =	vmand vm0, vm2;
	v12 =	vld.idx.msk [tilespmem:v1+s26+$0x2800 ss:$0x1], $0xffff;
	v33 =	vadd.f32 v33, v22  }
0x7e: {  	v19 =	vsel vm2, $0x3F800000, v3;
	v22 =	vsub.f32 v26, v20;
	v20 =	vsub.f32 v29, v21;
	v8 =	vld [tilespmem:s26+$0xB680]  }
0x7f: {  	s29 =	sadd.s32 $0x40, s29;
	v26 =	vsub.f32 v28, v30;
	v25 =	vsub.f32 v25, v32;
	v21 =	vld [tilespmem:s26+$0xB720];
	vm2 =	vge.f32 v33, $4.499999880e-01  }
0x80: {  	_ =	sdelay $0x3  }
0x81: {  	v27 =	vld.idx.msk [tilespmem:v0+s26+$0x0 ss:$0x1], $0xffff  }
0x82: {  	v29 =	vld.idx.msk [tilespmem:v0+s26+$0x2800 ss:$0x1], $0xffff  }
0x83: {  	vm1 =	vmand vm1, vm2;
	v17 =	vmul.f32 v24, v17;
	v24 =	vld [tilespmem:s26+$0xB400]  }
0x84: {  	v30 =	vld.idx.msk [tilespmem:v6+s11+$0x0], $0xffff;
	vm0 =	vmand vm0, vm1;
	v16 =	vmul.f32 v26, v16  }
0x85: {  	v32 =	vld.idx.msk [tilespmem:v9+s11+$0x0], $0xffff;
	v18 =	vmul.f32 v25, v18;
	v25 =	vsel vm0, $0x3F800000, v3;
	v17 =	vand.u32 $0x7FFFFFFF, v17  }
0x86: {  	v23 =	vand.u32 $0x7FFFFFFF, v23;
	v26 =	vld [tilespmem:s26+$0xB4A0];
	v17 =	vmul.f32 v25, v17  }
0x87: {  	v33 =	vld [tilespmem:s26+$0xB540];
	v22 =	vand.u32 $0x7FFFFFFF, v22;
	v20 =	vand.u32 $0x7FFFFFFF, v20;
	v16 =	vand.u32 $0x7FFFFFFF, v16  }
0x88: {  	v22 =	vmul.f32 v22, v19;
	v16 =	vmul.f32 v25, v16;
	v13 =	vadd.f32 v17, v13;
	v17 =	vld.idx.msk [tilespmem:v7+s11+$0x0], $0xffff  }
0x89: {  	v6 =	vld.idx.msk [tilespmem:v6+s10+$0x0], $0xffff;
	vm1 =	vle.f32 v5, $2.499999940e-05;
	v18 =	vand.u32 $0x7FFFFFFF, v18;
	v31 =	vadd.s32 $0x1400, v21  }
0x8a: {  	v18 =	vmul.f32 v25, v18;
	v11 =	vadd.f32 v16, v11;
	v16 =	vld.idx.msk [tilespmem:v21+s21+$0x0], $0xffff;
	v21 =	vadd.s32 $0x2800, v21  }
0x8b: {  	vm2 =	vle.f32 v8, $2.499999940e-05;
	v24 =	vmul.f32 v24, v30;
	v7 =	vld.idx.msk [tilespmem:v7+s10+$0x0], $0xffff;
	v25 =	vmul.f32 v26, v32  }
0x8c: {  	v28 =	vld.idx.msk [tilespmem:v0+s26+$0x1400 ss:$0x1], $0xffff;
	v10 =	vadd.f32 v18, v10;
	v18 =	vmul.f32 v23, v19;
	v19 =	vmul.f32 v20, v19  }
0x8d: {  	v9 =	vld.idx.msk [tilespmem:v9+s10+$0x0], $0xffff;
	s20 =	sadd.s32 $0x10, s20;
	v11 =	vadd.f32 v22, v11;
	v20 =	vadd.f32 v25, v24;
	v22 =	vmul.f32 v33, v17  }
0x8e: {  	v6 =	vsub.f32 v27, v6;
	v13 =	vadd.f32 v18, v13;
	v18 =	vmov s20  }
0x8f: {  	v10 =	vadd.f32 v19, v10;
	vm0 =	vlt.u32 v18, v2;
	v19 =	vld.idx.msk [tilespmem:v21+s21+$0x0], $0xffff;
	v5 =	vadd.f32 v22, v20  }
0x90: {  	v6 =	vmul.f32 v6, v30;
	v23 =	vld.idx.msk [tilespmem:v31+s21+$0x0], $0xffff;
	vm1 =	vmand vm0, vm1;
	v7 =	vsub.f32 v29, v7  }
0x91: {  	v8 =	vsub.f32 v14, v16;
	v14 =	vsel vm1, $0x3F800000, v3;
	vm1 =	vge.f32 v5, $4.499999880e-01  }
0x92: {  	v6 =	vand.u32 $0x7FFFFFFF, v6;
	v5 =	vsub.f32 v28, v9;
	vm1 =	vmand vm2, vm1  }
0x93: {  	v7 =	vmul.f32 v7, v17;
	v8 =	vand.u32 $0x7FFFFFFF, v8;
	vm0 =	vmand vm0, vm1  }
0x94: {  	v9 =	vsub.f32 v12, v19;
	v5 =	vmul.f32 v5, v32;
	v12 =	vsel vm0, $0x3F800000, v3  }
0x95: {  	v15 =	vsub.f32 v15, v23;
	v7 =	vand.u32 $0x7FFFFFFF, v7;
	v6 =	vmul.f32 v12, v6  }
0x96: {  	v8 =	vmul.f32 v8, v14;
	v5 =	vand.u32 $0x7FFFFFFF, v5;
	v7 =	vmul.f32 v12, v7  }
0x97: {  	v9 =	vand.u32 $0x7FFFFFFF, v9;
	v5 =	vmul.f32 v12, v5;
	v6 =	vadd.f32 v6, v13  }
0x98: {  	v12 =	vand.u32 $0x7FFFFFFF, v15;
	v9 =	vmul.f32 v9, v14;
	v7 =	vadd.f32 v7, v10  }
0x99: {  	v12 =	vmul.f32 v12, v14;
	v5 =	vadd.f32 v5, v11;
	v6 =	vadd.f32 v8, v6  }
0x9a: {  	v7 =	vadd.f32 v9, v7  }
0x9b: {  	v5 =	vadd.f32 v12, v5;
	[tilespmem:$0xB860] =	vst v6  }
0x9c: {  	[tilespmem:$0xB880] =	vst v7  }
0x9d: {  	[tilespmem:$0xB870] =	vst v5;
	v5 =	vimm.f32 $0.0e+00  }
0x9e: {  	s20 =	simm.s32 $0x0;
	[tilespmem:$0xB890] =	vst v5  }
0x9f: {  	[hbm4b:s3+s20] =	stream.linear.scatter [tilespmem:s23], [sflag:$0x2], $0x40, $0x38;
	[tilespmem:$0xB8A0] =	vst v63  }
0xa0: {  	_ =	swait.ge [sflag:s24], $0x40  }
0xa1: {  	[sflag:s24] =	ssyncset.done $0x0  }
0xa2: {  	s26 =	rddreg [dreg:$0x16];
	[sflag:s24] =	ssyncadd.s32 $0xFFFFFFC0  }
0xa3: {  	[tilespmem:s20], [sflag:$0x1] =	stream.linear.gather [hbm4b:s26+s20], $0x3C00, $0x38;
	[tilespmem:$0xB8A0] =	vst v63  }
0xa4: {  	s26 =	rddreg [dreg:$0x17]  }
0xa5: {  	[tilespmem:s10], [sflag:$0x1] =	stream.linear.gather [hbm4b:s26+s20], $0x3C00, $0x38;
	[tilespmem:$0xB8A0] =	vst v63  }
0xa6: {  	s26 =	rddreg [dreg:$0x18]  }
0xa7: {  	[tilespmem:s11], [sflag:$0x1] =	stream.linear.gather [hbm4b:s26+s20], $0x3C00, $0x38;
	[tilespmem:$0xB8A0] =	vst v63  }
0xa8: {  	s26 =	rddreg [dreg:$0x6]  }
0xa9: {  	[tilespmem:s14], [sflag:$0x1] =	stream.strided.gather [hbm4b:s26+s12], $0x1E0, s13, s12, $0x38;
	[tilespmem:$0xB8A0] =	vst v63  }
0xaa: {  	s26 =	rddreg [dreg:$0x7]  }
0xab: {  	[tilespmem:s15], [sflag:$0x1] =	stream.linear.gather [hbm4b:s26+s20], $0xA0, $0x38;
	[tilespmem:$0xB8A0] =	vst v63  }
0xac: {  	s26 =	rddreg [dreg:$0x8]  }
0xad: {  	[tilespmem:s17], [sflag:$0x1] =	stream.linear.gather [hbm4b:s26+s20], $0xA0, $0x38;
	[tilespmem:$0xB8A0] =	vst v63  }
0xae: {  	s26 =	rddreg [dreg:$0x9]  }
0xaf: {  	[tilespmem:s18], [sflag:$0x1] =	stream.linear.gather [hbm4b:s26+s20], $0xA0, $0x38;
	[tilespmem:$0xB8A0] =	vst v63  }
0xb0: {  	s26 =	rddreg [dreg:$0xa]  }
0xb1: {  	[tilespmem:s19], [sflag:$0x1] =	stream.linear.gather [hbm4b:s26+s20], $0xA0, $0x38;
	[tilespmem:$0xB8A0] =	vst v63  }
0xb2: {  	_ =	swait.ge [sflag:s22], $0x3C00  }
0xb3: {  	[sflag:s22] =	ssyncset.done $0x0  }
0xb4: {  	[sflag:s22] =	ssyncadd.s32 $0xFFFFC400  }
0xb5: {  	_ =	swait.ge [sflag:s22], $0x3C00  }
0xb6: {  	[sflag:s22] =	ssyncset.done $0x0  }
0xb7: {  	[sflag:s22] =	ssyncadd.s32 $0xFFFFC400  }
0xb8: {  	_ =	swait.ge [sflag:s22], $0x3C00  }
0xb9: {  	[sflag:s22] =	ssyncset.done $0x0  }
0xba: {  	[sflag:s22] =	ssyncadd.s32 $0xFFFFC400  }
0xbb: {  	_ =	swait.ge [sflag:s22], $0x1E0  }
0xbc: {  	[sflag:s22] =	ssyncset.done $0x0  }
0xbd: {  	[sflag:s22] =	ssyncadd.s32 $0xFFFFFE20  }
0xbe: {  	_ =	swait.ge [sflag:s22], $0xA0  }
0xbf: {  	[sflag:s22] =	ssyncset.done $0x0  }
0xc0: {  	[sflag:s22] =	ssyncadd.s32 $0xFFFFFF60  }
0xc1: {  	_ =	swait.ge [sflag:s22], $0xA0  }
0xc2: {  	[sflag:s22] =	ssyncset.done $0x0  }
0xc3: {  	[sflag:s22] =	ssyncadd.s32 $0xFFFFFF60  }
0xc4: {  	_ =	swait.ge [sflag:s22], $0xA0  }
0xc5: {  	[sflag:s22] =	ssyncset.done $0x0  }
0xc6: {  	[sflag:s22] =	ssyncadd.s32 $0xFFFFFF60  }
0xc7: {  	_ =	swait.ge [sflag:s22], $0xA0  }
0xc8: {  	[sflag:s22] =	ssyncset.done $0x0  }
0xc9: {  	s20 =	simm.s32 $0x0;
	[sflag:s22] =	ssyncadd.s32 $0xFFFFFF60  }
0xca: {  	v6 =	vld [tilespmem:s20+$0xB5E0]  }
0xcb: {  	v8 =	vld [tilespmem:s20+$0xB7C0]  }
0xcc: {  	v9 =	vld.idx.msk [tilespmem:v1+s20+$0x0 ss:$0x1], $0xffff  }
0xcd: {  	v11 =	vld.idx.msk [tilespmem:v1+s20+$0x1400 ss:$0x1], $0xffff  }
0xce: {  	v12 =	vld.idx.msk [tilespmem:v1+s20+$0x2800 ss:$0x1], $0xffff  }
0xcf: {  	v10 =	vld [tilespmem:s20+$0xB680]  }
0xd0: {  	v13 =	vld [tilespmem:s20+$0xB720]  }
0xd1: {  	v19 =	vld.idx.msk [tilespmem:v0+s20+$0x0 ss:$0x1], $0xffff  }
0xd2: {  	v20 =	vld.idx.msk [tilespmem:v0+s20+$0x1400 ss:$0x1], $0xffff  }
0xd3: {  	v26 =	vld.idx.msk [tilespmem:v0+s20+$0x2800 ss:$0x1], $0xffff  }
0xd4: {  	v14 =	vld [tilespmem:s20+$0xB540]  }
0xd5: {  	v21 =	vld [tilespmem:s20+$0xB400]  }
0xd6: {  	s26 =	simm.s32 $0x10;
	v22 =	vld [tilespmem:s20+$0xB4A0];
	v15 =	vadd.s32 $0x1400, v6  }
0xd7: {  	v7 =	vld [tilespmem:s26+$0xB5E0];
	v23 =	vadd.s32 $0x2800, v6  }
0xd8: {  	v25 =	vadd.s32 $0x1400, v13;
	v24 =	vld.idx.msk [tilespmem:v13+s21+$0x0], $0xffff  }
0xd9: {  	v17 =	vld.idx.msk [tilespmem:v6+s11+$0x0], $0xffff  }
0xda: {  	v27 =	vld.idx.msk [tilespmem:v6+s10+$0x0], $0xffff  }
0xdb: {  	v13 =	vadd.s32 $0x2800, v13;
	v16 =	vld.idx.msk [tilespmem:v15+s11+$0x0], $0xffff  }
0xdc: {  	v18 =	vld.idx.msk [tilespmem:v23+s11+$0x0], $0xffff  }
0xdd: {  	v25 =	vld.idx.msk [tilespmem:v25+s21+$0x0], $0xffff  }
0xde: {  	v61 =	vld.idx.msk [tilespmem:v15+s10+$0x0], $0xffff  }
0xdf: {  	v62 =	vld.idx.msk [tilespmem:v23+s10+$0x0], $0xffff  }
0xe0: {  	vm0 =	vlt.u32 v4, v2;
	v60 =	vld.idx.msk [tilespmem:v13+s21+$0x0], $0xffff;
	v13 =	vmul.f32 v21, v17;
	v15 =	vmul.f32 v22, v16  }
0xe1: {  	vm2 =	vle.f32 v8, $2.499999940e-05;
	vm1 =	vle.f32 v10, $2.499999940e-05;
	v10 =	vadd.s32 $0x1400, v7;
	v6 =	vld [tilespmem:s26+$0xB7C0]  }
0xe2: {  	v23 =	vsub.f32 v9, v24;
	v9 =	vld [tilespmem:s26+$0xB680];
	v21 =	vmul.f32 v14, v18;
	v13 =	vadd.f32 v15, v13  }
0xe3: {  	v8 =	vadd.s32 $0x2800, v7;
	vm2 =	vmand vm0, vm2;
	v24 =	vsub.f32 v19, v27;
	v14 =	vld.idx.msk [tilespmem:v1+s26+$0x0 ss:$0x1], $0xffff  }
0xe4: {  	v19 =	vsel vm2, $0x3F800000, v3;
	v22 =	vsub.f32 v11, v25;
	v15 =	vld.idx.msk [tilespmem:v1+s26+$0x1400 ss:$0x1], $0xffff;
	v63 =	vadd.f32 v21, v13  }
0xe5: {  	v25 =	vsub.f32 v20, v61;
	v26 =	vsub.f32 v26, v62;
	v11 =	vimm.f32 $0.0e+00;
	v13 =	vld.idx.msk [tilespmem:v1+s26+$0x2800 ss:$0x1], $0xffff  }
0xe6: {  	s29 =	simm.s32 $0x80;
	s20 =	smov.u32 s28;
	v20 =	vld [tilespmem:s26+$0xB720];
	v21 =	vsub.f32 v12, v60;
	v12 =	vimm.f32 $0.0e+00;
	vm2 =	vge.f32 v63, $4.499999880e-01  }
.LBB2_4:
0xe7: {  	p0 =	sne.s32 s29, $0x240;
	v27 =	vld.idx.msk [tilespmem:v0+s26+$0x0 ss:$0x1], $0xffff;
	vm1 =	vmand vm1, vm2;
	v17 =	vmul.f32 v24, v17;
	v23 =	vand.u32 $0x7FFFFFFF, v23  }
0xe8: {  	v24 =	vmovc v14;
	v28 =	vld.idx.msk [tilespmem:v0+s26+$0x1400 ss:$0x1], $0xffff;
	vm0 =	vmand vm0, vm1;
	v16 =	vmul.f32 v25, v16;
	v18 =	vmul.f32 v26, v18  }
0xe9: {  	v23 =	vmul.f32 v23, v19;
	v25 =	vmovc v15;
	v26 =	vld.idx.msk [tilespmem:v0+s26+$0x2800 ss:$0x1], $0xffff;
	v14 =	vsel vm0, $0x3F800000, v3;
	v17 =	vand.u32 $0x7FFFFFFF, v17  }
0xea: {  	v29 =	vmovc v13;
	v15 =	vld [tilespmem:s26+$0xB540];
	v17 =	vmul.f32 v14, v17;
	v16 =	vand.u32 $0x7FFFFFFF, v16;
	v18 =	vand.u32 $0x7FFFFFFF, v18  }
0xeb: {  	v13 =	vld [tilespmem:s26+$0xB400];
	v16 =	vmul.f32 v14, v16;
	v14 =	vmul.f32 v14, v18;
	v18 =	vand.u32 $0x7FFFFFFF, v22  }
0xec: {  	v22 =	vld [tilespmem:s26+$0xB4A0];
	s26 =	sshra.s32 s29, $0x2;
	v5 =	vadd.f32 v17, v5;
	v18 =	vmul.f32 v18, v19;
	v17 =	vand.u32 $0x7FFFFFFF, v21  }
0xed: {  	v21 =	vld [tilespmem:s26+$0xB5E0];
	v12 =	vadd.f32 v16, v12;
	v11 =	vadd.f32 v14, v11;
	v14 =	vmul.f32 v17, v19  }
0xee: {  	v30 =	vadd.s32 $0x1400, v20;
	v19 =	vld.idx.msk [tilespmem:v20+s21+$0x0], $0xffff;
	v5 =	vadd.f32 v23, v5  }
0xef: {  	v20 =	vadd.s32 $0x2800, v20;
	v17 =	vld.idx.msk [tilespmem:v7+s11+$0x0], $0xffff;
	v12 =	vadd.f32 v18, v12;
	v11 =	vadd.f32 v14, v11  }
0xf0: {  	v16 =	vld.idx.msk [tilespmem:v10+s11+$0x0], $0xffff  }
0xf1: {  	v31 =	vld.idx.msk [tilespmem:v7+s10+$0x0], $0xffff  }
0xf2: {  	v18 =	vld.idx.msk [tilespmem:v8+s11+$0x0], $0xffff;
	v7 =	vmov v21  }
0xf3: {  	v21 =	vld.idx.msk [tilespmem:v30+s21+$0x0], $0xffff  }
0xf4: {  	v20 =	vld.idx.msk [tilespmem:v20+s21+$0x0], $0xffff  }
0xf5: {  	s20 =	sadd.s32 $0x10, s20;
	v30 =	vld.idx.msk [tilespmem:v10+s10+$0x0], $0xffff  }
0xf6: {  	v10 =	vmov s20;
	v32 =	vld.idx.msk [tilespmem:v8+s10+$0x0], $0xffff;
	v8 =	vmul.f32 v13, v17;
	v13 =	vmul.f32 v22, v16  }
0xf7: {  	vm2 =	vle.f32 v6, $2.499999940e-05;
	vm0 =	vlt.u32 v10, v2;
	v6 =	vld [tilespmem:s26+$0xB7C0]  }
.Ltmp1:
0xf8: {  	vm1 =	vle.f32 v9, $2.499999940e-05;
	v33 =	vmul.f32 v15, v18;
	v14 =	vld.idx.msk [tilespmem:v1+s26+$0x0 ss:$0x1], $0xffff;
	v22 =	vadd.f32 v13, v8;
	(pc) =	sbr.rel @p0 .LBB2_4-.Ltmp1, $4  }
0xf9: {  	v23 =	vsub.f32 v24, v19;
	v10 =	vadd.s32 $0x1400, v7;
	v8 =	vadd.s32 $0x2800, v7;
	v15 =	vld.idx.msk [tilespmem:v1+s26+$0x1400 ss:$0x1], $0xffff  }
0xfa: {  	v24 =	vsub.f32 v27, v31;
	vm2 =	vmand vm0, vm2;
	v13 =	vld.idx.msk [tilespmem:v1+s26+$0x2800 ss:$0x1], $0xffff;
	v33 =	vadd.f32 v33, v22  }
0xfb: {  	v19 =	vsel vm2, $0x3F800000, v3;
	v22 =	vsub.f32 v25, v21;
	v21 =	vsub.f32 v29, v20;
	v9 =	vld [tilespmem:s26+$0xB680]  }
0xfc: {  	s29 =	sadd.s32 $0x40, s29;
	v25 =	vsub.f32 v28, v30;
	v26 =	vsub.f32 v26, v32;
	v20 =	vld [tilespmem:s26+$0xB720];
	vm2 =	vge.f32 v33, $4.499999880e-01  }
0xfd: {  	_ =	sdelay $0x3  }
0xfe: {  	v27 =	vld.idx.msk [tilespmem:v0+s26+$0x0 ss:$0x1], $0xffff  }
0xff: {  	v28 =	vld.idx.msk [tilespmem:v0+s26+$0x1400 ss:$0x1], $0xffff  }
0x100: {  	v17 =	vmul.f32 v24, v17;
	v24 =	vld [tilespmem:s26+$0xB400]  }
0x101: {  	vm1 =	vmand vm1, vm2;
	v30 =	vld.idx.msk [tilespmem:v7+s11+$0x0], $0xffff  }
0x102: {  	v32 =	vld.idx.msk [tilespmem:v10+s11+$0x0], $0xffff;
	vm0 =	vmand vm0, vm1;
	v16 =	vmul.f32 v25, v16  }
0x103: {  	v7 =	vld.idx.msk [tilespmem:v7+s10+$0x0], $0xffff;
	v18 =	vmul.f32 v26, v18;
	v26 =	vsel vm0, $0x3F800000, v3;
	v17 =	vand.u32 $0x7FFFFFFF, v17  }
0x104: {  	v23 =	vand.u32 $0x7FFFFFFF, v23;
	v22 =	vand.u32 $0x7FFFFFFF, v22;
	v25 =	vld [tilespmem:s26+$0xB4A0];
	v17 =	vmul.f32 v26, v17  }
0x105: {  	v33 =	vld [tilespmem:s26+$0xB540];
	v21 =	vand.u32 $0x7FFFFFFF, v21;
	v22 =	vmul.f32 v22, v19;
	v16 =	vand.u32 $0x7FFFFFFF, v16  }
0x106: {  	vm1 =	vle.f32 v6, $2.499999940e-05;
	v16 =	vmul.f32 v26, v16;
	v5 =	vadd.f32 v17, v5;
	v17 =	vld.idx.msk [tilespmem:v8+s11+$0x0], $0xffff  }
0x107: {  	v29 =	vld.idx.msk [tilespmem:v0+s26+$0x2800 ss:$0x1], $0xffff;
	v18 =	vand.u32 $0x7FFFFFFF, v18;
	vm2 =	vle.f32 v9, $2.499999940e-05;
	v31 =	vadd.s32 $0x1400, v20  }
0x108: {  	v18 =	vmul.f32 v26, v18;
	v12 =	vadd.f32 v16, v12;
	v16 =	vld.idx.msk [tilespmem:v20+s21+$0x0], $0xffff;
	v20 =	vadd.s32 $0x2800, v20  }
0x109: {  	v24 =	vmul.f32 v24, v30;
	v8 =	vld.idx.msk [tilespmem:v8+s10+$0x0], $0xffff;
	v7 =	vsub.f32 v27, v7;
	v25 =	vmul.f32 v25, v32  }
0x10a: {  	v10 =	vld.idx.msk [tilespmem:v10+s10+$0x0], $0xffff;
	v11 =	vadd.f32 v18, v11;
	v18 =	vmul.f32 v23, v19;
	v19 =	vmul.f32 v21, v19  }
0x10b: {  	s20 =	sadd.s32 $0x10, s20;
	v12 =	vadd.f32 v22, v12;
	v21 =	vadd.f32 v25, v24;
	v22 =	vmul.f32 v33, v17  }
0x10c: {  	v7 =	vmul.f32 v7, v30;
	v5 =	vadd.f32 v18, v5;
	v18 =	vmov s20  }
0x10d: {  	v11 =	vadd.f32 v19, v11;
	vm0 =	vlt.u32 v18, v2;
	v19 =	vld.idx.msk [tilespmem:v20+s21+$0x0], $0xffff;
	v6 =	vadd.f32 v22, v21  }
0x10e: {  	v23 =	vld.idx.msk [tilespmem:v31+s21+$0x0], $0xffff;
	vm1 =	vmand vm0, vm1;
	v8 =	vsub.f32 v29, v8;
	v9 =	vsub.f32 v14, v16  }
0x10f: {  	v14 =	vsel vm1, $0x3F800000, v3;
	vm1 =	vge.f32 v6, $4.499999880e-01;
	v6 =	vsub.f32 v28, v10  }
0x110: {  	v7 =	vand.u32 $0x7FFFFFFF, v7;
	vm1 =	vmand vm2, vm1  }
0x111: {  	v8 =	vmul.f32 v8, v17;
	vm0 =	vmand vm0, vm1;
	v6 =	vmul.f32 v6, v32  }
0x112: {  	v9 =	vand.u32 $0x7FFFFFFF, v9;
	v10 =	vsub.f32 v13, v19;
	v13 =	vsel vm0, $0x3F800000, v3  }
0x113: {  	v15 =	vsub.f32 v15, v23;
	v7 =	vmul.f32 v13, v7;
	v6 =	vand.u32 $0x7FFFFFFF, v6  }
0x114: {  	v9 =	vmul.f32 v9, v14;
	v8 =	vand.u32 $0x7FFFFFFF, v8;
	v6 =	vmul.f32 v13, v6  }
0x115: {  	v8 =	vmul.f32 v13, v8;
	v13 =	vand.u32 $0x7FFFFFFF, v15;
	v5 =	vadd.f32 v7, v5  }
0x116: {  	v10 =	vand.u32 $0x7FFFFFFF, v10;
	v7 =	vmul.f32 v13, v14;
	v6 =	vadd.f32 v6, v12  }
0x117: {  	v10 =	vmul.f32 v10, v14;
	v8 =	vadd.f32 v8, v11;
	v5 =	vadd.f32 v9, v5  }
0x118: {  	v6 =	vadd.f32 v7, v6  }
0x119: {  	v7 =	vadd.f32 v10, v8;
	[tilespmem:$0xB860] =	vst v5  }
0x11a: {  	[tilespmem:$0xB870] =	vst v6  }
0x11b: {  	v5 =	vimm.f32 $0.0e+00;
	[tilespmem:$0xB880] =	vst v7  }
0x11c: {  	s20 =	simm.s32 $0x0;
	[tilespmem:$0xB890] =	vst v5  }
0x11d: {  	[hbm4b:s4+s20] =	stream.linear.scatter [tilespmem:s23], [sflag:$0x2], $0x40, $0x38;
	[tilespmem:$0xB8A0] =	vst v63  }
0x11e: {  	_ =	swait.ge [sflag:s24], $0x40  }
0x11f: {  	[sflag:s24] =	ssyncset.done $0x0  }
0x120: {  	s26 =	rddreg [dreg:$0x19];
	[sflag:s24] =	ssyncadd.s32 $0xFFFFFFC0  }
0x121: {  	[tilespmem:s20], [sflag:$0x1] =	stream.linear.gather [hbm4b:s26+s20], $0x3C00, $0x38;
	[tilespmem:$0xB8A0] =	vst v63  }
0x122: {  	_ = 	snop  }
0x123: {  	[tilespmem:s10], [sflag:$0x1] =	stream.linear.gather [hbm4b:s30+s20], $0x3C00, $0x38;
	[tilespmem:$0xB8A0] =	vst v63  }
0x124: {  	_ = 	snop  }
0x125: {  	[tilespmem:s11], [sflag:$0x1] =	stream.linear.gather [hbm4b:s31+s20], $0x3C00, $0x38;
	[tilespmem:$0xB8A0] =	vst v63  }
0x126: {  	_ = 	snop  }
0x127: {  	[tilespmem:s14], [sflag:$0x1] =	stream.strided.gather [hbm4b:s8+s12], $0x1E0, s13, s12, $0x38;
	[tilespmem:$0xB8A0] =	vst v63  }
0x128: {  	s26 =	rddreg [dreg:$0xb]  }
0x129: {  	[tilespmem:s15], [sflag:$0x1] =	stream.linear.gather [hbm4b:s26+s20], $0xA0, $0x38;
	[tilespmem:$0xB8A0] =	vst v63  }
0x12a: {  	s26 =	rddreg [dreg:$0xc]  }
0x12b: {  	[tilespmem:s17], [sflag:$0x1] =	stream.linear.gather [hbm4b:s26+s20], $0xA0, $0x38;
	[tilespmem:$0xB8A0] =	vst v63  }
0x12c: {  	s26 =	rddreg [dreg:$0xd]  }
0x12d: {  	[tilespmem:s18], [sflag:$0x1] =	stream.linear.gather [hbm4b:s26+s20], $0xA0, $0x38;
	[tilespmem:$0xB8A0] =	vst v63  }
0x12e: {  	s26 =	rddreg [dreg:$0xe]  }
0x12f: {  	[tilespmem:s19], [sflag:$0x1] =	stream.linear.gather [hbm4b:s26+s20], $0xA0, $0x38;
	[tilespmem:$0xB8A0] =	vst v63  }
0x130: {  	_ =	swait.ge [sflag:s22], $0x3C00  }
0x131: {  	[sflag:s22] =	ssyncset.done $0x0  }
0x132: {  	[sflag:s22] =	ssyncadd.s32 $0xFFFFC400  }
0x133: {  	_ =	swait.ge [sflag:s22], $0x3C00  }
0x134: {  	[sflag:s22] =	ssyncset.done $0x0  }
0x135: {  	[sflag:s22] =	ssyncadd.s32 $0xFFFFC400  }
0x136: {  	_ =	swait.ge [sflag:s22], $0x3C00  }
0x137: {  	[sflag:s22] =	ssyncset.done $0x0  }
0x138: {  	[sflag:s22] =	ssyncadd.s32 $0xFFFFC400  }
0x139: {  	_ =	swait.ge [sflag:s22], $0x1E0  }
0x13a: {  	[sflag:s22] =	ssyncset.done $0x0  }
0x13b: {  	[sflag:s22] =	ssyncadd.s32 $0xFFFFFE20  }
0x13c: {  	_ =	swait.ge [sflag:s22], $0xA0  }
0x13d: {  	[sflag:s22] =	ssyncset.done $0x0  }
0x13e: {  	[sflag:s22] =	ssyncadd.s32 $0xFFFFFF60  }
0x13f: {  	_ =	swait.ge [sflag:s22], $0xA0  }
0x140: {  	[sflag:s22] =	ssyncset.done $0x0  }
0x141: {  	[sflag:s22] =	ssyncadd.s32 $0xFFFFFF60  }
0x142: {  	_ =	swait.ge [sflag:s22], $0xA0  }
0x143: {  	[sflag:s22] =	ssyncset.done $0x0  }
0x144: {  	[sflag:s22] =	ssyncadd.s32 $0xFFFFFF60  }
0x145: {  	_ =	swait.ge [sflag:s22], $0xA0  }
0x146: {  	[sflag:s22] =	ssyncset.done $0x0  }
0x147: {  	s20 =	simm.s32 $0x0;
	[sflag:s22] =	ssyncadd.s32 $0xFFFFFF60  }
0x148: {  	v6 =	vld [tilespmem:s20+$0xB5E0]  }
0x149: {  	v8 =	vld [tilespmem:s20+$0xB7C0]  }
0x14a: {  	v9 =	vld.idx.msk [tilespmem:v1+s20+$0x0 ss:$0x1], $0xffff  }
0x14b: {  	v11 =	vld.idx.msk [tilespmem:v1+s20+$0x1400 ss:$0x1], $0xffff  }
0x14c: {  	v12 =	vld.idx.msk [tilespmem:v1+s20+$0x2800 ss:$0x1], $0xffff  }
0x14d: {  	v10 =	vld [tilespmem:s20+$0xB680]  }
0x14e: {  	v13 =	vld [tilespmem:s20+$0xB720]  }
0x14f: {  	v19 =	vld.idx.msk [tilespmem:v0+s20+$0x0 ss:$0x1], $0xffff  }
0x150: {  	v20 =	vld.idx.msk [tilespmem:v0+s20+$0x1400 ss:$0x1], $0xffff  }
0x151: {  	v26 =	vld.idx.msk [tilespmem:v0+s20+$0x2800 ss:$0x1], $0xffff  }
0x152: {  	v14 =	vld [tilespmem:s20+$0xB540]  }
0x153: {  	v21 =	vld [tilespmem:s20+$0xB400]  }
0x154: {  	s26 =	simm.s32 $0x10;
	v22 =	vld [tilespmem:s20+$0xB4A0];
	v15 =	vadd.s32 $0x1400, v6  }
0x155: {  	v7 =	vld [tilespmem:s26+$0xB5E0];
	v23 =	vadd.s32 $0x2800, v6  }
0x156: {  	v25 =	vadd.s32 $0x1400, v13;
	v24 =	vld.idx.msk [tilespmem:v13+s21+$0x0], $0xffff  }
0x157: {  	v17 =	vld.idx.msk [tilespmem:v6+s11+$0x0], $0xffff  }
0x158: {  	v27 =	vld.idx.msk [tilespmem:v6+s10+$0x0], $0xffff  }
0x159: {  	v13 =	vadd.s32 $0x2800, v13;
	v16 =	vld.idx.msk [tilespmem:v15+s11+$0x0], $0xffff  }
0x15a: {  	v18 =	vld.idx.msk [tilespmem:v23+s11+$0x0], $0xffff  }
0x15b: {  	v25 =	vld.idx.msk [tilespmem:v25+s21+$0x0], $0xffff  }
0x15c: {  	v61 =	vld.idx.msk [tilespmem:v15+s10+$0x0], $0xffff  }
0x15d: {  	v62 =	vld.idx.msk [tilespmem:v23+s10+$0x0], $0xffff  }
0x15e: {  	vm0 =	vlt.u32 v4, v2;
	v60 =	vld.idx.msk [tilespmem:v13+s21+$0x0], $0xffff;
	v13 =	vmul.f32 v21, v17;
	v15 =	vmul.f32 v22, v16  }
0x15f: {  	vm2 =	vle.f32 v8, $2.499999940e-05;
	vm1 =	vle.f32 v10, $2.499999940e-05;
	v10 =	vadd.s32 $0x1400, v7;
	v6 =	vld [tilespmem:s26+$0xB7C0]  }
0x160: {  	v23 =	vsub.f32 v9, v24;
	v9 =	vld [tilespmem:s26+$0xB680];
	v21 =	vmul.f32 v14, v18;
	v13 =	vadd.f32 v15, v13  }
0x161: {  	v8 =	vadd.s32 $0x2800, v7;
	vm2 =	vmand vm0, vm2;
	v24 =	vsub.f32 v19, v27;
	v14 =	vld.idx.msk [tilespmem:v1+s26+$0x0 ss:$0x1], $0xffff  }
0x162: {  	v19 =	vsel vm2, $0x3F800000, v3;
	v22 =	vsub.f32 v11, v25;
	v15 =	vld.idx.msk [tilespmem:v1+s26+$0x1400 ss:$0x1], $0xffff;
	v63 =	vadd.f32 v21, v13  }
0x163: {  	v25 =	vsub.f32 v20, v61;
	v26 =	vsub.f32 v26, v62;
	v11 =	vimm.f32 $0.0e+00;
	v13 =	vld.idx.msk [tilespmem:v1+s26+$0x2800 ss:$0x1], $0xffff  }
0x164: {  	s29 =	simm.s32 $0x80;
	s20 =	smov.u32 s28;
	v20 =	vld [tilespmem:s26+$0xB720];
	v21 =	vsub.f32 v12, v60;
	v12 =	vimm.f32 $0.0e+00;
	vm2 =	vge.f32 v63, $4.499999880e-01  }
.LBB2_6:
0x165: {  	p0 =	sne.s32 s29, $0x240;
	v27 =	vld.idx.msk [tilespmem:v0+s26+$0x0 ss:$0x1], $0xffff;
	vm1 =	vmand vm1, vm2;
	v17 =	vmul.f32 v24, v17;
	v23 =	vand.u32 $0x7FFFFFFF, v23  }
0x166: {  	v24 =	vmovc v14;
	v28 =	vld.idx.msk [tilespmem:v0+s26+$0x1400 ss:$0x1], $0xffff;
	vm0 =	vmand vm0, vm1;
	v16 =	vmul.f32 v25, v16;
	v18 =	vmul.f32 v26, v18  }
0x167: {  	v23 =	vmul.f32 v23, v19;
	v25 =	vmovc v15;
	v26 =	vld.idx.msk [tilespmem:v0+s26+$0x2800 ss:$0x1], $0xffff;
	v14 =	vsel vm0, $0x3F800000, v3;
	v17 =	vand.u32 $0x7FFFFFFF, v17  }
0x168: {  	v29 =	vmovc v13;
	v15 =	vld [tilespmem:s26+$0xB540];
	v17 =	vmul.f32 v14, v17;
	v16 =	vand.u32 $0x7FFFFFFF, v16;
	v18 =	vand.u32 $0x7FFFFFFF, v18  }
0x169: {  	v13 =	vld [tilespmem:s26+$0xB400];
	v16 =	vmul.f32 v14, v16;
	v14 =	vmul.f32 v14, v18;
	v18 =	vand.u32 $0x7FFFFFFF, v22  }
0x16a: {  	v22 =	vld [tilespmem:s26+$0xB4A0];
	s26 =	sshra.s32 s29, $0x2;
	v5 =	vadd.f32 v17, v5;
	v18 =	vmul.f32 v18, v19;
	v17 =	vand.u32 $0x7FFFFFFF, v21  }
0x16b: {  	v21 =	vld [tilespmem:s26+$0xB5E0];
	v12 =	vadd.f32 v16, v12;
	v11 =	vadd.f32 v14, v11;
	v14 =	vmul.f32 v17, v19  }
0x16c: {  	v30 =	vadd.s32 $0x1400, v20;
	v19 =	vld.idx.msk [tilespmem:v20+s21+$0x0], $0xffff;
	v5 =	vadd.f32 v23, v5  }
0x16d: {  	v20 =	vadd.s32 $0x2800, v20;
	v17 =	vld.idx.msk [tilespmem:v7+s11+$0x0], $0xffff;
	v12 =	vadd.f32 v18, v12;
	v11 =	vadd.f32 v14, v11  }
0x16e: {  	v16 =	vld.idx.msk [tilespmem:v10+s11+$0x0], $0xffff  }
0x16f: {  	v31 =	vld.idx.msk [tilespmem:v7+s10+$0x0], $0xffff  }
0x170: {  	v18 =	vld.idx.msk [tilespmem:v8+s11+$0x0], $0xffff;
	v7 =	vmov v21  }
0x171: {  	v21 =	vld.idx.msk [tilespmem:v30+s21+$0x0], $0xffff  }
0x172: {  	v20 =	vld.idx.msk [tilespmem:v20+s21+$0x0], $0xffff  }
0x173: {  	s20 =	sadd.s32 $0x10, s20;
	v30 =	vld.idx.msk [tilespmem:v10+s10+$0x0], $0xffff  }
0x174: {  	v10 =	vmov s20;
	v32 =	vld.idx.msk [tilespmem:v8+s10+$0x0], $0xffff;
	v8 =	vmul.f32 v13, v17;
	v13 =	vmul.f32 v22, v16  }
0x175: {  	vm2 =	vle.f32 v6, $2.499999940e-05;
	vm0 =	vlt.u32 v10, v2;
	v6 =	vld [tilespmem:s26+$0xB7C0]  }
.Ltmp2:
0x176: {  	vm1 =	vle.f32 v9, $2.499999940e-05;
	v33 =	vmul.f32 v15, v18;
	v14 =	vld.idx.msk [tilespmem:v1+s26+$0x0 ss:$0x1], $0xffff;
	v22 =	vadd.f32 v13, v8;
	(pc) =	sbr.rel @p0 .LBB2_6-.Ltmp2, $4  }
0x177: {  	v23 =	vsub.f32 v24, v19;
	v10 =	vadd.s32 $0x1400, v7;
	v8 =	vadd.s32 $0x2800, v7;
	v15 =	vld.idx.msk [tilespmem:v1+s26+$0x1400 ss:$0x1], $0xffff  }
0x178: {  	v24 =	vsub.f32 v27, v31;
	vm2 =	vmand vm0, vm2;
	v13 =	vld.idx.msk [tilespmem:v1+s26+$0x2800 ss:$0x1], $0xffff;
	v33 =	vadd.f32 v33, v22  }
0x179: {  	v19 =	vsel vm2, $0x3F800000, v3;
	v22 =	vsub.f32 v25, v21;
	v21 =	vsub.f32 v29, v20;
	v9 =	vld [tilespmem:s26+$0xB680]  }
0x17a: {  	s29 =	sadd.s32 $0x40, s29;
	v25 =	vsub.f32 v28, v30;
	v26 =	vsub.f32 v26, v32;
	v20 =	vld [tilespmem:s26+$0xB720];
	vm2 =	vge.f32 v33, $4.499999880e-01  }
0x17b: {  	_ =	sdelay $0x3  }
0x17c: {  	v27 =	vld.idx.msk [tilespmem:v0+s26+$0x0 ss:$0x1], $0xffff  }
0x17d: {  	v28 =	vld.idx.msk [tilespmem:v0+s26+$0x1400 ss:$0x1], $0xffff  }
0x17e: {  	v17 =	vmul.f32 v24, v17;
	v24 =	vld [tilespmem:s26+$0xB400]  }
0x17f: {  	vm1 =	vmand vm1, vm2;
	v30 =	vld.idx.msk [tilespmem:v7+s11+$0x0], $0xffff  }
0x180: {  	v32 =	vld.idx.msk [tilespmem:v10+s11+$0x0], $0xffff;
	vm0 =	vmand vm0, vm1;
	v16 =	vmul.f32 v25, v16  }
0x181: {  	v7 =	vld.idx.msk [tilespmem:v7+s10+$0x0], $0xffff;
	v18 =	vmul.f32 v26, v18;
	v26 =	vsel vm0, $0x3F800000, v3;
	v17 =	vand.u32 $0x7FFFFFFF, v17  }
0x182: {  	v23 =	vand.u32 $0x7FFFFFFF, v23;
	v22 =	vand.u32 $0x7FFFFFFF, v22;
	v25 =	vld [tilespmem:s26+$0xB4A0];
	v17 =	vmul.f32 v26, v17  }
0x183: {  	v33 =	vld [tilespmem:s26+$0xB540];
	v21 =	vand.u32 $0x7FFFFFFF, v21;
	v22 =	vmul.f32 v22, v19;
	v16 =	vand.u32 $0x7FFFFFFF, v16  }
0x184: {  	vm1 =	vle.f32 v6, $2.499999940e-05;
	v16 =	vmul.f32 v26, v16;
	v5 =	vadd.f32 v17, v5;
	v17 =	vld.idx.msk [tilespmem:v8+s11+$0x0], $0xffff  }
0x185: {  	v29 =	vld.idx.msk [tilespmem:v0+s26+$0x2800 ss:$0x1], $0xffff;
	v18 =	vand.u32 $0x7FFFFFFF, v18;
	vm2 =	vle.f32 v9, $2.499999940e-05;
	v31 =	vadd.s32 $0x1400, v20  }
0x186: {  	v18 =	vmul.f32 v26, v18;
	v12 =	vadd.f32 v16, v12;
	v16 =	vld.idx.msk [tilespmem:v20+s21+$0x0], $0xffff;
	v20 =	vadd.s32 $0x2800, v20  }
0x187: {  	v24 =	vmul.f32 v24, v30;
	v8 =	vld.idx.msk [tilespmem:v8+s10+$0x0], $0xffff;
	v7 =	vsub.f32 v27, v7;
	v25 =	vmul.f32 v25, v32  }
0x188: {  	v10 =	vld.idx.msk [tilespmem:v10+s10+$0x0], $0xffff;
	v11 =	vadd.f32 v18, v11;
	v18 =	vmul.f32 v23, v19;
	v19 =	vmul.f32 v21, v19  }
0x189: {  	s20 =	sadd.s32 $0x10, s20;
	v12 =	vadd.f32 v22, v12;
	v21 =	vadd.f32 v25, v24;
	v22 =	vmul.f32 v33, v17  }
0x18a: {  	v7 =	vmul.f32 v7, v30;
	v5 =	vadd.f32 v18, v5;
	v18 =	vmov s20  }
0x18b: {  	v11 =	vadd.f32 v19, v11;
	vm0 =	vlt.u32 v18, v2;
	v19 =	vld.idx.msk [tilespmem:v20+s21+$0x0], $0xffff;
	v6 =	vadd.f32 v22, v21  }
0x18c: {  	v23 =	vld.idx.msk [tilespmem:v31+s21+$0x0], $0xffff;
	vm1 =	vmand vm0, vm1;
	v8 =	vsub.f32 v29, v8;
	v9 =	vsub.f32 v14, v16  }
0x18d: {  	v14 =	vsel vm1, $0x3F800000, v3;
	vm1 =	vge.f32 v6, $4.499999880e-01;
	v6 =	vsub.f32 v28, v10  }
0x18e: {  	v7 =	vand.u32 $0x7FFFFFFF, v7;
	vm1 =	vmand vm2, vm1  }
0x18f: {  	v8 =	vmul.f32 v8, v17;
	vm0 =	vmand vm0, vm1;
	v6 =	vmul.f32 v6, v32  }
0x190: {  	v9 =	vand.u32 $0x7FFFFFFF, v9;
	v10 =	vsub.f32 v13, v19;
	v13 =	vsel vm0, $0x3F800000, v3  }
0x191: {  	v15 =	vsub.f32 v15, v23;
	v7 =	vmul.f32 v13, v7;
	v6 =	vand.u32 $0x7FFFFFFF, v6  }
0x192: {  	v9 =	vmul.f32 v9, v14;
	v8 =	vand.u32 $0x7FFFFFFF, v8;
	v6 =	vmul.f32 v13, v6  }
0x193: {  	v8 =	vmul.f32 v13, v8;
	v13 =	vand.u32 $0x7FFFFFFF, v15;
	v5 =	vadd.f32 v7, v5  }
0x194: {  	v10 =	vand.u32 $0x7FFFFFFF, v10;
	v7 =	vmul.f32 v13, v14;
	v6 =	vadd.f32 v6, v12  }
0x195: {  	v10 =	vmul.f32 v10, v14;
	v8 =	vadd.f32 v8, v11;
	v5 =	vadd.f32 v9, v5  }
0x196: {  	v6 =	vadd.f32 v7, v6  }
0x197: {  	v7 =	vadd.f32 v10, v8;
	[tilespmem:$0xB860] =	vst v5  }
0x198: {  	[tilespmem:$0xB870] =	vst v6  }
0x199: {  	v5 =	vimm.f32 $0.0e+00;
	[tilespmem:$0xB880] =	vst v7  }
0x19a: {  	s20 =	simm.s32 $0x0;
	[tilespmem:$0xB890] =	vst v5  }
0x19b: {  	[hbm4b:s5+s20] =	stream.linear.scatter [tilespmem:s23], [sflag:$0x2], $0x40, $0x38;
	[tilespmem:$0xB8A0] =	vst v63  }
0x19c: {  	_ =	swait.ge [sflag:s24], $0x40  }
0x19d: {  	[sflag:s24] =	ssyncset.done $0x0  }
0x19e: {  	[sflag:s24] =	ssyncadd.s32 $0xFFFFFFC0  }
0x19f: {  	[tilespmem:s20], [sflag:$0x1] =	stream.linear.gather [hbm4b:s16+s20], $0x3C00, $0x38;
	[tilespmem:$0xB8A0] =	vst v63  }
0x1a0: {  	_ = 	snop  }
0x1a1: {  	[tilespmem:s10], [sflag:$0x1] =	stream.linear.gather [hbm4b:s0+s20], $0x3C00, $0x38;
	[tilespmem:$0xB8A0] =	vst v63  }
0x1a2: {  	_ = 	snop  }
0x1a3: {  	[tilespmem:s11], [sflag:$0x1] =	stream.linear.gather [hbm4b:s2+s20], $0x3C00, $0x38;
	[tilespmem:$0xB8A0] =	vst v63  }
0x1a4: {  	_ = 	snop  }
0x1a5: {  	[tilespmem:s14], [sflag:$0x1] =	stream.strided.gather [hbm4b:s9+s12], $0x1E0, s13, s12, $0x38;
	[tilespmem:$0xB8A0] =	vst v63  }
0x1a6: {  	s26 =	rddreg [dreg:$0xf]  }
0x1a7: {  	[tilespmem:s15], [sflag:$0x1] =	stream.linear.gather [hbm4b:s26+s20], $0xA0, $0x38;
	[tilespmem:$0xB8A0] =	vst v63  }
0x1a8: {  	s26 =	rddreg [dreg:$0x10]  }
0x1a9: {  	[tilespmem:s17], [sflag:$0x1] =	stream.linear.gather [hbm4b:s26+s20], $0xA0, $0x38;
	[tilespmem:$0xB8A0] =	vst v63  }
0x1aa: {  	s26 =	rddreg [dreg:$0x11]  }
0x1ab: {  	[tilespmem:s18], [sflag:$0x1] =	stream.linear.gather [hbm4b:s26+s20], $0xA0, $0x38;
	[tilespmem:$0xB8A0] =	vst v63  }
0x1ac: {  	s26 =	rddreg [dreg:$0x12]  }
0x1ad: {  	[tilespmem:s19], [sflag:$0x1] =	stream.linear.gather [hbm4b:s26+s20], $0xA0, $0x38;
	[tilespmem:$0xB8A0] =	vst v63  }
0x1ae: {  	_ =	swait.ge [sflag:s22], $0x3C00  }
0x1af: {  	[sflag:s22] =	ssyncset.done $0x0  }
0x1b0: {  	[sflag:s22] =	ssyncadd.s32 $0xFFFFC400  }
0x1b1: {  	_ =	swait.ge [sflag:s22], $0x3C00  }
0x1b2: {  	[sflag:s22] =	ssyncset.done $0x0  }
0x1b3: {  	[sflag:s22] =	ssyncadd.s32 $0xFFFFC400  }
0x1b4: {  	_ =	swait.ge [sflag:s22], $0x3C00  }
0x1b5: {  	[sflag:s22] =	ssyncset.done $0x0  }
0x1b6: {  	[sflag:s22] =	ssyncadd.s32 $0xFFFFC400  }
0x1b7: {  	_ =	swait.ge [sflag:s22], $0x1E0  }
0x1b8: {  	[sflag:s22] =	ssyncset.done $0x0  }
0x1b9: {  	[sflag:s22] =	ssyncadd.s32 $0xFFFFFE20  }
0x1ba: {  	_ =	swait.ge [sflag:s22], $0xA0  }
0x1bb: {  	[sflag:s22] =	ssyncset.done $0x0  }
0x1bc: {  	[sflag:s22] =	ssyncadd.s32 $0xFFFFFF60  }
0x1bd: {  	_ =	swait.ge [sflag:s22], $0xA0  }
0x1be: {  	[sflag:s22] =	ssyncset.done $0x0  }
0x1bf: {  	[sflag:s22] =	ssyncadd.s32 $0xFFFFFF60  }
0x1c0: {  	_ =	swait.ge [sflag:s22], $0xA0  }
0x1c1: {  	[sflag:s22] =	ssyncset.done $0x0  }
0x1c2: {  	[sflag:s22] =	ssyncadd.s32 $0xFFFFFF60  }
0x1c3: {  	_ =	swait.ge [sflag:s22], $0xA0  }
0x1c4: {  	[sflag:s22] =	ssyncset.done $0x0  }
0x1c5: {  	s20 =	simm.s32 $0x0;
	[sflag:s22] =	ssyncadd.s32 $0xFFFFFF60  }
0x1c6: {  	v7 =	vld [tilespmem:s20+$0xB5E0]  }
0x1c7: {  	v8 =	vld [tilespmem:s20+$0xB7C0]  }
0x1c8: {  	v10 =	vld.idx.msk [tilespmem:v1+s20+$0x0 ss:$0x1], $0xffff  }
0x1c9: {  	v11 =	vld.idx.msk [tilespmem:v1+s20+$0x1400 ss:$0x1], $0xffff  }
0x1ca: {  	v19 =	vld.idx.msk [tilespmem:v1+s20+$0x2800 ss:$0x1], $0xffff  }
0x1cb: {  	v9 =	vld [tilespmem:s20+$0xB680]  }
0x1cc: {  	v12 =	vld [tilespmem:s20+$0xB720]  }
0x1cd: {  	v18 =	vld.idx.msk [tilespmem:v0+s20+$0x0 ss:$0x1], $0xffff  }
0x1ce: {  	v24 =	vld.idx.msk [tilespmem:v0+s20+$0x1400 ss:$0x1], $0xffff  }
0x1cf: {  	v25 =	vld.idx.msk [tilespmem:v0+s20+$0x2800 ss:$0x1], $0xffff  }
0x1d0: {  	v13 =	vld [tilespmem:s20+$0xB540]  }
0x1d1: {  	v20 =	vld [tilespmem:s20+$0xB400]  }
0x1d2: {  	s26 =	simm.s32 $0x10;
	v21 =	vld [tilespmem:s20+$0xB4A0];
	v14 =	vadd.s32 $0x1400, v7  }
0x1d3: {  	v6 =	vld [tilespmem:s26+$0xB5E0];
	v22 =	vadd.s32 $0x2800, v7  }
0x1d4: {  	v26 =	vadd.s32 $0x1400, v12;
	v23 =	vld.idx.msk [tilespmem:v12+s21+$0x0], $0xffff  }
0x1d5: {  	v16 =	vld.idx.msk [tilespmem:v7+s11+$0x0], $0xffff  }
0x1d6: {  	v12 =	vadd.s32 $0x2800, v12;
	v27 =	vld.idx.msk [tilespmem:v7+s10+$0x0], $0xffff  }
0x1d7: {  	v15 =	vld.idx.msk [tilespmem:v14+s11+$0x0], $0xffff  }
0x1d8: {  	v17 =	vld.idx.msk [tilespmem:v22+s11+$0x0], $0xffff  }
0x1d9: {  	v26 =	vld.idx.msk [tilespmem:v26+s21+$0x0], $0xffff  }
0x1da: {  	v62 =	vld.idx.msk [tilespmem:v14+s10+$0x0], $0xffff  }
0x1db: {  	v61 =	vld.idx.msk [tilespmem:v12+s21+$0x0], $0xffff  }
0x1dc: {  	vm0 =	vlt.u32 v4, v2;
	v63 =	vld.idx.msk [tilespmem:v22+s10+$0x0], $0xffff;
	v7 =	vmul.f32 v20, v16;
	v12 =	vmul.f32 v21, v15  }
0x1dd: {  	v4 =	vld [tilespmem:s26+$0xB7C0];
	vm2 =	vle.f32 v8, $2.499999940e-05;
	vm1 =	vle.f32 v9, $2.499999940e-05;
	v9 =	vadd.s32 $0x1400, v6  }
0x1de: {  	v14 =	vld.idx.msk [tilespmem:v1+s26+$0x1400 ss:$0x1], $0xffff;
	v22 =	vsub.f32 v10, v23;
	v8 =	vadd.f32 v12, v7;
	v12 =	vmul.f32 v13, v17  }
0x1df: {  	vm2 =	vmand vm0, vm2;
	v23 =	vsub.f32 v18, v27;
	v21 =	vsub.f32 v11, v26;
	v13 =	vld.idx.msk [tilespmem:v1+s26+$0x0 ss:$0x1], $0xffff  }
0x1e0: {  	v18 =	vsel vm2, $0x3F800000, v3;
	v20 =	vsub.f32 v19, v61;
	v19 =	vld [tilespmem:s26+$0xB720];
	v10 =	vadd.f32 v12, v8  }
0x1e1: {  	v24 =	vsub.f32 v24, v62;
	v25 =	vsub.f32 v25, v63;
	v11 =	vimm.f32 $0.0e+00;
	v12 =	vld.idx.msk [tilespmem:v1+s26+$0x2800 ss:$0x1], $0xffff  }
0x1e2: {  	s29 =	simm.s32 $0x80;
	s20 =	smov.u32 s28;
	v7 =	vadd.s32 $0x2800, v6;
	v8 =	vld [tilespmem:s26+$0xB680];
	vm2 =	vge.f32 v10, $4.499999880e-01;
	v10 =	vimm.f32 $0.0e+00  }
.LBB2_8:
0x1e3: {  	p0 =	sne.s32 s29, $0x240;
	v26 =	vld.idx.msk [tilespmem:v0+s26+$0x0 ss:$0x1], $0xffff;
	vm1 =	vmand vm1, vm2;
	v16 =	vmul.f32 v23, v16;
	v22 =	vand.u32 $0x7FFFFFFF, v22  }
0x1e4: {  	v23 =	vmovc v13;
	v27 =	vld.idx.msk [tilespmem:v0+s26+$0x1400 ss:$0x1], $0xffff;
	vm0 =	vmand vm0, vm1;
	v15 =	vmul.f32 v24, v15;
	v17 =	vmul.f32 v25, v17  }
0x1e5: {  	v22 =	vmul.f32 v22, v18;
	v24 =	vmovc v14;
	v25 =	vld.idx.msk [tilespmem:v0+s26+$0x2800 ss:$0x1], $0xffff;
	v13 =	vsel vm0, $0x3F800000, v3;
	v16 =	vand.u32 $0x7FFFFFFF, v16  }
0x1e6: {  	v28 =	vmovc v12;
	v14 =	vld [tilespmem:s26+$0xB540];
	v16 =	vmul.f32 v13, v16;
	v15 =	vand.u32 $0x7FFFFFFF, v15;
	v17 =	vand.u32 $0x7FFFFFFF, v17  }
0x1e7: {  	v12 =	vld [tilespmem:s26+$0xB400];
	v15 =	vmul.f32 v13, v15;
	v13 =	vmul.f32 v13, v17;
	v17 =	vand.u32 $0x7FFFFFFF, v21  }
0x1e8: {  	v21 =	vld [tilespmem:s26+$0xB4A0];
	s26 =	sshra.s32 s29, $0x2;
	v5 =	vadd.f32 v16, v5;
	v17 =	vmul.f32 v17, v18;
	v16 =	vand.u32 $0x7FFFFFFF, v20  }
0x1e9: {  	v20 =	vld [tilespmem:s26+$0xB5E0];
	v11 =	vadd.f32 v15, v11;
	v10 =	vadd.f32 v13, v10;
	v13 =	vmul.f32 v16, v18  }
0x1ea: {  	v29 =	vadd.s32 $0x1400, v19;
	v18 =	vld.idx.msk [tilespmem:v19+s21+$0x0], $0xffff;
	v5 =	vadd.f32 v22, v5  }
0x1eb: {  	v19 =	vadd.s32 $0x2800, v19;
	v16 =	vld.idx.msk [tilespmem:v6+s11+$0x0], $0xffff;
	v11 =	vadd.f32 v17, v11;
	v10 =	vadd.f32 v13, v10  }
0x1ec: {  	v15 =	vld.idx.msk [tilespmem:v9+s11+$0x0], $0xffff  }
0x1ed: {  	v30 =	vld.idx.msk [tilespmem:v6+s10+$0x0], $0xffff  }
0x1ee: {  	v17 =	vld.idx.msk [tilespmem:v7+s11+$0x0], $0xffff;
	v6 =	vmov v20  }
0x1ef: {  	v20 =	vld.idx.msk [tilespmem:v29+s21+$0x0], $0xffff  }
0x1f0: {  	v19 =	vld.idx.msk [tilespmem:v19+s21+$0x0], $0xffff  }
0x1f1: {  	s20 =	sadd.s32 $0x10, s20;
	v29 =	vld.idx.msk [tilespmem:v9+s10+$0x0], $0xffff  }
0x1f2: {  	v9 =	vmov s20;
	v31 =	vld.idx.msk [tilespmem:v7+s10+$0x0], $0xffff;
	v7 =	vmul.f32 v12, v16;
	v12 =	vmul.f32 v21, v15  }
0x1f3: {  	vm2 =	vle.f32 v4, $2.499999940e-05;
	vm0 =	vlt.u32 v9, v2;
	v4 =	vld [tilespmem:s26+$0xB7C0]  }
.Ltmp3:
0x1f4: {  	vm1 =	vle.f32 v8, $2.499999940e-05;
	v32 =	vmul.f32 v14, v17;
	v13 =	vld.idx.msk [tilespmem:v1+s26+$0x0 ss:$0x1], $0xffff;
	v21 =	vadd.f32 v12, v7;
	(pc) =	sbr.rel @p0 .LBB2_8-.Ltmp3, $4  }
0x1f5: {  	v22 =	vsub.f32 v23, v18;
	v9 =	vadd.s32 $0x1400, v6;
	v7 =	vadd.s32 $0x2800, v6;
	v14 =	vld.idx.msk [tilespmem:v1+s26+$0x1400 ss:$0x1], $0xffff  }
0x1f6: {  	v23 =	vsub.f32 v26, v30;
	vm2 =	vmand vm0, vm2;
	v12 =	vld.idx.msk [tilespmem:v1+s26+$0x2800 ss:$0x1], $0xffff;
	v32 =	vadd.f32 v32, v21  }
0x1f7: {  	v18 =	vsel vm2, $0x3F800000, v3;
	v21 =	vsub.f32 v24, v20;
	v20 =	vsub.f32 v28, v19;
	v8 =	vld [tilespmem:s26+$0xB680]  }
0x1f8: {  	s29 =	sadd.s32 $0x40, s29;
	v24 =	vsub.f32 v27, v29;
	v25 =	vsub.f32 v25, v31;
	v19 =	vld [tilespmem:s26+$0xB720];
	vm2 =	vge.f32 v32, $4.499999880e-01  }
0x1f9: {  	_ =	sdelay $0x3  }
0x1fa: {  	v26 =	vld.idx.msk [tilespmem:v0+s26+$0x0 ss:$0x1], $0xffff  }
0x1fb: {  	v28 =	vld.idx.msk [tilespmem:v0+s26+$0x2800 ss:$0x1], $0xffff  }
0x1fc: {  	v41 =	vld [tilespmem:s26+$0xB400]  }
0x1fd: {  	v42 =	vld [tilespmem:s26+$0xB4A0]  }
0x1fe: {  	vm1 =	vmand vm1, vm2;
	v16 =	vmul.f32 v23, v16;
	v29 =	vld.idx.msk [tilespmem:v6+s11+$0x0], $0xffff;
	v22 =	vand.u32 $0x7FFFFFFF, v22  }
0x1ff: {  	v31 =	vld.idx.msk [tilespmem:v9+s11+$0x0], $0xffff;
	v21 =	vand.u32 $0x7FFFFFFF, v21;
	v20 =	vand.u32 $0x7FFFFFFF, v20;
	v15 =	vmul.f32 v24, v15  }
0x200: {  	v32 =	vld [tilespmem:s26+$0xB540];
	vm13 =	vle.f32 v4, $2.499999940e-05;
	v17 =	vmul.f32 v25, v17;
	v47 =	vmul.f32 v22, v18  }
0x201: {  	v44 =	vld.idx.msk [tilespmem:v7+s11+$0x0], $0xffff;
	s20 =	sadd.s32 $0x10, s20;
	vm0 =	vmand vm0, vm1;
	v21 =	vmul.f32 v21, v18;
	v50 =	vmul.f32 v20, v18  }
0x202: {  	v48 =	vld.idx.msk [tilespmem:v6+s10+$0x0], $0xffff;
	v52 =	vmov s20;
	v43 =	vsel vm0, $0x3F800000, v3;
	v16 =	vand.u32 $0x7FFFFFFF, v16  }
0x203: {  	v53 =	vld.idx.msk [tilespmem:v7+s10+$0x0], $0xffff;
	vm12 =	vlt.u32 v52, v2;
	v16 =	vmul.f32 v43, v16;
	v15 =	vand.u32 $0x7FFFFFFF, v15  }
0x204: {  	v17 =	vand.u32 $0x7FFFFFFF, v17;
	vm14 =	vle.f32 v8, $2.499999940e-05;
	v30 =	vadd.s32 $0x1400, v19  }
0x205: {  	v27 =	vld.idx.msk [tilespmem:v0+s26+$0x1400 ss:$0x1], $0xffff;
	v46 =	vadd.s32 $0x2800, v19;
	v23 =	vmul.f32 v41, v29;
	v24 =	vmul.f32 v42, v31  }
0x206: {  	v51 =	vld.idx.msk [tilespmem:v9+s10+$0x0], $0xffff;
	v15 =	vmul.f32 v43, v15;
	v17 =	vmul.f32 v43, v17;
	v5 =	vadd.f32 v16, v5  }
0x207: {  	v45 =	vld.idx.msk [tilespmem:v19+s21+$0x0], $0xffff;
	v55 =	vmul.f32 v32, v44;
	v6 =	vsub.f32 v26, v48;
	v54 =	vadd.f32 v24, v23  }
0x208: {  	vm1 =	vmand vm12, vm13;
	v7 =	vsub.f32 v28, v53;
	v11 =	vadd.f32 v15, v11  }
0x209: {  	v58 =	vsel vm1, $0x3F800000, v3;
	v10 =	vadd.f32 v17, v10;
	v4 =	vadd.f32 v55, v54  }
0x20a: {  	v5 =	vadd.f32 v47, v5;
	v6 =	vmul.f32 v6, v29;
	v7 =	vmul.f32 v7, v44;
	v56 =	vld.idx.msk [tilespmem:v46+s21+$0x0], $0xffff  }
0x20b: {  	v11 =	vadd.f32 v21, v11;
	v10 =	vadd.f32 v50, v10;
	v49 =	vld.idx.msk [tilespmem:v30+s21+$0x0], $0xffff;
	vm15 =	vge.f32 v4, $4.499999880e-01  }
0x20c: {  	v57 =	vsub.f32 v13, v45;
	v4 =	vsub.f32 v27, v51;
	vm1 =	vmand vm14, vm15  }
0x20d: {  	v6 =	vand.u32 $0x7FFFFFFF, v6;
	v7 =	vand.u32 $0x7FFFFFFF, v7;
	vm0 =	vmand vm12, vm1  }
0x20e: {  	v8 =	vand.u32 $0x7FFFFFFF, v57;
	v4 =	vmul.f32 v4, v31;
	v60 =	vsel vm0, $0x3F800000, v3  }
0x20f: {  	v8 =	vmul.f32 v8, v58;
	v59 =	vsub.f32 v12, v56;
	v6 =	vmul.f32 v60, v6  }
0x210: {  	v14 =	vsub.f32 v14, v49;
	v4 =	vand.u32 $0x7FFFFFFF, v4;
	v7 =	vmul.f32 v60, v7  }
0x211: {  	v4 =	vmul.f32 v60, v4;
	v9 =	vand.u32 $0x7FFFFFFF, v59;
	v5 =	vadd.f32 v6, v5  }
0x212: {  	v61 =	vand.u32 $0x7FFFFFFF, v14;
	v7 =	vadd.f32 v7, v10;
	v9 =	vmul.f32 v9, v58  }
0x213: {  	v62 =	vmul.f32 v61, v58;
	v4 =	vadd.f32 v4, v11;
	v5 =	vadd.f32 v8, v5  }
0x214: {  	[tilespmem:$0xB890] =	vst v3;
	v63 =	vadd.f32 v9, v7  }
0x215: {  	s25 =	sadd.s32 $0x1, s25;
	v4 =	vadd.f32 v62, v4;
	[tilespmem:$0xB860] =	vst v5  }
0x216: {  	p0 =	sne.s32 s25, s7;
	[tilespmem:$0xB880] =	vst v63  }
.Ltmp4:
0x217: {  	[tilespmem:$0xB870] =	vst v4;
	(pc) =	sbr.rel @p0 .LBB2_1-.Ltmp4, $4  }
0x218: {  	[hbm4b:s6+s21] =	stream.linear.scatter [tilespmem:s23], [sflag:$0x2], $0x40, $0x38;
	[tilespmem:$0xB8A0] =	vst v63  }
0x219: {  	_ =	swait.ge [sflag:s24], $0x40  }
0x21a: {  	[sflag:s24] =	ssyncset.done $0x0  }
0x21b: {  	[sflag:s24] =	ssyncadd.s32 $0xFFFFFFC0  }
0x21c: {  	_ =	sfence.sel $0x180000  }
0x21d: {  	[bflag:$0x0] =	sbarrier.arrive $0xFFFF  }
0x21e: {  	_ =	strace $0x9000004A  }
0x21f: {  	s0 =	stileid.u32;
	[bflag:$0x2] =	sbarrier.arrive $0xFFFF  }
0x220: {  	p0 =	sne.s32 s0, $0x0;
	s0 =	rddreg [dreg:$0x1]  }
0x221: {  	s0 =	sadd.s32 @!p0 $0x100000, s0  }
0x222: {  	[sflag:s0] =	ssyncadd.tile.s32 @!p0 $0x1;
	_ =	shalt  }
.Lfunc_end2:
_tile_overlayer_lowered:
.L_overlay_start_2:
0x223: {  	(tag) =	ssettag $0x2  }
0x224: {  	s0 =	rddreg [dreg:$0x0];
	s2 =	stileid.u32  }
0x225: {  	s1 =	rddreg [dreg:$0x1];
	p0 =	sne.s32 s2, $0x0  }
0x226: {  	s3 =	rddreg [dreg:$0x2];
	[bflag:$0x3] =	sbarrier.arrive $0xFFFF;
	s2 =	simm.s32 @!p0 $0x1C02  }
0x227: {  	[timem:s3], [sflag:s2] =	dma.local @!p0 [hbm:s0], s1  }
0x228: {  	s0 =	simm.s32 @!p0 $0x2  }
0x229: {  	_ =	swait.ge @!p0 [sflag:s0], s1  }
0x22a: {  	s1 =	ssub.s32 @!p0 $0x0, s1;
	[sflag:s0] =	ssyncset.done @!p0 $0x0  }
0x22b: {  	[sflag:s0] =	ssyncadd.s32 @!p0 s1  }
0x22c: {  	[bflag:$0x3] =	sbarrier.arrive $0xFFFF  }
0x22d: {  	_ =	shalt  }

// kernel: _impl.7.cloned.1.call-start
scs
__scs_entry_jumppad:
0x0: {  	(pc) =	sbr.rel $0x88, $3  }
0x1: {  	(tag) =	ssettag $0x0;
	lr =	simm.s32 $0x1  }
0x2: {  	[smem:$0x3F9D] =	sst lr;
	_ =	strace $0xD0000000  }
0x3: {  	_ = 	snop  }
0x4: {  	_ = 	snop  }
0x5: {  	_ = 	snop  }
0x6: {  	_ = 	snop  }
0x7: {  	_ = 	snop  }
__scs_overlays_trampoline_lowered:
0x8: {  	[smem:$0x3FAC] =	sst s0  }
0x9: {  	[smem:$0x3FAD] =	sst s1  }
0xa: {  	[smem:$0x3FAE] =	sst s2  }
0xb: {  	[smem:$0x3FAF] =	sst s3  }
0xc: {  	[smem:$0x3FB0] =	sst s4  }
0xd: {  	[smem:$0x3FB1] =	sst s5  }
0xe: {  	[smem:$0x3FB2] =	sst s6  }
0xf: {  	[smem:$0x3FB3] =	sst s7  }
0x10: {  	[smem:$0x3FB4] =	sst s8  }
0x11: {  	[smem:$0x3FB5] =	sst s9;
	s0 =	simm.s32 @!p0 $0x0  }
0x12: {  	s1 =	sld [smem:$0x3F9B];
	s0 =	simm.s32 @p0 $0x1  }
0x13: {  	[smem:$0x3FB6] =	sst s0;
	s0 =	simm.s32 @!p1 $0x0  }
0x14: {  	s2 =	sld [smem:$0x3F9A];
	s0 =	simm.s32 @p1 $0x1  }
0x15: {  	[smem:$0x3FB7] =	sst s0;
	s0 =	simm.s32 @!p2 $0x0  }
0x16: {  	s3 =	sld [smem:$0x3FDB];
	s0 =	simm.s32 @p2 $0x1  }
0x17: {  	s4 =	simm.s32 $0x1BF5;
	[smem:$0x3FB9] =	sst s0  }
0x18: {  	s0 =	sld [smem:$0x3F9C];
	_ =	swait.ge [sflag:s4], $0x0  }
0x19: {  	s7 =	sld [smem:$0x3F9D]  }
0x1a: {  	s8 =	sadd.s32 $0xFFFFE003, lr  }
0x1b: {  	s9 =	sadd.s32 $0xFFFFFEF7, lr;
	s5 =	simm.s32 $0xFFFFFFFF;
	p2 =	slt.u32 s8, $0xFFFFF086  }
0x1c: {  	p1 =	slt.u32 s9, $0xF7A;
	s5 =	simm.s32 @!p2 $0x0  }
0x1d: {  	s5 =	simm.s32 @p1 $0x1;
	p0 =	seq.s32 s7, s2  }
0x1e: {  	s7 =	smul.u32 @!p0 $0xF7A, s2;
	p2 =	seq.s32 @!p0 s5, $0x0  }
0x1f: {  	s9 =	smul.u32 $0xF7A, s1;
	s8 =	simm.s32 @!p0 $0x1BF5;
	p2 =	por !p2, p0  }
0x20: {  	[sflag:s8] =	ssyncset.s32 @!p0 $0xFFFFF086;
	s6 =	sadd.s32 @!p0 s3, s7;
	s7 =	simm.s32 @!p0 $0x108  }
0x21: {  	s3 =	sadd.s32 s3, s9;
	s6 =	sadd.s32 @!p0 $0x88, s6;
	s7 =	simm.s32 @p2 $0x1082  }
0x22: {  	[simem:s7], [sflag:s8] =	dma.local @!p0 [hbm:s6], $0xF7A  }
0x23: {  	s9 =	sor.u32 $0xD0000000, s2;
	s6 =	simm.s32 $0x108;
	_ =	swait.ge @!p0 [sflag:s8], $0x0  }
0x24: {  	s3 =	sadd.s32 $0x88, s3;
	s6 =	simm.s32 @!p1 $0x1082;
	[sflag:s4] =	ssyncset.s32 $0xFFFFF086  }
0x25: {  	[simem:s6], [sflag:s4] =	dma.local [hbm:s3], $0xF7A  }
0x26: {  	[smem:$0x3F9D] =	sst s1;
	(tag) =	ssettag s2;
	_ =	strace s9  }
0x27: {  	s1 =	sld [smem:$0x3FAD]  }
0x28: {  	s2 =	sld [smem:$0x3FAE]  }
0x29: {  	s4 =	sld [smem:$0x3FB0]  }
0x2a: {  	p0 =	seq.s32 s5, $0x0;
	s5 =	sld [smem:$0x3FB1]  }
0x2b: {  	s6 =	sld [smem:$0x3FB2]  }
0x2c: {  	s7 =	sld [smem:$0x3FB3]  }
0x2d: {  	s3 =	simm.s32 $0x108;
	s8 =	sld [smem:$0x3FB4]  }
0x2e: {  	s3 =	simm.s32 @!p0 $0x1082;
	s9 =	sld [smem:$0x3FB5]  }
0x2f: {  	lr =	sadd.s32 s0, s3;
	s0 =	sld [smem:$0x3FAC]  }
0x30: {  	s3 =	sld [smem:$0x3FAF]  }
0x31: {  	[smem:$0x3FB8] =	sst s10  }
0x32: {  	s10 =	sld [smem:$0x3FB6];
	_ =	sdelay $0x3  }
0x33: {  	p0 =	seq.s32 s10, $0x1;
	s10 =	sld [smem:$0x3FB8];
	_ =	sdelay $0x3  }
0x34: {  	[smem:$0x3FB8] =	sst s10  }
0x35: {  	s10 =	sld [smem:$0x3FB7];
	_ =	sdelay $0x3  }
0x36: {  	p1 =	seq.s32 s10, $0x1;
	s10 =	sld [smem:$0x3FB8];
	_ =	sdelay $0x3  }
0x37: {  	[smem:$0x3FB8] =	sst s10  }
0x38: {  	s10 =	sld [smem:$0x3FB9]  }
0x39: {  	_ = 	snop;
	(pc) =	sbr.ind lr, $3  }
0x3a: {  	_ = 	snop  }
0x3b: {  	_ = 	snop  }
0x3c: {  	p2 =	seq.s32 s10, $0x1;
	s10 =	sld [smem:$0x3FB8]  }
0x3d: {  	_ =	shalt  }
0x3e: {  	_ =	shalt  }
0x3f: {  	_ =	shalt  }
0x40: {  	_ =	shalt  }
0x41: {  	_ =	shalt  }
0x42: {  	_ =	shalt  }
0x43: {  	_ =	shalt  }
0x44: {  	_ =	shalt  }
0x45: {  	_ =	shalt  }
0x46: {  	_ =	shalt  }
0x47: {  	_ =	shalt  }
0x48: {  	_ =	shalt  }
0x49: {  	_ =	shalt  }
0x4a: {  	_ =	shalt  }
0x4b: {  	_ =	shalt  }
0x4c: {  	_ =	shalt  }
0x4d: {  	_ =	shalt  }
0x4e: {  	_ =	shalt  }
0x4f: {  	_ =	shalt  }
0x50: {  	_ =	shalt  }
0x51: {  	_ =	shalt  }
0x52: {  	_ =	shalt  }
0x53: {  	_ =	shalt  }
0x54: {  	_ =	shalt  }
0x55: {  	_ =	shalt  }
0x56: {  	_ =	shalt  }
0x57: {  	_ =	shalt  }
0x58: {  	_ =	shalt  }
0x59: {  	_ =	shalt  }
0x5a: {  	_ =	shalt  }
0x5b: {  	_ =	shalt  }
0x5c: {  	_ =	shalt  }
0x5d: {  	_ =	shalt  }
0x5e: {  	_ =	shalt  }
0x5f: {  	_ =	shalt  }
0x60: {  	_ =	shalt  }
0x61: {  	_ =	shalt  }
0x62: {  	_ =	shalt  }
0x63: {  	_ =	shalt  }
0x64: {  	_ =	shalt  }
0x65: {  	_ =	shalt  }
0x66: {  	_ =	shalt  }
0x67: {  	_ =	shalt  }
0x68: {  	_ =	shalt  }
0x69: {  	_ =	shalt  }
0x6a: {  	_ =	shalt  }
0x6b: {  	_ =	shalt  }
0x6c: {  	_ =	shalt  }
0x6d: {  	_ =	shalt  }
0x6e: {  	_ =	shalt  }
0x6f: {  	_ =	shalt  }
0x70: {  	_ =	shalt  }
0x71: {  	_ =	shalt  }
0x72: {  	_ =	shalt  }
0x73: {  	_ =	shalt  }
0x74: {  	_ =	shalt  }
0x75: {  	_ =	shalt  }
0x76: {  	_ =	shalt  }
0x77: {  	_ =	shalt  }
0x78: {  	_ =	shalt  }
0x79: {  	_ =	shalt  }
0x7a: {  	_ =	shalt  }
0x7b: {  	_ =	shalt  }
0x7c: {  	_ =	shalt  }
0x7d: {  	_ =	shalt  }
0x7e: {  	_ =	shalt  }
0x7f: {  	_ =	shalt  }
0x80: {  	_ =	shalt  }
0x81: {  	_ =	shalt  }
0x82: {  	_ =	shalt  }
0x83: {  	_ =	shalt  }
0x84: {  	_ =	shalt  }
0x85: {  	_ =	shalt  }
0x86: {  	_ =	shalt  }
0x87: {  	_ =	shalt  }
.Lfunc_end0:
.L_simem_size_0:
called_computation_lowered:
.L_overlay_start_0:
0x88: {  	s2 =	sld [smem:$0x3FD9]  }
0x89: {  	s3 =	sld [smem:$0x3FFE];
	_ =	sdelay $0x1  }
0x8a: {  	s1 =	srdreg.scid  }
0x8b: {  	s0 =	sand.u32 $0x1, s1  }
0x8c: {  	s16 =	sshll.u32 s0, $0xA;
	s2 =	sadd.s32 s3, s2  }
0x8d: {  	s2 =	sadd.s32 s2, s16  }
0x8e: {  	[smem:$0x3FC4] =	sst s2  }
0x8f: {  	_ = 	snop  }
0x90: {  	(tm) =	ssettm $0x1  }
0x91: {  	s17 =	sld [smem:$0x3FFB];
	_ =	sdelay $0x3  }
0x92: {  	_ =	strace s17  }
0x93: {  	s2 =	sld [smem:$0x3FFC];
	_ =	sdelay $0x3  }
0x94: {  	_ =	strace s2  }
0x95: {  	s2 =	sld [smem:$0x3FFD];
	_ =	sdelay $0x3  }
0x96: {  	_ =	strace s2  }
0x97: {  	_ =	strace $0x8FFFFFFF  }
0x98: {  	s18 =	sld [smem:$0x3FDB];
	_ =	sdelay $0x1  }
0x99: {  	s19 =	simm.s32 $_scs_section_size  }
0x9a: {  	s4 =	simm.s32 $_size__tile_overlayer_lowered;
	s5 =	simm.s32 $_tile_overlayer_lowered  }
0x9b: {  	s22 =	simm.s32 $0x1BFF;
	s21 =	sshll.u32 s5, $0x1;
	s2 =	sadd.s32 s19, s18  }
0x9c: {  	s6 =	simm.s32 $0x0;
	s20 =	sshll.u32 s4, $0x1;
	s4 =	sadd.s32 s21, s2  }
0x9d: {  	[timem:s6], [sflag:s22] =	dma.local [hbm:s4], s20  }
0x9e: {  	_ =	swait.ge [sflag:s22], s20  }
0x9f: {  	s3 =	ssub.s32 $0x0, s20;
	[sflag:s22] =	ssyncset.done $0x0  }
0xa0: {  	[sflag:s22] =	ssyncadd.s32 s3;
	_ =	sdelay $0x1  }
0xa1: {  	s23 =	simm.s32 $0x1B8B  }
0xa2: {  	_ =	swait.ge [sflag:s23], $0x1  }
0xa3: {  	[sflag:s23] =	ssyncset.done $0x0  }
0xa4: {  	s25 =	simm.s32 $0x1B8E;
	s24 =	sld [smem:$0x3FFE];
	[sflag:s23] =	ssyncadd.s32 $0xFFFFFFFF  }
0xa5: {  	s26 =	simm.s32 $execute0_lowered;
	[smem:$0x3FD2] =	sst s25  }
0xa6: {  	s4 =	sshll.u32 s26, $0x1;
	_ =	strace $0x80000046;
	[dreg:$0x1] =	wrdreg $0xFFFFFFFF  }
0xa7: {  	s28 =	simm.s32 $_size_execute0_lowered;
	s2 =	sadd.s32 s2, s4;
	[dreg:$0x0] =	wrdreg $0x0  }
0xa8: {  	s4 =	sshll.u32 s28, $0x1;
	[dreg:$0x2] =	wrdreg s2  }
0xa9: {  	[dreg:$0x3] =	wrdreg s4  }
0xaa: {  	[dreg:$0x4] =	wrdreg $0xC0  }
0xab: {  	_ =	task [dreg:s6], $0x5FFFF  }
0xac: {  	[dreg:$0x1] =	wrdreg $0xFFFFFFFF  }
0xad: {  	[dreg:$0x0] =	wrdreg $0x60  }
0xae: {  	[dreg:$0x2] =	wrdreg s24  }
0xaf: {  	[dreg:$0x3] =	wrdreg $0x9  }
0xb0: {  	_ =	task.clear_ibuf [dreg:s6], $0x4FFFF;
	_ =	strace $0x90000046  }
0xb1: {  	s29 =	simm.s32 $0x9;
	_ =	strace $0x80000048  }
0xb2: {  	_ =	swait.ge [sflag:s29], $0x1  }
0xb3: {  	[sflag:s29] =	ssyncadd.s32 $0xFFFFFFFF  }
0xb4: {  	_ =	strace $0x90000048  }
0xb5: {  	_ =	sfence  }
0xb6: {  	s30 =	sld [smem:$0x0];
	_ =	sdelay $0x2  }
0xb7: {  	s31 =	sshll.u32 s1, $0xD;
	s1 =	sshrl.u32 s1, $0x2  }
0xb8: {  	s3 =	sand.u32 $0x4000, s31;
	s1 =	sadd.s32 s1, s30  }
0xb9: {  	s0 =	sor.u32 s3, s0;
	s1 =	sshll.u32 s1, $0x11  }
0xba: {  	s0 =	sor.u32 s1, s0  }
0xbb: {  	s0 =	sadd.s32 $0x8F2B, s0  }
0xbc: {  	[sflag:s0] =	ssyncadd.remote.s32 $0x1  }
0xbd: {  	_ =	sfence.sel $0xFFFF  }
0xbe: {  	[dreg:$0x0] =	wrdreg $0xFFFFFFFF;
	(pc) =	sbr.abs _section_cstart, $3  }
0xbf: {  	[dreg:$0x1] =	wrdreg $0xFFFFFFFF  }
0xc0: {  	_ =	task.clear_ibuf [dreg:s6], $0x2FFFF;
	_ =	strace $0x9FFFFFFF  }
0xc1: {  	(tm) =	ssettm $0x7FFFFFFF  }
tec
execute0_lowered:
.L_overlay_start_1:
0x0: {  	(tag) =	ssettag $0x1  }
0x1: {  	s0 =	srdreg.scid  }
0x2: {  	s15 =	stileid.u32;
	s3 =	rddreg [dreg:$0x0];
	s2 =	simm.s32 $0x0  }
0x3: {  	s28 =	simm.s32 $0x2;
	s29 =	simm.s32 $0x1;
	s30 =	simm.s32 $0x4218  }
0x4: {  	s31 =	simm.s32 $0x3E58;
	s0 =	sand.u32 $0x1, s0;
	s1 =	sshll.u32 s15, $0x1  }
0x5: {  	[smem:$0x7FF] =	sst s2;
	s5 =	sadd.s32 $0x2600, s3;
	s24 =	sadd.s32 $0x4400, s3  }
0x6: {  	s9 =	sadd.s32 $0x2D53, s3;
	s12 =	sadd.s32 $0x4B53, s3;
	s14 =	sadd.s32 $0x34A6, s3  }
0x7: {  	s20 =	smul.u32 $0x280, s15;
	s17 =	sadd.s32 $0x52A6, s3;
	s19 =	sadd.s32 $0x3BF9, s3  }
0x8: {  	s1 =	sor.u32 s0, s1;
	s25 =	ssub.s32 $0x2, s0;
	s0 =	smul.u32 $0x140, s0  }
0x9: {  	s23 =	sadd.s32 $0x59F9, s3;
	_ =	strace $0x80000047;
	s4 =	smul.u32 $0x3C0, s1  }
0xa: {  	[dreg:$0x2] =	wrdreg s5;
	s1 =	smul.u32 $0x3C00, s1;
	s6 =	sshrl.u32 s25, $0x1  }
0xb: {  	[dreg:$0x3] =	wrdreg s24;
	s25 =	ssub.s32 s25, s6;
	s4 =	sshrl.u32 s4, $0x3  }
0xc: {  	s20 =	sadd.s32 s0, s20;
	s1 =	sshrl.u32 s1, $0x3;
	s4 =	sadd.s32 s4, s3  }
0xd: {  	v1 =	vimm.s32 $0x52741630;
	s25 =	smax.u32 s25, $0x1;
	s1 =	sadd.s32 s1, s3;
	s26 =	sadd.s32 $0x1600, s4  }
0xe: {  	v0 =	vlaneseq.u32;
	v3 =	vimm.s32 $0x63052741;
	s6 =	sadd.s32 $0x9E00, s1;
	s7 =	sadd.s32 $0x6200, s4;
	s8 =	sadd.s32 $0x45E00, s1  }
0xf: {  	v4 =	vimm.s32 $0x74163052;
	v0 =	vmul.u32 $0x3, v0;
	v2 =	vunpack.c.l.s4.s8 v1;
	s10 =	sadd.s32 $0x18E00, s1;
	s11 =	sadd.s32 $0x7100, s4;
	s13 =	sadd.s32 $0x54E00, s1  }
0x10: {  	vm0 =	vmxor vm0, vm0;
	v5 =	vunpack.c.l.s4.s8 v3;
	v6 =	vunpack.c.l.s4.s8 v4;
	s15 =	sadd.s32 $0x27E00, s1;
	s16 =	sadd.s32 $0x8000, s4;
	s18 =	sadd.s32 $0x63E00, s1  }
0x11: {  	v1 =	vimm.f32 $0.0e+00;
	v2 =	vunpack.c.0.s8.s32 v2;
	v3 =	vadd.s32 $0x1, v0;
	s21 =	sadd.s32 $0x36E00, s1;
	s22 =	sadd.s32 $0x8F00, s4;
	s24 =	sadd.s32 $0x72E00, s1  }
0x12: {  	v4 =	vunpack.c.0.s8.s32 v5;
	v5 =	vadd.s32 $0x2, v0;
	v6 =	vunpack.c.0.s8.s32 v6;
	s1 =	simm.s32 $0x0;
	[dreg:$0x4] =	wrdreg s26;
	s26 =	simm.s32 $0x3A98  }
.LBB2_1:
0x13: {  	s0 =	rddreg [dreg:$0x4]  }
0x14: {  	[tilespmem:s26], [sflag:$0x2] =	stream.linear.gather [hbm4b:s0+s2], $0x3C0, $0x38;
	[tilespmem:$0x7E18] =	vst v63  }
0x15: {  	_ =	swait.ge [sflag:s28], $0x3C0  }
0x16: {  	s3 =	simm.s32 $0x40;
	[sflag:s28] =	ssyncset.done $0x0  }
0x17: {  	s0 =	simm.s32 $0x0;
	s5 =	rddreg [dreg:$0x2];
	[sflag:s28] =	ssyncadd.s32 $0xFFFFFC40  }
0x18: {  	[tilespmem:s2], [sflag:$0x1] =	stream.linear.gather [hbm4b:s5+s2], $0x3A98, $0x38;
	[tilespmem:$0x7E18] =	vst v63  }
.LBB2_2:
0x19: {  	p0 =	sne.s32 s3, $0xEFC0;
	[tilespmem:s0+$0x4218] =	vst v1;
	s0 =	smov.u32 s3;
	s3 =	sadd.s32 $0x40, s3  }
.Ltmp0:
0x1a: {  	(pc) =	sbr.rel @p0 .LBB2_2-.Ltmp0, $2  }
0x1b: {  	_ =	sdelay $0x2  }
0x1c: {  	s0 =	sshra.s32 s0, $0x2  }
0x1d: {  	s3 =	simm.s32 $0x0  }
0x1e: {  	v7 =	vmov s3  }
0x1f: {  	v7 =	vmul.u32 $0x3, v7;
	_ =	sdelay $0x1  }
0x20: {  	v7 =	vbroadcast v7, $0x0;
	_ =	sdelay $0x1  }
0x21: {  	v8 =	vadd.s32 v5, v7  }
0x22: {  	v9 =	vadd.s32 v0, v7;
	v8 =	vand.u32 $0xFFFFFFF8, v8  }
0x23: {  	v7 =	vadd.s32 v3, v7;
	v9 =	vand.u32 $0xFFFFFFF8, v9;
	v8 =	vor.u32 v6, v8  }
0x24: {  	[tilespmem:s0+$0x4218] =	vst v1;
	v7 =	vand.u32 $0xFFFFFFF8, v7;
	v9 =	vor.u32 v2, v9  }
0x25: {  	_ =	swait.ge [sflag:s29], $0x3A98;
	v10 =	vor.u32 v4, v7  }
0x26: {  	[sflag:s29] =	ssyncset.done $0x0  }
0x27: {  	[sflag:s29] =	ssyncadd.s32 $0xFFFFC568  }
0x28: {  	v7 =	vld.idx.msk [tilespmem:v8+s26+$0x0], $0xffff  }
0x29: {  	v13 =	vld.idx.msk [tilespmem:v9+s26+$0x0], $0xffff  }
0x2a: {  	v8 =	vld.idx.msk [tilespmem:v10+s26+$0x0], $0xffff;
	_ =	sdelay $0x2  }
0x2b: {  	v9 =	vmul.u32 $0x3, v7  }
0x2c: {  	v10 =	vmul.u32 $0x3, v13  }
0x2d: {  	v11 =	vmul.u32 $0x3, v8  }
0x2e: {  	v12 =	vadd.s32 $0x1, v10  }
0x2f: {  	v14 =	vadd.s32 $0x1, v11  }
0x30: {  	v15 =	vadd.s32 $0x1, v9  }
0x31: {  	v16 =	vadd.s32 $0x2, v11;
	v17 =	vld.idx.msk [tilespmem:v9+s2+$0x0], $0xffff  }
0x32: {  	v9 =	vadd.s32 $0x2, v9;
	v18 =	vld.idx.msk [tilespmem:v10+s2+$0x0], $0xffff  }
0x33: {  	v10 =	vadd.s32 $0x2, v10;
	v12 =	vld.idx.msk [tilespmem:v12+s2+$0x0], $0xffff  }
0x34: {  	v14 =	vld.idx.msk [tilespmem:v14+s2+$0x0], $0xffff  }
0x35: {  	v15 =	vld.idx.msk [tilespmem:v15+s2+$0x0], $0xffff  }
0x36: {  	v16 =	vld.idx.msk [tilespmem:v16+s2+$0x0], $0xffff  }
0x37: {  	v19 =	vld.idx.msk [tilespmem:v9+s2+$0x0], $0xffff  }
0x38: {  	v10 =	vld.idx.msk [tilespmem:v10+s2+$0x0], $0xffff  }
0x39: {  	v11 =	vld.idx.msk [tilespmem:v11+s2+$0x0], $0xffff  }
0x3a: {  	s5 =	sadd.s32 $0x0, s20  }
0x3b: {  	vm1 =	vmmov vm0;
	p0 =	slt.u32 s5, $0x2710  }
0x3c: {  	vm1 =	vmneg @p0 vm1;
	v20 =	vsub.f32 v14, v12;
	v12 =	vsub.f32 v15, v12  }
0x3d: {  	v9 =	vadd.s32 $0x2800, v13;
	v15 =	vsub.f32 v16, v10;
	v10 =	vsub.f32 v19, v10  }
0x3e: {  	s0 =	simm.s32 $0x10;
	v11 =	vsub.f32 v11, v18;
	v14 =	vadd.s32 $0x1400, v13;
	v16 =	vsub.f32 v17, v18  }
0x3f: {  	v17 =	vmov s0;
	v18 =	vmul.f32 v10, v20;
	v19 =	vmul.f32 v12, v15  }
0x40: {  	v17 =	vmul.u32 $0x3, v17;
	v15 =	vmul.f32 v16, v15;
	v21 =	vmul.f32 v10, v11  }
0x41: {  	v12 =	vmul.f32 v12, v11;
	v16 =	vmul.f32 v16, v20;
	v10 =	vsub.f32 v18, v19  }
0x42: {  	v17 =	vbroadcast v17, $0x0;
	v11 =	vsub.f32 v15, v21;
	v15 =	vadd.s32 $0x1400, v8  }
0x43: {  	s3 =	simm.s32 $0x20;
	v12 =	vsub.f32 v12, v16;
	v16 =	vadd.s32 $0x2800, v8;
	[tilespmem:v13+s30+$0x0] =	vst.idx.add.f32.msk vm1, v10;
	v13 =	vadd.s32 $0x2800, v7  }
.LBB2_4:
0x44: {  	p0 =	sne.s32 s3, $0x130;
	v18 =	vadd.s32 v0, v17;
	v19 =	vadd.s32 v3, v17;
	[tilespmem:v14+s30+$0x0] =	vst.idx.add.f32.msk vm1, v11;
	v14 =	vadd.s32 $0x1400, v7;
	s4 =	smov.u32 s3;
	s3 =	sadd.s32 $0x10, s3  }
0x45: {  	v17 =	vadd.s32 v5, v17;
	v18 =	vand.u32 $0xFFFFFFF8, v18;
	v19 =	vand.u32 $0xFFFFFFF8, v19;
	[tilespmem:v9+s30+$0x0] =	vst.idx.add.f32.msk vm1, v12  }
0x46: {  	v17 =	vand.u32 $0xFFFFFFF8, v17;
	v9 =	vor.u32 v2, v18;
	v18 =	vor.u32 v4, v19;
	[tilespmem:v8+s30+$0x0] =	vst.idx.add.f32.msk vm1, v10  }
0x47: {  	v8 =	vor.u32 v6, v17;
	[tilespmem:v15+s30+$0x0] =	vst.idx.add.f32.msk vm1, v11  }
0x48: {  	[tilespmem:v16+s30+$0x0] =	vst.idx.add.f32.msk vm1, v12  }
0x49: {  	[tilespmem:v7+s30+$0x0] =	vst.idx.add.f32.msk vm1, v10  }
0x4a: {  	[tilespmem:v14+s30+$0x0] =	vst.idx.add.f32.msk vm1, v11  }
0x4b: {  	[tilespmem:v13+s30+$0x0] =	vst.idx.add.f32.msk vm1, v12  }
0x4c: {  	v7 =	vld.idx.msk [tilespmem:v8+s26+$0x0], $0xffff  }
0x4d: {  	v13 =	vld.idx.msk [tilespmem:v9+s26+$0x0], $0xffff  }
0x4e: {  	v8 =	vld.idx.msk [tilespmem:v18+s26+$0x0], $0xffff;
	_ =	sdelay $0x3  }
0x4f: {  	v9 =	vmul.u32 $0x3, v7  }
0x50: {  	v10 =	vmul.u32 $0x3, v13  }
0x51: {  	v11 =	vmul.u32 $0x3, v8;
	v12 =	vadd.s32 $0x1, v9;
	v14 =	vadd.s32 $0x2, v9  }
0x52: {  	v15 =	vadd.s32 $0x1, v10  }
0x53: {  	v16 =	vadd.s32 $0x1, v11;
	v17 =	vadd.s32 $0x2, v11;
	_ =	sdelay $0x1  }
0x54: {  	v18 =	vld.idx.msk [tilespmem:v9+s2+$0x0], $0xffff  }
0x55: {  	v19 =	vld.idx.msk [tilespmem:v10+s2+$0x0], $0xffff  }
0x56: {  	v10 =	vadd.s32 $0x2, v10;
	v9 =	vld.idx.msk [tilespmem:v15+s2+$0x0], $0xffff  }
0x57: {  	v15 =	vld.idx.msk [tilespmem:v16+s2+$0x0], $0xffff  }
0x58: {  	v12 =	vld.idx.msk [tilespmem:v12+s2+$0x0], $0xffff  }
0x59: {  	v16 =	vld.idx.msk [tilespmem:v17+s2+$0x0], $0xffff  }
0x5a: {  	v14 =	vld.idx.msk [tilespmem:v14+s2+$0x0], $0xffff  }
0x5b: {  	v10 =	vld.idx.msk [tilespmem:v10+s2+$0x0], $0xffff  }
0x5c: {  	v11 =	vld.idx.msk [tilespmem:v11+s2+$0x0], $0xffff  }
0x5d: {  	v15 =	vsub.f32 v15, v9;
	_ =	sdelay $0x1  }
0x5e: {  	s5 =	sadd.s32 s0, s20;
	s0 =	smov.u32 s4  }
0x5f: {  	p1 =	slt.u32 s5, $0x2710;
	vm1 =	vmmov vm0;
	v12 =	vsub.f32 v12, v9;
	v9 =	vadd.s32 $0x2800, v13  }
0x60: {  	vm1 =	vmneg @p1 vm1;
	v16 =	vsub.f32 v16, v10;
	v10 =	vsub.f32 v14, v10  }
0x61: {  	v17 =	vsub.f32 v18, v19;
	v14 =	vadd.s32 $0x1400, v13;
	v11 =	vsub.f32 v11, v19  }
.Ltmp1:
0x62: {  	v18 =	vmov s0;
	v19 =	vmul.f32 v10, v15;
	v20 =	vmul.f32 v12, v16;
	(pc) =	sbr.rel @p0 .LBB2_4-.Ltmp1, $4  }
0x63: {  	v18 =	vmul.u32 $0x3, v18;
	v16 =	vmul.f32 v17, v16;
	v21 =	vmul.f32 v10, v11  }
0x64: {  	v12 =	vmul.f32 v12, v11;
	v10 =	vsub.f32 v19, v20;
	v19 =	vmul.f32 v17, v15  }
0x65: {  	v17 =	vbroadcast v18, $0x0;
	v15 =	vadd.s32 $0x1400, v8;
	v11 =	vsub.f32 v16, v21  }
0x66: {  	v16 =	vadd.s32 $0x2800, v8;
	v12 =	vsub.f32 v12, v19;
	[tilespmem:v13+s30+$0x0] =	vst.idx.add.f32.msk vm1, v10;
	v13 =	vadd.s32 $0x2800, v7  }
0x67: {  	_ =	sdelay $0x4  }
0x68: {  	[tilespmem:v14+s30+$0x0] =	vst.idx.add.f32.msk vm1, v11  }
0x69: {  	v42 =	vadd.s32 $0x1400, v7;
	v18 =	vadd.s32 v5, v17;
	[tilespmem:v9+s30+$0x0] =	vst.idx.add.f32.msk vm1, v12  }
0x6a: {  	v43 =	vadd.s32 v0, v17;
	v18 =	vand.u32 $0xFFFFFFF8, v18;
	[tilespmem:v8+s30+$0x0] =	vst.idx.add.f32.msk vm1, v10  }
0x6b: {  	v9 =	vand.u32 $0xFFFFFFF8, v43;
	v44 =	vor.u32 v6, v18;
	[tilespmem:v15+s30+$0x0] =	vst.idx.add.f32.msk vm1, v11  }
0x6c: {  	v9 =	vor.u32 v2, v9;
	[tilespmem:v16+s30+$0x0] =	vst.idx.add.f32.msk vm1, v12  }
0x6d: {  	[tilespmem:v7+s30+$0x0] =	vst.idx.add.f32.msk vm1, v10  }
0x6e: {  	v8 =	vadd.s32 v3, v17;
	[tilespmem:v42+s30+$0x0] =	vst.idx.add.f32.msk vm1, v11  }
0x6f: {  	v8 =	vand.u32 $0xFFFFFFF8, v8;
	[tilespmem:v13+s30+$0x0] =	vst.idx.add.f32.msk vm1, v12  }
0x70: {  	v8 =	vor.u32 v4, v8;
	v7 =	vld.idx.msk [tilespmem:v44+s26+$0x0], $0xffff  }
0x71: {  	v9 =	vld.idx.msk [tilespmem:v9+s26+$0x0], $0xffff;
	_ =	sdelay $0x3  }
0x72: {  	v8 =	vld.idx.msk [tilespmem:v8+s26+$0x0], $0xffff;
	v45 =	vmul.u32 $0x3, v7  }
0x73: {  	v46 =	vmul.u32 $0x3, v9;
	_ =	sdelay $0x1  }
0x74: {  	v48 =	vadd.s32 $0x1, v46  }
0x75: {  	v50 =	vadd.s32 $0x1, v45  }
0x76: {  	v47 =	vmul.u32 $0x3, v8;
	v10 =	vadd.s32 $0x2, v45  }
0x77: {  	v11 =	vadd.s32 $0x2, v46;
	v52 =	vld.idx.msk [tilespmem:v45+s2+$0x0], $0xffff  }
0x78: {  	v49 =	vadd.s32 $0x1, v47;
	v53 =	vld.idx.msk [tilespmem:v46+s2+$0x0], $0xffff  }
0x79: {  	v51 =	vadd.s32 $0x2, v47;
	v13 =	vld.idx.msk [tilespmem:v48+s2+$0x0], $0xffff  }
0x7a: {  	v15 =	vld.idx.msk [tilespmem:v50+s2+$0x0], $0xffff  }
0x7b: {  	v10 =	vld.idx.msk [tilespmem:v10+s2+$0x0], $0xffff  }
0x7c: {  	v11 =	vld.idx.msk [tilespmem:v11+s2+$0x0], $0xffff  }
0x7d: {  	v14 =	vld.idx.msk [tilespmem:v49+s2+$0x0], $0xffff  }
0x7e: {  	v16 =	vld.idx.msk [tilespmem:v51+s2+$0x0], $0xffff  }
0x7f: {  	v12 =	vld.idx.msk [tilespmem:v47+s2+$0x0], $0xffff;
	_ =	sdelay $0x1  }
0x80: {  	s0 =	sadd.s32 s0, s20  }
0x81: {  	p0 =	slt.u32 s0, $0x2710;
	vm1 =	vmmov vm0;
	v10 =	vsub.f32 v10, v11;
	v14 =	vsub.f32 v14, v13  }
0x82: {  	vm1 =	vmneg @p0 vm1;
	v13 =	vsub.f32 v15, v13;
	v54 =	vsub.f32 v16, v11  }
0x83: {  	v56 =	vsub.f32 v52, v53;
	v55 =	vsub.f32 v12, v53  }
0x84: {  	v57 =	vadd.s32 $0x1400, v9;
	v58 =	vmul.f32 v10, v14;
	v59 =	vmul.f32 v13, v54  }
0x85: {  	v19 =	vadd.s32 $0x2800, v9;
	v15 =	vmul.f32 v56, v54;
	v10 =	vmul.f32 v10, v55  }
0x86: {  	v11 =	vmul.f32 v13, v55;
	v12 =	vmul.f32 v56, v14;
	v17 =	vsub.f32 v58, v59  }
0x87: {  	v60 =	vadd.s32 $0x1400, v8;
	v10 =	vsub.f32 v15, v10  }
0x88: {  	v61 =	vadd.s32 $0x2800, v8;
	v11 =	vsub.f32 v11, v12;
	[tilespmem:v9+s30+$0x0] =	vst.idx.add.f32.msk vm1, v17  }
0x89: {  	[tilespmem:v57+s30+$0x0] =	vst.idx.add.f32.msk vm1, v10  }
0x8a: {  	v62 =	vadd.s32 $0x1400, v7;
	[tilespmem:v19+s30+$0x0] =	vst.idx.add.f32.msk vm1, v11  }
0x8b: {  	v63 =	vadd.s32 $0x2800, v7;
	[tilespmem:v8+s30+$0x0] =	vst.idx.add.f32.msk vm1, v17  }
0x8c: {  	[tilespmem:v60+s30+$0x0] =	vst.idx.add.f32.msk vm1, v10  }
0x8d: {  	[tilespmem:v61+s30+$0x0] =	vst.idx.add.f32.msk vm1, v11  }
0x8e: {  	[tilespmem:v7+s30+$0x0] =	vst.idx.add.f32.msk vm1, v17  }
0x8f: {  	[tilespmem:v62+s30+$0x0] =	vst.idx.add.f32.msk vm1, v10  }
0x90: {  	s5 =	simm.s32 $0x0;
	[tilespmem:v63+s30+$0x0] =	vst.idx.add.f32.msk vm1, v11  }
0x91: {  	[hbm4b:s6+s5] =	stream.linear.scatter [tilespmem:s30], [sflag:$0x2], $0x3C00, $0x38;
	[tilespmem:$0x7E18] =	vst v63  }
0x92: {  	_ =	swait.ge [sflag:s28], $0x3C00  }
0x93: {  	[sflag:s28] =	ssyncset.done $0x0  }
0x94: {  	[sflag:s28] =	ssyncadd.s32 $0xFFFFC400  }
0x95: {  	[tilespmem:s31], [sflag:$0x2] =	stream.linear.gather [hbm4b:s7+s5], $0x3C0, $0x38;
	[tilespmem:$0x7E18] =	vst v63  }
0x96: {  	_ =	swait.ge [sflag:s28], $0x3C0  }
0x97: {  	[sflag:s28] =	ssyncset.done $0x0  }
0x98: {  	s3 =	rddreg [dreg:$0x3];
	[sflag:s28] =	ssyncadd.s32 $0xFFFFFC40  }
0x99: {  	[tilespmem:s5], [sflag:$0x1] =	stream.linear.gather [hbm4b:s3+s5], $0x3A98, $0x38;
	[tilespmem:$0x7E18] =	vst v63  }
0x9a: {  	s0 =	simm.s32 $0x0;
	s3 =	simm.s32 $0x40  }
.LBB2_6:
0x9b: {  	p0 =	sne.s32 s3, $0xEFC0;
	[tilespmem:s0+$0x4218] =	vst v1;
	s0 =	smov.u32 s3;
	s3 =	sadd.s32 $0x40, s3  }
.Ltmp2:
0x9c: {  	(pc) =	sbr.rel @p0 .LBB2_6-.Ltmp2, $2  }
0x9d: {  	_ =	sdelay $0x2  }
0x9e: {  	s0 =	sshra.s32 s0, $0x2  }
0x9f: {  	s3 =	simm.s32 $0x0  }
0xa0: {  	v7 =	vmov s3  }
0xa1: {  	v7 =	vmul.u32 $0x3, v7;
	_ =	sdelay $0x1  }
0xa2: {  	v7 =	vbroadcast v7, $0x0;
	_ =	sdelay $0x1  }
0xa3: {  	v8 =	vadd.s32 v5, v7  }
0xa4: {  	v9 =	vadd.s32 v0, v7;
	v8 =	vand.u32 $0xFFFFFFF8, v8  }
0xa5: {  	v7 =	vadd.s32 v3, v7;
	v9 =	vand.u32 $0xFFFFFFF8, v9;
	v8 =	vor.u32 v6, v8  }
0xa6: {  	[tilespmem:s0+$0x4218] =	vst v1;
	v7 =	vand.u32 $0xFFFFFFF8, v7;
	v9 =	vor.u32 v2, v9  }
0xa7: {  	_ =	swait.ge [sflag:s29], $0x3A98;
	v10 =	vor.u32 v4, v7  }
0xa8: {  	[sflag:s29] =	ssyncset.done $0x0  }
0xa9: {  	[sflag:s29] =	ssyncadd.s32 $0xFFFFC568  }
0xaa: {  	v7 =	vld.idx.msk [tilespmem:v8+s31+$0x0], $0xffff  }
0xab: {  	v13 =	vld.idx.msk [tilespmem:v9+s31+$0x0], $0xffff  }
0xac: {  	v8 =	vld.idx.msk [tilespmem:v10+s31+$0x0], $0xffff;
	_ =	sdelay $0x2  }
0xad: {  	v9 =	vmul.u32 $0x3, v7  }
0xae: {  	v10 =	vmul.u32 $0x3, v13  }
0xaf: {  	v11 =	vmul.u32 $0x3, v8  }
0xb0: {  	v12 =	vadd.s32 $0x1, v10  }
0xb1: {  	v14 =	vadd.s32 $0x1, v11  }
0xb2: {  	v15 =	vadd.s32 $0x1, v9  }
0xb3: {  	v16 =	vadd.s32 $0x2, v11;
	v17 =	vld.idx.msk [tilespmem:v9+s2+$0x0], $0xffff  }
0xb4: {  	v9 =	vadd.s32 $0x2, v9;
	v18 =	vld.idx.msk [tilespmem:v10+s2+$0x0], $0xffff  }
0xb5: {  	v10 =	vadd.s32 $0x2, v10;
	v12 =	vld.idx.msk [tilespmem:v12+s2+$0x0], $0xffff  }
0xb6: {  	v14 =	vld.idx.msk [tilespmem:v14+s2+$0x0], $0xffff  }
0xb7: {  	v15 =	vld.idx.msk [tilespmem:v15+s2+$0x0], $0xffff  }
0xb8: {  	v16 =	vld.idx.msk [tilespmem:v16+s2+$0x0], $0xffff  }
0xb9: {  	v19 =	vld.idx.msk [tilespmem:v9+s2+$0x0], $0xffff  }
0xba: {  	v10 =	vld.idx.msk [tilespmem:v10+s2+$0x0], $0xffff  }
0xbb: {  	v11 =	vld.idx.msk [tilespmem:v11+s2+$0x0], $0xffff  }
0xbc: {  	s5 =	sadd.s32 $0x0, s20  }
0xbd: {  	vm1 =	vmmov vm0;
	p0 =	slt.u32 s5, $0x2710  }
0xbe: {  	vm1 =	vmneg @p0 vm1;
	v20 =	vsub.f32 v14, v12;
	v12 =	vsub.f32 v15, v12  }
0xbf: {  	v9 =	vadd.s32 $0x2800, v13;
	v15 =	vsub.f32 v16, v10;
	v10 =	vsub.f32 v19, v10  }
0xc0: {  	s0 =	simm.s32 $0x10;
	v11 =	vsub.f32 v11, v18;
	v14 =	vadd.s32 $0x1400, v13;
	v16 =	vsub.f32 v17, v18  }
0xc1: {  	v17 =	vmov s0;
	v18 =	vmul.f32 v10, v20;
	v19 =	vmul.f32 v12, v15  }
0xc2: {  	v17 =	vmul.u32 $0x3, v17;
	v15 =	vmul.f32 v16, v15;
	v21 =	vmul.f32 v10, v11  }
0xc3: {  	v12 =	vmul.f32 v12, v11;
	v16 =	vmul.f32 v16, v20;
	v10 =	vsub.f32 v18, v19  }
0xc4: {  	v17 =	vbroadcast v17, $0x0;
	v11 =	vsub.f32 v15, v21;
	v15 =	vadd.s32 $0x1400, v8  }
0xc5: {  	s3 =	simm.s32 $0x20;
	v12 =	vsub.f32 v12, v16;
	v16 =	vadd.s32 $0x2800, v8;
	[tilespmem:v13+s30+$0x0] =	vst.idx.add.f32.msk vm1, v10;
	v13 =	vadd.s32 $0x2800, v7  }
.LBB2_8:
0xc6: {  	p0 =	sne.s32 s3, $0x130;
	v18 =	vadd.s32 v0, v17;
	v19 =	vadd.s32 v3, v17;
	[tilespmem:v14+s30+$0x0] =	vst.idx.add.f32.msk vm1, v11;
	v14 =	vadd.s32 $0x1400, v7;
	s4 =	smov.u32 s3;
	s3 =	sadd.s32 $0x10, s3  }
0xc7: {  	v17 =	vadd.s32 v5, v17;
	v18 =	vand.u32 $0xFFFFFFF8, v18;
	v19 =	vand.u32 $0xFFFFFFF8, v19;
	[tilespmem:v9+s30+$0x0] =	vst.idx.add.f32.msk vm1, v12  }
0xc8: {  	v17 =	vand.u32 $0xFFFFFFF8, v17;
	v9 =	vor.u32 v2, v18;
	v18 =	vor.u32 v4, v19;
	[tilespmem:v8+s30+$0x0] =	vst.idx.add.f32.msk vm1, v10  }
0xc9: {  	v8 =	vor.u32 v6, v17;
	[tilespmem:v15+s30+$0x0] =	vst.idx.add.f32.msk vm1, v11  }
0xca: {  	[tilespmem:v16+s30+$0x0] =	vst.idx.add.f32.msk vm1, v12  }
0xcb: {  	[tilespmem:v7+s30+$0x0] =	vst.idx.add.f32.msk vm1, v10  }
0xcc: {  	[tilespmem:v14+s30+$0x0] =	vst.idx.add.f32.msk vm1, v11  }
0xcd: {  	[tilespmem:v13+s30+$0x0] =	vst.idx.add.f32.msk vm1, v12  }
0xce: {  	v7 =	vld.idx.msk [tilespmem:v8+s31+$0x0], $0xffff  }
0xcf: {  	v13 =	vld.idx.msk [tilespmem:v9+s31+$0x0], $0xffff  }
0xd0: {  	v8 =	vld.idx.msk [tilespmem:v18+s31+$0x0], $0xffff;
	_ =	sdelay $0x3  }
0xd1: {  	v9 =	vmul.u32 $0x3, v7  }
0xd2: {  	v10 =	vmul.u32 $0x3, v13  }
0xd3: {  	v11 =	vmul.u32 $0x3, v8;
	v12 =	vadd.s32 $0x1, v9;
	v14 =	vadd.s32 $0x2, v9  }
0xd4: {  	v15 =	vadd.s32 $0x1, v10  }
0xd5: {  	v16 =	vadd.s32 $0x1, v11;
	v17 =	vadd.s32 $0x2, v11;
	_ =	sdelay $0x1  }
0xd6: {  	v18 =	vld.idx.msk [tilespmem:v9+s2+$0x0], $0xffff  }
0xd7: {  	v19 =	vld.idx.msk [tilespmem:v10+s2+$0x0], $0xffff  }
0xd8: {  	v10 =	vadd.s32 $0x2, v10;
	v9 =	vld.idx.msk [tilespmem:v15+s2+$0x0], $0xffff  }
0xd9: {  	v15 =	vld.idx.msk [tilespmem:v16+s2+$0x0], $0xffff  }
0xda: {  	v12 =	vld.idx.msk [tilespmem:v12+s2+$0x0], $0xffff  }
0xdb: {  	v16 =	vld.idx.msk [tilespmem:v17+s2+$0x0], $0xffff  }
0xdc: {  	v14 =	vld.idx.msk [tilespmem:v14+s2+$0x0], $0xffff  }
0xdd: {  	v10 =	vld.idx.msk [tilespmem:v10+s2+$0x0], $0xffff  }
0xde: {  	v11 =	vld.idx.msk [tilespmem:v11+s2+$0x0], $0xffff  }
0xdf: {  	v15 =	vsub.f32 v15, v9;
	_ =	sdelay $0x1  }
0xe0: {  	s5 =	sadd.s32 s0, s20;
	s0 =	smov.u32 s4  }
0xe1: {  	p1 =	slt.u32 s5, $0x2710;
	vm1 =	vmmov vm0;
	v12 =	vsub.f32 v12, v9;
	v9 =	vadd.s32 $0x2800, v13  }
0xe2: {  	vm1 =	vmneg @p1 vm1;
	v16 =	vsub.f32 v16, v10;
	v10 =	vsub.f32 v14, v10  }
0xe3: {  	v17 =	vsub.f32 v18, v19;
	v14 =	vadd.s32 $0x1400, v13;
	v11 =	vsub.f32 v11, v19  }
.Ltmp3:
0xe4: {  	v18 =	vmov s0;
	v19 =	vmul.f32 v10, v15;
	v20 =	vmul.f32 v12, v16;
	(pc) =	sbr.rel @p0 .LBB2_8-.Ltmp3, $4  }
0xe5: {  	v18 =	vmul.u32 $0x3, v18;
	v16 =	vmul.f32 v17, v16;
	v21 =	vmul.f32 v10, v11  }
0xe6: {  	v12 =	vmul.f32 v12, v11;
	v10 =	vsub.f32 v19, v20;
	v19 =	vmul.f32 v17, v15  }
0xe7: {  	v17 =	vbroadcast v18, $0x0;
	v15 =	vadd.s32 $0x1400, v8;
	v11 =	vsub.f32 v16, v21  }
0xe8: {  	v16 =	vadd.s32 $0x2800, v8;
	v12 =	vsub.f32 v12, v19;
	[tilespmem:v13+s30+$0x0] =	vst.idx.add.f32.msk vm1, v10;
	v13 =	vadd.s32 $0x2800, v7  }
0xe9: {  	_ =	sdelay $0x4  }
0xea: {  	[tilespmem:v14+s30+$0x0] =	vst.idx.add.f32.msk vm1, v11  }
0xeb: {  	v42 =	vadd.s32 $0x1400, v7;
	v18 =	vadd.s32 v5, v17;
	[tilespmem:v9+s30+$0x0] =	vst.idx.add.f32.msk vm1, v12  }
0xec: {  	v43 =	vadd.s32 v0, v17;
	v18 =	vand.u32 $0xFFFFFFF8, v18;
	[tilespmem:v8+s30+$0x0] =	vst.idx.add.f32.msk vm1, v10  }
0xed: {  	v9 =	vand.u32 $0xFFFFFFF8, v43;
	v44 =	vor.u32 v6, v18;
	[tilespmem:v15+s30+$0x0] =	vst.idx.add.f32.msk vm1, v11  }
0xee: {  	v9 =	vor.u32 v2, v9;
	[tilespmem:v16+s30+$0x0] =	vst.idx.add.f32.msk vm1, v12  }
0xef: {  	[tilespmem:v7+s30+$0x0] =	vst.idx.add.f32.msk vm1, v10  }
0xf0: {  	v8 =	vadd.s32 v3, v17;
	[tilespmem:v42+s30+$0x0] =	vst.idx.add.f32.msk vm1, v11  }
0xf1: {  	v8 =	vand.u32 $0xFFFFFFF8, v8;
	[tilespmem:v13+s30+$0x0] =	vst.idx.add.f32.msk vm1, v12  }
0xf2: {  	v8 =	vor.u32 v4, v8;
	v7 =	vld.idx.msk [tilespmem:v44+s31+$0x0], $0xffff  }
0xf3: {  	v9 =	vld.idx.msk [tilespmem:v9+s31+$0x0], $0xffff;
	_ =	sdelay $0x3  }
0xf4: {  	v8 =	vld.idx.msk [tilespmem:v8+s31+$0x0], $0xffff;
	v45 =	vmul.u32 $0x3, v7  }
0xf5: {  	v46 =	vmul.u32 $0x3, v9;
	_ =	sdelay $0x1  }
0xf6: {  	v48 =	vadd.s32 $0x1, v46  }
0xf7: {  	v50 =	vadd.s32 $0x1, v45  }
0xf8: {  	v47 =	vmul.u32 $0x3, v8;
	v10 =	vadd.s32 $0x2, v45  }
0xf9: {  	v11 =	vadd.s32 $0x2, v46;
	v52 =	vld.idx.msk [tilespmem:v45+s2+$0x0], $0xffff  }
0xfa: {  	v49 =	vadd.s32 $0x1, v47;
	v53 =	vld.idx.msk [tilespmem:v46+s2+$0x0], $0xffff  }
0xfb: {  	v51 =	vadd.s32 $0x2, v47;
	v13 =	vld.idx.msk [tilespmem:v48+s2+$0x0], $0xffff  }
0xfc: {  	v15 =	vld.idx.msk [tilespmem:v50+s2+$0x0], $0xffff  }
0xfd: {  	v10 =	vld.idx.msk [tilespmem:v10+s2+$0x0], $0xffff  }
0xfe: {  	v11 =	vld.idx.msk [tilespmem:v11+s2+$0x0], $0xffff  }
0xff: {  	v14 =	vld.idx.msk [tilespmem:v49+s2+$0x0], $0xffff  }
0x100: {  	v16 =	vld.idx.msk [tilespmem:v51+s2+$0x0], $0xffff  }
0x101: {  	v12 =	vld.idx.msk [tilespmem:v47+s2+$0x0], $0xffff;
	_ =	sdelay $0x1  }
0x102: {  	s0 =	sadd.s32 s0, s20  }
0x103: {  	p0 =	slt.u32 s0, $0x2710;
	vm1 =	vmmov vm0;
	v10 =	vsub.f32 v10, v11;
	v14 =	vsub.f32 v14, v13  }
0x104: {  	vm1 =	vmneg @p0 vm1;
	v13 =	vsub.f32 v15, v13;
	v54 =	vsub.f32 v16, v11  }
0x105: {  	v56 =	vsub.f32 v52, v53;
	v55 =	vsub.f32 v12, v53  }
0x106: {  	v57 =	vadd.s32 $0x1400, v9;
	v58 =	vmul.f32 v10, v14;
	v59 =	vmul.f32 v13, v54  }
0x107: {  	v19 =	vadd.s32 $0x2800, v9;
	v15 =	vmul.f32 v56, v54;
	v10 =	vmul.f32 v10, v55  }
0x108: {  	v11 =	vmul.f32 v13, v55;
	v12 =	vmul.f32 v56, v14;
	v17 =	vsub.f32 v58, v59  }
0x109: {  	v60 =	vadd.s32 $0x1400, v8;
	v10 =	vsub.f32 v15, v10  }
0x10a: {  	v61 =	vadd.s32 $0x2800, v8;
	v11 =	vsub.f32 v11, v12;
	[tilespmem:v9+s30+$0x0] =	vst.idx.add.f32.msk vm1, v17  }
0x10b: {  	[tilespmem:v57+s30+$0x0] =	vst.idx.add.f32.msk vm1, v10  }
0x10c: {  	v62 =	vadd.s32 $0x1400, v7;
	[tilespmem:v19+s30+$0x0] =	vst.idx.add.f32.msk vm1, v11  }
0x10d: {  	v63 =	vadd.s32 $0x2800, v7;
	[tilespmem:v8+s30+$0x0] =	vst.idx.add.f32.msk vm1, v17  }
0x10e: {  	[tilespmem:v60+s30+$0x0] =	vst.idx.add.f32.msk vm1, v10  }
0x10f: {  	[tilespmem:v61+s30+$0x0] =	vst.idx.add.f32.msk vm1, v11  }
0x110: {  	[tilespmem:v7+s30+$0x0] =	vst.idx.add.f32.msk vm1, v17  }
0x111: {  	[tilespmem:v62+s30+$0x0] =	vst.idx.add.f32.msk vm1, v10  }
0x112: {  	s5 =	simm.s32 $0x0;
	[tilespmem:v63+s30+$0x0] =	vst.idx.add.f32.msk vm1, v11  }
0x113: {  	[hbm4b:s8+s5] =	stream.linear.scatter [tilespmem:s30], [sflag:$0x2], $0x3C00, $0x38;
	[tilespmem:$0x7E18] =	vst v63  }
0x114: {  	_ =	swait.ge [sflag:s28], $0x3C00  }
0x115: {  	[sflag:s28] =	ssyncset.done $0x0  }
0x116: {  	s3 =	simm.s32 $0x40;
	s0 =	simm.s32 $0x0;
	[sflag:s28] =	ssyncadd.s32 $0xFFFFC400  }
0x117: {  	[tilespmem:s5], [sflag:$0x1] =	stream.linear.gather [hbm4b:s9+s5], $0x3A98, $0x38;
	[tilespmem:$0x7E18] =	vst v63  }
.LBB2_10:
0x118: {  	p0 =	sne.s32 s3, $0xEFC0;
	[tilespmem:s0+$0x4218] =	vst v1;
	s0 =	smov.u32 s3;
	s3 =	sadd.s32 $0x40, s3  }
.Ltmp4:
0x119: {  	(pc) =	sbr.rel @p0 .LBB2_10-.Ltmp4, $2  }
0x11a: {  	_ =	sdelay $0x2  }
0x11b: {  	s0 =	sshra.s32 s0, $0x2  }
0x11c: {  	s3 =	simm.s32 $0x0  }
0x11d: {  	v7 =	vmov s3  }
0x11e: {  	v7 =	vmul.u32 $0x3, v7;
	_ =	sdelay $0x1  }
0x11f: {  	v7 =	vbroadcast v7, $0x0;
	_ =	sdelay $0x1  }
0x120: {  	v8 =	vadd.s32 v5, v7  }
0x121: {  	v9 =	vadd.s32 v0, v7;
	v8 =	vand.u32 $0xFFFFFFF8, v8  }
0x122: {  	v7 =	vadd.s32 v3, v7;
	v9 =	vand.u32 $0xFFFFFFF8, v9;
	v8 =	vor.u32 v6, v8  }
0x123: {  	[tilespmem:s0+$0x4218] =	vst v1;
	v7 =	vand.u32 $0xFFFFFFF8, v7;
	v9 =	vor.u32 v2, v9  }
0x124: {  	_ =	swait.ge [sflag:s29], $0x3A98;
	v10 =	vor.u32 v4, v7  }
0x125: {  	[sflag:s29] =	ssyncset.done $0x0  }
0x126: {  	[sflag:s29] =	ssyncadd.s32 $0xFFFFC568  }
0x127: {  	v7 =	vld.idx.msk [tilespmem:v8+s26+$0x0], $0xffff  }
0x128: {  	v13 =	vld.idx.msk [tilespmem:v9+s26+$0x0], $0xffff  }
0x129: {  	v8 =	vld.idx.msk [tilespmem:v10+s26+$0x0], $0xffff;
	_ =	sdelay $0x2  }
0x12a: {  	v9 =	vmul.u32 $0x3, v7  }
0x12b: {  	v10 =	vmul.u32 $0x3, v13  }
0x12c: {  	v11 =	vmul.u32 $0x3, v8  }
0x12d: {  	v12 =	vadd.s32 $0x1, v10  }
0x12e: {  	v14 =	vadd.s32 $0x1, v11  }
0x12f: {  	v15 =	vadd.s32 $0x1, v9  }
0x130: {  	v16 =	vadd.s32 $0x2, v11;
	v17 =	vld.idx.msk [tilespmem:v9+s2+$0x0], $0xffff  }
0x131: {  	v9 =	vadd.s32 $0x2, v9;
	v18 =	vld.idx.msk [tilespmem:v10+s2+$0x0], $0xffff  }
0x132: {  	v10 =	vadd.s32 $0x2, v10;
	v12 =	vld.idx.msk [tilespmem:v12+s2+$0x0], $0xffff  }
0x133: {  	v14 =	vld.idx.msk [tilespmem:v14+s2+$0x0], $0xffff  }
0x134: {  	v15 =	vld.idx.msk [tilespmem:v15+s2+$0x0], $0xffff  }
0x135: {  	v16 =	vld.idx.msk [tilespmem:v16+s2+$0x0], $0xffff  }
0x136: {  	v19 =	vld.idx.msk [tilespmem:v9+s2+$0x0], $0xffff  }
0x137: {  	v10 =	vld.idx.msk [tilespmem:v10+s2+$0x0], $0xffff  }
0x138: {  	v11 =	vld.idx.msk [tilespmem:v11+s2+$0x0], $0xffff  }
0x139: {  	s5 =	sadd.s32 $0x0, s20  }
0x13a: {  	vm1 =	vmmov vm0;
	p0 =	slt.u32 s5, $0x2710  }
0x13b: {  	vm1 =	vmneg @p0 vm1;
	v20 =	vsub.f32 v14, v12;
	v12 =	vsub.f32 v15, v12  }
0x13c: {  	v9 =	vadd.s32 $0x2800, v13;
	v15 =	vsub.f32 v16, v10;
	v10 =	vsub.f32 v19, v10  }
0x13d: {  	s0 =	simm.s32 $0x10;
	v11 =	vsub.f32 v11, v18;
	v14 =	vadd.s32 $0x1400, v13;
	v16 =	vsub.f32 v17, v18  }
0x13e: {  	v17 =	vmov s0;
	v18 =	vmul.f32 v10, v20;
	v19 =	vmul.f32 v12, v15  }
0x13f: {  	v17 =	vmul.u32 $0x3, v17;
	v15 =	vmul.f32 v16, v15;
	v21 =	vmul.f32 v10, v11  }
0x140: {  	v12 =	vmul.f32 v12, v11;
	v16 =	vmul.f32 v16, v20;
	v10 =	vsub.f32 v18, v19  }
0x141: {  	v17 =	vbroadcast v17, $0x0;
	v11 =	vsub.f32 v15, v21;
	v15 =	vadd.s32 $0x1400, v8  }
0x142: {  	s3 =	simm.s32 $0x20;
	v12 =	vsub.f32 v12, v16;
	v16 =	vadd.s32 $0x2800, v8;
	[tilespmem:v13+s30+$0x0] =	vst.idx.add.f32.msk vm1, v10;
	v13 =	vadd.s32 $0x2800, v7  }
.LBB2_12:
0x143: {  	p0 =	sne.s32 s3, $0x130;
	v18 =	vadd.s32 v0, v17;
	v19 =	vadd.s32 v3, v17;
	[tilespmem:v14+s30+$0x0] =	vst.idx.add.f32.msk vm1, v11;
	v14 =	vadd.s32 $0x1400, v7;
	s4 =	smov.u32 s3;
	s3 =	sadd.s32 $0x10, s3  }
0x144: {  	v17 =	vadd.s32 v5, v17;
	v18 =	vand.u32 $0xFFFFFFF8, v18;
	v19 =	vand.u32 $0xFFFFFFF8, v19;
	[tilespmem:v9+s30+$0x0] =	vst.idx.add.f32.msk vm1, v12  }
0x145: {  	v17 =	vand.u32 $0xFFFFFFF8, v17;
	v9 =	vor.u32 v2, v18;
	v18 =	vor.u32 v4, v19;
	[tilespmem:v8+s30+$0x0] =	vst.idx.add.f32.msk vm1, v10  }
0x146: {  	v8 =	vor.u32 v6, v17;
	[tilespmem:v15+s30+$0x0] =	vst.idx.add.f32.msk vm1, v11  }
0x147: {  	[tilespmem:v16+s30+$0x0] =	vst.idx.add.f32.msk vm1, v12  }
0x148: {  	[tilespmem:v7+s30+$0x0] =	vst.idx.add.f32.msk vm1, v10  }
0x149: {  	[tilespmem:v14+s30+$0x0] =	vst.idx.add.f32.msk vm1, v11  }
0x14a: {  	[tilespmem:v13+s30+$0x0] =	vst.idx.add.f32.msk vm1, v12  }
0x14b: {  	v7 =	vld.idx.msk [tilespmem:v8+s26+$0x0], $0xffff  }
0x14c: {  	v13 =	vld.idx.msk [tilespmem:v9+s26+$0x0], $0xffff  }
0x14d: {  	v8 =	vld.idx.msk [tilespmem:v18+s26+$0x0], $0xffff;
	_ =	sdelay $0x3  }
0x14e: {  	v9 =	vmul.u32 $0x3, v7  }
0x14f: {  	v10 =	vmul.u32 $0x3, v13  }
0x150: {  	v11 =	vmul.u32 $0x3, v8;
	v12 =	vadd.s32 $0x1, v9;
	v14 =	vadd.s32 $0x2, v9  }
0x151: {  	v15 =	vadd.s32 $0x1, v10  }
0x152: {  	v16 =	vadd.s32 $0x1, v11;
	v17 =	vadd.s32 $0x2, v11;
	_ =	sdelay $0x1  }
0x153: {  	v18 =	vld.idx.msk [tilespmem:v9+s2+$0x0], $0xffff  }
0x154: {  	v19 =	vld.idx.msk [tilespmem:v10+s2+$0x0], $0xffff  }
0x155: {  	v10 =	vadd.s32 $0x2, v10;
	v9 =	vld.idx.msk [tilespmem:v15+s2+$0x0], $0xffff  }
0x156: {  	v15 =	vld.idx.msk [tilespmem:v16+s2+$0x0], $0xffff  }
0x157: {  	v12 =	vld.idx.msk [tilespmem:v12+s2+$0x0], $0xffff  }
0x158: {  	v16 =	vld.idx.msk [tilespmem:v17+s2+$0x0], $0xffff  }
0x159: {  	v14 =	vld.idx.msk [tilespmem:v14+s2+$0x0], $0xffff  }
0x15a: {  	v10 =	vld.idx.msk [tilespmem:v10+s2+$0x0], $0xffff  }
0x15b: {  	v11 =	vld.idx.msk [tilespmem:v11+s2+$0x0], $0xffff  }
0x15c: {  	v15 =	vsub.f32 v15, v9;
	_ =	sdelay $0x1  }
0x15d: {  	s5 =	sadd.s32 s0, s20;
	s0 =	smov.u32 s4  }
0x15e: {  	p1 =	slt.u32 s5, $0x2710;
	vm1 =	vmmov vm0;
	v12 =	vsub.f32 v12, v9;
	v9 =	vadd.s32 $0x2800, v13  }
0x15f: {  	vm1 =	vmneg @p1 vm1;
	v16 =	vsub.f32 v16, v10;
	v10 =	vsub.f32 v14, v10  }
0x160: {  	v17 =	vsub.f32 v18, v19;
	v14 =	vadd.s32 $0x1400, v13;
	v11 =	vsub.f32 v11, v19  }
.Ltmp5:
0x161: {  	v18 =	vmov s0;
	v19 =	vmul.f32 v10, v15;
	v20 =	vmul.f32 v12, v16;
	(pc) =	sbr.rel @p0 .LBB2_12-.Ltmp5, $4  }
0x162: {  	v18 =	vmul.u32 $0x3, v18;
	v16 =	vmul.f32 v17, v16;
	v21 =	vmul.f32 v10, v11  }
0x163: {  	v12 =	vmul.f32 v12, v11;
	v10 =	vsub.f32 v19, v20;
	v19 =	vmul.f32 v17, v15  }
0x164: {  	v17 =	vbroadcast v18, $0x0;
	v15 =	vadd.s32 $0x1400, v8;
	v11 =	vsub.f32 v16, v21  }
0x165: {  	v16 =	vadd.s32 $0x2800, v8;
	v12 =	vsub.f32 v12, v19;
	[tilespmem:v13+s30+$0x0] =	vst.idx.add.f32.msk vm1, v10;
	v13 =	vadd.s32 $0x2800, v7  }
0x166: {  	_ =	sdelay $0x4  }
0x167: {  	[tilespmem:v14+s30+$0x0] =	vst.idx.add.f32.msk vm1, v11  }
0x168: {  	v42 =	vadd.s32 $0x1400, v7;
	v18 =	vadd.s32 v5, v17;
	[tilespmem:v9+s30+$0x0] =	vst.idx.add.f32.msk vm1, v12  }
0x169: {  	v43 =	vadd.s32 v0, v17;
	v18 =	vand.u32 $0xFFFFFFF8, v18;
	[tilespmem:v8+s30+$0x0] =	vst.idx.add.f32.msk vm1, v10  }
0x16a: {  	v9 =	vand.u32 $0xFFFFFFF8, v43;
	v44 =	vor.u32 v6, v18;
	[tilespmem:v15+s30+$0x0] =	vst.idx.add.f32.msk vm1, v11  }
0x16b: {  	v9 =	vor.u32 v2, v9;
	[tilespmem:v16+s30+$0x0] =	vst.idx.add.f32.msk vm1, v12  }
0x16c: {  	[tilespmem:v7+s30+$0x0] =	vst.idx.add.f32.msk vm1, v10  }
0x16d: {  	v8 =	vadd.s32 v3, v17;
	[tilespmem:v42+s30+$0x0] =	vst.idx.add.f32.msk vm1, v11  }
0x16e: {  	v8 =	vand.u32 $0xFFFFFFF8, v8;
	[tilespmem:v13+s30+$0x0] =	vst.idx.add.f32.msk vm1, v12  }
0x16f: {  	v8 =	vor.u32 v4, v8;
	v7 =	vld.idx.msk [tilespmem:v44+s26+$0x0], $0xffff  }
0x170: {  	v9 =	vld.idx.msk [tilespmem:v9+s26+$0x0], $0xffff;
	_ =	sdelay $0x3  }
0x171: {  	v8 =	vld.idx.msk [tilespmem:v8+s26+$0x0], $0xffff;
	v45 =	vmul.u32 $0x3, v7  }
0x172: {  	v46 =	vmul.u32 $0x3, v9;
	_ =	sdelay $0x1  }
0x173: {  	v48 =	vadd.s32 $0x1, v46  }
0x174: {  	v50 =	vadd.s32 $0x1, v45  }
0x175: {  	v47 =	vmul.u32 $0x3, v8;
	v10 =	vadd.s32 $0x2, v45  }
0x176: {  	v11 =	vadd.s32 $0x2, v46;
	v52 =	vld.idx.msk [tilespmem:v45+s2+$0x0], $0xffff  }
0x177: {  	v49 =	vadd.s32 $0x1, v47;
	v53 =	vld.idx.msk [tilespmem:v46+s2+$0x0], $0xffff  }
0x178: {  	v51 =	vadd.s32 $0x2, v47;
	v13 =	vld.idx.msk [tilespmem:v48+s2+$0x0], $0xffff  }
0x179: {  	v15 =	vld.idx.msk [tilespmem:v50+s2+$0x0], $0xffff  }
0x17a: {  	v10 =	vld.idx.msk [tilespmem:v10+s2+$0x0], $0xffff  }
0x17b: {  	v11 =	vld.idx.msk [tilespmem:v11+s2+$0x0], $0xffff  }
0x17c: {  	v14 =	vld.idx.msk [tilespmem:v49+s2+$0x0], $0xffff  }
0x17d: {  	v16 =	vld.idx.msk [tilespmem:v51+s2+$0x0], $0xffff  }
0x17e: {  	v12 =	vld.idx.msk [tilespmem:v47+s2+$0x0], $0xffff;
	_ =	sdelay $0x1  }
0x17f: {  	s0 =	sadd.s32 s0, s20  }
0x180: {  	p0 =	slt.u32 s0, $0x2710;
	vm1 =	vmmov vm0;
	v10 =	vsub.f32 v10, v11;
	v14 =	vsub.f32 v14, v13  }
0x181: {  	vm1 =	vmneg @p0 vm1;
	v13 =	vsub.f32 v15, v13;
	v54 =	vsub.f32 v16, v11  }
0x182: {  	v56 =	vsub.f32 v52, v53;
	v55 =	vsub.f32 v12, v53  }
0x183: {  	v57 =	vadd.s32 $0x1400, v9;
	v58 =	vmul.f32 v10, v14;
	v59 =	vmul.f32 v13, v54  }
0x184: {  	v19 =	vadd.s32 $0x2800, v9;
	v15 =	vmul.f32 v56, v54;
	v10 =	vmul.f32 v10, v55  }
0x185: {  	v11 =	vmul.f32 v13, v55;
	v12 =	vmul.f32 v56, v14;
	v17 =	vsub.f32 v58, v59  }
0x186: {  	v60 =	vadd.s32 $0x1400, v8;
	v10 =	vsub.f32 v15, v10  }
0x187: {  	v61 =	vadd.s32 $0x2800, v8;
	v11 =	vsub.f32 v11, v12;
	[tilespmem:v9+s30+$0x0] =	vst.idx.add.f32.msk vm1, v17  }
0x188: {  	[tilespmem:v57+s30+$0x0] =	vst.idx.add.f32.msk vm1, v10  }
0x189: {  	v62 =	vadd.s32 $0x1400, v7;
	[tilespmem:v19+s30+$0x0] =	vst.idx.add.f32.msk vm1, v11  }
0x18a: {  	v63 =	vadd.s32 $0x2800, v7;
	[tilespmem:v8+s30+$0x0] =	vst.idx.add.f32.msk vm1, v17  }
0x18b: {  	[tilespmem:v60+s30+$0x0] =	vst.idx.add.f32.msk vm1, v10  }
0x18c: {  	[tilespmem:v61+s30+$0x0] =	vst.idx.add.f32.msk vm1, v11  }
0x18d: {  	[tilespmem:v7+s30+$0x0] =	vst.idx.add.f32.msk vm1, v17  }
0x18e: {  	[tilespmem:v62+s30+$0x0] =	vst.idx.add.f32.msk vm1, v10  }
0x18f: {  	s5 =	simm.s32 $0x0;
	[tilespmem:v63+s30+$0x0] =	vst.idx.add.f32.msk vm1, v11  }
0x190: {  	[hbm4b:s10+s5] =	stream.linear.scatter [tilespmem:s30], [sflag:$0x2], $0x3C00, $0x38;
	[tilespmem:$0x7E18] =	vst v63  }
0x191: {  	_ =	swait.ge [sflag:s28], $0x3C00  }
0x192: {  	[sflag:s28] =	ssyncset.done $0x0  }
0x193: {  	[sflag:s28] =	ssyncadd.s32 $0xFFFFC400  }
0x194: {  	[tilespmem:s31], [sflag:$0x2] =	stream.linear.gather [hbm4b:s11+s5], $0x3C0, $0x38;
	[tilespmem:$0x7E18] =	vst v63  }
0x195: {  	_ =	swait.ge [sflag:s28], $0x3C0  }
0x196: {  	[sflag:s28] =	ssyncset.done $0x0  }
0x197: {  	s3 =	simm.s32 $0x40;
	s0 =	simm.s32 $0x0;
	[sflag:s28] =	ssyncadd.s32 $0xFFFFFC40  }
0x198: {  	[tilespmem:s5], [sflag:$0x1] =	stream.linear.gather [hbm4b:s12+s5], $0x3A98, $0x38;
	[tilespmem:$0x7E18] =	vst v63  }
.LBB2_14:
0x199: {  	p0 =	sne.s32 s3, $0xEFC0;
	[tilespmem:s0+$0x4218] =	vst v1;
	s0 =	smov.u32 s3;
	s3 =	sadd.s32 $0x40, s3  }
.Ltmp6:
0x19a: {  	(pc) =	sbr.rel @p0 .LBB2_14-.Ltmp6, $2  }
0x19b: {  	_ =	sdelay $0x2  }
0x19c: {  	s0 =	sshra.s32 s0, $0x2  }
0x19d: {  	s3 =	simm.s32 $0x0  }
0x19e: {  	v7 =	vmov s3  }
0x19f: {  	v7 =	vmul.u32 $0x3, v7;
	_ =	sdelay $0x1  }
0x1a0: {  	v7 =	vbroadcast v7, $0x0;
	_ =	sdelay $0x1  }
0x1a1: {  	v8 =	vadd.s32 v5, v7  }
0x1a2: {  	v9 =	vadd.s32 v0, v7;
	v8 =	vand.u32 $0xFFFFFFF8, v8  }
0x1a3: {  	v7 =	vadd.s32 v3, v7;
	v9 =	vand.u32 $0xFFFFFFF8, v9;
	v8 =	vor.u32 v6, v8  }
0x1a4: {  	[tilespmem:s0+$0x4218] =	vst v1;
	v7 =	vand.u32 $0xFFFFFFF8, v7;
	v9 =	vor.u32 v2, v9  }
0x1a5: {  	_ =	swait.ge [sflag:s29], $0x3A98;
	v10 =	vor.u32 v4, v7  }
0x1a6: {  	[sflag:s29] =	ssyncset.done $0x0  }
0x1a7: {  	[sflag:s29] =	ssyncadd.s32 $0xFFFFC568  }
0x1a8: {  	v7 =	vld.idx.msk [tilespmem:v8+s31+$0x0], $0xffff  }
0x1a9: {  	v13 =	vld.idx.msk [tilespmem:v9+s31+$0x0], $0xffff  }
0x1aa: {  	v8 =	vld.idx.msk [tilespmem:v10+s31+$0x0], $0xffff;
	_ =	sdelay $0x2  }
0x1ab: {  	v9 =	vmul.u32 $0x3, v7  }
0x1ac: {  	v10 =	vmul.u32 $0x3, v13  }
0x1ad: {  	v11 =	vmul.u32 $0x3, v8  }
0x1ae: {  	v12 =	vadd.s32 $0x1, v10  }
0x1af: {  	v14 =	vadd.s32 $0x1, v11  }
0x1b0: {  	v15 =	vadd.s32 $0x1, v9  }
0x1b1: {  	v16 =	vadd.s32 $0x2, v11;
	v17 =	vld.idx.msk [tilespmem:v9+s2+$0x0], $0xffff  }
0x1b2: {  	v9 =	vadd.s32 $0x2, v9;
	v18 =	vld.idx.msk [tilespmem:v10+s2+$0x0], $0xffff  }
0x1b3: {  	v10 =	vadd.s32 $0x2, v10;
	v12 =	vld.idx.msk [tilespmem:v12+s2+$0x0], $0xffff  }
0x1b4: {  	v14 =	vld.idx.msk [tilespmem:v14+s2+$0x0], $0xffff  }
0x1b5: {  	v15 =	vld.idx.msk [tilespmem:v15+s2+$0x0], $0xffff  }
0x1b6: {  	v16 =	vld.idx.msk [tilespmem:v16+s2+$0x0], $0xffff  }
0x1b7: {  	v19 =	vld.idx.msk [tilespmem:v9+s2+$0x0], $0xffff  }
0x1b8: {  	v10 =	vld.idx.msk [tilespmem:v10+s2+$0x0], $0xffff  }
0x1b9: {  	v11 =	vld.idx.msk [tilespmem:v11+s2+$0x0], $0xffff  }
0x1ba: {  	s5 =	sadd.s32 $0x0, s20  }
0x1bb: {  	vm1 =	vmmov vm0;
	p0 =	slt.u32 s5, $0x2710  }
0x1bc: {  	vm1 =	vmneg @p0 vm1;
	v20 =	vsub.f32 v14, v12;
	v12 =	vsub.f32 v15, v12  }
0x1bd: {  	v9 =	vadd.s32 $0x2800, v13;
	v15 =	vsub.f32 v16, v10;
	v10 =	vsub.f32 v19, v10  }
0x1be: {  	s0 =	simm.s32 $0x10;
	v11 =	vsub.f32 v11, v18;
	v14 =	vadd.s32 $0x1400, v13;
	v16 =	vsub.f32 v17, v18  }
0x1bf: {  	v17 =	vmov s0;
	v18 =	vmul.f32 v10, v20;
	v19 =	vmul.f32 v12, v15  }
0x1c0: {  	v17 =	vmul.u32 $0x3, v17;
	v15 =	vmul.f32 v16, v15;
	v21 =	vmul.f32 v10, v11  }
0x1c1: {  	v12 =	vmul.f32 v12, v11;
	v16 =	vmul.f32 v16, v20;
	v10 =	vsub.f32 v18, v19  }
0x1c2: {  	v17 =	vbroadcast v17, $0x0;
	v11 =	vsub.f32 v15, v21;
	v15 =	vadd.s32 $0x1400, v8  }
0x1c3: {  	s3 =	simm.s32 $0x20;
	v12 =	vsub.f32 v12, v16;
	v16 =	vadd.s32 $0x2800, v8;
	[tilespmem:v13+s30+$0x0] =	vst.idx.add.f32.msk vm1, v10;
	v13 =	vadd.s32 $0x2800, v7  }
.LBB2_16:
0x1c4: {  	p0 =	sne.s32 s3, $0x130;
	v18 =	vadd.s32 v0, v17;
	v19 =	vadd.s32 v3, v17;
	[tilespmem:v14+s30+$0x0] =	vst.idx.add.f32.msk vm1, v11;
	v14 =	vadd.s32 $0x1400, v7;
	s4 =	smov.u32 s3;
	s3 =	sadd.s32 $0x10, s3  }
0x1c5: {  	v17 =	vadd.s32 v5, v17;
	v18 =	vand.u32 $0xFFFFFFF8, v18;
	v19 =	vand.u32 $0xFFFFFFF8, v19;
	[tilespmem:v9+s30+$0x0] =	vst.idx.add.f32.msk vm1, v12  }
0x1c6: {  	v17 =	vand.u32 $0xFFFFFFF8, v17;
	v9 =	vor.u32 v2, v18;
	v18 =	vor.u32 v4, v19;
	[tilespmem:v8+s30+$0x0] =	vst.idx.add.f32.msk vm1, v10  }
0x1c7: {  	v8 =	vor.u32 v6, v17;
	[tilespmem:v15+s30+$0x0] =	vst.idx.add.f32.msk vm1, v11  }
0x1c8: {  	[tilespmem:v16+s30+$0x0] =	vst.idx.add.f32.msk vm1, v12  }
0x1c9: {  	[tilespmem:v7+s30+$0x0] =	vst.idx.add.f32.msk vm1, v10  }
0x1ca: {  	[tilespmem:v14+s30+$0x0] =	vst.idx.add.f32.msk vm1, v11  }
0x1cb: {  	[tilespmem:v13+s30+$0x0] =	vst.idx.add.f32.msk vm1, v12  }
0x1cc: {  	v7 =	vld.idx.msk [tilespmem:v8+s31+$0x0], $0xffff  }
0x1cd: {  	v13 =	vld.idx.msk [tilespmem:v9+s31+$0x0], $0xffff  }
0x1ce: {  	v8 =	vld.idx.msk [tilespmem:v18+s31+$0x0], $0xffff;
	_ =	sdelay $0x3  }
0x1cf: {  	v9 =	vmul.u32 $0x3, v7  }
0x1d0: {  	v10 =	vmul.u32 $0x3, v13  }
0x1d1: {  	v11 =	vmul.u32 $0x3, v8;
	v12 =	vadd.s32 $0x1, v9;
	v14 =	vadd.s32 $0x2, v9  }
0x1d2: {  	v15 =	vadd.s32 $0x1, v10  }
0x1d3: {  	v16 =	vadd.s32 $0x1, v11;
	v17 =	vadd.s32 $0x2, v11;
	_ =	sdelay $0x1  }
0x1d4: {  	v18 =	vld.idx.msk [tilespmem:v9+s2+$0x0], $0xffff  }
0x1d5: {  	v19 =	vld.idx.msk [tilespmem:v10+s2+$0x0], $0xffff  }
0x1d6: {  	v10 =	vadd.s32 $0x2, v10;
	v9 =	vld.idx.msk [tilespmem:v15+s2+$0x0], $0xffff  }
0x1d7: {  	v15 =	vld.idx.msk [tilespmem:v16+s2+$0x0], $0xffff  }
0x1d8: {  	v12 =	vld.idx.msk [tilespmem:v12+s2+$0x0], $0xffff  }
0x1d9: {  	v16 =	vld.idx.msk [tilespmem:v17+s2+$0x0], $0xffff  }
0x1da: {  	v14 =	vld.idx.msk [tilespmem:v14+s2+$0x0], $0xffff  }
0x1db: {  	v10 =	vld.idx.msk [tilespmem:v10+s2+$0x0], $0xffff  }
0x1dc: {  	v11 =	vld.idx.msk [tilespmem:v11+s2+$0x0], $0xffff  }
0x1dd: {  	v15 =	vsub.f32 v15, v9;
	_ =	sdelay $0x1  }
0x1de: {  	s5 =	sadd.s32 s0, s20;
	s0 =	smov.u32 s4  }
0x1df: {  	p1 =	slt.u32 s5, $0x2710;
	vm1 =	vmmov vm0;
	v12 =	vsub.f32 v12, v9;
	v9 =	vadd.s32 $0x2800, v13  }
0x1e0: {  	vm1 =	vmneg @p1 vm1;
	v16 =	vsub.f32 v16, v10;
	v10 =	vsub.f32 v14, v10  }
0x1e1: {  	v17 =	vsub.f32 v18, v19;
	v14 =	vadd.s32 $0x1400, v13;
	v11 =	vsub.f32 v11, v19  }
.Ltmp7:
0x1e2: {  	v18 =	vmov s0;
	v19 =	vmul.f32 v10, v15;
	v20 =	vmul.f32 v12, v16;
	(pc) =	sbr.rel @p0 .LBB2_16-.Ltmp7, $4  }
0x1e3: {  	v18 =	vmul.u32 $0x3, v18;
	v16 =	vmul.f32 v17, v16;
	v21 =	vmul.f32 v10, v11  }
0x1e4: {  	v12 =	vmul.f32 v12, v11;
	v10 =	vsub.f32 v19, v20;
	v19 =	vmul.f32 v17, v15  }
0x1e5: {  	v17 =	vbroadcast v18, $0x0;
	v15 =	vadd.s32 $0x1400, v8;
	v11 =	vsub.f32 v16, v21  }
0x1e6: {  	v16 =	vadd.s32 $0x2800, v8;
	v12 =	vsub.f32 v12, v19;
	[tilespmem:v13+s30+$0x0] =	vst.idx.add.f32.msk vm1, v10;
	v13 =	vadd.s32 $0x2800, v7  }
0x1e7: {  	_ =	sdelay $0x4  }
0x1e8: {  	[tilespmem:v14+s30+$0x0] =	vst.idx.add.f32.msk vm1, v11  }
0x1e9: {  	v42 =	vadd.s32 $0x1400, v7;
	v18 =	vadd.s32 v5, v17;
	[tilespmem:v9+s30+$0x0] =	vst.idx.add.f32.msk vm1, v12  }
0x1ea: {  	v43 =	vadd.s32 v0, v17;
	v18 =	vand.u32 $0xFFFFFFF8, v18;
	[tilespmem:v8+s30+$0x0] =	vst.idx.add.f32.msk vm1, v10  }
0x1eb: {  	v9 =	vand.u32 $0xFFFFFFF8, v43;
	v44 =	vor.u32 v6, v18;
	[tilespmem:v15+s30+$0x0] =	vst.idx.add.f32.msk vm1, v11  }
0x1ec: {  	v9 =	vor.u32 v2, v9;
	[tilespmem:v16+s30+$0x0] =	vst.idx.add.f32.msk vm1, v12  }
0x1ed: {  	[tilespmem:v7+s30+$0x0] =	vst.idx.add.f32.msk vm1, v10  }
0x1ee: {  	v8 =	vadd.s32 v3, v17;
	[tilespmem:v42+s30+$0x0] =	vst.idx.add.f32.msk vm1, v11  }
0x1ef: {  	v8 =	vand.u32 $0xFFFFFFF8, v8;
	[tilespmem:v13+s30+$0x0] =	vst.idx.add.f32.msk vm1, v12  }
0x1f0: {  	v8 =	vor.u32 v4, v8;
	v7 =	vld.idx.msk [tilespmem:v44+s31+$0x0], $0xffff  }
0x1f1: {  	v9 =	vld.idx.msk [tilespmem:v9+s31+$0x0], $0xffff;
	_ =	sdelay $0x3  }
0x1f2: {  	v8 =	vld.idx.msk [tilespmem:v8+s31+$0x0], $0xffff;
	v45 =	vmul.u32 $0x3, v7  }
0x1f3: {  	v46 =	vmul.u32 $0x3, v9;
	_ =	sdelay $0x1  }
0x1f4: {  	v48 =	vadd.s32 $0x1, v46  }
0x1f5: {  	v50 =	vadd.s32 $0x1, v45  }
0x1f6: {  	v47 =	vmul.u32 $0x3, v8;
	v10 =	vadd.s32 $0x2, v45  }
0x1f7: {  	v11 =	vadd.s32 $0x2, v46;
	v52 =	vld.idx.msk [tilespmem:v45+s2+$0x0], $0xffff  }
0x1f8: {  	v49 =	vadd.s32 $0x1, v47;
	v53 =	vld.idx.msk [tilespmem:v46+s2+$0x0], $0xffff  }
0x1f9: {  	v51 =	vadd.s32 $0x2, v47;
	v13 =	vld.idx.msk [tilespmem:v48+s2+$0x0], $0xffff  }
0x1fa: {  	v15 =	vld.idx.msk [tilespmem:v50+s2+$0x0], $0xffff  }
0x1fb: {  	v10 =	vld.idx.msk [tilespmem:v10+s2+$0x0], $0xffff  }
0x1fc: {  	v11 =	vld.idx.msk [tilespmem:v11+s2+$0x0], $0xffff  }
0x1fd: {  	v14 =	vld.idx.msk [tilespmem:v49+s2+$0x0], $0xffff  }
0x1fe: {  	v16 =	vld.idx.msk [tilespmem:v51+s2+$0x0], $0xffff  }
0x1ff: {  	v12 =	vld.idx.msk [tilespmem:v47+s2+$0x0], $0xffff;
	_ =	sdelay $0x1  }
0x200: {  	s0 =	sadd.s32 s0, s20  }
0x201: {  	p0 =	slt.u32 s0, $0x2710;
	vm1 =	vmmov vm0;
	v10 =	vsub.f32 v10, v11;
	v14 =	vsub.f32 v14, v13  }
0x202: {  	vm1 =	vmneg @p0 vm1;
	v13 =	vsub.f32 v15, v13;
	v54 =	vsub.f32 v16, v11  }
0x203: {  	v56 =	vsub.f32 v52, v53;
	v55 =	vsub.f32 v12, v53  }
0x204: {  	v57 =	vadd.s32 $0x1400, v9;
	v58 =	vmul.f32 v10, v14;
	v59 =	vmul.f32 v13, v54  }
0x205: {  	v19 =	vadd.s32 $0x2800, v9;
	v15 =	vmul.f32 v56, v54;
	v10 =	vmul.f32 v10, v55  }
0x206: {  	v11 =	vmul.f32 v13, v55;
	v12 =	vmul.f32 v56, v14;
	v17 =	vsub.f32 v58, v59  }
0x207: {  	v60 =	vadd.s32 $0x1400, v8;
	v10 =	vsub.f32 v15, v10  }
0x208: {  	v61 =	vadd.s32 $0x2800, v8;
	v11 =	vsub.f32 v11, v12;
	[tilespmem:v9+s30+$0x0] =	vst.idx.add.f32.msk vm1, v17  }
0x209: {  	[tilespmem:v57+s30+$0x0] =	vst.idx.add.f32.msk vm1, v10  }
0x20a: {  	v62 =	vadd.s32 $0x1400, v7;
	[tilespmem:v19+s30+$0x0] =	vst.idx.add.f32.msk vm1, v11  }
0x20b: {  	v63 =	vadd.s32 $0x2800, v7;
	[tilespmem:v8+s30+$0x0] =	vst.idx.add.f32.msk vm1, v17  }
0x20c: {  	[tilespmem:v60+s30+$0x0] =	vst.idx.add.f32.msk vm1, v10  }
0x20d: {  	[tilespmem:v61+s30+$0x0] =	vst.idx.add.f32.msk vm1, v11  }
0x20e: {  	[tilespmem:v7+s30+$0x0] =	vst.idx.add.f32.msk vm1, v17  }
0x20f: {  	[tilespmem:v62+s30+$0x0] =	vst.idx.add.f32.msk vm1, v10  }
0x210: {  	s5 =	simm.s32 $0x0;
	[tilespmem:v63+s30+$0x0] =	vst.idx.add.f32.msk vm1, v11  }
0x211: {  	[hbm4b:s13+s5] =	stream.linear.scatter [tilespmem:s30], [sflag:$0x2], $0x3C00, $0x38;
	[tilespmem:$0x7E18] =	vst v63  }
0x212: {  	_ =	swait.ge [sflag:s28], $0x3C00  }
0x213: {  	[sflag:s28] =	ssyncset.done $0x0  }
0x214: {  	s3 =	simm.s32 $0x40;
	s0 =	simm.s32 $0x0;
	[sflag:s28] =	ssyncadd.s32 $0xFFFFC400  }
0x215: {  	[tilespmem:s5], [sflag:$0x1] =	stream.linear.gather [hbm4b:s14+s5], $0x3A98, $0x38;
	[tilespmem:$0x7E18] =	vst v63  }
.LBB2_18:
0x216: {  	p0 =	sne.s32 s3, $0xEFC0;
	[tilespmem:s0+$0x4218] =	vst v1;
	s0 =	smov.u32 s3;
	s3 =	sadd.s32 $0x40, s3  }
.Ltmp8:
0x217: {  	(pc) =	sbr.rel @p0 .LBB2_18-.Ltmp8, $2  }
0x218: {  	_ =	sdelay $0x2  }
0x219: {  	s0 =	sshra.s32 s0, $0x2  }
0x21a: {  	s3 =	simm.s32 $0x0  }
0x21b: {  	v7 =	vmov s3  }
0x21c: {  	v7 =	vmul.u32 $0x3, v7;
	_ =	sdelay $0x1  }
0x21d: {  	v7 =	vbroadcast v7, $0x0;
	_ =	sdelay $0x1  }
0x21e: {  	v8 =	vadd.s32 v5, v7  }
0x21f: {  	v9 =	vadd.s32 v0, v7;
	v8 =	vand.u32 $0xFFFFFFF8, v8  }
0x220: {  	v7 =	vadd.s32 v3, v7;
	v9 =	vand.u32 $0xFFFFFFF8, v9;
	v8 =	vor.u32 v6, v8  }
0x221: {  	[tilespmem:s0+$0x4218] =	vst v1;
	v7 =	vand.u32 $0xFFFFFFF8, v7;
	v9 =	vor.u32 v2, v9  }
0x222: {  	_ =	swait.ge [sflag:s29], $0x3A98;
	v10 =	vor.u32 v4, v7  }
0x223: {  	[sflag:s29] =	ssyncset.done $0x0  }
0x224: {  	[sflag:s29] =	ssyncadd.s32 $0xFFFFC568  }
0x225: {  	v7 =	vld.idx.msk [tilespmem:v8+s26+$0x0], $0xffff  }
0x226: {  	v13 =	vld.idx.msk [tilespmem:v9+s26+$0x0], $0xffff  }
0x227: {  	v8 =	vld.idx.msk [tilespmem:v10+s26+$0x0], $0xffff;
	_ =	sdelay $0x2  }
0x228: {  	v9 =	vmul.u32 $0x3, v7  }
0x229: {  	v10 =	vmul.u32 $0x3, v13  }
0x22a: {  	v11 =	vmul.u32 $0x3, v8  }
0x22b: {  	v12 =	vadd.s32 $0x1, v10  }
0x22c: {  	v14 =	vadd.s32 $0x1, v11  }
0x22d: {  	v15 =	vadd.s32 $0x1, v9  }
0x22e: {  	v16 =	vadd.s32 $0x2, v11;
	v17 =	vld.idx.msk [tilespmem:v9+s2+$0x0], $0xffff  }
0x22f: {  	v9 =	vadd.s32 $0x2, v9;
	v18 =	vld.idx.msk [tilespmem:v10+s2+$0x0], $0xffff  }
0x230: {  	v10 =	vadd.s32 $0x2, v10;
	v12 =	vld.idx.msk [tilespmem:v12+s2+$0x0], $0xffff  }
0x231: {  	v14 =	vld.idx.msk [tilespmem:v14+s2+$0x0], $0xffff  }
0x232: {  	v15 =	vld.idx.msk [tilespmem:v15+s2+$0x0], $0xffff  }
0x233: {  	v16 =	vld.idx.msk [tilespmem:v16+s2+$0x0], $0xffff  }
0x234: {  	v19 =	vld.idx.msk [tilespmem:v9+s2+$0x0], $0xffff  }
0x235: {  	v10 =	vld.idx.msk [tilespmem:v10+s2+$0x0], $0xffff  }
0x236: {  	v11 =	vld.idx.msk [tilespmem:v11+s2+$0x0], $0xffff  }
0x237: {  	s5 =	sadd.s32 $0x0, s20  }
0x238: {  	vm1 =	vmmov vm0;
	p0 =	slt.u32 s5, $0x2710  }
0x239: {  	vm1 =	vmneg @p0 vm1;
	v20 =	vsub.f32 v14, v12;
	v12 =	vsub.f32 v15, v12  }
0x23a: {  	v9 =	vadd.s32 $0x2800, v13;
	v15 =	vsub.f32 v16, v10;
	v10 =	vsub.f32 v19, v10  }
0x23b: {  	s0 =	simm.s32 $0x10;
	v11 =	vsub.f32 v11, v18;
	v14 =	vadd.s32 $0x1400, v13;
	v16 =	vsub.f32 v17, v18  }
0x23c: {  	v17 =	vmov s0;
	v18 =	vmul.f32 v10, v20;
	v19 =	vmul.f32 v12, v15  }
0x23d: {  	v17 =	vmul.u32 $0x3, v17;
	v15 =	vmul.f32 v16, v15;
	v21 =	vmul.f32 v10, v11  }
0x23e: {  	v12 =	vmul.f32 v12, v11;
	v16 =	vmul.f32 v16, v20;
	v10 =	vsub.f32 v18, v19  }
0x23f: {  	v17 =	vbroadcast v17, $0x0;
	v11 =	vsub.f32 v15, v21;
	v15 =	vadd.s32 $0x1400, v8  }
0x240: {  	s3 =	simm.s32 $0x20;
	v12 =	vsub.f32 v12, v16;
	v16 =	vadd.s32 $0x2800, v8;
	[tilespmem:v13+s30+$0x0] =	vst.idx.add.f32.msk vm1, v10;
	v13 =	vadd.s32 $0x2800, v7  }
.LBB2_20:
0x241: {  	p0 =	sne.s32 s3, $0x130;
	v18 =	vadd.s32 v0, v17;
	v19 =	vadd.s32 v3, v17;
	[tilespmem:v14+s30+$0x0] =	vst.idx.add.f32.msk vm1, v11;
	v14 =	vadd.s32 $0x1400, v7;
	s4 =	smov.u32 s3;
	s3 =	sadd.s32 $0x10, s3  }
0x242: {  	v17 =	vadd.s32 v5, v17;
	v18 =	vand.u32 $0xFFFFFFF8, v18;
	v19 =	vand.u32 $0xFFFFFFF8, v19;
	[tilespmem:v9+s30+$0x0] =	vst.idx.add.f32.msk vm1, v12  }
0x243: {  	v17 =	vand.u32 $0xFFFFFFF8, v17;
	v9 =	vor.u32 v2, v18;
	v18 =	vor.u32 v4, v19;
	[tilespmem:v8+s30+$0x0] =	vst.idx.add.f32.msk vm1, v10  }
0x244: {  	v8 =	vor.u32 v6, v17;
	[tilespmem:v15+s30+$0x0] =	vst.idx.add.f32.msk vm1, v11  }
0x245: {  	[tilespmem:v16+s30+$0x0] =	vst.idx.add.f32.msk vm1, v12  }
0x246: {  	[tilespmem:v7+s30+$0x0] =	vst.idx.add.f32.msk vm1, v10  }
0x247: {  	[tilespmem:v14+s30+$0x0] =	vst.idx.add.f32.msk vm1, v11  }
0x248: {  	[tilespmem:v13+s30+$0x0] =	vst.idx.add.f32.msk vm1, v12  }
0x249: {  	v7 =	vld.idx.msk [tilespmem:v8+s26+$0x0], $0xffff  }
0x24a: {  	v13 =	vld.idx.msk [tilespmem:v9+s26+$0x0], $0xffff  }
0x24b: {  	v8 =	vld.idx.msk [tilespmem:v18+s26+$0x0], $0xffff;
	_ =	sdelay $0x3  }
0x24c: {  	v9 =	vmul.u32 $0x3, v7  }
0x24d: {  	v10 =	vmul.u32 $0x3, v13  }
0x24e: {  	v11 =	vmul.u32 $0x3, v8;
	v12 =	vadd.s32 $0x1, v9;
	v14 =	vadd.s32 $0x2, v9  }
0x24f: {  	v15 =	vadd.s32 $0x1, v10  }
0x250: {  	v16 =	vadd.s32 $0x1, v11;
	v17 =	vadd.s32 $0x2, v11;
	_ =	sdelay $0x1  }
0x251: {  	v18 =	vld.idx.msk [tilespmem:v9+s2+$0x0], $0xffff  }
0x252: {  	v19 =	vld.idx.msk [tilespmem:v10+s2+$0x0], $0xffff  }
0x253: {  	v10 =	vadd.s32 $0x2, v10;
	v9 =	vld.idx.msk [tilespmem:v15+s2+$0x0], $0xffff  }
0x254: {  	v15 =	vld.idx.msk [tilespmem:v16+s2+$0x0], $0xffff  }
0x255: {  	v12 =	vld.idx.msk [tilespmem:v12+s2+$0x0], $0xffff  }
0x256: {  	v16 =	vld.idx.msk [tilespmem:v17+s2+$0x0], $0xffff  }
0x257: {  	v14 =	vld.idx.msk [tilespmem:v14+s2+$0x0], $0xffff  }
0x258: {  	v10 =	vld.idx.msk [tilespmem:v10+s2+$0x0], $0xffff  }
0x259: {  	v11 =	vld.idx.msk [tilespmem:v11+s2+$0x0], $0xffff  }
0x25a: {  	v15 =	vsub.f32 v15, v9;
	_ =	sdelay $0x1  }
0x25b: {  	s5 =	sadd.s32 s0, s20;
	s0 =	smov.u32 s4  }
0x25c: {  	p1 =	slt.u32 s5, $0x2710;
	vm1 =	vmmov vm0;
	v12 =	vsub.f32 v12, v9;
	v9 =	vadd.s32 $0x2800, v13  }
0x25d: {  	vm1 =	vmneg @p1 vm1;
	v16 =	vsub.f32 v16, v10;
	v10 =	vsub.f32 v14, v10  }
0x25e: {  	v17 =	vsub.f32 v18, v19;
	v14 =	vadd.s32 $0x1400, v13;
	v11 =	vsub.f32 v11, v19  }
.Ltmp9:
0x25f: {  	v18 =	vmov s0;
	v19 =	vmul.f32 v10, v15;
	v20 =	vmul.f32 v12, v16;
	(pc) =	sbr.rel @p0 .LBB2_20-.Ltmp9, $4  }
0x260: {  	v18 =	vmul.u32 $0x3, v18;
	v16 =	vmul.f32 v17, v16;
	v21 =	vmul.f32 v10, v11  }
0x261: {  	v12 =	vmul.f32 v12, v11;
	v10 =	vsub.f32 v19, v20;
	v19 =	vmul.f32 v17, v15  }
0x262: {  	v17 =	vbroadcast v18, $0x0;
	v15 =	vadd.s32 $0x1400, v8;
	v11 =	vsub.f32 v16, v21  }
0x263: {  	v16 =	vadd.s32 $0x2800, v8;
	v12 =	vsub.f32 v12, v19;
	[tilespmem:v13+s30+$0x0] =	vst.idx.add.f32.msk vm1, v10;
	v13 =	vadd.s32 $0x2800, v7  }
0x264: {  	_ =	sdelay $0x4  }
0x265: {  	[tilespmem:v14+s30+$0x0] =	vst.idx.add.f32.msk vm1, v11  }
0x266: {  	v42 =	vadd.s32 $0x1400, v7;
	v18 =	vadd.s32 v5, v17;
	[tilespmem:v9+s30+$0x0] =	vst.idx.add.f32.msk vm1, v12  }
0x267: {  	v43 =	vadd.s32 v0, v17;
	v18 =	vand.u32 $0xFFFFFFF8, v18;
	[tilespmem:v8+s30+$0x0] =	vst.idx.add.f32.msk vm1, v10  }
0x268: {  	v9 =	vand.u32 $0xFFFFFFF8, v43;
	v44 =	vor.u32 v6, v18;
	[tilespmem:v15+s30+$0x0] =	vst.idx.add.f32.msk vm1, v11  }
0x269: {  	v9 =	vor.u32 v2, v9;
	[tilespmem:v16+s30+$0x0] =	vst.idx.add.f32.msk vm1, v12  }
0x26a: {  	[tilespmem:v7+s30+$0x0] =	vst.idx.add.f32.msk vm1, v10  }
0x26b: {  	v8 =	vadd.s32 v3, v17;
	[tilespmem:v42+s30+$0x0] =	vst.idx.add.f32.msk vm1, v11  }
0x26c: {  	v8 =	vand.u32 $0xFFFFFFF8, v8;
	[tilespmem:v13+s30+$0x0] =	vst.idx.add.f32.msk vm1, v12  }
0x26d: {  	v8 =	vor.u32 v4, v8;
	v7 =	vld.idx.msk [tilespmem:v44+s26+$0x0], $0xffff  }
0x26e: {  	v9 =	vld.idx.msk [tilespmem:v9+s26+$0x0], $0xffff;
	_ =	sdelay $0x3  }
0x26f: {  	v8 =	vld.idx.msk [tilespmem:v8+s26+$0x0], $0xffff;
	v45 =	vmul.u32 $0x3, v7  }
0x270: {  	v46 =	vmul.u32 $0x3, v9;
	_ =	sdelay $0x1  }
0x271: {  	v48 =	vadd.s32 $0x1, v46  }
0x272: {  	v50 =	vadd.s32 $0x1, v45  }
0x273: {  	v47 =	vmul.u32 $0x3, v8;
	v10 =	vadd.s32 $0x2, v45  }
0x274: {  	v11 =	vadd.s32 $0x2, v46;
	v52 =	vld.idx.msk [tilespmem:v45+s2+$0x0], $0xffff  }
0x275: {  	v49 =	vadd.s32 $0x1, v47;
	v53 =	vld.idx.msk [tilespmem:v46+s2+$0x0], $0xffff  }
0x276: {  	v51 =	vadd.s32 $0x2, v47;
	v13 =	vld.idx.msk [tilespmem:v48+s2+$0x0], $0xffff  }
0x277: {  	v15 =	vld.idx.msk [tilespmem:v50+s2+$0x0], $0xffff  }
0x278: {  	v10 =	vld.idx.msk [tilespmem:v10+s2+$0x0], $0xffff  }
0x279: {  	v11 =	vld.idx.msk [tilespmem:v11+s2+$0x0], $0xffff  }
0x27a: {  	v14 =	vld.idx.msk [tilespmem:v49+s2+$0x0], $0xffff  }
0x27b: {  	v16 =	vld.idx.msk [tilespmem:v51+s2+$0x0], $0xffff  }
0x27c: {  	v12 =	vld.idx.msk [tilespmem:v47+s2+$0x0], $0xffff;
	_ =	sdelay $0x1  }
0x27d: {  	s0 =	sadd.s32 s0, s20  }
0x27e: {  	p0 =	slt.u32 s0, $0x2710;
	vm1 =	vmmov vm0;
	v10 =	vsub.f32 v10, v11;
	v14 =	vsub.f32 v14, v13  }
0x27f: {  	vm1 =	vmneg @p0 vm1;
	v13 =	vsub.f32 v15, v13;
	v54 =	vsub.f32 v16, v11  }
0x280: {  	v56 =	vsub.f32 v52, v53;
	v55 =	vsub.f32 v12, v53  }
0x281: {  	v57 =	vadd.s32 $0x1400, v9;
	v58 =	vmul.f32 v10, v14;
	v59 =	vmul.f32 v13, v54  }
0x282: {  	v19 =	vadd.s32 $0x2800, v9;
	v15 =	vmul.f32 v56, v54;
	v10 =	vmul.f32 v10, v55  }
0x283: {  	v11 =	vmul.f32 v13, v55;
	v12 =	vmul.f32 v56, v14;
	v17 =	vsub.f32 v58, v59  }
0x284: {  	v60 =	vadd.s32 $0x1400, v8;
	v10 =	vsub.f32 v15, v10  }
0x285: {  	v61 =	vadd.s32 $0x2800, v8;
	v11 =	vsub.f32 v11, v12;
	[tilespmem:v9+s30+$0x0] =	vst.idx.add.f32.msk vm1, v17  }
0x286: {  	[tilespmem:v57+s30+$0x0] =	vst.idx.add.f32.msk vm1, v10  }
0x287: {  	v62 =	vadd.s32 $0x1400, v7;
	[tilespmem:v19+s30+$0x0] =	vst.idx.add.f32.msk vm1, v11  }
0x288: {  	v63 =	vadd.s32 $0x2800, v7;
	[tilespmem:v8+s30+$0x0] =	vst.idx.add.f32.msk vm1, v17  }
0x289: {  	[tilespmem:v60+s30+$0x0] =	vst.idx.add.f32.msk vm1, v10  }
0x28a: {  	[tilespmem:v61+s30+$0x0] =	vst.idx.add.f32.msk vm1, v11  }
0x28b: {  	[tilespmem:v7+s30+$0x0] =	vst.idx.add.f32.msk vm1, v17  }
0x28c: {  	[tilespmem:v62+s30+$0x0] =	vst.idx.add.f32.msk vm1, v10  }
0x28d: {  	s5 =	simm.s32 $0x0;
	[tilespmem:v63+s30+$0x0] =	vst.idx.add.f32.msk vm1, v11  }
0x28e: {  	[hbm4b:s15+s5] =	stream.linear.scatter [tilespmem:s30], [sflag:$0x2], $0x3C00, $0x38;
	[tilespmem:$0x7E18] =	vst v63  }
0x28f: {  	_ =	swait.ge [sflag:s28], $0x3C00  }
0x290: {  	[sflag:s28] =	ssyncset.done $0x0  }
0x291: {  	[sflag:s28] =	ssyncadd.s32 $0xFFFFC400  }
0x292: {  	[tilespmem:s31], [sflag:$0x2] =	stream.linear.gather [hbm4b:s16+s5], $0x3C0, $0x38;
	[tilespmem:$0x7E18] =	vst v63  }
0x293: {  	_ =	swait.ge [sflag:s28], $0x3C0  }
0x294: {  	[sflag:s28] =	ssyncset.done $0x0  }
0x295: {  	s3 =	simm.s32 $0x40;
	s0 =	simm.s32 $0x0;
	[sflag:s28] =	ssyncadd.s32 $0xFFFFFC40  }
0x296: {  	[tilespmem:s5], [sflag:$0x1] =	stream.linear.gather [hbm4b:s17+s5], $0x3A98, $0x38;
	[tilespmem:$0x7E18] =	vst v63  }
.LBB2_22:
0x297: {  	p0 =	sne.s32 s3, $0xEFC0;
	[tilespmem:s0+$0x4218] =	vst v1;
	s0 =	smov.u32 s3;
	s3 =	sadd.s32 $0x40, s3  }
.Ltmp10:
0x298: {  	(pc) =	sbr.rel @p0 .LBB2_22-.Ltmp10, $2  }
0x299: {  	_ =	sdelay $0x2  }
0x29a: {  	s0 =	sshra.s32 s0, $0x2  }
0x29b: {  	s3 =	simm.s32 $0x0  }
0x29c: {  	v7 =	vmov s3  }
0x29d: {  	v7 =	vmul.u32 $0x3, v7;
	_ =	sdelay $0x1  }
0x29e: {  	v7 =	vbroadcast v7, $0x0;
	_ =	sdelay $0x1  }
0x29f: {  	v8 =	vadd.s32 v5, v7  }
0x2a0: {  	v9 =	vadd.s32 v0, v7;
	v8 =	vand.u32 $0xFFFFFFF8, v8  }
0x2a1: {  	v7 =	vadd.s32 v3, v7;
	v9 =	vand.u32 $0xFFFFFFF8, v9;
	v8 =	vor.u32 v6, v8  }
0x2a2: {  	[tilespmem:s0+$0x4218] =	vst v1;
	v7 =	vand.u32 $0xFFFFFFF8, v7;
	v9 =	vor.u32 v2, v9  }
0x2a3: {  	_ =	swait.ge [sflag:s29], $0x3A98;
	v10 =	vor.u32 v4, v7  }
0x2a4: {  	[sflag:s29] =	ssyncset.done $0x0  }
0x2a5: {  	[sflag:s29] =	ssyncadd.s32 $0xFFFFC568  }
0x2a6: {  	v7 =	vld.idx.msk [tilespmem:v8+s31+$0x0], $0xffff  }
0x2a7: {  	v13 =	vld.idx.msk [tilespmem:v9+s31+$0x0], $0xffff  }
0x2a8: {  	v8 =	vld.idx.msk [tilespmem:v10+s31+$0x0], $0xffff;
	_ =	sdelay $0x2  }
0x2a9: {  	v9 =	vmul.u32 $0x3, v7  }
0x2aa: {  	v10 =	vmul.u32 $0x3, v13  }
0x2ab: {  	v11 =	vmul.u32 $0x3, v8  }
0x2ac: {  	v12 =	vadd.s32 $0x1, v10  }
0x2ad: {  	v14 =	vadd.s32 $0x1, v11  }
0x2ae: {  	v15 =	vadd.s32 $0x1, v9  }
0x2af: {  	v16 =	vadd.s32 $0x2, v11;
	v17 =	vld.idx.msk [tilespmem:v9+s2+$0x0], $0xffff  }
0x2b0: {  	v9 =	vadd.s32 $0x2, v9;
	v18 =	vld.idx.msk [tilespmem:v10+s2+$0x0], $0xffff  }
0x2b1: {  	v10 =	vadd.s32 $0x2, v10;
	v12 =	vld.idx.msk [tilespmem:v12+s2+$0x0], $0xffff  }
0x2b2: {  	v14 =	vld.idx.msk [tilespmem:v14+s2+$0x0], $0xffff  }
0x2b3: {  	v15 =	vld.idx.msk [tilespmem:v15+s2+$0x0], $0xffff  }
0x2b4: {  	v16 =	vld.idx.msk [tilespmem:v16+s2+$0x0], $0xffff  }
0x2b5: {  	v19 =	vld.idx.msk [tilespmem:v9+s2+$0x0], $0xffff  }
0x2b6: {  	v10 =	vld.idx.msk [tilespmem:v10+s2+$0x0], $0xffff  }
0x2b7: {  	v11 =	vld.idx.msk [tilespmem:v11+s2+$0x0], $0xffff  }
0x2b8: {  	s5 =	sadd.s32 $0x0, s20  }
0x2b9: {  	vm1 =	vmmov vm0;
	p0 =	slt.u32 s5, $0x2710  }
0x2ba: {  	vm1 =	vmneg @p0 vm1;
	v20 =	vsub.f32 v14, v12;
	v12 =	vsub.f32 v15, v12  }
0x2bb: {  	v9 =	vadd.s32 $0x2800, v13;
	v15 =	vsub.f32 v16, v10;
	v10 =	vsub.f32 v19, v10  }
0x2bc: {  	s0 =	simm.s32 $0x10;
	v11 =	vsub.f32 v11, v18;
	v14 =	vadd.s32 $0x1400, v13;
	v16 =	vsub.f32 v17, v18  }
0x2bd: {  	v17 =	vmov s0;
	v18 =	vmul.f32 v10, v20;
	v19 =	vmul.f32 v12, v15  }
0x2be: {  	v17 =	vmul.u32 $0x3, v17;
	v15 =	vmul.f32 v16, v15;
	v21 =	vmul.f32 v10, v11  }
0x2bf: {  	v12 =	vmul.f32 v12, v11;
	v16 =	vmul.f32 v16, v20;
	v10 =	vsub.f32 v18, v19  }
0x2c0: {  	v17 =	vbroadcast v17, $0x0;
	v11 =	vsub.f32 v15, v21;
	v15 =	vadd.s32 $0x1400, v8  }
0x2c1: {  	s3 =	simm.s32 $0x20;
	v12 =	vsub.f32 v12, v16;
	v16 =	vadd.s32 $0x2800, v8;
	[tilespmem:v13+s30+$0x0] =	vst.idx.add.f32.msk vm1, v10;
	v13 =	vadd.s32 $0x2800, v7  }
.LBB2_24:
0x2c2: {  	p0 =	sne.s32 s3, $0x130;
	v18 =	vadd.s32 v0, v17;
	v19 =	vadd.s32 v3, v17;
	[tilespmem:v14+s30+$0x0] =	vst.idx.add.f32.msk vm1, v11;
	v14 =	vadd.s32 $0x1400, v7;
	s4 =	smov.u32 s3;
	s3 =	sadd.s32 $0x10, s3  }
0x2c3: {  	v17 =	vadd.s32 v5, v17;
	v18 =	vand.u32 $0xFFFFFFF8, v18;
	v19 =	vand.u32 $0xFFFFFFF8, v19;
	[tilespmem:v9+s30+$0x0] =	vst.idx.add.f32.msk vm1, v12  }
0x2c4: {  	v17 =	vand.u32 $0xFFFFFFF8, v17;
	v9 =	vor.u32 v2, v18;
	v18 =	vor.u32 v4, v19;
	[tilespmem:v8+s30+$0x0] =	vst.idx.add.f32.msk vm1, v10  }
0x2c5: {  	v8 =	vor.u32 v6, v17;
	[tilespmem:v15+s30+$0x0] =	vst.idx.add.f32.msk vm1, v11  }
0x2c6: {  	[tilespmem:v16+s30+$0x0] =	vst.idx.add.f32.msk vm1, v12  }
0x2c7: {  	[tilespmem:v7+s30+$0x0] =	vst.idx.add.f32.msk vm1, v10  }
0x2c8: {  	[tilespmem:v14+s30+$0x0] =	vst.idx.add.f32.msk vm1, v11  }
0x2c9: {  	[tilespmem:v13+s30+$0x0] =	vst.idx.add.f32.msk vm1, v12  }
0x2ca: {  	v7 =	vld.idx.msk [tilespmem:v8+s31+$0x0], $0xffff  }
0x2cb: {  	v13 =	vld.idx.msk [tilespmem:v9+s31+$0x0], $0xffff  }
0x2cc: {  	v8 =	vld.idx.msk [tilespmem:v18+s31+$0x0], $0xffff;
	_ =	sdelay $0x3  }
0x2cd: {  	v9 =	vmul.u32 $0x3, v7  }
0x2ce: {  	v10 =	vmul.u32 $0x3, v13  }
0x2cf: {  	v11 =	vmul.u32 $0x3, v8;
	v12 =	vadd.s32 $0x1, v9;
	v14 =	vadd.s32 $0x2, v9  }
0x2d0: {  	v15 =	vadd.s32 $0x1, v10  }
0x2d1: {  	v16 =	vadd.s32 $0x1, v11;
	v17 =	vadd.s32 $0x2, v11;
	_ =	sdelay $0x1  }
0x2d2: {  	v18 =	vld.idx.msk [tilespmem:v9+s2+$0x0], $0xffff  }
0x2d3: {  	v19 =	vld.idx.msk [tilespmem:v10+s2+$0x0], $0xffff  }
0x2d4: {  	v10 =	vadd.s32 $0x2, v10;
	v9 =	vld.idx.msk [tilespmem:v15+s2+$0x0], $0xffff  }
0x2d5: {  	v15 =	vld.idx.msk [tilespmem:v16+s2+$0x0], $0xffff  }
0x2d6: {  	v12 =	vld.idx.msk [tilespmem:v12+s2+$0x0], $0xffff  }
0x2d7: {  	v16 =	vld.idx.msk [tilespmem:v17+s2+$0x0], $0xffff  }
0x2d8: {  	v14 =	vld.idx.msk [tilespmem:v14+s2+$0x0], $0xffff  }
0x2d9: {  	v10 =	vld.idx.msk [tilespmem:v10+s2+$0x0], $0xffff  }
0x2da: {  	v11 =	vld.idx.msk [tilespmem:v11+s2+$0x0], $0xffff  }
0x2db: {  	v15 =	vsub.f32 v15, v9;
	_ =	sdelay $0x1  }
0x2dc: {  	s5 =	sadd.s32 s0, s20;
	s0 =	smov.u32 s4  }
0x2dd: {  	p1 =	slt.u32 s5, $0x2710;
	vm1 =	vmmov vm0;
	v12 =	vsub.f32 v12, v9;
	v9 =	vadd.s32 $0x2800, v13  }
0x2de: {  	vm1 =	vmneg @p1 vm1;
	v16 =	vsub.f32 v16, v10;
	v10 =	vsub.f32 v14, v10  }
0x2df: {  	v17 =	vsub.f32 v18, v19;
	v14 =	vadd.s32 $0x1400, v13;
	v11 =	vsub.f32 v11, v19  }
.Ltmp11:
0x2e0: {  	v18 =	vmov s0;
	v19 =	vmul.f32 v10, v15;
	v20 =	vmul.f32 v12, v16;
	(pc) =	sbr.rel @p0 .LBB2_24-.Ltmp11, $4  }
0x2e1: {  	v18 =	vmul.u32 $0x3, v18;
	v16 =	vmul.f32 v17, v16;
	v21 =	vmul.f32 v10, v11  }
0x2e2: {  	v12 =	vmul.f32 v12, v11;
	v10 =	vsub.f32 v19, v20;
	v19 =	vmul.f32 v17, v15  }
0x2e3: {  	v17 =	vbroadcast v18, $0x0;
	v15 =	vadd.s32 $0x1400, v8;
	v11 =	vsub.f32 v16, v21  }
0x2e4: {  	v16 =	vadd.s32 $0x2800, v8;
	v12 =	vsub.f32 v12, v19;
	[tilespmem:v13+s30+$0x0] =	vst.idx.add.f32.msk vm1, v10;
	v13 =	vadd.s32 $0x2800, v7  }
0x2e5: {  	_ =	sdelay $0x4  }
0x2e6: {  	[tilespmem:v14+s30+$0x0] =	vst.idx.add.f32.msk vm1, v11  }
0x2e7: {  	v42 =	vadd.s32 $0x1400, v7;
	v18 =	vadd.s32 v5, v17;
	[tilespmem:v9+s30+$0x0] =	vst.idx.add.f32.msk vm1, v12  }
0x2e8: {  	v43 =	vadd.s32 v0, v17;
	v18 =	vand.u32 $0xFFFFFFF8, v18;
	[tilespmem:v8+s30+$0x0] =	vst.idx.add.f32.msk vm1, v10  }
0x2e9: {  	v9 =	vand.u32 $0xFFFFFFF8, v43;
	v44 =	vor.u32 v6, v18;
	[tilespmem:v15+s30+$0x0] =	vst.idx.add.f32.msk vm1, v11  }
0x2ea: {  	v9 =	vor.u32 v2, v9;
	[tilespmem:v16+s30+$0x0] =	vst.idx.add.f32.msk vm1, v12  }
0x2eb: {  	[tilespmem:v7+s30+$0x0] =	vst.idx.add.f32.msk vm1, v10  }
0x2ec: {  	v8 =	vadd.s32 v3, v17;
	[tilespmem:v42+s30+$0x0] =	vst.idx.add.f32.msk vm1, v11  }
0x2ed: {  	v8 =	vand.u32 $0xFFFFFFF8, v8;
	[tilespmem:v13+s30+$0x0] =	vst.idx.add.f32.msk vm1, v12  }
0x2ee: {  	v8 =	vor.u32 v4, v8;
	v7 =	vld.idx.msk [tilespmem:v44+s31+$0x0], $0xffff  }
0x2ef: {  	v9 =	vld.idx.msk [tilespmem:v9+s31+$0x0], $0xffff;
	_ =	sdelay $0x3  }
0x2f0: {  	v8 =	vld.idx.msk [tilespmem:v8+s31+$0x0], $0xffff;
	v45 =	vmul.u32 $0x3, v7  }
0x2f1: {  	v46 =	vmul.u32 $0x3, v9;
	_ =	sdelay $0x1  }
0x2f2: {  	v48 =	vadd.s32 $0x1, v46  }
0x2f3: {  	v50 =	vadd.s32 $0x1, v45  }
0x2f4: {  	v47 =	vmul.u32 $0x3, v8;
	v10 =	vadd.s32 $0x2, v45  }
0x2f5: {  	v11 =	vadd.s32 $0x2, v46;
	v52 =	vld.idx.msk [tilespmem:v45+s2+$0x0], $0xffff  }
0x2f6: {  	v49 =	vadd.s32 $0x1, v47;
	v53 =	vld.idx.msk [tilespmem:v46+s2+$0x0], $0xffff  }
0x2f7: {  	v51 =	vadd.s32 $0x2, v47;
	v13 =	vld.idx.msk [tilespmem:v48+s2+$0x0], $0xffff  }
0x2f8: {  	v15 =	vld.idx.msk [tilespmem:v50+s2+$0x0], $0xffff  }
0x2f9: {  	v10 =	vld.idx.msk [tilespmem:v10+s2+$0x0], $0xffff  }
0x2fa: {  	v11 =	vld.idx.msk [tilespmem:v11+s2+$0x0], $0xffff  }
0x2fb: {  	v14 =	vld.idx.msk [tilespmem:v49+s2+$0x0], $0xffff  }
0x2fc: {  	v16 =	vld.idx.msk [tilespmem:v51+s2+$0x0], $0xffff  }
0x2fd: {  	v12 =	vld.idx.msk [tilespmem:v47+s2+$0x0], $0xffff;
	_ =	sdelay $0x1  }
0x2fe: {  	s0 =	sadd.s32 s0, s20  }
0x2ff: {  	p0 =	slt.u32 s0, $0x2710;
	vm1 =	vmmov vm0;
	v10 =	vsub.f32 v10, v11;
	v14 =	vsub.f32 v14, v13  }
0x300: {  	vm1 =	vmneg @p0 vm1;
	v13 =	vsub.f32 v15, v13;
	v54 =	vsub.f32 v16, v11  }
0x301: {  	v56 =	vsub.f32 v52, v53;
	v55 =	vsub.f32 v12, v53  }
0x302: {  	v57 =	vadd.s32 $0x1400, v9;
	v58 =	vmul.f32 v10, v14;
	v59 =	vmul.f32 v13, v54  }
0x303: {  	v19 =	vadd.s32 $0x2800, v9;
	v15 =	vmul.f32 v56, v54;
	v10 =	vmul.f32 v10, v55  }
0x304: {  	v11 =	vmul.f32 v13, v55;
	v12 =	vmul.f32 v56, v14;
	v17 =	vsub.f32 v58, v59  }
0x305: {  	v60 =	vadd.s32 $0x1400, v8;
	v10 =	vsub.f32 v15, v10  }
0x306: {  	v61 =	vadd.s32 $0x2800, v8;
	v11 =	vsub.f32 v11, v12;
	[tilespmem:v9+s30+$0x0] =	vst.idx.add.f32.msk vm1, v17  }
0x307: {  	[tilespmem:v57+s30+$0x0] =	vst.idx.add.f32.msk vm1, v10  }
0x308: {  	v62 =	vadd.s32 $0x1400, v7;
	[tilespmem:v19+s30+$0x0] =	vst.idx.add.f32.msk vm1, v11  }
0x309: {  	v63 =	vadd.s32 $0x2800, v7;
	[tilespmem:v8+s30+$0x0] =	vst.idx.add.f32.msk vm1, v17  }
0x30a: {  	[tilespmem:v60+s30+$0x0] =	vst.idx.add.f32.msk vm1, v10  }
0x30b: {  	[tilespmem:v61+s30+$0x0] =	vst.idx.add.f32.msk vm1, v11  }
0x30c: {  	[tilespmem:v7+s30+$0x0] =	vst.idx.add.f32.msk vm1, v17  }
0x30d: {  	[tilespmem:v62+s30+$0x0] =	vst.idx.add.f32.msk vm1, v10  }
0x30e: {  	s5 =	simm.s32 $0x0;
	[tilespmem:v63+s30+$0x0] =	vst.idx.add.f32.msk vm1, v11  }
0x30f: {  	[hbm4b:s18+s5] =	stream.linear.scatter [tilespmem:s30], [sflag:$0x2], $0x3C00, $0x38;
	[tilespmem:$0x7E18] =	vst v63  }
0x310: {  	_ =	swait.ge [sflag:s28], $0x3C00  }
0x311: {  	[sflag:s28] =	ssyncset.done $0x0  }
0x312: {  	s3 =	simm.s32 $0x40;
	s0 =	simm.s32 $0x0;
	[sflag:s28] =	ssyncadd.s32 $0xFFFFC400  }
0x313: {  	[tilespmem:s5], [sflag:$0x1] =	stream.linear.gather [hbm4b:s19+s5], $0x3A98, $0x38;
	[tilespmem:$0x7E18] =	vst v63  }
.LBB2_26:
0x314: {  	p0 =	sne.s32 s3, $0xEFC0;
	[tilespmem:s0+$0x4218] =	vst v1;
	s0 =	smov.u32 s3;
	s3 =	sadd.s32 $0x40, s3  }
.Ltmp12:
0x315: {  	(pc) =	sbr.rel @p0 .LBB2_26-.Ltmp12, $2  }
0x316: {  	_ =	sdelay $0x2  }
0x317: {  	s0 =	sshra.s32 s0, $0x2  }
0x318: {  	s3 =	simm.s32 $0x0  }
0x319: {  	v7 =	vmov s3  }
0x31a: {  	v7 =	vmul.u32 $0x3, v7;
	_ =	sdelay $0x1  }
0x31b: {  	v7 =	vbroadcast v7, $0x0;
	_ =	sdelay $0x1  }
0x31c: {  	v8 =	vadd.s32 v5, v7  }
0x31d: {  	v9 =	vadd.s32 v0, v7;
	v8 =	vand.u32 $0xFFFFFFF8, v8  }
0x31e: {  	v7 =	vadd.s32 v3, v7;
	v9 =	vand.u32 $0xFFFFFFF8, v9;
	v8 =	vor.u32 v6, v8  }
0x31f: {  	[tilespmem:s0+$0x4218] =	vst v1;
	v7 =	vand.u32 $0xFFFFFFF8, v7;
	v9 =	vor.u32 v2, v9  }
0x320: {  	_ =	swait.ge [sflag:s29], $0x3A98;
	v10 =	vor.u32 v4, v7  }
0x321: {  	[sflag:s29] =	ssyncset.done $0x0  }
0x322: {  	[sflag:s29] =	ssyncadd.s32 $0xFFFFC568  }
0x323: {  	v7 =	vld.idx.msk [tilespmem:v8+s26+$0x0], $0xffff  }
0x324: {  	v13 =	vld.idx.msk [tilespmem:v9+s26+$0x0], $0xffff  }
0x325: {  	v8 =	vld.idx.msk [tilespmem:v10+s26+$0x0], $0xffff;
	_ =	sdelay $0x2  }
0x326: {  	v9 =	vmul.u32 $0x3, v7  }
0x327: {  	v10 =	vmul.u32 $0x3, v13  }
0x328: {  	v11 =	vmul.u32 $0x3, v8  }
0x329: {  	v12 =	vadd.s32 $0x1, v10  }
0x32a: {  	v14 =	vadd.s32 $0x1, v11  }
0x32b: {  	v15 =	vadd.s32 $0x1, v9  }
0x32c: {  	v16 =	vadd.s32 $0x2, v11;
	v17 =	vld.idx.msk [tilespmem:v9+s2+$0x0], $0xffff  }
0x32d: {  	v9 =	vadd.s32 $0x2, v9;
	v18 =	vld.idx.msk [tilespmem:v10+s2+$0x0], $0xffff  }
0x32e: {  	v10 =	vadd.s32 $0x2, v10;
	v12 =	vld.idx.msk [tilespmem:v12+s2+$0x0], $0xffff  }
0x32f: {  	v14 =	vld.idx.msk [tilespmem:v14+s2+$0x0], $0xffff  }
0x330: {  	v15 =	vld.idx.msk [tilespmem:v15+s2+$0x0], $0xffff  }
0x331: {  	v16 =	vld.idx.msk [tilespmem:v16+s2+$0x0], $0xffff  }
0x332: {  	v19 =	vld.idx.msk [tilespmem:v9+s2+$0x0], $0xffff  }
0x333: {  	v10 =	vld.idx.msk [tilespmem:v10+s2+$0x0], $0xffff  }
0x334: {  	v11 =	vld.idx.msk [tilespmem:v11+s2+$0x0], $0xffff  }
0x335: {  	s5 =	sadd.s32 $0x0, s20  }
0x336: {  	vm1 =	vmmov vm0;
	p0 =	slt.u32 s5, $0x2710  }
0x337: {  	vm1 =	vmneg @p0 vm1;
	v20 =	vsub.f32 v14, v12;
	v12 =	vsub.f32 v15, v12  }
0x338: {  	v9 =	vadd.s32 $0x2800, v13;
	v15 =	vsub.f32 v16, v10;
	v10 =	vsub.f32 v19, v10  }
0x339: {  	s0 =	simm.s32 $0x10;
	v11 =	vsub.f32 v11, v18;
	v14 =	vadd.s32 $0x1400, v13;
	v16 =	vsub.f32 v17, v18  }
0x33a: {  	v17 =	vmov s0;
	v18 =	vmul.f32 v10, v20;
	v19 =	vmul.f32 v12, v15  }
0x33b: {  	v17 =	vmul.u32 $0x3, v17;
	v15 =	vmul.f32 v16, v15;
	v21 =	vmul.f32 v10, v11  }
0x33c: {  	v12 =	vmul.f32 v12, v11;
	v16 =	vmul.f32 v16, v20;
	v10 =	vsub.f32 v18, v19  }
0x33d: {  	v17 =	vbroadcast v17, $0x0;
	v11 =	vsub.f32 v15, v21;
	v15 =	vadd.s32 $0x1400, v8  }
0x33e: {  	s3 =	simm.s32 $0x20;
	v12 =	vsub.f32 v12, v16;
	v16 =	vadd.s32 $0x2800, v8;
	[tilespmem:v13+s30+$0x0] =	vst.idx.add.f32.msk vm1, v10;
	v13 =	vadd.s32 $0x2800, v7  }
.LBB2_28:
0x33f: {  	p0 =	sne.s32 s3, $0x130;
	v18 =	vadd.s32 v0, v17;
	v19 =	vadd.s32 v3, v17;
	[tilespmem:v14+s30+$0x0] =	vst.idx.add.f32.msk vm1, v11;
	v14 =	vadd.s32 $0x1400, v7;
	s4 =	smov.u32 s3;
	s3 =	sadd.s32 $0x10, s3  }
0x340: {  	v17 =	vadd.s32 v5, v17;
	v18 =	vand.u32 $0xFFFFFFF8, v18;
	v19 =	vand.u32 $0xFFFFFFF8, v19;
	[tilespmem:v9+s30+$0x0] =	vst.idx.add.f32.msk vm1, v12  }
0x341: {  	v17 =	vand.u32 $0xFFFFFFF8, v17;
	v9 =	vor.u32 v2, v18;
	v18 =	vor.u32 v4, v19;
	[tilespmem:v8+s30+$0x0] =	vst.idx.add.f32.msk vm1, v10  }
0x342: {  	v8 =	vor.u32 v6, v17;
	[tilespmem:v15+s30+$0x0] =	vst.idx.add.f32.msk vm1, v11  }
0x343: {  	[tilespmem:v16+s30+$0x0] =	vst.idx.add.f32.msk vm1, v12  }
0x344: {  	[tilespmem:v7+s30+$0x0] =	vst.idx.add.f32.msk vm1, v10  }
0x345: {  	[tilespmem:v14+s30+$0x0] =	vst.idx.add.f32.msk vm1, v11  }
0x346: {  	[tilespmem:v13+s30+$0x0] =	vst.idx.add.f32.msk vm1, v12  }
0x347: {  	v7 =	vld.idx.msk [tilespmem:v8+s26+$0x0], $0xffff  }
0x348: {  	v13 =	vld.idx.msk [tilespmem:v9+s26+$0x0], $0xffff  }
0x349: {  	v8 =	vld.idx.msk [tilespmem:v18+s26+$0x0], $0xffff;
	_ =	sdelay $0x3  }
0x34a: {  	v9 =	vmul.u32 $0x3, v7  }
0x34b: {  	v10 =	vmul.u32 $0x3, v13  }
0x34c: {  	v11 =	vmul.u32 $0x3, v8;
	v12 =	vadd.s32 $0x1, v9;
	v14 =	vadd.s32 $0x2, v9  }
0x34d: {  	v15 =	vadd.s32 $0x1, v10  }
0x34e: {  	v16 =	vadd.s32 $0x1, v11;
	v17 =	vadd.s32 $0x2, v11;
	_ =	sdelay $0x1  }
0x34f: {  	v18 =	vld.idx.msk [tilespmem:v9+s2+$0x0], $0xffff  }
0x350: {  	v19 =	vld.idx.msk [tilespmem:v10+s2+$0x0], $0xffff  }
0x351: {  	v10 =	vadd.s32 $0x2, v10;
	v9 =	vld.idx.msk [tilespmem:v15+s2+$0x0], $0xffff  }
0x352: {  	v15 =	vld.idx.msk [tilespmem:v16+s2+$0x0], $0xffff  }
0x353: {  	v12 =	vld.idx.msk [tilespmem:v12+s2+$0x0], $0xffff  }
0x354: {  	v16 =	vld.idx.msk [tilespmem:v17+s2+$0x0], $0xffff  }
0x355: {  	v14 =	vld.idx.msk [tilespmem:v14+s2+$0x0], $0xffff  }
0x356: {  	v10 =	vld.idx.msk [tilespmem:v10+s2+$0x0], $0xffff  }
0x357: {  	v11 =	vld.idx.msk [tilespmem:v11+s2+$0x0], $0xffff  }
0x358: {  	v15 =	vsub.f32 v15, v9;
	_ =	sdelay $0x1  }
0x359: {  	s5 =	sadd.s32 s0, s20;
	s0 =	smov.u32 s4  }
0x35a: {  	p1 =	slt.u32 s5, $0x2710;
	vm1 =	vmmov vm0;
	v12 =	vsub.f32 v12, v9;
	v9 =	vadd.s32 $0x2800, v13  }
0x35b: {  	vm1 =	vmneg @p1 vm1;
	v16 =	vsub.f32 v16, v10;
	v10 =	vsub.f32 v14, v10  }
0x35c: {  	v17 =	vsub.f32 v18, v19;
	v14 =	vadd.s32 $0x1400, v13;
	v11 =	vsub.f32 v11, v19  }
.Ltmp13:
0x35d: {  	v18 =	vmov s0;
	v19 =	vmul.f32 v10, v15;
	v20 =	vmul.f32 v12, v16;
	(pc) =	sbr.rel @p0 .LBB2_28-.Ltmp13, $4  }
0x35e: {  	v18 =	vmul.u32 $0x3, v18;
	v16 =	vmul.f32 v17, v16;
	v21 =	vmul.f32 v10, v11  }
0x35f: {  	v12 =	vmul.f32 v12, v11;
	v10 =	vsub.f32 v19, v20;
	v19 =	vmul.f32 v17, v15  }
0x360: {  	v17 =	vbroadcast v18, $0x0;
	v15 =	vadd.s32 $0x1400, v8;
	v11 =	vsub.f32 v16, v21  }
0x361: {  	v16 =	vadd.s32 $0x2800, v8;
	v12 =	vsub.f32 v12, v19;
	[tilespmem:v13+s30+$0x0] =	vst.idx.add.f32.msk vm1, v10;
	v13 =	vadd.s32 $0x2800, v7  }
0x362: {  	_ =	sdelay $0x4  }
0x363: {  	[tilespmem:v14+s30+$0x0] =	vst.idx.add.f32.msk vm1, v11  }
0x364: {  	v42 =	vadd.s32 $0x1400, v7;
	v18 =	vadd.s32 v5, v17;
	[tilespmem:v9+s30+$0x0] =	vst.idx.add.f32.msk vm1, v12  }
0x365: {  	v43 =	vadd.s32 v0, v17;
	v18 =	vand.u32 $0xFFFFFFF8, v18;
	[tilespmem:v8+s30+$0x0] =	vst.idx.add.f32.msk vm1, v10  }
0x366: {  	v9 =	vand.u32 $0xFFFFFFF8, v43;
	v44 =	vor.u32 v6, v18;
	[tilespmem:v15+s30+$0x0] =	vst.idx.add.f32.msk vm1, v11  }
0x367: {  	v9 =	vor.u32 v2, v9;
	[tilespmem:v16+s30+$0x0] =	vst.idx.add.f32.msk vm1, v12  }
0x368: {  	[tilespmem:v7+s30+$0x0] =	vst.idx.add.f32.msk vm1, v10  }
0x369: {  	v8 =	vadd.s32 v3, v17;
	[tilespmem:v42+s30+$0x0] =	vst.idx.add.f32.msk vm1, v11  }
0x36a: {  	v8 =	vand.u32 $0xFFFFFFF8, v8;
	[tilespmem:v13+s30+$0x0] =	vst.idx.add.f32.msk vm1, v12  }
0x36b: {  	v8 =	vor.u32 v4, v8;
	v7 =	vld.idx.msk [tilespmem:v44+s26+$0x0], $0xffff  }
0x36c: {  	v9 =	vld.idx.msk [tilespmem:v9+s26+$0x0], $0xffff;
	_ =	sdelay $0x3  }
0x36d: {  	v8 =	vld.idx.msk [tilespmem:v8+s26+$0x0], $0xffff;
	v45 =	vmul.u32 $0x3, v7  }
0x36e: {  	v46 =	vmul.u32 $0x3, v9;
	_ =	sdelay $0x1  }
0x36f: {  	v48 =	vadd.s32 $0x1, v46  }
0x370: {  	v50 =	vadd.s32 $0x1, v45  }
0x371: {  	v47 =	vmul.u32 $0x3, v8;
	v10 =	vadd.s32 $0x2, v45  }
0x372: {  	v11 =	vadd.s32 $0x2, v46;
	v52 =	vld.idx.msk [tilespmem:v45+s2+$0x0], $0xffff  }
0x373: {  	v49 =	vadd.s32 $0x1, v47;
	v53 =	vld.idx.msk [tilespmem:v46+s2+$0x0], $0xffff  }
0x374: {  	v51 =	vadd.s32 $0x2, v47;
	v13 =	vld.idx.msk [tilespmem:v48+s2+$0x0], $0xffff  }
0x375: {  	v15 =	vld.idx.msk [tilespmem:v50+s2+$0x0], $0xffff  }
0x376: {  	v10 =	vld.idx.msk [tilespmem:v10+s2+$0x0], $0xffff  }
0x377: {  	v11 =	vld.idx.msk [tilespmem:v11+s2+$0x0], $0xffff  }
0x378: {  	v14 =	vld.idx.msk [tilespmem:v49+s2+$0x0], $0xffff  }
0x379: {  	v16 =	vld.idx.msk [tilespmem:v51+s2+$0x0], $0xffff  }
0x37a: {  	v12 =	vld.idx.msk [tilespmem:v47+s2+$0x0], $0xffff;
	_ =	sdelay $0x1  }
0x37b: {  	s0 =	sadd.s32 s0, s20  }
0x37c: {  	p0 =	slt.u32 s0, $0x2710;
	vm1 =	vmmov vm0;
	v10 =	vsub.f32 v10, v11;
	v14 =	vsub.f32 v14, v13  }
0x37d: {  	vm1 =	vmneg @p0 vm1;
	v13 =	vsub.f32 v15, v13;
	v54 =	vsub.f32 v16, v11  }
0x37e: {  	v56 =	vsub.f32 v52, v53;
	v55 =	vsub.f32 v12, v53  }
0x37f: {  	v57 =	vadd.s32 $0x1400, v9;
	v58 =	vmul.f32 v10, v14;
	v59 =	vmul.f32 v13, v54  }
0x380: {  	v19 =	vadd.s32 $0x2800, v9;
	v15 =	vmul.f32 v56, v54;
	v10 =	vmul.f32 v10, v55  }
0x381: {  	v11 =	vmul.f32 v13, v55;
	v12 =	vmul.f32 v56, v14;
	v17 =	vsub.f32 v58, v59  }
0x382: {  	v60 =	vadd.s32 $0x1400, v8;
	v10 =	vsub.f32 v15, v10  }
0x383: {  	v61 =	vadd.s32 $0x2800, v8;
	v11 =	vsub.f32 v11, v12;
	[tilespmem:v9+s30+$0x0] =	vst.idx.add.f32.msk vm1, v17  }
0x384: {  	[tilespmem:v57+s30+$0x0] =	vst.idx.add.f32.msk vm1, v10  }
0x385: {  	v62 =	vadd.s32 $0x1400, v7;
	[tilespmem:v19+s30+$0x0] =	vst.idx.add.f32.msk vm1, v11  }
0x386: {  	v63 =	vadd.s32 $0x2800, v7;
	[tilespmem:v8+s30+$0x0] =	vst.idx.add.f32.msk vm1, v17  }
0x387: {  	[tilespmem:v60+s30+$0x0] =	vst.idx.add.f32.msk vm1, v10  }
0x388: {  	[tilespmem:v61+s30+$0x0] =	vst.idx.add.f32.msk vm1, v11  }
0x389: {  	[tilespmem:v7+s30+$0x0] =	vst.idx.add.f32.msk vm1, v17  }
0x38a: {  	[tilespmem:v62+s30+$0x0] =	vst.idx.add.f32.msk vm1, v10  }
0x38b: {  	s5 =	simm.s32 $0x0;
	[tilespmem:v63+s30+$0x0] =	vst.idx.add.f32.msk vm1, v11  }
0x38c: {  	[hbm4b:s21+s5] =	stream.linear.scatter [tilespmem:s30], [sflag:$0x2], $0x3C00, $0x38;
	[tilespmem:$0x7E18] =	vst v63  }
0x38d: {  	_ =	swait.ge [sflag:s28], $0x3C00  }
0x38e: {  	[sflag:s28] =	ssyncset.done $0x0  }
0x38f: {  	[sflag:s28] =	ssyncadd.s32 $0xFFFFC400  }
0x390: {  	[tilespmem:s31], [sflag:$0x2] =	stream.linear.gather [hbm4b:s22+s5], $0x3C0, $0x38;
	[tilespmem:$0x7E18] =	vst v63  }
0x391: {  	_ =	swait.ge [sflag:s28], $0x3C0  }
0x392: {  	[sflag:s28] =	ssyncset.done $0x0  }
0x393: {  	s3 =	simm.s32 $0x40;
	s0 =	simm.s32 $0x0;
	[sflag:s28] =	ssyncadd.s32 $0xFFFFFC40  }
0x394: {  	[tilespmem:s5], [sflag:$0x1] =	stream.linear.gather [hbm4b:s23+s5], $0x3A98, $0x38;
	[tilespmem:$0x7E18] =	vst v63  }
.LBB2_30:
0x395: {  	p0 =	sne.s32 s3, $0xEFC0;
	[tilespmem:s0+$0x4218] =	vst v1;
	s0 =	smov.u32 s3;
	s3 =	sadd.s32 $0x40, s3  }
.Ltmp14:
0x396: {  	(pc) =	sbr.rel @p0 .LBB2_30-.Ltmp14, $2  }
0x397: {  	_ =	sdelay $0x2  }
0x398: {  	s0 =	sshra.s32 s0, $0x2  }
0x399: {  	s3 =	simm.s32 $0x0  }
0x39a: {  	v7 =	vmov s3  }
0x39b: {  	v7 =	vmul.u32 $0x3, v7;
	_ =	sdelay $0x1  }
0x39c: {  	v7 =	vbroadcast v7, $0x0;
	_ =	sdelay $0x1  }
0x39d: {  	v8 =	vadd.s32 v5, v7  }
0x39e: {  	v9 =	vadd.s32 v0, v7;
	v8 =	vand.u32 $0xFFFFFFF8, v8  }
0x39f: {  	v7 =	vadd.s32 v3, v7;
	v9 =	vand.u32 $0xFFFFFFF8, v9;
	v8 =	vor.u32 v6, v8  }
0x3a0: {  	[tilespmem:s0+$0x4218] =	vst v1;
	v7 =	vand.u32 $0xFFFFFFF8, v7;
	v9 =	vor.u32 v2, v9  }
0x3a1: {  	_ =	swait.ge [sflag:s29], $0x3A98;
	v10 =	vor.u32 v4, v7  }
0x3a2: {  	[sflag:s29] =	ssyncset.done $0x0  }
0x3a3: {  	[sflag:s29] =	ssyncadd.s32 $0xFFFFC568  }
0x3a4: {  	v7 =	vld.idx.msk [tilespmem:v8+s31+$0x0], $0xffff  }
0x3a5: {  	v13 =	vld.idx.msk [tilespmem:v9+s31+$0x0], $0xffff  }
0x3a6: {  	v8 =	vld.idx.msk [tilespmem:v10+s31+$0x0], $0xffff;
	_ =	sdelay $0x2  }
0x3a7: {  	v9 =	vmul.u32 $0x3, v7  }
0x3a8: {  	v10 =	vmul.u32 $0x3, v13  }
0x3a9: {  	v11 =	vmul.u32 $0x3, v8  }
0x3aa: {  	v12 =	vadd.s32 $0x1, v10  }
0x3ab: {  	v14 =	vadd.s32 $0x1, v11  }
0x3ac: {  	v15 =	vadd.s32 $0x1, v9  }
0x3ad: {  	v16 =	vadd.s32 $0x2, v11;
	v17 =	vld.idx.msk [tilespmem:v9+s2+$0x0], $0xffff  }
0x3ae: {  	v9 =	vadd.s32 $0x2, v9;
	v18 =	vld.idx.msk [tilespmem:v10+s2+$0x0], $0xffff  }
0x3af: {  	v10 =	vadd.s32 $0x2, v10;
	v12 =	vld.idx.msk [tilespmem:v12+s2+$0x0], $0xffff  }
0x3b0: {  	v14 =	vld.idx.msk [tilespmem:v14+s2+$0x0], $0xffff  }
0x3b1: {  	v15 =	vld.idx.msk [tilespmem:v15+s2+$0x0], $0xffff  }
0x3b2: {  	v16 =	vld.idx.msk [tilespmem:v16+s2+$0x0], $0xffff  }
0x3b3: {  	v19 =	vld.idx.msk [tilespmem:v9+s2+$0x0], $0xffff  }
0x3b4: {  	v10 =	vld.idx.msk [tilespmem:v10+s2+$0x0], $0xffff  }
0x3b5: {  	v11 =	vld.idx.msk [tilespmem:v11+s2+$0x0], $0xffff  }
0x3b6: {  	s5 =	sadd.s32 $0x0, s20  }
0x3b7: {  	vm1 =	vmmov vm0;
	p0 =	slt.u32 s5, $0x2710  }
0x3b8: {  	vm1 =	vmneg @p0 vm1;
	v20 =	vsub.f32 v14, v12;
	v12 =	vsub.f32 v15, v12  }
0x3b9: {  	v9 =	vadd.s32 $0x2800, v13;
	v15 =	vsub.f32 v16, v10;
	v10 =	vsub.f32 v19, v10  }
0x3ba: {  	s0 =	simm.s32 $0x10;
	v11 =	vsub.f32 v11, v18;
	v14 =	vadd.s32 $0x1400, v13;
	v16 =	vsub.f32 v17, v18  }
0x3bb: {  	v17 =	vmov s0;
	v18 =	vmul.f32 v10, v20;
	v19 =	vmul.f32 v12, v15  }
0x3bc: {  	v17 =	vmul.u32 $0x3, v17;
	v15 =	vmul.f32 v16, v15;
	v21 =	vmul.f32 v10, v11  }
0x3bd: {  	v12 =	vmul.f32 v12, v11;
	v16 =	vmul.f32 v16, v20;
	v10 =	vsub.f32 v18, v19  }
0x3be: {  	v17 =	vbroadcast v17, $0x0;
	v11 =	vsub.f32 v15, v21;
	v15 =	vadd.s32 $0x1400, v8  }
0x3bf: {  	s3 =	simm.s32 $0x20;
	v12 =	vsub.f32 v12, v16;
	v16 =	vadd.s32 $0x2800, v8;
	[tilespmem:v13+s30+$0x0] =	vst.idx.add.f32.msk vm1, v10;
	v13 =	vadd.s32 $0x2800, v7  }
.LBB2_32:
0x3c0: {  	p0 =	sne.s32 s3, $0x130;
	v18 =	vadd.s32 v0, v17;
	v19 =	vadd.s32 v3, v17;
	[tilespmem:v14+s30+$0x0] =	vst.idx.add.f32.msk vm1, v11;
	v14 =	vadd.s32 $0x1400, v7;
	s4 =	smov.u32 s3;
	s3 =	sadd.s32 $0x10, s3  }
0x3c1: {  	v17 =	vadd.s32 v5, v17;
	v18 =	vand.u32 $0xFFFFFFF8, v18;
	v19 =	vand.u32 $0xFFFFFFF8, v19;
	[tilespmem:v9+s30+$0x0] =	vst.idx.add.f32.msk vm1, v12  }
0x3c2: {  	v17 =	vand.u32 $0xFFFFFFF8, v17;
	v9 =	vor.u32 v2, v18;
	v18 =	vor.u32 v4, v19;
	[tilespmem:v8+s30+$0x0] =	vst.idx.add.f32.msk vm1, v10  }
0x3c3: {  	v8 =	vor.u32 v6, v17;
	[tilespmem:v15+s30+$0x0] =	vst.idx.add.f32.msk vm1, v11  }
0x3c4: {  	[tilespmem:v16+s30+$0x0] =	vst.idx.add.f32.msk vm1, v12  }
0x3c5: {  	[tilespmem:v7+s30+$0x0] =	vst.idx.add.f32.msk vm1, v10  }
0x3c6: {  	[tilespmem:v14+s30+$0x0] =	vst.idx.add.f32.msk vm1, v11  }
0x3c7: {  	[tilespmem:v13+s30+$0x0] =	vst.idx.add.f32.msk vm1, v12  }
0x3c8: {  	v7 =	vld.idx.msk [tilespmem:v8+s31+$0x0], $0xffff  }
0x3c9: {  	v13 =	vld.idx.msk [tilespmem:v9+s31+$0x0], $0xffff  }
0x3ca: {  	v8 =	vld.idx.msk [tilespmem:v18+s31+$0x0], $0xffff;
	_ =	sdelay $0x3  }
0x3cb: {  	v9 =	vmul.u32 $0x3, v7  }
0x3cc: {  	v10 =	vmul.u32 $0x3, v13  }
0x3cd: {  	v11 =	vmul.u32 $0x3, v8;
	v12 =	vadd.s32 $0x1, v9;
	v14 =	vadd.s32 $0x2, v9  }
0x3ce: {  	v15 =	vadd.s32 $0x1, v10  }
0x3cf: {  	v16 =	vadd.s32 $0x1, v11;
	v17 =	vadd.s32 $0x2, v11;
	_ =	sdelay $0x1  }
0x3d0: {  	v18 =	vld.idx.msk [tilespmem:v9+s2+$0x0], $0xffff  }
0x3d1: {  	v19 =	vld.idx.msk [tilespmem:v10+s2+$0x0], $0xffff  }
0x3d2: {  	v10 =	vadd.s32 $0x2, v10;
	v9 =	vld.idx.msk [tilespmem:v15+s2+$0x0], $0xffff  }
0x3d3: {  	v15 =	vld.idx.msk [tilespmem:v16+s2+$0x0], $0xffff  }
0x3d4: {  	v12 =	vld.idx.msk [tilespmem:v12+s2+$0x0], $0xffff  }
0x3d5: {  	v16 =	vld.idx.msk [tilespmem:v17+s2+$0x0], $0xffff  }
0x3d6: {  	v14 =	vld.idx.msk [tilespmem:v14+s2+$0x0], $0xffff  }
0x3d7: {  	v10 =	vld.idx.msk [tilespmem:v10+s2+$0x0], $0xffff  }
0x3d8: {  	v11 =	vld.idx.msk [tilespmem:v11+s2+$0x0], $0xffff  }
0x3d9: {  	v15 =	vsub.f32 v15, v9;
	_ =	sdelay $0x1  }
0x3da: {  	s5 =	sadd.s32 s0, s20;
	s0 =	smov.u32 s4  }
0x3db: {  	p1 =	slt.u32 s5, $0x2710;
	vm1 =	vmmov vm0;
	v12 =	vsub.f32 v12, v9;
	v9 =	vadd.s32 $0x2800, v13  }
0x3dc: {  	vm1 =	vmneg @p1 vm1;
	v16 =	vsub.f32 v16, v10;
	v10 =	vsub.f32 v14, v10  }
0x3dd: {  	v17 =	vsub.f32 v18, v19;
	v14 =	vadd.s32 $0x1400, v13;
	v11 =	vsub.f32 v11, v19  }
.Ltmp15:
0x3de: {  	v18 =	vmov s0;
	v19 =	vmul.f32 v10, v15;
	v20 =	vmul.f32 v12, v16;
	(pc) =	sbr.rel @p0 .LBB2_32-.Ltmp15, $4  }
0x3df: {  	v18 =	vmul.u32 $0x3, v18;
	v16 =	vmul.f32 v17, v16;
	v21 =	vmul.f32 v10, v11  }
0x3e0: {  	v12 =	vmul.f32 v12, v11;
	v10 =	vsub.f32 v19, v20;
	v19 =	vmul.f32 v17, v15  }
0x3e1: {  	v17 =	vbroadcast v18, $0x0;
	v15 =	vadd.s32 $0x1400, v8;
	v11 =	vsub.f32 v16, v21  }
0x3e2: {  	v16 =	vadd.s32 $0x2800, v8;
	v12 =	vsub.f32 v12, v19;
	[tilespmem:v13+s30+$0x0] =	vst.idx.add.f32.msk vm1, v10;
	v13 =	vadd.s32 $0x2800, v7  }
0x3e3: {  	_ =	sdelay $0x4  }
0x3e4: {  	[tilespmem:v14+s30+$0x0] =	vst.idx.add.f32.msk vm1, v11  }
0x3e5: {  	v42 =	vadd.s32 $0x1400, v7;
	v18 =	vadd.s32 v5, v17;
	[tilespmem:v9+s30+$0x0] =	vst.idx.add.f32.msk vm1, v12  }
0x3e6: {  	v43 =	vadd.s32 v0, v17;
	v18 =	vand.u32 $0xFFFFFFF8, v18;
	[tilespmem:v8+s30+$0x0] =	vst.idx.add.f32.msk vm1, v10  }
0x3e7: {  	v9 =	vand.u32 $0xFFFFFFF8, v43;
	v44 =	vor.u32 v6, v18;
	[tilespmem:v15+s30+$0x0] =	vst.idx.add.f32.msk vm1, v11  }
0x3e8: {  	v9 =	vor.u32 v2, v9;
	[tilespmem:v16+s30+$0x0] =	vst.idx.add.f32.msk vm1, v12  }
0x3e9: {  	[tilespmem:v7+s30+$0x0] =	vst.idx.add.f32.msk vm1, v10  }
0x3ea: {  	v8 =	vadd.s32 v3, v17;
	[tilespmem:v42+s30+$0x0] =	vst.idx.add.f32.msk vm1, v11  }
0x3eb: {  	v8 =	vand.u32 $0xFFFFFFF8, v8;
	[tilespmem:v13+s30+$0x0] =	vst.idx.add.f32.msk vm1, v12  }
0x3ec: {  	v8 =	vor.u32 v4, v8;
	v7 =	vld.idx.msk [tilespmem:v44+s31+$0x0], $0xffff  }
0x3ed: {  	v9 =	vld.idx.msk [tilespmem:v9+s31+$0x0], $0xffff;
	_ =	sdelay $0x3  }
0x3ee: {  	v8 =	vld.idx.msk [tilespmem:v8+s31+$0x0], $0xffff;
	v45 =	vmul.u32 $0x3, v7  }
0x3ef: {  	v46 =	vmul.u32 $0x3, v9;
	_ =	sdelay $0x1  }
0x3f0: {  	v48 =	vadd.s32 $0x1, v46  }
0x3f1: {  	v50 =	vadd.s32 $0x1, v45  }
0x3f2: {  	v47 =	vmul.u32 $0x3, v8;
	v10 =	vadd.s32 $0x2, v45  }
0x3f3: {  	v11 =	vadd.s32 $0x2, v46;
	v52 =	vld.idx.msk [tilespmem:v45+s2+$0x0], $0xffff  }
0x3f4: {  	v49 =	vadd.s32 $0x1, v47;
	v53 =	vld.idx.msk [tilespmem:v46+s2+$0x0], $0xffff  }
0x3f5: {  	v51 =	vadd.s32 $0x2, v47;
	v13 =	vld.idx.msk [tilespmem:v48+s2+$0x0], $0xffff  }
0x3f6: {  	v15 =	vld.idx.msk [tilespmem:v50+s2+$0x0], $0xffff  }
0x3f7: {  	v10 =	vld.idx.msk [tilespmem:v10+s2+$0x0], $0xffff  }
0x3f8: {  	v11 =	vld.idx.msk [tilespmem:v11+s2+$0x0], $0xffff  }
0x3f9: {  	v14 =	vld.idx.msk [tilespmem:v49+s2+$0x0], $0xffff  }
0x3fa: {  	v16 =	vld.idx.msk [tilespmem:v51+s2+$0x0], $0xffff  }
0x3fb: {  	v12 =	vld.idx.msk [tilespmem:v47+s2+$0x0], $0xffff;
	_ =	sdelay $0x1  }
0x3fc: {  	s0 =	sadd.s32 s0, s20  }
0x3fd: {  	p0 =	slt.u32 s0, $0x2710;
	vm1 =	vmmov vm0;
	v10 =	vsub.f32 v10, v11;
	v14 =	vsub.f32 v14, v13  }
0x3fe: {  	vm1 =	vmneg @p0 vm1;
	v13 =	vsub.f32 v15, v13;
	v54 =	vsub.f32 v16, v11  }
0x3ff: {  	v56 =	vsub.f32 v52, v53;
	v55 =	vsub.f32 v12, v53  }
0x400: {  	v57 =	vadd.s32 $0x1400, v9;
	v58 =	vmul.f32 v10, v14;
	v59 =	vmul.f32 v13, v54  }
0x401: {  	v19 =	vadd.s32 $0x2800, v9;
	v15 =	vmul.f32 v56, v54;
	v10 =	vmul.f32 v10, v55  }
0x402: {  	v11 =	vmul.f32 v13, v55;
	v12 =	vmul.f32 v56, v14;
	v17 =	vsub.f32 v58, v59  }
0x403: {  	v60 =	vadd.s32 $0x1400, v8;
	v10 =	vsub.f32 v15, v10  }
0x404: {  	v61 =	vadd.s32 $0x2800, v8;
	v11 =	vsub.f32 v11, v12;
	[tilespmem:v9+s30+$0x0] =	vst.idx.add.f32.msk vm1, v17  }
0x405: {  	[tilespmem:v57+s30+$0x0] =	vst.idx.add.f32.msk vm1, v10  }
0x406: {  	v62 =	vadd.s32 $0x1400, v7;
	[tilespmem:v19+s30+$0x0] =	vst.idx.add.f32.msk vm1, v11  }
0x407: {  	v63 =	vadd.s32 $0x2800, v7;
	[tilespmem:v8+s30+$0x0] =	vst.idx.add.f32.msk vm1, v17  }
0x408: {  	[tilespmem:v60+s30+$0x0] =	vst.idx.add.f32.msk vm1, v10  }
0x409: {  	[tilespmem:v61+s30+$0x0] =	vst.idx.add.f32.msk vm1, v11  }
0x40a: {  	s1 =	sadd.s32 $0x1, s1;
	[tilespmem:v7+s30+$0x0] =	vst.idx.add.f32.msk vm1, v17  }
0x40b: {  	p0 =	sne.s32 s1, s25;
	[tilespmem:v62+s30+$0x0] =	vst.idx.add.f32.msk vm1, v10  }
.Ltmp16:
0x40c: {  	[tilespmem:v63+s30+$0x0] =	vst.idx.add.f32.msk vm1, v11;
	(pc) =	sbr.rel @p0 .LBB2_1-.Ltmp16, $4  }
0x40d: {  	[hbm4b:s24+s2] =	stream.linear.scatter [tilespmem:s30], [sflag:$0x2], $0x3C00, $0x38;
	[tilespmem:$0x7E18] =	vst v63  }
0x40e: {  	_ =	swait.ge [sflag:s28], $0x3C00  }
0x40f: {  	[sflag:s28] =	ssyncset.done $0x0  }
0x410: {  	[sflag:s28] =	ssyncadd.s32 $0xFFFFC400  }
0x411: {  	_ =	sfence.sel $0x180000  }
0x412: {  	[bflag:$0x0] =	sbarrier.arrive $0xFFFF  }
0x413: {  	_ =	strace $0x90000047  }
0x414: {  	s0 =	stileid.u32;
	[bflag:$0x2] =	sbarrier.arrive $0xFFFF  }
0x415: {  	p0 =	sne.s32 s0, $0x0;
	s0 =	rddreg [dreg:$0x1]  }
0x416: {  	s0 =	sadd.s32 @!p0 $0x100000, s0  }
0x417: {  	[sflag:s0] =	ssyncadd.tile.s32 @!p0 $0x1;
	_ =	shalt  }
.Lfunc_end2:
_tile_overlayer_lowered:
.L_overlay_start_2:
0x418: {  	(tag) =	ssettag $0x2  }
0x419: {  	s0 =	rddreg [dreg:$0x0];
	s2 =	stileid.u32  }
0x41a: {  	s1 =	rddreg [dreg:$0x1];
	p0 =	sne.s32 s2, $0x0  }
0x41b: {  	s3 =	rddreg [dreg:$0x2];
	[bflag:$0x3] =	sbarrier.arrive $0xFFFF;
	s2 =	simm.s32 @!p0 $0x1C02  }
0x41c: {  	[timem:s3], [sflag:s2] =	dma.local @!p0 [hbm:s0], s1  }
0x41d: {  	s0 =	simm.s32 @!p0 $0x2  }
0x41e: {  	_ =	swait.ge @!p0 [sflag:s0], s1  }
0x41f: {  	s1 =	ssub.s32 @!p0 $0x0, s1;
	[sflag:s0] =	ssyncset.done @!p0 $0x0  }
0x420: {  	[sflag:s0] =	ssyncadd.s32 @!p0 s1  }
0x421: {  	[bflag:$0x3] =	sbarrier.arrive $0xFFFF  }
0x422: {  	_ =	shalt  }

</sc_bundles>
